<compile_context>
chip_gen: v7x
topology: tpu7x:2x2x1
jax: 0.10.2.dev20260603
libtpu: 0.0.44.dev20260713+nightly
codegen_flags: <defaults>
</compile_context>

<pallas_src>
import functools

import jax
import jax.numpy as jnp
from jax import lax
from jax.experimental import pallas as pl
from jax.experimental.pallas import tpu as pltpu
from jax.experimental.pallas import tpu_sc as plsc

_TN = 2048
_K = 4
_NBUF = 4


def _h_body(emb_ref, W1_ref, b1_ref, h_ref):
    h_ref[...] = jnp.tanh(
        jnp.dot(emb_ref[...], W1_ref[...],
                preferred_element_type=jnp.float32) + b1_ref[...])


def _chunk_body(h_ref, W2_ref, b2_ref, p_ref):
    p_ref[...] = jnp.dot(h_ref[...], W2_ref[...],
                         preferred_element_type=jnp.float32) + b2_ref[...]


def _project_h(emb, W1, b1):
    V, D = emb.shape
    H = W1.shape[1]
    return pl.pallas_call(
        _h_body,
        in_specs=[
            pl.BlockSpec((V, D), lambda: (0, 0)),
            pl.BlockSpec((D, H), lambda: (0, 0)),
            pl.BlockSpec((1, H), lambda: (0, 0)),
        ],
        out_specs=pl.BlockSpec((V, H), lambda: (0, 0)),
        out_shape=jax.ShapeDtypeStruct((V, H), jnp.float32),
    )(emb, W1, b1.reshape(1, H))


def _project_chunk(h, W2, b2r, c0, C):
    V, H = h.shape
    D = W2.shape[0]
    t0 = c0 // _TN
    return pl.pallas_call(
        _chunk_body,
        grid=(C // _TN,),
        in_specs=[
            pl.BlockSpec((V, H), lambda i: (0, 0)),
            pl.BlockSpec((D, _TN), lambda i: (0, t0 + i)),
            pl.BlockSpec((1, _TN), lambda i: (0, t0 + i)),
        ],
        out_specs=pl.BlockSpec((V, _TN), lambda i: (0, i)),
        out_shape=jax.ShapeDtypeStruct((V, C), jnp.float32),
    )(h, W2, b2r)


@functools.lru_cache(maxsize=None)
def _make_sc_expand(V, N, B, C, c0, alloc_out):
    info = plsc.get_sparse_core_info()
    NC = info.num_cores
    NW = NC * info.num_subcores
    TPW = B // NW
    mesh = plsc.VectorSubcoreMesh(core_axis_name="c", subcore_axis_name="s")

    def body(p_hbm, idx_hbm, out_hbm, idx_v,
             buf0, buf1, buf2, buf3,
             semg0, semg1, semg2, semg3,
             sems0, sems1, sems2, sems3):
        wid = lax.axis_index("s") * NC + lax.axis_index("c")
        base_t = wid * TPW
        bufs = (buf0, buf1, buf2, buf3)
        semg = (semg0, semg1, semg2, semg3)
        sems = (sems0, sems1, sems2, sems3)
        pltpu.sync_copy(idx_hbm.at[pl.ds(base_t, TPW)], idx_v)
        outv = out_hbm.at[:, pl.ds(c0, C)]

        def gather(j):
            pltpu.async_copy(p_hbm.at[idx_v.at[j]], bufs[j % _NBUF],
                             semg[j % _NBUF])

        def store_desc(j):
            return pltpu.make_async_copy(
                bufs[j % _NBUF], outv.at[pl.ds(base_t + j, 1)],
                sems[j % _NBUF])

        gather(0)
        gather(1)
        for j in range(TPW):
            b = j % _NBUF
            pltpu.make_async_copy(p_hbm.at[idx_v.at[j]], bufs[b],
                                  semg[b]).wait()
            store_desc(j).start()
            nj = j + 2
            if nj < TPW:
                if nj >= _NBUF:
                    store_desc(nj - _NBUF).wait()
                gather(nj)
        store_desc(TPW - 2).wait()
        store_desc(TPW - 1).wait()

    scratch = (
        [pltpu.VMEM((TPW, 1), jnp.int32)]
        + [pltpu.VMEM((1, C), jnp.float32)] * _NBUF
        + [pltpu.SemaphoreType.DMA] * (2 * _NBUF)
    )
    out_type = jax.ShapeDtypeStruct((B, N), jnp.float32) if alloc_out else ()
    return pl.kernel(body, out_type=out_type, mesh=mesh,
                     scratch_types=scratch)


def kernel(prefix, emb, W1, b1, W2, b2):
    B, L = prefix.shape
    T = B * L
    V, D = emb.shape
    N = W2.shape[1]
    C = N // _K
    b2r = b2.reshape(1, N)
    idx = prefix.reshape(T, 1).astype(jnp.int32)

    h = _project_h(emb, W1, b1)
    p_chunks = [_project_chunk(h, W2, b2r, c * C, C) for c in range(_K)]

    out0 = _make_sc_expand(V, N, T, C, 0, True)(p_chunks[0], idx)
    out_ref = jax.new_ref(out0)
    for c in range(1, _K):
        _make_sc_expand(V, N, T, C, c * C, False)(
            p_chunks[c], idx, out_ref)
    return out_ref[...].reshape(B, L, N)

# --- scband reference (transcript-rebuilt; emitter-appended) ---
"""Pipeline reference for scband-prefix-encoder-23459111370934 (READ-ONLY COPY).

The authoritative reference and input builder live on the scoring server;
editing this copy changes nothing except your own understanding.
"""

import jax, jax.numpy as jnp
import numpy as np

NUM_VIRTUAL_TOKENS = 128
TOKEN_DIM = 1024
NUM_LAYERS = 24
ENC_HIDDEN = 1024
OUT_DIM = NUM_LAYERS * 2 * TOKEN_DIM  # 49152
BATCH = 4


def setup_inputs(seed: int = 0) -> dict:
    key = jax.random.key(seed)
    k_idx, k_emb, k_w1, k_b1, k_w2, k_b2 = jax.random.split(key, 6)
    prefix = jax.random.randint(k_idx, (BATCH, NUM_VIRTUAL_TOKENS), 0, NUM_VIRTUAL_TOKENS, dtype=jnp.int64 if jax.config.jax_enable_x64 else jnp.int32)
    emb = jax.random.normal(k_emb, (NUM_VIRTUAL_TOKENS, TOKEN_DIM), dtype=jnp.float32) * 0.02
    W1 = jax.random.normal(k_w1, (TOKEN_DIM, ENC_HIDDEN), dtype=jnp.float32) * (1.0 / np.sqrt(TOKEN_DIM))
    b1 = jnp.zeros((ENC_HIDDEN,), dtype=jnp.float32)
    W2 = jax.random.normal(k_w2, (ENC_HIDDEN, OUT_DIM), dtype=jnp.float32) * (1.0 / np.sqrt(ENC_HIDDEN))
    b2 = jnp.zeros((OUT_DIM,), dtype=jnp.float32)
    return {"prefix": prefix, "emb": emb, "W1": W1, "b1": b1, "W2": W2, "b2": b2}


def reference(prefix, emb, W1, b1, W2, b2):
    # prefix_projection=True path:
    # prefix_tokens = Embedding(prefix); past_key_values = Linear2(Tanh(Linear1(prefix_tokens)))
    prefix_tokens = jnp.take(emb, prefix, axis=0)          # [B, L, token_dim]
    h = jnp.tanh(prefix_tokens @ W1 + b1)                  # [B, L, enc_hidden]
    past_key_values = h @ W2 + b2                          # [B, L, num_layers*2*token_dim]
    return past_key_values

if __name__ == "__main__":
    import jax
    _d = setup_inputs()
    print(jax.jit(kernel)(*tuple(_d.values())))

</pallas_src>

<mosaic_0001>
#map = affine_map<(d0, d1) -> (0, 0)>
module attributes {stable_mosaic.version = 14 : i64} {
  func.func @body(%arg0: i32, %arg1: i32, %arg2: memref<128x12288xf32, #tpu.memory_space<hbm>>, %arg3: memref<512x1xi32, #tpu.memory_space<hbm>>, %arg4: memref<512x49152xf32, #tpu.memory_space<hbm>>, %arg5: memref<16x1xi32, #tpu.memory_space<vmem>>, %arg6: memref<1x12288xf32, #tpu.memory_space<vmem>>, %arg7: memref<1x12288xf32, #tpu.memory_space<vmem>>, %arg8: memref<1x12288xf32, #tpu.memory_space<vmem>>, %arg9: memref<1x12288xf32, #tpu.memory_space<vmem>>, %arg10: memref<!tpu.dma_semaphore, #tpu.memory_space<semaphore_mem>>, %arg11: memref<!tpu.dma_semaphore, #tpu.memory_space<semaphore_mem>>, %arg12: memref<!tpu.dma_semaphore, #tpu.memory_space<semaphore_mem>>, %arg13: memref<!tpu.dma_semaphore, #tpu.memory_space<semaphore_mem>>, %arg14: memref<!tpu.dma_semaphore, #tpu.memory_space<semaphore_mem>>, %arg15: memref<!tpu.dma_semaphore, #tpu.memory_space<semaphore_mem>>, %arg16: memref<!tpu.dma_semaphore, #tpu.memory_space<semaphore_mem>>, %arg17: memref<!tpu.dma_semaphore, #tpu.memory_space<semaphore_mem>>) attributes {dimension_semantics = [#tpu.dimension_semantics<core_parallel>, #tpu.dimension_semantics<subcore_parallel>], iteration_bounds = array<i64: 2, 16>, scalar_prefetch = 0 : i64, scratch_operands = 13 : i64, tpu.core_type = #tpu.core_type<sc_vector_subcore>, window_params = [{transform_indices = #map}, {transform_indices = #map}, {transform_indices = #map}]} {
    %mul3A = arith.constant 2 : i32
    %mul3A_0 = arith.muli %arg1, %mul3A : i32
    %add3A = arith.addi %mul3A_0, %arg0 : i32
    %mul3A_1 = arith.constant 16 : i32
    %mul3A_2 = arith.muli %add3A, %mul3A_1 : i32
    "tpu.region"() ({
      %run_scoped3A = tpu.sem_alloc : memref<!tpu.dma_semaphore, #tpu.memory_space<semaphore_mem>>
      %dma_start3A_585 = arith.constant 0 : i32
      %dma_start3A_586 = tpu.memref_slice %arg3[%mul3A_2, %dma_start3A_585] : memref<512x1xi32, #tpu.memory_space<hbm>> -> memref<16x1xi32, #tpu.memory_space<hbm>>
      %dma_start3A_587 = arith.constant 0 : i32
      %dma_start3A_588 = tpu.memref_slice %arg3[%mul3A_2, %dma_start3A_587] : memref<512x1xi32, #tpu.memory_space<hbm>> -> memref<16x1xi32, #tpu.memory_space<hbm>>
      tpu.enqueue_dma source(%dma_start3A_588 : memref<16x1xi32, #tpu.memory_space<hbm>>) target(%arg5 : memref<16x1xi32, #tpu.memory_space<vmem>>) target_semaphore(%run_scoped3A : memref<!tpu.dma_semaphore, #tpu.memory_space<semaphore_mem>>)
      %dma_wait3A_589 = arith.constant 0 : i32
      %dma_wait3A_590 = tpu.memref_slice %arg3[%mul3A_2, %dma_wait3A_589] : memref<512x1xi32, #tpu.memory_space<hbm>> -> memref<16x1xi32, #tpu.memory_space<hbm>>
      %dma_wait3A_591 = arith.constant 0 : i32
      %dma_wait3A_592 = tpu.memref_slice %arg3[%mul3A_2, %dma_wait3A_591] : memref<512x1xi32, #tpu.memory_space<hbm>> -> memref<16x1xi32, #tpu.memory_space<hbm>>
      tpu.wait_dma2 semaphore(%run_scoped3A : memref<!tpu.dma_semaphore, #tpu.memory_space<semaphore_mem>>) src(%dma_wait3A_592 : memref<16x1xi32, #tpu.memory_space<hbm>>) dst(%arg5 : memref<16x1xi32, #tpu.memory_space<vmem>>)
      tpu.yield
    }) : () -> ()
    %dma_start3A = arith.constant 0 : i32
    %dma_start3A_3 = arith.constant 0 : i32
    %dma_start3A_4 = tpu.memref_slice %arg5[%dma_start3A, %dma_start3A_3] : memref<16x1xi32, #tpu.memory_space<vmem>> -> memref<1x1xi32, #tpu.memory_space<vmem>>
    %dma_start3A_5 = tpu.memref_squeeze %dma_start3A_4 : memref<1x1xi32, #tpu.memory_space<vmem>> -> memref<1xi32, #tpu.memory_space<vmem>>
    %dma_start3A_6 = arith.constant 0 : i32
    %dma_start3A_7 = arith.constant 0 : i32
    %dma_start3A_8 = tpu.memref_slice %arg2[%dma_start3A_6, %dma_start3A_7] : memref<128x12288xf32, #tpu.memory_space<hbm>> -> memref<128x12288xf32, #tpu.memory_space<hbm>>
    tpu.enqueue_indirect_dma source(%dma_start3A_8 : memref<128x12288xf32, #tpu.memory_space<hbm>>) target(%arg6 : memref<1x12288xf32, #tpu.memory_space<vmem>>) offsets(%dma_start3A_5 : memref<1xi32, #tpu.memory_space<vmem>>) semaphore(%arg10 : memref<!tpu.dma_semaphore, #tpu.memory_space<semaphore_mem>>)
    %dma_start3A_9 = arith.constant 1 : i32
    %dma_start3A_10 = arith.constant 0 : i32
    %dma_start3A_11 = tpu.memref_slice %arg5[%dma_start3A_9, %dma_start3A_10] : memref<16x1xi32, #tpu.memory_space<vmem>> -> memref<1x1xi32, #tpu.memory_space<vmem>>
    %dma_start3A_12 = tpu.memref_squeeze %dma_start3A_11 : memref<1x1xi32, #tpu.memory_space<vmem>> -> memref<1xi32, #tpu.memory_space<vmem>>
    %dma_start3A_13 = arith.constant 0 : i32
    %dma_start3A_14 = arith.constant 0 : i32
    %dma_start3A_15 = tpu.memref_slice %arg2[%dma_start3A_13, %dma_start3A_14] : memref<128x12288xf32, #tpu.memory_space<hbm>> -> memref<128x12288xf32, #tpu.memory_space<hbm>>
    tpu.enqueue_indirect_dma source(%dma_start3A_15 : memref<128x12288xf32, #tpu.memory_space<hbm>>) target(%arg7 : memref<1x12288xf32, #tpu.memory_space<vmem>>) offsets(%dma_start3A_12 : memref<1xi32, #tpu.memory_space<vmem>>) semaphore(%arg11 : memref<!tpu.dma_semaphore, #tpu.memory_space<semaphore_mem>>)
    %dma_wait3A = arith.constant 0 : i32
    %dma_wait3A_16 = arith.constant 0 : i32
    %dma_wait3A_17 = tpu.memref_slice %arg5[%dma_wait3A, %dma_wait3A_16] : memref<16x1xi32, #tpu.memory_space<vmem>> -> memref<1x1xi32, #tpu.memory_space<vmem>>
    %dma_wait3A_18 = tpu.memref_squeeze %dma_wait3A_17 : memref<1x1xi32, #tpu.memory_space<vmem>> -> memref<1xi32, #tpu.memory_space<vmem>>
    %dma_wait3A_19 = arith.constant 0 : i32
    %dma_wait3A_20 = arith.constant 0 : i32
    %dma_wait3A_21 = tpu.memref_slice %arg2[%dma_wait3A_19, %dma_wait3A_20] : memref<128x12288xf32, #tpu.memory_space<hbm>> -> memref<128x12288xf32, #tpu.memory_space<hbm>>
    tpu.wait_indirect_dma semaphore(%arg10 : memref<!tpu.dma_semaphore, #tpu.memory_space<semaphore_mem>>) src(%dma_wait3A_21 : memref<128x12288xf32, #tpu.memory_space<hbm>>) dst(%arg6 : memref<1x12288xf32, #tpu.memory_space<vmem>>)
    %add3A_22 = arith.constant 0 : i32
    %add3A_23 = arith.addi %mul3A_2, %add3A_22 : i32
    %dma_start3A_24 = arith.constant 0 : i32
    %dma_start3A_25 = arith.constant 0 : i32
    %dma_start3A_26 = tpu.memref_slice %arg4[%dma_start3A_24, %dma_start3A_25] : memref<512x49152xf32, #tpu.memory_space<hbm>> -> memref<512x12288xf32, #tpu.memory_space<hbm>>
    %dma_start3A_27 = arith.constant 0 : i32
    %dma_start3A_28 = tpu.memref_slice %dma_start3A_26[%add3A_23, %dma_start3A_27] : memref<512x12288xf32, #tpu.memory_space<hbm>> -> memref<1x12288xf32, #tpu.memory_space<hbm>>
    %dma_start3A_29 = arith.constant 0 : i32
    %dma_start3A_30 = arith.constant 0 : i32
    %dma_start3A_31 = tpu.memref_slice %arg4[%dma_start3A_29, %dma_start3A_30] : memref<512x49152xf32, #tpu.memory_space<hbm>> -> memref<512x12288xf32, #tpu.memory_space<hbm>>
    %dma_start3A_32 = arith.constant 0 : i32
    %dma_start3A_33 = tpu.memref_slice %dma_start3A_31[%add3A_23, %dma_start3A_32] : memref<512x12288xf32, #tpu.memory_space<hbm>> -> memref<1x12288xf32, #tpu.memory_space<hbm>>
    tpu.enqueue_dma source(%arg6 : memref<1x12288xf32, #tpu.memory_space<vmem>>) target(%dma_start3A_33 : memref<1x12288xf32, #tpu.memory_space<hbm>>) target_semaphore(%arg14 : memref<!tpu.dma_semaphore, #tpu.memory_space<semaphore_mem>>)
    %dma_start3A_34 = arith.constant 2 : i32
    %dma_start3A_35 = arith.constant 0 : i32
    %dma_start3A_36 = tpu.memref_slice %arg5[%dma_start3A_34, %dma_start3A_35] : memref<16x1xi32, #tpu.memory_space<vmem>> -> memref<1x1xi32, #tpu.memory_space<vmem>>
    %dma_start3A_37 = tpu.memref_squeeze %dma_start3A_36 : memref<1x1xi32, #tpu.memory_space<vmem>> -> memref<1xi32, #tpu.memory_space<vmem>>
    %dma_start3A_38 = arith.constant 0 : i32
    %dma_start3A_39 = arith.constant 0 : i32
    %dma_start3A_40 = tpu.memref_slice %arg2[%dma_start3A_38, %dma_start3A_39] : memref<128x12288xf32, #tpu.memory_space<hbm>> -> memref<128x12288xf32, #tpu.memory_space<hbm>>
    tpu.enqueue_indirect_dma source(%dma_start3A_40 : memref<128x12288xf32, #tpu.memory_space<hbm>>) target(%arg8 : memref<1x12288xf32, #tpu.memory_space<vmem>>) offsets(%dma_start3A_37 : memref<1xi32, #tpu.memory_space<vmem>>) semaphore(%arg12 : memref<!tpu.dma_semaphore, #tpu.memory_space<semaphore_mem>>)
    %dma_wait3A_41 = arith.constant 1 : i32
    %dma_wait3A_42 = arith.constant 0 : i32
    %dma_wait3A_43 = tpu.memref_slice %arg5[%dma_wait3A_41, %dma_wait3A_42] : memref<16x1xi32, #tpu.memory_space<vmem>> -> memref<1x1xi32, #tpu.memory_space<vmem>>
    %dma_wait3A_44 = tpu.memref_squeeze %dma_wait3A_43 : memref<1x1xi32, #tpu.memory_space<vmem>> -> memref<1xi32, #tpu.memory_space<vmem>>
    %dma_wait3A_45 = arith.constant 0 : i32
    %dma_wait3A_46 = arith.constant 0 : i32
    %dma_wait3A_47 = tpu.memref_slice %arg2[%dma_wait3A_45, %dma_wait3A_46] : memref<128x12288xf32, #tpu.memory_space<hbm>> -> memref<128x12288xf32, #tpu.memory_space<hbm>>
    tpu.wait_indirect_dma semaphore(%arg11 : memref<!tpu.dma_semaphore, #tpu.memory_space<semaphore_mem>>) src(%dma_wait3A_47 : memref<128x12288xf32, #tpu.memory_space<hbm>>) dst(%arg7 : memref<1x12288xf32, #tpu.memory_space<vmem>>)
    %add3A_48 = arith.constant 1 : i32
    %add3A_49 = arith.addi %mul3A_2, %add3A_48 : i32
    %dma_start3A_50 = arith.constant 0 : i32
    %dma_start3A_51 = arith.constant 0 : i32
    %dma_start3A_52 = tpu.memref_slice %arg4[%dma_start3A_50, %dma_start3A_51] : memref<512x49152xf32, #tpu.memory_space<hbm>> -> memref<512x12288xf32, #tpu.memory_space<hbm>>
    %dma_start3A_53 = arith.constant 0 : i32
    %dma_start3A_54 = tpu.memref_slice %dma_start3A_52[%add3A_49, %dma_start3A_53] : memref<512x12288xf32, #tpu.memory_space<hbm>> -> memref<1x12288xf32, #tpu.memory_space<hbm>>
    %dma_start3A_55 = arith.constant 0 : i32
    %dma_start3A_56 = arith.constant 0 : i32
    %dma_start3A_57 = tpu.memref_slice %arg4[%dma_start3A_55, %dma_start3A_56] : memref<512x49152xf32, #tpu.memory_space<hbm>> -> memref<512x12288xf32, #tpu.memory_space<hbm>>
    %dma_start3A_58 = arith.constant 0 : i32
    %dma_start3A_59 = tpu.memref_slice %dma_start3A_57[%add3A_49, %dma_start3A_58] : memref<512x12288xf32, #tpu.memory_space<hbm>> -> memref<1x12288xf32, #tpu.memory_space<hbm>>
    tpu.enqueue_dma source(%arg7 : memref<1x12288xf32, #tpu.memory_space<vmem>>) target(%dma_start3A_59 : memref<1x12288xf32, #tpu.memory_space<hbm>>) target_semaphore(%arg15 : memref<!tpu.dma_semaphore, #tpu.memory_space<semaphore_mem>>)
    %dma_start3A_60 = arith.constant 3 : i32
    %dma_start3A_61 = arith.constant 0 : i32
    %dma_start3A_62 = tpu.memref_slice %arg5[%dma_start3A_60, %dma_start3A_61] : memref<16x1xi32, #tpu.memory_space<vmem>> -> memref<1x1xi32, #tpu.memory_space<vmem>>
    %dma_start3A_63 = tpu.memref_squeeze %dma_start3A_62 : memref<1x1xi32, #tpu.memory_space<vmem>> -> memref<1xi32, #tpu.memory_space<vmem>>
    %dma_start3A_64 = arith.constant 0 : i32
    %dma_start3A_65 = arith.constant 0 : i32
    %dma_start3A_66 = tpu.memref_slice %arg2[%dma_start3A_64, %dma_start3A_65] : memref<128x12288xf32, #tpu.memory_space<hbm>> -> memref<128x12288xf32, #tpu.memory_space<hbm>>
    tpu.enqueue_indirect_dma source(%dma_start3A_66 : memref<128x12288xf32, #tpu.memory_space<hbm>>) target(%arg9 : memref<1x12288xf32, #tpu.memory_space<vmem>>) offsets(%dma_start3A_63 : memref<1xi32, #tpu.memory_space<vmem>>) semaphore(%arg13 : memref<!tpu.dma_semaphore, #tpu.memory_space<semaphore_mem>>)
    %dma_wait3A_67 = arith.constant 2 : i32
    %dma_wait3A_68 = arith.constant 0 : i32
    %dma_wait3A_69 = tpu.memref_slice %arg5[%dma_wait3A_67, %dma_wait3A_68] : memref<16x1xi32, #tpu.memory_space<vmem>> -> memref<1x1xi32, #tpu.memory_space<vmem>>
    %dma_wait3A_70 = tpu.memref_squeeze %dma_wait3A_69 : memref<1x1xi32, #tpu.memory_space<vmem>> -> memref<1xi32, #tpu.memory_space<vmem>>
    %dma_wait3A_71 = arith.constant 0 : i32
    %dma_wait3A_72 = arith.constant 0 : i32
    %dma_wait3A_73 = tpu.memref_slice %arg2[%dma_wait3A_71, %dma_wait3A_72] : memref<128x12288xf32, #tpu.memory_space<hbm>> -> memref<128x12288xf32, #tpu.memory_space<hbm>>
    tpu.wait_indirect_dma semaphore(%arg12 : memref<!tpu.dma_semaphore, #tpu.memory_space<semaphore_mem>>) src(%dma_wait3A_73 : memref<128x12288xf32, #tpu.memory_space<hbm>>) dst(%arg8 : memref<1x12288xf32, #tpu.memory_space<vmem>>)
    %add3A_74 = arith.constant 2 : i32
    %add3A_75 = arith.addi %mul3A_2, %add3A_74 : i32
    %dma_start3A_76 = arith.constant 0 : i32
    %dma_start3A_77 = arith.constant 0 : i32
    %dma_start3A_78 = tpu.memref_slice %arg4[%dma_start3A_76, %dma_start3A_77] : memref<512x49152xf32, #tpu.memory_space<hbm>> -> memref<512x12288xf32, #tpu.memory_space<hbm>>
    %dma_start3A_79 = arith.constant 0 : i32
    %dma_start3A_80 = tpu.memref_slice %dma_start3A_78[%add3A_75, %dma_start3A_79] : memref<512x12288xf32, #tpu.memory_space<hbm>> -> memref<1x12288xf32, #tpu.memory_space<hbm>>
    %dma_start3A_81 = arith.constant 0 : i32
    %dma_start3A_82 = arith.constant 0 : i32
    %dma_start3A_83 = tpu.memref_slice %arg4[%dma_start3A_81, %dma_start3A_82] : memref<512x49152xf32, #tpu.memory_space<hbm>> -> memref<512x12288xf32, #tpu.memory_space<hbm>>
    %dma_start3A_84 = arith.constant 0 : i32
    %dma_start3A_85 = tpu.memref_slice %dma_start3A_83[%add3A_75, %dma_start3A_84] : memref<512x12288xf32, #tpu.memory_space<hbm>> -> memref<1x12288xf32, #tpu.memory_space<hbm>>
    tpu.enqueue_dma source(%arg8 : memref<1x12288xf32, #tpu.memory_space<vmem>>) target(%dma_start3A_85 : memref<1x12288xf32, #tpu.memory_space<hbm>>) target_semaphore(%arg16 : memref<!tpu.dma_semaphore, #tpu.memory_space<semaphore_mem>>)
    %add3A_86 = arith.constant 0 : i32
    %add3A_87 = arith.addi %mul3A_2, %add3A_86 : i32
    %dma_wait3A_88 = arith.constant 0 : i32
    %dma_wait3A_89 = arith.constant 0 : i32
    %dma_wait3A_90 = tpu.memref_slice %arg4[%dma_wait3A_88, %dma_wait3A_89] : memref<512x49152xf32, #tpu.memory_space<hbm>> -> memref<512x12288xf32, #tpu.memory_space<hbm>>
    %dma_wait3A_91 = arith.constant 0 : i32
    %dma_wait3A_92 = tpu.memref_slice %dma_wait3A_90[%add3A_87, %dma_wait3A_91] : memref<512x12288xf32, #tpu.memory_space<hbm>> -> memref<1x12288xf32, #tpu.memory_space<hbm>>
    %dma_wait3A_93 = arith.constant 0 : i32
    %dma_wait3A_94 = arith.constant 0 : i32
    %dma_wait3A_95 = tpu.memref_slice %arg4[%dma_wait3A_93, %dma_wait3A_94] : memref<512x49152xf32, #tpu.memory_space<hbm>> -> memref<512x12288xf32, #tpu.memory_space<hbm>>
    %dma_wait3A_96 = arith.constant 0 : i32
    %dma_wait3A_97 = tpu.memref_slice %dma_wait3A_95[%add3A_87, %dma_wait3A_96] : memref<512x12288xf32, #tpu.memory_space<hbm>> -> memref<1x12288xf32, #tpu.memory_space<hbm>>
    tpu.wait_dma2 semaphore(%arg14 : memref<!tpu.dma_semaphore, #tpu.memory_space<semaphore_mem>>) src(%arg6 : memref<1x12288xf32, #tpu.memory_space<vmem>>) dst(%dma_wait3A_97 : memref<1x12288xf32, #tpu.memory_space<hbm>>)
    %dma_start3A_98 = arith.constant 4 : i32
    %dma_start3A_99 = arith.constant 0 : i32
    %dma_start3A_100 = tpu.memref_slice %arg5[%dma_start3A_98, %dma_start3A_99] : memref<16x1xi32, #tpu.memory_space<vmem>> -> memref<1x1xi32, #tpu.memory_space<vmem>>
    %dma_start3A_101 = tpu.memref_squeeze %dma_start3A_100 : memref<1x1xi32, #tpu.memory_space<vmem>> -> memref<1xi32, #tpu.memory_space<vmem>>
    %dma_start3A_102 = arith.constant 0 : i32
    %dma_start3A_103 = arith.constant 0 : i32
    %dma_start3A_104 = tpu.memref_slice %arg2[%dma_start3A_102, %dma_start3A_103] : memref<128x12288xf32, #tpu.memory_space<hbm>> -> memref<128x12288xf32, #tpu.memory_space<hbm>>
    tpu.enqueue_indirect_dma source(%dma_start3A_104 : memref<128x12288xf32, #tpu.memory_space<hbm>>) target(%arg6 : memref<1x12288xf32, #tpu.memory_space<vmem>>) offsets(%dma_start3A_101 : memref<1xi32, #tpu.memory_space<vmem>>) semaphore(%arg10 : memref<!tpu.dma_semaphore, #tpu.memory_space<semaphore_mem>>)
    %dma_wait3A_105 = arith.constant 3 : i32
    %dma_wait3A_106 = arith.constant 0 : i32
    %dma_wait3A_107 = tpu.memref_slice %arg5[%dma_wait3A_105, %dma_wait3A_106] : memref<16x1xi32, #tpu.memory_space<vmem>> -> memref<1x1xi32, #tpu.memory_space<vmem>>
    %dma_wait3A_108 = tpu.memref_squeeze %dma_wait3A_107 : memref<1x1xi32, #tpu.memory_space<vmem>> -> memref<1xi32, #tpu.memory_space<vmem>>
    %dma_wait3A_109 = arith.constant 0 : i32
    %dma_wait3A_110 = arith.constant 0 : i32
    %dma_wait3A_111 = tpu.memref_slice %arg2[%dma_wait3A_109, %dma_wait3A_110] : memref<128x12288xf32, #tpu.memory_space<hbm>> -> memref<128x12288xf32, #tpu.memory_space<hbm>>
    tpu.wait_indirect_dma semaphore(%arg13 : memref<!tpu.dma_semaphore, #tpu.memory_space<semaphore_mem>>) src(%dma_wait3A_111 : memref<128x12288xf32, #tpu.memory_space<hbm>>) dst(%arg9 : memref<1x12288xf32, #tpu.memory_space<vmem>>)
    %add3A_112 = arith.constant 3 : i32
    %add3A_113 = arith.addi %mul3A_2, %add3A_112 : i32
    %dma_start3A_114 = arith.constant 0 : i32
    %dma_start3A_115 = arith.constant 0 : i32
    %dma_start3A_116 = tpu.memref_slice %arg4[%dma_start3A_114, %dma_start3A_115] : memref<512x49152xf32, #tpu.memory_space<hbm>> -> memref<512x12288xf32, #tpu.memory_space<hbm>>
    %dma_start3A_117 = arith.constant 0 : i32
    %dma_start3A_118 = tpu.memref_slice %dma_start3A_116[%add3A_113, %dma_start3A_117] : memref<512x12288xf32, #tpu.memory_space<hbm>> -> memref<1x12288xf32, #tpu.memory_space<hbm>>
    %dma_start3A_119 = arith.constant 0 : i32
    %dma_start3A_120 = arith.constant 0 : i32
    %dma_start3A_121 = tpu.memref_slice %arg4[%dma_start3A_119, %dma_start3A_120] : memref<512x49152xf32, #tpu.memory_space<hbm>> -> memref<512x12288xf32, #tpu.memory_space<hbm>>
    %dma_start3A_122 = arith.constant 0 : i32
    %dma_start3A_123 = tpu.memref_slice %dma_start3A_121[%add3A_113, %dma_start3A_122] : memref<512x12288xf32, #tpu.memory_space<hbm>> -> memref<1x12288xf32, #tpu.memory_space<hbm>>
    tpu.enqueue_dma source(%arg9 : memref<1x12288xf32, #tpu.memory_space<vmem>>) target(%dma_start3A_123 : memref<1x12288xf32, #tpu.memory_space<hbm>>) target_semaphore(%arg17 : memref<!tpu.dma_semaphore, #tpu.memory_space<semaphore_mem>>)
    %add3A_124 = arith.constant 1 : i32
    %add3A_125 = arith.addi %mul3A_2, %add3A_124 : i32
    %dma_wait3A_126 = arith.constant 0 : i32
    %dma_wait3A_127 = arith.constant 0 : i32
    %dma_wait3A_128 = tpu.memref_slice %arg4[%dma_wait3A_126, %dma_wait3A_127] : memref<512x49152xf32, #tpu.memory_space<hbm>> -> memref<512x12288xf32, #tpu.memory_space<hbm>>
    %dma_wait3A_129 = arith.constant 0 : i32
    %dma_wait3A_130 = tpu.memref_slice %dma_wait3A_128[%add3A_125, %dma_wait3A_129] : memref<512x12288xf32, #tpu.memory_space<hbm>> -> memref<1x12288xf32, #tpu.memory_space<hbm>>
    %dma_wait3A_131 = arith.constant 0 : i32
    %dma_wait3A_132 = arith.constant 0 : i32
    %dma_wait3A_133 = tpu.memref_slice %arg4[%dma_wait3A_131, %dma_wait3A_132] : memref<512x49152xf32, #tpu.memory_space<hbm>> -> memref<512x12288xf32, #tpu.memory_space<hbm>>
    %dma_wait3A_134 = arith.constant 0 : i32
    %dma_wait3A_135 = tpu.memref_slice %dma_wait3A_133[%add3A_125, %dma_wait3A_134] : memref<512x12288xf32, #tpu.memory_space<hbm>> -> memref<1x12288xf32, #tpu.memory_space<hbm>>
    tpu.wait_dma2 semaphore(%arg15 : memref<!tpu.dma_semaphore, #tpu.memory_space<semaphore_mem>>) src(%arg7 : memref<1x12288xf32, #tpu.memory_space<vmem>>) dst(%dma_wait3A_135 : memref<1x12288xf32, #tpu.memory_space<hbm>>)
    %dma_start3A_136 = arith.constant 5 : i32
    %dma_start3A_137 = arith.constant 0 : i32
    %dma_start3A_138 = tpu.memref_slice %arg5[%dma_start3A_136, %dma_start3A_137] : memref<16x1xi32, #tpu.memory_space<vmem>> -> memref<1x1xi32, #tpu.memory_space<vmem>>
    %dma_start3A_139 = tpu.memref_squeeze %dma_start3A_138 : memref<1x1xi32, #tpu.memory_space<vmem>> -> memref<1xi32, #tpu.memory_space<vmem>>
    %dma_start3A_140 = arith.constant 0 : i32
    %dma_start3A_141 = arith.constant 0 : i32
    %dma_start3A_142 = tpu.memref_slice %arg2[%dma_start3A_140, %dma_start3A_141] : memref<128x12288xf32, #tpu.memory_space<hbm>> -> memref<128x12288xf32, #tpu.memory_space<hbm>>
    tpu.enqueue_indirect_dma source(%dma_start3A_142 : memref<128x12288xf32, #tpu.memory_space<hbm>>) target(%arg7 : memref<1x12288xf32, #tpu.memory_space<vmem>>) offsets(%dma_start3A_139 : memref<1xi32, #tpu.memory_space<vmem>>) semaphore(%arg11 : memref<!tpu.dma_semaphore, #tpu.memory_space<semaphore_mem>>)
    %dma_wait3A_143 = arith.constant 4 : i32
    %dma_wait3A_144 = arith.constant 0 : i32
    %dma_wait3A_145 = tpu.memref_slice %arg5[%dma_wait3A_143, %dma_wait3A_144] : memref<16x1xi32, #tpu.memory_space<vmem>> -> memref<1x1xi32, #tpu.memory_space<vmem>>
    %dma_wait3A_146 = tpu.memref_squeeze %dma_wait3A_145 : memref<1x1xi32, #tpu.memory_space<vmem>> -> memref<1xi32, #tpu.memory_space<vmem>>
    %dma_wait3A_147 = arith.constant 0 : i32
    %dma_wait3A_148 = arith.constant 0 : i32
    %dma_wait3A_149 = tpu.memref_slice %arg2[%dma_wait3A_147, %dma_wait3A_148] : memref<128x12288xf32, #tpu.memory_space<hbm>> -> memref<128x12288xf32, #tpu.memory_space<hbm>>
    tpu.wait_indirect_dma semaphore(%arg10 : memref<!tpu.dma_semaphore, #tpu.memory_space<semaphore_mem>>) src(%dma_wait3A_149 : memref<128x12288xf32, #tpu.memory_space<hbm>>) dst(%arg6 : memref<1x12288xf32, #tpu.memory_space<vmem>>)
    %add3A_150 = arith.constant 4 : i32
    %add3A_151 = arith.addi %mul3A_2, %add3A_150 : i32
    %dma_start3A_152 = arith.constant 0 : i32
    %dma_start3A_153 = arith.constant 0 : i32
    %dma_start3A_154 = tpu.memref_slice %arg4[%dma_start3A_152, %dma_start3A_153] : memref<512x49152xf32, #tpu.memory_space<hbm>> -> memref<512x12288xf32, #tpu.memory_space<hbm>>
    %dma_start3A_155 = arith.constant 0 : i32
    %dma_start3A_156 = tpu.memref_slice %dma_start3A_154[%add3A_151, %dma_start3A_155] : memref<512x12288xf32, #tpu.memory_space<hbm>> -> memref<1x12288xf32, #tpu.memory_space<hbm>>
    %dma_start3A_157 = arith.constant 0 : i32
    %dma_start3A_158 = arith.constant 0 : i32
    %dma_start3A_159 = tpu.memref_slice %arg4[%dma_start3A_157, %dma_start3A_158] : memref<512x49152xf32, #tpu.memory_space<hbm>> -> memref<512x12288xf32, #tpu.memory_space<hbm>>
    %dma_start3A_160 = arith.constant 0 : i32
    %dma_start3A_161 = tpu.memref_slice %dma_start3A_159[%add3A_151, %dma_start3A_160] : memref<512x12288xf32, #tpu.memory_space<hbm>> -> memref<1x12288xf32, #tpu.memory_space<hbm>>
    tpu.enqueue_dma source(%arg6 : memref<1x12288xf32, #tpu.memory_space<vmem>>) target(%dma_start3A_161 : memref<1x12288xf32, #tpu.memory_space<hbm>>) target_semaphore(%arg14 : memref<!tpu.dma_semaphore, #tpu.memory_space<semaphore_mem>>)
    %add3A_162 = arith.constant 2 : i32
    %add3A_163 = arith.addi %mul3A_2, %add3A_162 : i32
    %dma_wait3A_164 = arith.constant 0 : i32
    %dma_wait3A_165 = arith.constant 0 : i32
    %dma_wait3A_166 = tpu.memref_slice %arg4[%dma_wait3A_164, %dma_wait3A_165] : memref<512x49152xf32, #tpu.memory_space<hbm>> -> memref<512x12288xf32, #tpu.memory_space<hbm>>
    %dma_wait3A_167 = arith.constant 0 : i32
    %dma_wait3A_168 = tpu.memref_slice %dma_wait3A_166[%add3A_163, %dma_wait3A_167] : memref<512x12288xf32, #tpu.memory_space<hbm>> -> memref<1x12288xf32, #tpu.memory_space<hbm>>
    %dma_wait3A_169 = arith.constant 0 : i32
    %dma_wait3A_170 = arith.constant 0 : i32
    %dma_wait3A_171 = tpu.memref_slice %arg4[%dma_wait3A_169, %dma_wait3A_170] : memref<512x49152xf32, #tpu.memory_space<hbm>> -> memref<512x12288xf32, #tpu.memory_space<hbm>>
    %dma_wait3A_172 = arith.constant 0 : i32
    %dma_wait3A_173 = tpu.memref_slice %dma_wait3A_171[%add3A_163, %dma_wait3A_172] : memref<512x12288xf32, #tpu.memory_space<hbm>> -> memref<1x12288xf32, #tpu.memory_space<hbm>>
    tpu.wait_dma2 semaphore(%arg16 : memref<!tpu.dma_semaphore, #tpu.memory_space<semaphore_mem>>) src(%arg8 : memref<1x12288xf32, #tpu.memory_space<vmem>>) dst(%dma_wait3A_173 : memref<1x12288xf32, #tpu.memory_space<hbm>>)
    %dma_start3A_174 = arith.constant 6 : i32
    %dma_start3A_175 = arith.constant 0 : i32
    %dma_start3A_176 = tpu.memref_slice %arg5[%dma_start3A_174, %dma_start3A_175] : memref<16x1xi32, #tpu.memory_space<vmem>> -> memref<1x1xi32, #tpu.memory_space<vmem>>
    %dma_start3A_177 = tpu.memref_squeeze %dma_start3A_176 : memref<1x1xi32, #tpu.memory_space<vmem>> -> memref<1xi32, #tpu.memory_space<vmem>>
    %dma_start3A_178 = arith.constant 0 : i32
    %dma_start3A_179 = arith.constant 0 : i32
    %dma_start3A_180 = tpu.memref_slice %arg2[%dma_start3A_178, %dma_start3A_179] : memref<128x12288xf32, #tpu.memory_space<hbm>> -> memref<128x12288xf32, #tpu.memory_space<hbm>>
    tpu.enqueue_indirect_dma source(%dma_start3A_180 : memref<128x12288xf32, #tpu.memory_space<hbm>>) target(%arg8 : memref<1x12288xf32, #tpu.memory_space<vmem>>) offsets(%dma_start3A_177 : memref<1xi32, #tpu.memory_space<vmem>>) semaphore(%arg12 : memref<!tpu.dma_semaphore, #tpu.memory_space<semaphore_mem>>)
    %dma_wait3A_181 = arith.constant 5 : i32
    %dma_wait3A_182 = arith.constant 0 : i32
    %dma_wait3A_183 = tpu.memref_slice %arg5[%dma_wait3A_181, %dma_wait3A_182] : memref<16x1xi32, #tpu.memory_space<vmem>> -> memref<1x1xi32, #tpu.memory_space<vmem>>
    %dma_wait3A_184 = tpu.memref_squeeze %dma_wait3A_183 : memref<1x1xi32, #tpu.memory_space<vmem>> -> memref<1xi32, #tpu.memory_space<vmem>>
    %dma_wait3A_185 = arith.constant 0 : i32
    %dma_wait3A_186 = arith.constant 0 : i32
    %dma_wait3A_187 = tpu.memref_slice %arg2[%dma_wait3A_185, %dma_wait3A_186] : memref<128x12288xf32, #tpu.memory_space<hbm>> -> memref<128x12288xf32, #tpu.memory_space<hbm>>
    tpu.wait_indirect_dma semaphore(%arg11 : memref<!tpu.dma_semaphore, #tpu.memory_space<semaphore_mem>>) src(%dma_wait3A_187 : memref<128x12288xf32, #tpu.memory_space<hbm>>) dst(%arg7 : memref<1x12288xf32, #tpu.memory_space<vmem>>)
    %add3A_188 = arith.constant 5 : i32
    %add3A_189 = arith.addi %mul3A_2, %add3A_188 : i32
    %dma_start3A_190 = arith.constant 0 : i32
    %dma_start3A_191 = arith.constant 0 : i32
    %dma_start3A_192 = tpu.memref_slice %arg4[%dma_start3A_190, %dma_start3A_191] : memref<512x49152xf32, #tpu.memory_space<hbm>> -> memref<512x12288xf32, #tpu.memory_space<hbm>>
    %dma_start3A_193 = arith.constant 0 : i32
    %dma_start3A_194 = tpu.memref_slice %dma_start3A_192[%add3A_189, %dma_start3A_193] : memref<512x12288xf32, #tpu.memory_space<hbm>> -> memref<1x12288xf32, #tpu.memory_space<hbm>>
    %dma_start3A_195 = arith.constant 0 : i32
    %dma_start3A_196 = arith.constant 0 : i32
    %dma_start3A_197 = tpu.memref_slice %arg4[%dma_start3A_195, %dma_start3A_196] : memref<512x49152xf32, #tpu.memory_space<hbm>> -> memref<512x12288xf32, #tpu.memory_space<hbm>>
    %dma_start3A_198 = arith.constant 0 : i32
    %dma_start3A_199 = tpu.memref_slice %dma_start3A_197[%add3A_189, %dma_start3A_198] : memref<512x12288xf32, #tpu.memory_space<hbm>> -> memref<1x12288xf32, #tpu.memory_space<hbm>>
    tpu.enqueue_dma source(%arg7 : memref<1x12288xf32, #tpu.memory_space<vmem>>) target(%dma_start3A_199 : memref<1x12288xf32, #tpu.memory_space<hbm>>) target_semaphore(%arg15 : memref<!tpu.dma_semaphore, #tpu.memory_space<semaphore_mem>>)
    %add3A_200 = arith.constant 3 : i32
    %add3A_201 = arith.addi %mul3A_2, %add3A_200 : i32
    %dma_wait3A_202 = arith.constant 0 : i32
    %dma_wait3A_203 = arith.constant 0 : i32
    %dma_wait3A_204 = tpu.memref_slice %arg4[%dma_wait3A_202, %dma_wait3A_203] : memref<512x49152xf32, #tpu.memory_space<hbm>> -> memref<512x12288xf32, #tpu.memory_space<hbm>>
    %dma_wait3A_205 = arith.constant 0 : i32
    %dma_wait3A_206 = tpu.memref_slice %dma_wait3A_204[%add3A_201, %dma_wait3A_205] : memref<512x12288xf32, #tpu.memory_space<hbm>> -> memref<1x12288xf32, #tpu.memory_space<hbm>>
    %dma_wait3A_207 = arith.constant 0 : i32
    %dma_wait3A_208 = arith.constant 0 : i32
    %dma_wait3A_209 = tpu.memref_slice %arg4[%dma_wait3A_207, %dma_wait3A_208] : memref<512x49152xf32, #tpu.memory_space<hbm>> -> memref<512x12288xf32, #tpu.memory_space<hbm>>
    %dma_wait3A_210 = arith.constant 0 : i32
    %dma_wait3A_211 = tpu.memref_slice %dma_wait3A_209[%add3A_201, %dma_wait3A_210] : memref<512x12288xf32, #tpu.memory_space<hbm>> -> memref<1x12288xf32, #tpu.memory_space<hbm>>
    tpu.wait_dma2 semaphore(%arg17 : memref<!tpu.dma_semaphore, #tpu.memory_space<semaphore_mem>>) src(%arg9 : memref<1x12288xf32, #tpu.memory_space<vmem>>) dst(%dma_wait3A_211 : memref<1x12288xf32, #tpu.memory_space<hbm>>)
    %dma_start3A_212 = arith.constant 7 : i32
    %dma_start3A_213 = arith.constant 0 : i32
    %dma_start3A_214 = tpu.memref_slice %arg5[%dma_start3A_212, %dma_start3A_213] : memref<16x1xi32, #tpu.memory_space<vmem>> -> memref<1x1xi32, #tpu.memory_space<vmem>>
    %dma_start3A_215 = tpu.memref_squeeze %dma_start3A_214 : memref<1x1xi32, #tpu.memory_space<vmem>> -> memref<1xi32, #tpu.memory_space<vmem>>
    %dma_start3A_216 = arith.constant 0 : i32
    %dma_start3A_217 = arith.constant 0 : i32
    %dma_start3A_218 = tpu.memref_slice %arg2[%dma_start3A_216, %dma_start3A_217] : memref<128x12288xf32, #tpu.memory_space<hbm>> -> memref<128x12288xf32, #tpu.memory_space<hbm>>
    tpu.enqueue_indirect_dma source(%dma_start3A_218 : memref<128x12288xf32, #tpu.memory_space<hbm>>) target(%arg9 : memref<1x12288xf32, #tpu.memory_space<vmem>>) offsets(%dma_start3A_215 : memref<1xi32, #tpu.memory_space<vmem>>) semaphore(%arg13 : memref<!tpu.dma_semaphore, #tpu.memory_space<semaphore_mem>>)
    %dma_wait3A_219 = arith.constant 6 : i32
    %dma_wait3A_220 = arith.constant 0 : i32
    %dma_wait3A_221 = tpu.memref_slice %arg5[%dma_wait3A_219, %dma_wait3A_220] : memref<16x1xi32, #tpu.memory_space<vmem>> -> memref<1x1xi32, #tpu.memory_space<vmem>>
    %dma_wait3A_222 = tpu.memref_squeeze %dma_wait3A_221 : memref<1x1xi32, #tpu.memory_space<vmem>> -> memref<1xi32, #tpu.memory_space<vmem>>
    %dma_wait3A_223 = arith.constant 0 : i32
    %dma_wait3A_224 = arith.constant 0 : i32
    %dma_wait3A_225 = tpu.memref_slice %arg2[%dma_wait3A_223, %dma_wait3A_224] : memref<128x12288xf32, #tpu.memory_space<hbm>> -> memref<128x12288xf32, #tpu.memory_space<hbm>>
    tpu.wait_indirect_dma semaphore(%arg12 : memref<!tpu.dma_semaphore, #tpu.memory_space<semaphore_mem>>) src(%dma_wait3A_225 : memref<128x12288xf32, #tpu.memory_space<hbm>>) dst(%arg8 : memref<1x12288xf32, #tpu.memory_space<vmem>>)
    %add3A_226 = arith.constant 6 : i32
    %add3A_227 = arith.addi %mul3A_2, %add3A_226 : i32
    %dma_start3A_228 = arith.constant 0 : i32
    %dma_start3A_229 = arith.constant 0 : i32
    %dma_start3A_230 = tpu.memref_slice %arg4[%dma_start3A_228, %dma_start3A_229] : memref<512x49152xf32, #tpu.memory_space<hbm>> -> memref<512x12288xf32, #tpu.memory_space<hbm>>
    %dma_start3A_231 = arith.constant 0 : i32
    %dma_start3A_232 = tpu.memref_slice %dma_start3A_230[%add3A_227, %dma_start3A_231] : memref<512x12288xf32, #tpu.memory_space<hbm>> -> memref<1x12288xf32, #tpu.memory_space<hbm>>
    %dma_start3A_233 = arith.constant 0 : i32
    %dma_start3A_234 = arith.constant 0 : i32
    %dma_start3A_235 = tpu.memref_slice %arg4[%dma_start3A_233, %dma_start3A_234] : memref<512x49152xf32, #tpu.memory_space<hbm>> -> memref<512x12288xf32, #tpu.memory_space<hbm>>
    %dma_start3A_236 = arith.constant 0 : i32
    %dma_start3A_237 = tpu.memref_slice %dma_start3A_235[%add3A_227, %dma_start3A_236] : memref<512x12288xf32, #tpu.memory_space<hbm>> -> memref<1x12288xf32, #tpu.memory_space<hbm>>
    tpu.enqueue_dma source(%arg8 : memref<1x12288xf32, #tpu.memory_space<vmem>>) target(%dma_start3A_237 : memref<1x12288xf32, #tpu.memory_space<hbm>>) target_semaphore(%arg16 : memref<!tpu.dma_semaphore, #tpu.memory_space<semaphore_mem>>)
    %add3A_238 = arith.constant 4 : i32
    %add3A_239 = arith.addi %mul3A_2, %add3A_238 : i32
    %dma_wait3A_240 = arith.constant 0 : i32
    %dma_wait3A_241 = arith.constant 0 : i32
    %dma_wait3A_242 = tpu.memref_slice %arg4[%dma_wait3A_240, %dma_wait3A_241] : memref<512x49152xf32, #tpu.memory_space<hbm>> -> memref<512x12288xf32, #tpu.memory_space<hbm>>
    %dma_wait3A_243 = arith.constant 0 : i32
    %dma_wait3A_244 = tpu.memref_slice %dma_wait3A_242[%add3A_239, %dma_wait3A_243] : memref<512x12288xf32, #tpu.memory_space<hbm>> -> memref<1x12288xf32, #tpu.memory_space<hbm>>
    %dma_wait3A_245 = arith.constant 0 : i32
    %dma_wait3A_246 = arith.constant 0 : i32
    %dma_wait3A_247 = tpu.memref_slice %arg4[%dma_wait3A_245, %dma_wait3A_246] : memref<512x49152xf32, #tpu.memory_space<hbm>> -> memref<512x12288xf32, #tpu.memory_space<hbm>>
    %dma_wait3A_248 = arith.constant 0 : i32
    %dma_wait3A_249 = tpu.memref_slice %dma_wait3A_247[%add3A_239, %dma_wait3A_248] : memref<512x12288xf32, #tpu.memory_space<hbm>> -> memref<1x12288xf32, #tpu.memory_space<hbm>>
    tpu.wait_dma2 semaphore(%arg14 : memref<!tpu.dma_semaphore, #tpu.memory_space<semaphore_mem>>) src(%arg6 : memref<1x12288xf32, #tpu.memory_space<vmem>>) dst(%dma_wait3A_249 : memref<1x12288xf32, #tpu.memory_space<hbm>>)
    %dma_start3A_250 = arith.constant 8 : i32
    %dma_start3A_251 = arith.constant 0 : i32
    %dma_start3A_252 = tpu.memref_slice %arg5[%dma_start3A_250, %dma_start3A_251] : memref<16x1xi32, #tpu.memory_space<vmem>> -> memref<1x1xi32, #tpu.memory_space<vmem>>
    %dma_start3A_253 = tpu.memref_squeeze %dma_start3A_252 : memref<1x1xi32, #tpu.memory_space<vmem>> -> memref<1xi32, #tpu.memory_space<vmem>>
    %dma_start3A_254 = arith.constant 0 : i32
    %dma_start3A_255 = arith.constant 0 : i32
    %dma_start3A_256 = tpu.memref_slice %arg2[%dma_start3A_254, %dma_start3A_255] : memref<128x12288xf32, #tpu.memory_space<hbm>> -> memref<128x12288xf32, #tpu.memory_space<hbm>>
    tpu.enqueue_indirect_dma source(%dma_start3A_256 : memref<128x12288xf32, #tpu.memory_space<hbm>>) target(%arg6 : memref<1x12288xf32, #tpu.memory_space<vmem>>) offsets(%dma_start3A_253 : memref<1xi32, #tpu.memory_space<vmem>>) semaphore(%arg10 : memref<!tpu.dma_semaphore, #tpu.memory_space<semaphore_mem>>)
    %dma_wait3A_257 = arith.constant 7 : i32
    %dma_wait3A_258 = arith.constant 0 : i32
    %dma_wait3A_259 = tpu.memref_slice %arg5[%dma_wait3A_257, %dma_wait3A_258] : memref<16x1xi32, #tpu.memory_space<vmem>> -> memref<1x1xi32, #tpu.memory_space<vmem>>
    %dma_wait3A_260 = tpu.memref_squeeze %dma_wait3A_259 : memref<1x1xi32, #tpu.memory_space<vmem>> -> memref<1xi32, #tpu.memory_space<vmem>>
    %dma_wait3A_261 = arith.constant 0 : i32
    %dma_wait3A_262 = arith.constant 0 : i32
    %dma_wait3A_263 = tpu.memref_slice %arg2[%dma_wait3A_261, %dma_wait3A_262] : memref<128x12288xf32, #tpu.memory_space<hbm>> -> memref<128x12288xf32, #tpu.memory_space<hbm>>
    tpu.wait_indirect_dma semaphore(%arg13 : memref<!tpu.dma_semaphore, #tpu.memory_space<semaphore_mem>>) src(%dma_wait3A_263 : memref<128x12288xf32, #tpu.memory_space<hbm>>) dst(%arg9 : memref<1x12288xf32, #tpu.memory_space<vmem>>)
    %add3A_264 = arith.constant 7 : i32
    %add3A_265 = arith.addi %mul3A_2, %add3A_264 : i32
    %dma_start3A_266 = arith.constant 0 : i32
    %dma_start3A_267 = arith.constant 0 : i32
    %dma_start3A_268 = tpu.memref_slice %arg4[%dma_start3A_266, %dma_start3A_267] : memref<512x49152xf32, #tpu.memory_space<hbm>> -> memref<512x12288xf32, #tpu.memory_space<hbm>>
    %dma_start3A_269 = arith.constant 0 : i32
    %dma_start3A_270 = tpu.memref_slice %dma_start3A_268[%add3A_265, %dma_start3A_269] : memref<512x12288xf32, #tpu.memory_space<hbm>> -> memref<1x12288xf32, #tpu.memory_space<hbm>>
    %dma_start3A_271 = arith.constant 0 : i32
    %dma_start3A_272 = arith.constant 0 : i32
    %dma_start3A_273 = tpu.memref_slice %arg4[%dma_start3A_271, %dma_start3A_272] : memref<512x49152xf32, #tpu.memory_space<hbm>> -> memref<512x12288xf32, #tpu.memory_space<hbm>>
    %dma_start3A_274 = arith.constant 0 : i32
    %dma_start3A_275 = tpu.memref_slice %dma_start3A_273[%add3A_265, %dma_start3A_274] : memref<512x12288xf32, #tpu.memory_space<hbm>> -> memref<1x12288xf32, #tpu.memory_space<hbm>>
    tpu.enqueue_dma source(%arg9 : memref<1x12288xf32, #tpu.memory_space<vmem>>) target(%dma_start3A_275 : memref<1x12288xf32, #tpu.memory_space<hbm>>) target_semaphore(%arg17 : memref<!tpu.dma_semaphore, #tpu.memory_space<semaphore_mem>>)
    %add3A_276 = arith.constant 5 : i32
    %add3A_277 = arith.addi %mul3A_2, %add3A_276 : i32
    %dma_wait3A_278 = arith.constant 0 : i32
    %dma_wait3A_279 = arith.constant 0 : i32
    %dma_wait3A_280 = tpu.memref_slice %arg4[%dma_wait3A_278, %dma_wait3A_279] : memref<512x49152xf32, #tpu.memory_space<hbm>> -> memref<512x12288xf32, #tpu.memory_space<hbm>>
    %dma_wait3A_281 = arith.constant 0 : i32
    %dma_wait3A_282 = tpu.memref_slice %dma_wait3A_280[%add3A_277, %dma_wait3A_281] : memref<512x12288xf32, #tpu.memory_space<hbm>> -> memref<1x12288xf32, #tpu.memory_space<hbm>>
    %dma_wait3A_283 = arith.constant 0 : i32
    %dma_wait3A_284 = arith.constant 0 : i32
    %dma_wait3A_285 = tpu.memref_slice %arg4[%dma_wait3A_283, %dma_wait3A_284] : memref<512x49152xf32, #tpu.memory_space<hbm>> -> memref<512x12288xf32, #tpu.memory_space<hbm>>
    %dma_wait3A_286 = arith.constant 0 : i32
    %dma_wait3A_287 = tpu.memref_slice %dma_wait3A_285[%add3A_277, %dma_wait3A_286] : memref<512x12288xf32, #tpu.memory_space<hbm>> -> memref<1x12288xf32, #tpu.memory_space<hbm>>
    tpu.wait_dma2 semaphore(%arg15 : memref<!tpu.dma_semaphore, #tpu.memory_space<semaphore_mem>>) src(%arg7 : memref<1x12288xf32, #tpu.memory_space<vmem>>) dst(%dma_wait3A_287 : memref<1x12288xf32, #tpu.memory_space<hbm>>)
    %dma_start3A_288 = arith.constant 9 : i32
    %dma_start3A_289 = arith.constant 0 : i32
    %dma_start3A_290 = tpu.memref_slice %arg5[%dma_start3A_288, %dma_start3A_289] : memref<16x1xi32, #tpu.memory_space<vmem>> -> memref<1x1xi32, #tpu.memory_space<vmem>>
    %dma_start3A_291 = tpu.memref_squeeze %dma_start3A_290 : memref<1x1xi32, #tpu.memory_space<vmem>> -> memref<1xi32, #tpu.memory_space<vmem>>
    %dma_start3A_292 = arith.constant 0 : i32
    %dma_start3A_293 = arith.constant 0 : i32
    %dma_start3A_294 = tpu.memref_slice %arg2[%dma_start3A_292, %dma_start3A_293] : memref<128x12288xf32, #tpu.memory_space<hbm>> -> memref<128x12288xf32, #tpu.memory_space<hbm>>
    tpu.enqueue_indirect_dma source(%dma_start3A_294 : memref<128x12288xf32, #tpu.memory_space<hbm>>) target(%arg7 : memref<1x12288xf32, #tpu.memory_space<vmem>>) offsets(%dma_start3A_291 : memref<1xi32, #tpu.memory_space<vmem>>) semaphore(%arg11 : memref<!tpu.dma_semaphore, #tpu.memory_space<semaphore_mem>>)
    %dma_wait3A_295 = arith.constant 8 : i32
    %dma_wait3A_296 = arith.constant 0 : i32
    %dma_wait3A_297 = tpu.memref_slice %arg5[%dma_wait3A_295, %dma_wait3A_296] : memref<16x1xi32, #tpu.memory_space<vmem>> -> memref<1x1xi32, #tpu.memory_space<vmem>>
    %dma_wait3A_298 = tpu.memref_squeeze %dma_wait3A_297 : memref<1x1xi32, #tpu.memory_space<vmem>> -> memref<1xi32, #tpu.memory_space<vmem>>
    %dma_wait3A_299 = arith.constant 0 : i32
    %dma_wait3A_300 = arith.constant 0 : i32
    %dma_wait3A_301 = tpu.memref_slice %arg2[%dma_wait3A_299, %dma_wait3A_300] : memref<128x12288xf32, #tpu.memory_space<hbm>> -> memref<128x12288xf32, #tpu.memory_space<hbm>>
    tpu.wait_indirect_dma semaphore(%arg10 : memref<!tpu.dma_semaphore, #tpu.memory_space<semaphore_mem>>) src(%dma_wait3A_301 : memref<128x12288xf32, #tpu.memory_space<hbm>>) dst(%arg6 : memref<1x12288xf32, #tpu.memory_space<vmem>>)
    %add3A_302 = arith.constant 8 : i32
    %add3A_303 = arith.addi %mul3A_2, %add3A_302 : i32
    %dma_start3A_304 = arith.constant 0 : i32
    %dma_start3A_305 = arith.constant 0 : i32
    %dma_start3A_306 = tpu.memref_slice %arg4[%dma_start3A_304, %dma_start3A_305] : memref<512x49152xf32, #tpu.memory_space<hbm>> -> memref<512x12288xf32, #tpu.memory_space<hbm>>
    %dma_start3A_307 = arith.constant 0 : i32
    %dma_start3A_308 = tpu.memref_slice %dma_start3A_306[%add3A_303, %dma_start3A_307] : memref<512x12288xf32, #tpu.memory_space<hbm>> -> memref<1x12288xf32, #tpu.memory_space<hbm>>
    %dma_start3A_309 = arith.constant 0 : i32
    %dma_start3A_310 = arith.constant 0 : i32
    %dma_start3A_311 = tpu.memref_slice %arg4[%dma_start3A_309, %dma_start3A_310] : memref<512x49152xf32, #tpu.memory_space<hbm>> -> memref<512x12288xf32, #tpu.memory_space<hbm>>
    %dma_start3A_312 = arith.constant 0 : i32
    %dma_start3A_313 = tpu.memref_slice %dma_start3A_311[%add3A_303, %dma_start3A_312] : memref<512x12288xf32, #tpu.memory_space<hbm>> -> memref<1x12288xf32, #tpu.memory_space<hbm>>
    tpu.enqueue_dma source(%arg6 : memref<1x12288xf32, #tpu.memory_space<vmem>>) target(%dma_start3A_313 : memref<1x12288xf32, #tpu.memory_space<hbm>>) target_semaphore(%arg14 : memref<!tpu.dma_semaphore, #tpu.memory_space<semaphore_mem>>)
    %add3A_314 = arith.constant 6 : i32
    %add3A_315 = arith.addi %mul3A_2, %add3A_314 : i32
    %dma_wait3A_316 = arith.constant 0 : i32
    %dma_wait3A_317 = arith.constant 0 : i32
    %dma_wait3A_318 = tpu.memref_slice %arg4[%dma_wait3A_316, %dma_wait3A_317] : memref<512x49152xf32, #tpu.memory_space<hbm>> -> memref<512x12288xf32, #tpu.memory_space<hbm>>
    %dma_wait3A_319 = arith.constant 0 : i32
    %dma_wait3A_320 = tpu.memref_slice %dma_wait3A_318[%add3A_315, %dma_wait3A_319] : memref<512x12288xf32, #tpu.memory_space<hbm>> -> memref<1x12288xf32, #tpu.memory_space<hbm>>
    %dma_wait3A_321 = arith.constant 0 : i32
    %dma_wait3A_322 = arith.constant 0 : i32
    %dma_wait3A_323 = tpu.memref_slice %arg4[%dma_wait3A_321, %dma_wait3A_322] : memref<512x49152xf32, #tpu.memory_space<hbm>> -> memref<512x12288xf32, #tpu.memory_space<hbm>>
    %dma_wait3A_324 = arith.constant 0 : i32
    %dma_wait3A_325 = tpu.memref_slice %dma_wait3A_323[%add3A_315, %dma_wait3A_324] : memref<512x12288xf32, #tpu.memory_space<hbm>> -> memref<1x12288xf32, #tpu.memory_space<hbm>>
    tpu.wait_dma2 semaphore(%arg16 : memref<!tpu.dma_semaphore, #tpu.memory_space<semaphore_mem>>) src(%arg8 : memref<1x12288xf32, #tpu.memory_space<vmem>>) dst(%dma_wait3A_325 : memref<1x12288xf32, #tpu.memory_space<hbm>>)
    %dma_start3A_326 = arith.constant 10 : i32
    %dma_start3A_327 = arith.constant 0 : i32
    %dma_start3A_328 = tpu.memref_slice %arg5[%dma_start3A_326, %dma_start3A_327] : memref<16x1xi32, #tpu.memory_space<vmem>> -> memref<1x1xi32, #tpu.memory_space<vmem>>
    %dma_start3A_329 = tpu.memref_squeeze %dma_start3A_328 : memref<1x1xi32, #tpu.memory_space<vmem>> -> memref<1xi32, #tpu.memory_space<vmem>>
    %dma_start3A_330 = arith.constant 0 : i32
    %dma_start3A_331 = arith.constant 0 : i32
    %dma_start3A_332 = tpu.memref_slice %arg2[%dma_start3A_330, %dma_start3A_331] : memref<128x12288xf32, #tpu.memory_space<hbm>> -> memref<128x12288xf32, #tpu.memory_space<hbm>>
    tpu.enqueue_indirect_dma source(%dma_start3A_332 : memref<128x12288xf32, #tpu.memory_space<hbm>>) target(%arg8 : memref<1x12288xf32, #tpu.memory_space<vmem>>) offsets(%dma_start3A_329 : memref<1xi32, #tpu.memory_space<vmem>>) semaphore(%arg12 : memref<!tpu.dma_semaphore, #tpu.memory_space<semaphore_mem>>)
    %dma_wait3A_333 = arith.constant 9 : i32
    %dma_wait3A_334 = arith.constant 0 : i32
    %dma_wait3A_335 = tpu.memref_slice %arg5[%dma_wait3A_333, %dma_wait3A_334] : memref<16x1xi32, #tpu.memory_space<vmem>> -> memref<1x1xi32, #tpu.memory_space<vmem>>
    %dma_wait3A_336 = tpu.memref_squeeze %dma_wait3A_335 : memref<1x1xi32, #tpu.memory_space<vmem>> -> memref<1xi32, #tpu.memory_space<vmem>>
    %dma_wait3A_337 = arith.constant 0 : i32
    %dma_wait3A_338 = arith.constant 0 : i32
    %dma_wait3A_339 = tpu.memref_slice %arg2[%dma_wait3A_337, %dma_wait3A_338] : memref<128x12288xf32, #tpu.memory_space<hbm>> -> memref<128x12288xf32, #tpu.memory_space<hbm>>
    tpu.wait_indirect_dma semaphore(%arg11 : memref<!tpu.dma_semaphore, #tpu.memory_space<semaphore_mem>>) src(%dma_wait3A_339 : memref<128x12288xf32, #tpu.memory_space<hbm>>) dst(%arg7 : memref<1x12288xf32, #tpu.memory_space<vmem>>)
    %add3A_340 = arith.constant 9 : i32
    %add3A_341 = arith.addi %mul3A_2, %add3A_340 : i32
    %dma_start3A_342 = arith.constant 0 : i32
    %dma_start3A_343 = arith.constant 0 : i32
    %dma_start3A_344 = tpu.memref_slice %arg4[%dma_start3A_342, %dma_start3A_343] : memref<512x49152xf32, #tpu.memory_space<hbm>> -> memref<512x12288xf32, #tpu.memory_space<hbm>>
    %dma_start3A_345 = arith.constant 0 : i32
    %dma_start3A_346 = tpu.memref_slice %dma_start3A_344[%add3A_341, %dma_start3A_345] : memref<512x12288xf32, #tpu.memory_space<hbm>> -> memref<1x12288xf32, #tpu.memory_space<hbm>>
    %dma_start3A_347 = arith.constant 0 : i32
    %dma_start3A_348 = arith.constant 0 : i32
    %dma_start3A_349 = tpu.memref_slice %arg4[%dma_start3A_347, %dma_start3A_348] : memref<512x49152xf32, #tpu.memory_space<hbm>> -> memref<512x12288xf32, #tpu.memory_space<hbm>>
    %dma_start3A_350 = arith.constant 0 : i32
    %dma_start3A_351 = tpu.memref_slice %dma_start3A_349[%add3A_341, %dma_start3A_350] : memref<512x12288xf32, #tpu.memory_space<hbm>> -> memref<1x12288xf32, #tpu.memory_space<hbm>>
    tpu.enqueue_dma source(%arg7 : memref<1x12288xf32, #tpu.memory_space<vmem>>) target(%dma_start3A_351 : memref<1x12288xf32, #tpu.memory_space<hbm>>) target_semaphore(%arg15 : memref<!tpu.dma_semaphore, #tpu.memory_space<semaphore_mem>>)
    %add3A_352 = arith.constant 7 : i32
    %add3A_353 = arith.addi %mul3A_2, %add3A_352 : i32
    %dma_wait3A_354 = arith.constant 0 : i32
    %dma_wait3A_355 = arith.constant 0 : i32
    %dma_wait3A_356 = tpu.memref_slice %arg4[%dma_wait3A_354, %dma_wait3A_355] : memref<512x49152xf32, #tpu.memory_space<hbm>> -> memref<512x12288xf32, #tpu.memory_space<hbm>>
    %dma_wait3A_357 = arith.constant 0 : i32
    %dma_wait3A_358 = tpu.memref_slice %dma_wait3A_356[%add3A_353, %dma_wait3A_357] : memref<512x12288xf32, #tpu.memory_space<hbm>> -> memref<1x12288xf32, #tpu.memory_space<hbm>>
    %dma_wait3A_359 = arith.constant 0 : i32
    %dma_wait3A_360 = arith.constant 0 : i32
    %dma_wait3A_361 = tpu.memref_slice %arg4[%dma_wait3A_359, %dma_wait3A_360] : memref<512x49152xf32, #tpu.memory_space<hbm>> -> memref<512x12288xf32, #tpu.memory_space<hbm>>
    %dma_wait3A_362 = arith.constant 0 : i32
    %dma_wait3A_363 = tpu.memref_slice %dma_wait3A_361[%add3A_353, %dma_wait3A_362] : memref<512x12288xf32, #tpu.memory_space<hbm>> -> memref<1x12288xf32, #tpu.memory_space<hbm>>
    tpu.wait_dma2 semaphore(%arg17 : memref<!tpu.dma_semaphore, #tpu.memory_space<semaphore_mem>>) src(%arg9 : memref<1x12288xf32, #tpu.memory_space<vmem>>) dst(%dma_wait3A_363 : memref<1x12288xf32, #tpu.memory_space<hbm>>)
    %dma_start3A_364 = arith.constant 11 : i32
    %dma_start3A_365 = arith.constant 0 : i32
    %dma_start3A_366 = tpu.memref_slice %arg5[%dma_start3A_364, %dma_start3A_365] : memref<16x1xi32, #tpu.memory_space<vmem>> -> memref<1x1xi32, #tpu.memory_space<vmem>>
    %dma_start3A_367 = tpu.memref_squeeze %dma_start3A_366 : memref<1x1xi32, #tpu.memory_space<vmem>> -> memref<1xi32, #tpu.memory_space<vmem>>
    %dma_start3A_368 = arith.constant 0 : i32
    %dma_start3A_369 = arith.constant 0 : i32
    %dma_start3A_370 = tpu.memref_slice %arg2[%dma_start3A_368, %dma_start3A_369] : memref<128x12288xf32, #tpu.memory_space<hbm>> -> memref<128x12288xf32, #tpu.memory_space<hbm>>
    tpu.enqueue_indirect_dma source(%dma_start3A_370 : memref<128x12288xf32, #tpu.memory_space<hbm>>) target(%arg9 : memref<1x12288xf32, #tpu.memory_space<vmem>>) offsets(%dma_start3A_367 : memref<1xi32, #tpu.memory_space<vmem>>) semaphore(%arg13 : memref<!tpu.dma_semaphore, #tpu.memory_space<semaphore_mem>>)
    %dma_wait3A_371 = arith.constant 10 : i32
    %dma_wait3A_372 = arith.constant 0 : i32
    %dma_wait3A_373 = tpu.memref_slice %arg5[%dma_wait3A_371, %dma_wait3A_372] : memref<16x1xi32, #tpu.memory_space<vmem>> -> memref<1x1xi32, #tpu.memory_space<vmem>>
    %dma_wait3A_374 = tpu.memref_squeeze %dma_wait3A_373 : memref<1x1xi32, #tpu.memory_space<vmem>> -> memref<1xi32, #tpu.memory_space<vmem>>
    %dma_wait3A_375 = arith.constant 0 : i32
    %dma_wait3A_376 = arith.constant 0 : i32
    %dma_wait3A_377 = tpu.memref_slice %arg2[%dma_wait3A_375, %dma_wait3A_376] : memref<128x12288xf32, #tpu.memory_space<hbm>> -> memref<128x12288xf32, #tpu.memory_space<hbm>>
    tpu.wait_indirect_dma semaphore(%arg12 : memref<!tpu.dma_semaphore, #tpu.memory_space<semaphore_mem>>) src(%dma_wait3A_377 : memref<128x12288xf32, #tpu.memory_space<hbm>>) dst(%arg8 : memref<1x12288xf32, #tpu.memory_space<vmem>>)
    %add3A_378 = arith.constant 10 : i32
    %add3A_379 = arith.addi %mul3A_2, %add3A_378 : i32
    %dma_start3A_380 = arith.constant 0 : i32
    %dma_start3A_381 = arith.constant 0 : i32
    %dma_start3A_382 = tpu.memref_slice %arg4[%dma_start3A_380, %dma_start3A_381] : memref<512x49152xf32, #tpu.memory_space<hbm>> -> memref<512x12288xf32, #tpu.memory_space<hbm>>
    %dma_start3A_383 = arith.constant 0 : i32
    %dma_start3A_384 = tpu.memref_slice %dma_start3A_382[%add3A_379, %dma_start3A_383] : memref<512x12288xf32, #tpu.memory_space<hbm>> -> memref<1x12288xf32, #tpu.memory_space<hbm>>
    %dma_start3A_385 = arith.constant 0 : i32
    %dma_start3A_386 = arith.constant 0 : i32
    %dma_start3A_387 = tpu.memref_slice %arg4[%dma_start3A_385, %dma_start3A_386] : memref<512x49152xf32, #tpu.memory_space<hbm>> -> memref<512x12288xf32, #tpu.memory_space<hbm>>
    %dma_start3A_388 = arith.constant 0 : i32
    %dma_start3A_389 = tpu.memref_slice %dma_start3A_387[%add3A_379, %dma_start3A_388] : memref<512x12288xf32, #tpu.memory_space<hbm>> -> memref<1x12288xf32, #tpu.memory_space<hbm>>
    tpu.enqueue_dma source(%arg8 : memref<1x12288xf32, #tpu.memory_space<vmem>>) target(%dma_start3A_389 : memref<1x12288xf32, #tpu.memory_space<hbm>>) target_semaphore(%arg16 : memref<!tpu.dma_semaphore, #tpu.memory_space<semaphore_mem>>)
    %add3A_390 = arith.constant 8 : i32
    %add3A_391 = arith.addi %mul3A_2, %add3A_390 : i32
    %dma_wait3A_392 = arith.constant 0 : i32
    %dma_wait3A_393 = arith.constant 0 : i32
    %dma_wait3A_394 = tpu.memref_slice %arg4[%dma_wait3A_392, %dma_wait3A_393] : memref<512x49152xf32, #tpu.memory_space<hbm>> -> memref<512x12288xf32, #tpu.memory_space<hbm>>
    %dma_wait3A_395 = arith.constant 0 : i32
    %dma_wait3A_396 = tpu.memref_slice %dma_wait3A_394[%add3A_391, %dma_wait3A_395] : memref<512x12288xf32, #tpu.memory_space<hbm>> -> memref<1x12288xf32, #tpu.memory_space<hbm>>
    %dma_wait3A_397 = arith.constant 0 : i32
    %dma_wait3A_398 = arith.constant 0 : i32
    %dma_wait3A_399 = tpu.memref_slice %arg4[%dma_wait3A_397, %dma_wait3A_398] : memref<512x49152xf32, #tpu.memory_space<hbm>> -> memref<512x12288xf32, #tpu.memory_space<hbm>>
    %dma_wait3A_400 = arith.constant 0 : i32
    %dma_wait3A_401 = tpu.memref_slice %dma_wait3A_399[%add3A_391, %dma_wait3A_400] : memref<512x12288xf32, #tpu.memory_space<hbm>> -> memref<1x12288xf32, #tpu.memory_space<hbm>>
    tpu.wait_dma2 semaphore(%arg14 : memref<!tpu.dma_semaphore, #tpu.memory_space<semaphore_mem>>) src(%arg6 : memref<1x12288xf32, #tpu.memory_space<vmem>>) dst(%dma_wait3A_401 : memref<1x12288xf32, #tpu.memory_space<hbm>>)
    %dma_start3A_402 = arith.constant 12 : i32
    %dma_start3A_403 = arith.constant 0 : i32
    %dma_start3A_404 = tpu.memref_slice %arg5[%dma_start3A_402, %dma_start3A_403] : memref<16x1xi32, #tpu.memory_space<vmem>> -> memref<1x1xi32, #tpu.memory_space<vmem>>
    %dma_start3A_405 = tpu.memref_squeeze %dma_start3A_404 : memref<1x1xi32, #tpu.memory_space<vmem>> -> memref<1xi32, #tpu.memory_space<vmem>>
    %dma_start3A_406 = arith.constant 0 : i32
    %dma_start3A_407 = arith.constant 0 : i32
    %dma_start3A_408 = tpu.memref_slice %arg2[%dma_start3A_406, %dma_start3A_407] : memref<128x12288xf32, #tpu.memory_space<hbm>> -> memref<128x12288xf32, #tpu.memory_space<hbm>>
    tpu.enqueue_indirect_dma source(%dma_start3A_408 : memref<128x12288xf32, #tpu.memory_space<hbm>>) target(%arg6 : memref<1x12288xf32, #tpu.memory_space<vmem>>) offsets(%dma_start3A_405 : memref<1xi32, #tpu.memory_space<vmem>>) semaphore(%arg10 : memref<!tpu.dma_semaphore, #tpu.memory_space<semaphore_mem>>)
    %dma_wait3A_409 = arith.constant 11 : i32
    %dma_wait3A_410 = arith.constant 0 : i32
    %dma_wait3A_411 = tpu.memref_slice %arg5[%dma_wait3A_409, %dma_wait3A_410] : memref<16x1xi32, #tpu.memory_space<vmem>> -> memref<1x1xi32, #tpu.memory_space<vmem>>
    %dma_wait3A_412 = tpu.memref_squeeze %dma_wait3A_411 : memref<1x1xi32, #tpu.memory_space<vmem>> -> memref<1xi32, #tpu.memory_space<vmem>>
    %dma_wait3A_413 = arith.constant 0 : i32
    %dma_wait3A_414 = arith.constant 0 : i32
    %dma_wait3A_415 = tpu.memref_slice %arg2[%dma_wait3A_413, %dma_wait3A_414] : memref<128x12288xf32, #tpu.memory_space<hbm>> -> memref<128x12288xf32, #tpu.memory_space<hbm>>
    tpu.wait_indirect_dma semaphore(%arg13 : memref<!tpu.dma_semaphore, #tpu.memory_space<semaphore_mem>>) src(%dma_wait3A_415 : memref<128x12288xf32, #tpu.memory_space<hbm>>) dst(%arg9 : memref<1x12288xf32, #tpu.memory_space<vmem>>)
    %add3A_416 = arith.constant 11 : i32
    %add3A_417 = arith.addi %mul3A_2, %add3A_416 : i32
    %dma_start3A_418 = arith.constant 0 : i32
    %dma_start3A_419 = arith.constant 0 : i32
    %dma_start3A_420 = tpu.memref_slice %arg4[%dma_start3A_418, %dma_start3A_419] : memref<512x49152xf32, #tpu.memory_space<hbm>> -> memref<512x12288xf32, #tpu.memory_space<hbm>>
    %dma_start3A_421 = arith.constant 0 : i32
    %dma_start3A_422 = tpu.memref_slice %dma_start3A_420[%add3A_417, %dma_start3A_421] : memref<512x12288xf32, #tpu.memory_space<hbm>> -> memref<1x12288xf32, #tpu.memory_space<hbm>>
    %dma_start3A_423 = arith.constant 0 : i32
    %dma_start3A_424 = arith.constant 0 : i32
    %dma_start3A_425 = tpu.memref_slice %arg4[%dma_start3A_423, %dma_start3A_424] : memref<512x49152xf32, #tpu.memory_space<hbm>> -> memref<512x12288xf32, #tpu.memory_space<hbm>>
    %dma_start3A_426 = arith.constant 0 : i32
    %dma_start3A_427 = tpu.memref_slice %dma_start3A_425[%add3A_417, %dma_start3A_426] : memref<512x12288xf32, #tpu.memory_space<hbm>> -> memref<1x12288xf32, #tpu.memory_space<hbm>>
    tpu.enqueue_dma source(%arg9 : memref<1x12288xf32, #tpu.memory_space<vmem>>) target(%dma_start3A_427 : memref<1x12288xf32, #tpu.memory_space<hbm>>) target_semaphore(%arg17 : memref<!tpu.dma_semaphore, #tpu.memory_space<semaphore_mem>>)
    %add3A_428 = arith.constant 9 : i32
    %add3A_429 = arith.addi %mul3A_2, %add3A_428 : i32
    %dma_wait3A_430 = arith.constant 0 : i32
    %dma_wait3A_431 = arith.constant 0 : i32
    %dma_wait3A_432 = tpu.memref_slice %arg4[%dma_wait3A_430, %dma_wait3A_431] : memref<512x49152xf32, #tpu.memory_space<hbm>> -> memref<512x12288xf32, #tpu.memory_space<hbm>>
    %dma_wait3A_433 = arith.constant 0 : i32
    %dma_wait3A_434 = tpu.memref_slice %dma_wait3A_432[%add3A_429, %dma_wait3A_433] : memref<512x12288xf32, #tpu.memory_space<hbm>> -> memref<1x12288xf32, #tpu.memory_space<hbm>>
    %dma_wait3A_435 = arith.constant 0 : i32
    %dma_wait3A_436 = arith.constant 0 : i32
    %dma_wait3A_437 = tpu.memref_slice %arg4[%dma_wait3A_435, %dma_wait3A_436] : memref<512x49152xf32, #tpu.memory_space<hbm>> -> memref<512x12288xf32, #tpu.memory_space<hbm>>
    %dma_wait3A_438 = arith.constant 0 : i32
    %dma_wait3A_439 = tpu.memref_slice %dma_wait3A_437[%add3A_429, %dma_wait3A_438] : memref<512x12288xf32, #tpu.memory_space<hbm>> -> memref<1x12288xf32, #tpu.memory_space<hbm>>
    tpu.wait_dma2 semaphore(%arg15 : memref<!tpu.dma_semaphore, #tpu.memory_space<semaphore_mem>>) src(%arg7 : memref<1x12288xf32, #tpu.memory_space<vmem>>) dst(%dma_wait3A_439 : memref<1x12288xf32, #tpu.memory_space<hbm>>)
    %dma_start3A_440 = arith.constant 13 : i32
    %dma_start3A_441 = arith.constant 0 : i32
    %dma_start3A_442 = tpu.memref_slice %arg5[%dma_start3A_440, %dma_start3A_441] : memref<16x1xi32, #tpu.memory_space<vmem>> -> memref<1x1xi32, #tpu.memory_space<vmem>>
    %dma_start3A_443 = tpu.memref_squeeze %dma_start3A_442 : memref<1x1xi32, #tpu.memory_space<vmem>> -> memref<1xi32, #tpu.memory_space<vmem>>
    %dma_start3A_444 = arith.constant 0 : i32
    %dma_start3A_445 = arith.constant 0 : i32
    %dma_start3A_446 = tpu.memref_slice %arg2[%dma_start3A_444, %dma_start3A_445] : memref<128x12288xf32, #tpu.memory_space<hbm>> -> memref<128x12288xf32, #tpu.memory_space<hbm>>
    tpu.enqueue_indirect_dma source(%dma_start3A_446 : memref<128x12288xf32, #tpu.memory_space<hbm>>) target(%arg7 : memref<1x12288xf32, #tpu.memory_space<vmem>>) offsets(%dma_start3A_443 : memref<1xi32, #tpu.memory_space<vmem>>) semaphore(%arg11 : memref<!tpu.dma_semaphore, #tpu.memory_space<semaphore_mem>>)
    %dma_wait3A_447 = arith.constant 12 : i32
    %dma_wait3A_448 = arith.constant 0 : i32
    %dma_wait3A_449 = tpu.memref_slice %arg5[%dma_wait3A_447, %dma_wait3A_448] : memref<16x1xi32, #tpu.memory_space<vmem>> -> memref<1x1xi32, #tpu.memory_space<vmem>>
    %dma_wait3A_450 = tpu.memref_squeeze %dma_wait3A_449 : memref<1x1xi32, #tpu.memory_space<vmem>> -> memref<1xi32, #tpu.memory_space<vmem>>
    %dma_wait3A_451 = arith.constant 0 : i32
    %dma_wait3A_452 = arith.constant 0 : i32
    %dma_wait3A_453 = tpu.memref_slice %arg2[%dma_wait3A_451, %dma_wait3A_452] : memref<128x12288xf32, #tpu.memory_space<hbm>> -> memref<128x12288xf32, #tpu.memory_space<hbm>>
    tpu.wait_indirect_dma semaphore(%arg10 : memref<!tpu.dma_semaphore, #tpu.memory_space<semaphore_mem>>) src(%dma_wait3A_453 : memref<128x12288xf32, #tpu.memory_space<hbm>>) dst(%arg6 : memref<1x12288xf32, #tpu.memory_space<vmem>>)
    %add3A_454 = arith.constant 12 : i32
    %add3A_455 = arith.addi %mul3A_2, %add3A_454 : i32
    %dma_start3A_456 = arith.constant 0 : i32
    %dma_start3A_457 = arith.constant 0 : i32
    %dma_start3A_458 = tpu.memref_slice %arg4[%dma_start3A_456, %dma_start3A_457] : memref<512x49152xf32, #tpu.memory_space<hbm>> -> memref<512x12288xf32, #tpu.memory_space<hbm>>
    %dma_start3A_459 = arith.constant 0 : i32
    %dma_start3A_460 = tpu.memref_slice %dma_start3A_458[%add3A_455, %dma_start3A_459] : memref<512x12288xf32, #tpu.memory_space<hbm>> -> memref<1x12288xf32, #tpu.memory_space<hbm>>
    %dma_start3A_461 = arith.constant 0 : i32
    %dma_start3A_462 = arith.constant 0 : i32
    %dma_start3A_463 = tpu.memref_slice %arg4[%dma_start3A_461, %dma_start3A_462] : memref<512x49152xf32, #tpu.memory_space<hbm>> -> memref<512x12288xf32, #tpu.memory_space<hbm>>
    %dma_start3A_464 = arith.constant 0 : i32
    %dma_start3A_465 = tpu.memref_slice %dma_start3A_463[%add3A_455, %dma_start3A_464] : memref<512x12288xf32, #tpu.memory_space<hbm>> -> memref<1x12288xf32, #tpu.memory_space<hbm>>
    tpu.enqueue_dma source(%arg6 : memref<1x12288xf32, #tpu.memory_space<vmem>>) target(%dma_start3A_465 : memref<1x12288xf32, #tpu.memory_space<hbm>>) target_semaphore(%arg14 : memref<!tpu.dma_semaphore, #tpu.memory_space<semaphore_mem>>)
    %add3A_466 = arith.constant 10 : i32
    %add3A_467 = arith.addi %mul3A_2, %add3A_466 : i32
    %dma_wait3A_468 = arith.constant 0 : i32
    %dma_wait3A_469 = arith.constant 0 : i32
    %dma_wait3A_470 = tpu.memref_slice %arg4[%dma_wait3A_468, %dma_wait3A_469] : memref<512x49152xf32, #tpu.memory_space<hbm>> -> memref<512x12288xf32, #tpu.memory_space<hbm>>
    %dma_wait3A_471 = arith.constant 0 : i32
    %dma_wait3A_472 = tpu.memref_slice %dma_wait3A_470[%add3A_467, %dma_wait3A_471] : memref<512x12288xf32, #tpu.memory_space<hbm>> -> memref<1x12288xf32, #tpu.memory_space<hbm>>
    %dma_wait3A_473 = arith.constant 0 : i32
    %dma_wait3A_474 = arith.constant 0 : i32
    %dma_wait3A_475 = tpu.memref_slice %arg4[%dma_wait3A_473, %dma_wait3A_474] : memref<512x49152xf32, #tpu.memory_space<hbm>> -> memref<512x12288xf32, #tpu.memory_space<hbm>>
    %dma_wait3A_476 = arith.constant 0 : i32
    %dma_wait3A_477 = tpu.memref_slice %dma_wait3A_475[%add3A_467, %dma_wait3A_476] : memref<512x12288xf32, #tpu.memory_space<hbm>> -> memref<1x12288xf32, #tpu.memory_space<hbm>>
    tpu.wait_dma2 semaphore(%arg16 : memref<!tpu.dma_semaphore, #tpu.memory_space<semaphore_mem>>) src(%arg8 : memref<1x12288xf32, #tpu.memory_space<vmem>>) dst(%dma_wait3A_477 : memref<1x12288xf32, #tpu.memory_space<hbm>>)
    %dma_start3A_478 = arith.constant 14 : i32
    %dma_start3A_479 = arith.constant 0 : i32
    %dma_start3A_480 = tpu.memref_slice %arg5[%dma_start3A_478, %dma_start3A_479] : memref<16x1xi32, #tpu.memory_space<vmem>> -> memref<1x1xi32, #tpu.memory_space<vmem>>
    %dma_start3A_481 = tpu.memref_squeeze %dma_start3A_480 : memref<1x1xi32, #tpu.memory_space<vmem>> -> memref<1xi32, #tpu.memory_space<vmem>>
    %dma_start3A_482 = arith.constant 0 : i32
    %dma_start3A_483 = arith.constant 0 : i32
    %dma_start3A_484 = tpu.memref_slice %arg2[%dma_start3A_482, %dma_start3A_483] : memref<128x12288xf32, #tpu.memory_space<hbm>> -> memref<128x12288xf32, #tpu.memory_space<hbm>>
    tpu.enqueue_indirect_dma source(%dma_start3A_484 : memref<128x12288xf32, #tpu.memory_space<hbm>>) target(%arg8 : memref<1x12288xf32, #tpu.memory_space<vmem>>) offsets(%dma_start3A_481 : memref<1xi32, #tpu.memory_space<vmem>>) semaphore(%arg12 : memref<!tpu.dma_semaphore, #tpu.memory_space<semaphore_mem>>)
    %dma_wait3A_485 = arith.constant 13 : i32
    %dma_wait3A_486 = arith.constant 0 : i32
    %dma_wait3A_487 = tpu.memref_slice %arg5[%dma_wait3A_485, %dma_wait3A_486] : memref<16x1xi32, #tpu.memory_space<vmem>> -> memref<1x1xi32, #tpu.memory_space<vmem>>
    %dma_wait3A_488 = tpu.memref_squeeze %dma_wait3A_487 : memref<1x1xi32, #tpu.memory_space<vmem>> -> memref<1xi32, #tpu.memory_space<vmem>>
    %dma_wait3A_489 = arith.constant 0 : i32
    %dma_wait3A_490 = arith.constant 0 : i32
    %dma_wait3A_491 = tpu.memref_slice %arg2[%dma_wait3A_489, %dma_wait3A_490] : memref<128x12288xf32, #tpu.memory_space<hbm>> -> memref<128x12288xf32, #tpu.memory_space<hbm>>
    tpu.wait_indirect_dma semaphore(%arg11 : memref<!tpu.dma_semaphore, #tpu.memory_space<semaphore_mem>>) src(%dma_wait3A_491 : memref<128x12288xf32, #tpu.memory_space<hbm>>) dst(%arg7 : memref<1x12288xf32, #tpu.memory_space<vmem>>)
    %add3A_492 = arith.constant 13 : i32
    %add3A_493 = arith.addi %mul3A_2, %add3A_492 : i32
    %dma_start3A_494 = arith.constant 0 : i32
    %dma_start3A_495 = arith.constant 0 : i32
    %dma_start3A_496 = tpu.memref_slice %arg4[%dma_start3A_494, %dma_start3A_495] : memref<512x49152xf32, #tpu.memory_space<hbm>> -> memref<512x12288xf32, #tpu.memory_space<hbm>>
    %dma_start3A_497 = arith.constant 0 : i32
    %dma_start3A_498 = tpu.memref_slice %dma_start3A_496[%add3A_493, %dma_start3A_497] : memref<512x12288xf32, #tpu.memory_space<hbm>> -> memref<1x12288xf32, #tpu.memory_space<hbm>>
    %dma_start3A_499 = arith.constant 0 : i32
    %dma_start3A_500 = arith.constant 0 : i32
    %dma_start3A_501 = tpu.memref_slice %arg4[%dma_start3A_499, %dma_start3A_500] : memref<512x49152xf32, #tpu.memory_space<hbm>> -> memref<512x12288xf32, #tpu.memory_space<hbm>>
    %dma_start3A_502 = arith.constant 0 : i32
    %dma_start3A_503 = tpu.memref_slice %dma_start3A_501[%add3A_493, %dma_start3A_502] : memref<512x12288xf32, #tpu.memory_space<hbm>> -> memref<1x12288xf32, #tpu.memory_space<hbm>>
    tpu.enqueue_dma source(%arg7 : memref<1x12288xf32, #tpu.memory_space<vmem>>) target(%dma_start3A_503 : memref<1x12288xf32, #tpu.memory_space<hbm>>) target_semaphore(%arg15 : memref<!tpu.dma_semaphore, #tpu.memory_space<semaphore_mem>>)
    %add3A_504 = arith.constant 11 : i32
    %add3A_505 = arith.addi %mul3A_2, %add3A_504 : i32
    %dma_wait3A_506 = arith.constant 0 : i32
    %dma_wait3A_507 = arith.constant 0 : i32
    %dma_wait3A_508 = tpu.memref_slice %arg4[%dma_wait3A_506, %dma_wait3A_507] : memref<512x49152xf32, #tpu.memory_space<hbm>> -> memref<512x12288xf32, #tpu.memory_space<hbm>>
    %dma_wait3A_509 = arith.constant 0 : i32
    %dma_wait3A_510 = tpu.memref_slice %dma_wait3A_508[%add3A_505, %dma_wait3A_509] : memref<512x12288xf32, #tpu.memory_space<hbm>> -> memref<1x12288xf32, #tpu.memory_space<hbm>>
    %dma_wait3A_511 = arith.constant 0 : i32
    %dma_wait3A_512 = arith.constant 0 : i32
    %dma_wait3A_513 = tpu.memref_slice %arg4[%dma_wait3A_511, %dma_wait3A_512] : memref<512x49152xf32, #tpu.memory_space<hbm>> -> memref<512x12288xf32, #tpu.memory_space<hbm>>
    %dma_wait3A_514 = arith.constant 0 : i32
    %dma_wait3A_515 = tpu.memref_slice %dma_wait3A_513[%add3A_505, %dma_wait3A_514] : memref<512x12288xf32, #tpu.memory_space<hbm>> -> memref<1x12288xf32, #tpu.memory_space<hbm>>
    tpu.wait_dma2 semaphore(%arg17 : memref<!tpu.dma_semaphore, #tpu.memory_space<semaphore_mem>>) src(%arg9 : memref<1x12288xf32, #tpu.memory_space<vmem>>) dst(%dma_wait3A_515 : memref<1x12288xf32, #tpu.memory_space<hbm>>)
    %dma_start3A_516 = arith.constant 15 : i32
    %dma_start3A_517 = arith.constant 0 : i32
    %dma_start3A_518 = tpu.memref_slice %arg5[%dma_start3A_516, %dma_start3A_517] : memref<16x1xi32, #tpu.memory_space<vmem>> -> memref<1x1xi32, #tpu.memory_space<vmem>>
    %dma_start3A_519 = tpu.memref_squeeze %dma_start3A_518 : memref<1x1xi32, #tpu.memory_space<vmem>> -> memref<1xi32, #tpu.memory_space<vmem>>
    %dma_start3A_520 = arith.constant 0 : i32
    %dma_start3A_521 = arith.constant 0 : i32
    %dma_start3A_522 = tpu.memref_slice %arg2[%dma_start3A_520, %dma_start3A_521] : memref<128x12288xf32, #tpu.memory_space<hbm>> -> memref<128x12288xf32, #tpu.memory_space<hbm>>
    tpu.enqueue_indirect_dma source(%dma_start3A_522 : memref<128x12288xf32, #tpu.memory_space<hbm>>) target(%arg9 : memref<1x12288xf32, #tpu.memory_space<vmem>>) offsets(%dma_start3A_519 : memref<1xi32, #tpu.memory_space<vmem>>) semaphore(%arg13 : memref<!tpu.dma_semaphore, #tpu.memory_space<semaphore_mem>>)
    %dma_wait3A_523 = arith.constant 14 : i32
    %dma_wait3A_524 = arith.constant 0 : i32
    %dma_wait3A_525 = tpu.memref_slice %arg5[%dma_wait3A_523, %dma_wait3A_524] : memref<16x1xi32, #tpu.memory_space<vmem>> -> memref<1x1xi32, #tpu.memory_space<vmem>>
    %dma_wait3A_526 = tpu.memref_squeeze %dma_wait3A_525 : memref<1x1xi32, #tpu.memory_space<vmem>> -> memref<1xi32, #tpu.memory_space<vmem>>
    %dma_wait3A_527 = arith.constant 0 : i32
    %dma_wait3A_528 = arith.constant 0 : i32
    %dma_wait3A_529 = tpu.memref_slice %arg2[%dma_wait3A_527, %dma_wait3A_528] : memref<128x12288xf32, #tpu.memory_space<hbm>> -> memref<128x12288xf32, #tpu.memory_space<hbm>>
    tpu.wait_indirect_dma semaphore(%arg12 : memref<!tpu.dma_semaphore, #tpu.memory_space<semaphore_mem>>) src(%dma_wait3A_529 : memref<128x12288xf32, #tpu.memory_space<hbm>>) dst(%arg8 : memref<1x12288xf32, #tpu.memory_space<vmem>>)
    %add3A_530 = arith.constant 14 : i32
    %add3A_531 = arith.addi %mul3A_2, %add3A_530 : i32
    %dma_start3A_532 = arith.constant 0 : i32
    %dma_start3A_533 = arith.constant 0 : i32
    %dma_start3A_534 = tpu.memref_slice %arg4[%dma_start3A_532, %dma_start3A_533] : memref<512x49152xf32, #tpu.memory_space<hbm>> -> memref<512x12288xf32, #tpu.memory_space<hbm>>
    %dma_start3A_535 = arith.constant 0 : i32
    %dma_start3A_536 = tpu.memref_slice %dma_start3A_534[%add3A_531, %dma_start3A_535] : memref<512x12288xf32, #tpu.memory_space<hbm>> -> memref<1x12288xf32, #tpu.memory_space<hbm>>
    %dma_start3A_537 = arith.constant 0 : i32
    %dma_start3A_538 = arith.constant 0 : i32
    %dma_start3A_539 = tpu.memref_slice %arg4[%dma_start3A_537, %dma_start3A_538] : memref<512x49152xf32, #tpu.memory_space<hbm>> -> memref<512x12288xf32, #tpu.memory_space<hbm>>
    %dma_start3A_540 = arith.constant 0 : i32
    %dma_start3A_541 = tpu.memref_slice %dma_start3A_539[%add3A_531, %dma_start3A_540] : memref<512x12288xf32, #tpu.memory_space<hbm>> -> memref<1x12288xf32, #tpu.memory_space<hbm>>
    tpu.enqueue_dma source(%arg8 : memref<1x12288xf32, #tpu.memory_space<vmem>>) target(%dma_start3A_541 : memref<1x12288xf32, #tpu.memory_space<hbm>>) target_semaphore(%arg16 : memref<!tpu.dma_semaphore, #tpu.memory_space<semaphore_mem>>)
    %dma_wait3A_542 = arith.constant 15 : i32
    %dma_wait3A_543 = arith.constant 0 : i32
    %dma_wait3A_544 = tpu.memref_slice %arg5[%dma_wait3A_542, %dma_wait3A_543] : memref<16x1xi32, #tpu.memory_space<vmem>> -> memref<1x1xi32, #tpu.memory_space<vmem>>
    %dma_wait3A_545 = tpu.memref_squeeze %dma_wait3A_544 : memref<1x1xi32, #tpu.memory_space<vmem>> -> memref<1xi32, #tpu.memory_space<vmem>>
    %dma_wait3A_546 = arith.constant 0 : i32
    %dma_wait3A_547 = arith.constant 0 : i32
    %dma_wait3A_548 = tpu.memref_slice %arg2[%dma_wait3A_546, %dma_wait3A_547] : memref<128x12288xf32, #tpu.memory_space<hbm>> -> memref<128x12288xf32, #tpu.memory_space<hbm>>
    tpu.wait_indirect_dma semaphore(%arg13 : memref<!tpu.dma_semaphore, #tpu.memory_space<semaphore_mem>>) src(%dma_wait3A_548 : memref<128x12288xf32, #tpu.memory_space<hbm>>) dst(%arg9 : memref<1x12288xf32, #tpu.memory_space<vmem>>)
    %add3A_549 = arith.constant 15 : i32
    %add3A_550 = arith.addi %mul3A_2, %add3A_549 : i32
    %dma_start3A_551 = arith.constant 0 : i32
    %dma_start3A_552 = arith.constant 0 : i32
    %dma_start3A_553 = tpu.memref_slice %arg4[%dma_start3A_551, %dma_start3A_552] : memref<512x49152xf32, #tpu.memory_space<hbm>> -> memref<512x12288xf32, #tpu.memory_space<hbm>>
    %dma_start3A_554 = arith.constant 0 : i32
    %dma_start3A_555 = tpu.memref_slice %dma_start3A_553[%add3A_550, %dma_start3A_554] : memref<512x12288xf32, #tpu.memory_space<hbm>> -> memref<1x12288xf32, #tpu.memory_space<hbm>>
    %dma_start3A_556 = arith.constant 0 : i32
    %dma_start3A_557 = arith.constant 0 : i32
    %dma_start3A_558 = tpu.memref_slice %arg4[%dma_start3A_556, %dma_start3A_557] : memref<512x49152xf32, #tpu.memory_space<hbm>> -> memref<512x12288xf32, #tpu.memory_space<hbm>>
    %dma_start3A_559 = arith.constant 0 : i32
    %dma_start3A_560 = tpu.memref_slice %dma_start3A_558[%add3A_550, %dma_start3A_559] : memref<512x12288xf32, #tpu.memory_space<hbm>> -> memref<1x12288xf32, #tpu.memory_space<hbm>>
    tpu.enqueue_dma source(%arg9 : memref<1x12288xf32, #tpu.memory_space<vmem>>) target(%dma_start3A_560 : memref<1x12288xf32, #tpu.memory_space<hbm>>) target_semaphore(%arg17 : memref<!tpu.dma_semaphore, #tpu.memory_space<semaphore_mem>>)
    %add3A_561 = arith.constant 14 : i32
    %add3A_562 = arith.addi %mul3A_2, %add3A_561 : i32
    %dma_wait3A_563 = arith.constant 0 : i32
    %dma_wait3A_564 = arith.constant 0 : i32
    %dma_wait3A_565 = tpu.memref_slice %arg4[%dma_wait3A_563, %dma_wait3A_564] : memref<512x49152xf32, #tpu.memory_space<hbm>> -> memref<512x12288xf32, #tpu.memory_space<hbm>>
    %dma_wait3A_566 = arith.constant 0 : i32
    %dma_wait3A_567 = tpu.memref_slice %dma_wait3A_565[%add3A_562, %dma_wait3A_566] : memref<512x12288xf32, #tpu.memory_space<hbm>> -> memref<1x12288xf32, #tpu.memory_space<hbm>>
    %dma_wait3A_568 = arith.constant 0 : i32
    %dma_wait3A_569 = arith.constant 0 : i32
    %dma_wait3A_570 = tpu.memref_slice %arg4[%dma_wait3A_568, %dma_wait3A_569] : memref<512x49152xf32, #tpu.memory_space<hbm>> -> memref<512x12288xf32, #tpu.memory_space<hbm>>
    %dma_wait3A_571 = arith.constant 0 : i32
    %dma_wait3A_572 = tpu.memref_slice %dma_wait3A_570[%add3A_562, %dma_wait3A_571] : memref<512x12288xf32, #tpu.memory_space<hbm>> -> memref<1x12288xf32, #tpu.memory_space<hbm>>
    tpu.wait_dma2 semaphore(%arg16 : memref<!tpu.dma_semaphore, #tpu.memory_space<semaphore_mem>>) src(%arg8 : memref<1x12288xf32, #tpu.memory_space<vmem>>) dst(%dma_wait3A_572 : memref<1x12288xf32, #tpu.memory_space<hbm>>)
    %add3A_573 = arith.constant 15 : i32
    %add3A_574 = arith.addi %mul3A_2, %add3A_573 : i32
    %dma_wait3A_575 = arith.constant 0 : i32
    %dma_wait3A_576 = arith.constant 0 : i32
    %dma_wait3A_577 = tpu.memref_slice %arg4[%dma_wait3A_575, %dma_wait3A_576] : memref<512x49152xf32, #tpu.memory_space<hbm>> -> memref<512x12288xf32, #tpu.memory_space<hbm>>
    %dma_wait3A_578 = arith.constant 0 : i32
    %dma_wait3A_579 = tpu.memref_slice %dma_wait3A_577[%add3A_574, %dma_wait3A_578] : memref<512x12288xf32, #tpu.memory_space<hbm>> -> memref<1x12288xf32, #tpu.memory_space<hbm>>
    %dma_wait3A_580 = arith.constant 0 : i32
    %dma_wait3A_581 = arith.constant 0 : i32
    %dma_wait3A_582 = tpu.memref_slice %arg4[%dma_wait3A_580, %dma_wait3A_581] : memref<512x49152xf32, #tpu.memory_space<hbm>> -> memref<512x12288xf32, #tpu.memory_space<hbm>>
    %dma_wait3A_583 = arith.constant 0 : i32
    %dma_wait3A_584 = tpu.memref_slice %dma_wait3A_582[%add3A_574, %dma_wait3A_583] : memref<512x12288xf32, #tpu.memory_space<hbm>> -> memref<1x12288xf32, #tpu.memory_space<hbm>>
    tpu.wait_dma2 semaphore(%arg17 : memref<!tpu.dma_semaphore, #tpu.memory_space<semaphore_mem>>) src(%arg9 : memref<1x12288xf32, #tpu.memory_space<vmem>>) dst(%dma_wait3A_584 : memref<1x12288xf32, #tpu.memory_space<hbm>>)
    return
  }
}

#map = affine_map<(d0, d1) -> (0, 0)>
module attributes {stable_mosaic.version = 14 : i64} {
  func.func @new_body(%arg0: i32, %arg1: i32, %arg2: memref<128x12288xf32, #tpu.memory_space<hbm>>, %arg3: memref<512x1xi32, #tpu.memory_space<hbm>>, %arg4: memref<512x49152xf32, #tpu.memory_space<hbm>>, %arg5: memref<512x49152xf32, #tpu.memory_space<hbm>>, %arg6: memref<16x1xi32, #tpu.memory_space<vmem>>, %arg7: memref<1x12288xf32, #tpu.memory_space<vmem>>, %arg8: memref<1x12288xf32, #tpu.memory_space<vmem>>, %arg9: memref<1x12288xf32, #tpu.memory_space<vmem>>, %arg10: memref<1x12288xf32, #tpu.memory_space<vmem>>, %arg11: memref<!tpu.dma_semaphore, #tpu.memory_space<semaphore_mem>>, %arg12: memref<!tpu.dma_semaphore, #tpu.memory_space<semaphore_mem>>, %arg13: memref<!tpu.dma_semaphore, #tpu.memory_space<semaphore_mem>>, %arg14: memref<!tpu.dma_semaphore, #tpu.memory_space<semaphore_mem>>, %arg15: memref<!tpu.dma_semaphore, #tpu.memory_space<semaphore_mem>>, %arg16: memref<!tpu.dma_semaphore, #tpu.memory_space<semaphore_mem>>, %arg17: memref<!tpu.dma_semaphore, #tpu.memory_space<semaphore_mem>>, %arg18: memref<!tpu.dma_semaphore, #tpu.memory_space<semaphore_mem>>) attributes {dimension_semantics = [#tpu.dimension_semantics<core_parallel>, #tpu.dimension_semantics<subcore_parallel>], iteration_bounds = array<i64: 2, 16>, scalar_prefetch = 0 : i64, scratch_operands = 13 : i64, tpu.core_type = #tpu.core_type<sc_vector_subcore>, window_params = [{transform_indices = #map}, {transform_indices = #map}, {transform_indices = #map}, {transform_indices = #map}]} {
    %mul3A = arith.constant 2 : i32
    %mul3A_0 = arith.muli %arg1, %mul3A : i32
    %add3A = arith.addi %mul3A_0, %arg0 : i32
    %mul3A_1 = arith.constant 16 : i32
    %mul3A_2 = arith.muli %add3A, %mul3A_1 : i32
    "tpu.region"() ({
      %run_scoped3A = tpu.sem_alloc : memref<!tpu.dma_semaphore, #tpu.memory_space<semaphore_mem>>
      %dma_start3A_585 = arith.constant 0 : i32
      %dma_start3A_586 = tpu.memref_slice %arg3[%mul3A_2, %dma_start3A_585] : memref<512x1xi32, #tpu.memory_space<hbm>> -> memref<16x1xi32, #tpu.memory_space<hbm>>
      %dma_start3A_587 = arith.constant 0 : i32
      %dma_start3A_588 = tpu.memref_slice %arg3[%mul3A_2, %dma_start3A_587] : memref<512x1xi32, #tpu.memory_space<hbm>> -> memref<16x1xi32, #tpu.memory_space<hbm>>
      tpu.enqueue_dma source(%dma_start3A_588 : memref<16x1xi32, #tpu.memory_space<hbm>>) target(%arg6 : memref<16x1xi32, #tpu.memory_space<vmem>>) target_semaphore(%run_scoped3A : memref<!tpu.dma_semaphore, #tpu.memory_space<semaphore_mem>>)
      %dma_wait3A_589 = arith.constant 0 : i32
      %dma_wait3A_590 = tpu.memref_slice %arg3[%mul3A_2, %dma_wait3A_589] : memref<512x1xi32, #tpu.memory_space<hbm>> -> memref<16x1xi32, #tpu.memory_space<hbm>>
      %dma_wait3A_591 = arith.constant 0 : i32
      %dma_wait3A_592 = tpu.memref_slice %arg3[%mul3A_2, %dma_wait3A_591] : memref<512x1xi32, #tpu.memory_space<hbm>> -> memref<16x1xi32, #tpu.memory_space<hbm>>
      tpu.wait_dma2 semaphore(%run_scoped3A : memref<!tpu.dma_semaphore, #tpu.memory_space<semaphore_mem>>) src(%dma_wait3A_592 : memref<16x1xi32, #tpu.memory_space<hbm>>) dst(%arg6 : memref<16x1xi32, #tpu.memory_space<vmem>>)
      tpu.yield
    }) : () -> ()
    %dma_start3A = arith.constant 0 : i32
    %dma_start3A_3 = arith.constant 0 : i32
    %dma_start3A_4 = tpu.memref_slice %arg6[%dma_start3A, %dma_start3A_3] : memref<16x1xi32, #tpu.memory_space<vmem>> -> memref<1x1xi32, #tpu.memory_space<vmem>>
    %dma_start3A_5 = tpu.memref_squeeze %dma_start3A_4 : memref<1x1xi32, #tpu.memory_space<vmem>> -> memref<1xi32, #tpu.memory_space<vmem>>
    %dma_start3A_6 = arith.constant 0 : i32
    %dma_start3A_7 = arith.constant 0 : i32
    %dma_start3A_8 = tpu.memref_slice %arg2[%dma_start3A_6, %dma_start3A_7] : memref<128x12288xf32, #tpu.memory_space<hbm>> -> memref<128x12288xf32, #tpu.memory_space<hbm>>
    tpu.enqueue_indirect_dma source(%dma_start3A_8 : memref<128x12288xf32, #tpu.memory_space<hbm>>) target(%arg7 : memref<1x12288xf32, #tpu.memory_space<vmem>>) offsets(%dma_start3A_5 : memref<1xi32, #tpu.memory_space<vmem>>) semaphore(%arg11 : memref<!tpu.dma_semaphore, #tpu.memory_space<semaphore_mem>>)
    %dma_start3A_9 = arith.constant 1 : i32
    %dma_start3A_10 = arith.constant 0 : i32
    %dma_start3A_11 = tpu.memref_slice %arg6[%dma_start3A_9, %dma_start3A_10] : memref<16x1xi32, #tpu.memory_space<vmem>> -> memref<1x1xi32, #tpu.memory_space<vmem>>
    %dma_start3A_12 = tpu.memref_squeeze %dma_start3A_11 : memref<1x1xi32, #tpu.memory_space<vmem>> -> memref<1xi32, #tpu.memory_space<vmem>>
    %dma_start3A_13 = arith.constant 0 : i32
    %dma_start3A_14 = arith.constant 0 : i32
    %dma_start3A_15 = tpu.memref_slice %arg2[%dma_start3A_13, %dma_start3A_14] : memref<128x12288xf32, #tpu.memory_space<hbm>> -> memref<128x12288xf32, #tpu.memory_space<hbm>>
    tpu.enqueue_indirect_dma source(%dma_start3A_15 : memref<128x12288xf32, #tpu.memory_space<hbm>>) target(%arg8 : memref<1x12288xf32, #tpu.memory_space<vmem>>) offsets(%dma_start3A_12 : memref<1xi32, #tpu.memory_space<vmem>>) semaphore(%arg12 : memref<!tpu.dma_semaphore, #tpu.memory_space<semaphore_mem>>)
    %dma_wait3A = arith.constant 0 : i32
    %dma_wait3A_16 = arith.constant 0 : i32
    %dma_wait3A_17 = tpu.memref_slice %arg6[%dma_wait3A, %dma_wait3A_16] : memref<16x1xi32, #tpu.memory_space<vmem>> -> memref<1x1xi32, #tpu.memory_space<vmem>>
    %dma_wait3A_18 = tpu.memref_squeeze %dma_wait3A_17 : memref<1x1xi32, #tpu.memory_space<vmem>> -> memref<1xi32, #tpu.memory_space<vmem>>
    %dma_wait3A_19 = arith.constant 0 : i32
    %dma_wait3A_20 = arith.constant 0 : i32
    %dma_wait3A_21 = tpu.memref_slice %arg2[%dma_wait3A_19, %dma_wait3A_20] : memref<128x12288xf32, #tpu.memory_space<hbm>> -> memref<128x12288xf32, #tpu.memory_space<hbm>>
    tpu.wait_indirect_dma semaphore(%arg11 : memref<!tpu.dma_semaphore, #tpu.memory_space<semaphore_mem>>) src(%dma_wait3A_21 : memref<128x12288xf32, #tpu.memory_space<hbm>>) dst(%arg7 : memref<1x12288xf32, #tpu.memory_space<vmem>>)
    %add3A_22 = arith.constant 0 : i32
    %add3A_23 = arith.addi %mul3A_2, %add3A_22 : i32
    %dma_start3A_24 = arith.constant 0 : i32
    %dma_start3A_25 = arith.constant 12288 : i32
    %dma_start3A_26 = tpu.memref_slice %arg4[%dma_start3A_24, %dma_start3A_25] : memref<512x49152xf32, #tpu.memory_space<hbm>> -> memref<512x12288xf32, #tpu.memory_space<hbm>>
    %dma_start3A_27 = arith.constant 0 : i32
    %dma_start3A_28 = tpu.memref_slice %dma_start3A_26[%add3A_23, %dma_start3A_27] : memref<512x12288xf32, #tpu.memory_space<hbm>> -> memref<1x12288xf32, #tpu.memory_space<hbm>>
    %dma_start3A_29 = arith.constant 0 : i32
    %dma_start3A_30 = arith.constant 12288 : i32
    %dma_start3A_31 = tpu.memref_slice %arg4[%dma_start3A_29, %dma_start3A_30] : memref<512x49152xf32, #tpu.memory_space<hbm>> -> memref<512x12288xf32, #tpu.memory_space<hbm>>
    %dma_start3A_32 = arith.constant 0 : i32
    %dma_start3A_33 = tpu.memref_slice %dma_start3A_31[%add3A_23, %dma_start3A_32] : memref<512x12288xf32, #tpu.memory_space<hbm>> -> memref<1x12288xf32, #tpu.memory_space<hbm>>
    tpu.enqueue_dma source(%arg7 : memref<1x12288xf32, #tpu.memory_space<vmem>>) target(%dma_start3A_33 : memref<1x12288xf32, #tpu.memory_space<hbm>>) target_semaphore(%arg15 : memref<!tpu.dma_semaphore, #tpu.memory_space<semaphore_mem>>)
    %dma_start3A_34 = arith.constant 2 : i32
    %dma_start3A_35 = arith.constant 0 : i32
    %dma_start3A_36 = tpu.memref_slice %arg6[%dma_start3A_34, %dma_start3A_35] : memref<16x1xi32, #tpu.memory_space<vmem>> -> memref<1x1xi32, #tpu.memory_space<vmem>>
    %dma_start3A_37 = tpu.memref_squeeze %dma_start3A_36 : memref<1x1xi32, #tpu.memory_space<vmem>> -> memref<1xi32, #tpu.memory_space<vmem>>
    %dma_start3A_38 = arith.constant 0 : i32
    %dma_start3A_39 = arith.constant 0 : i32
    %dma_start3A_40 = tpu.memref_slice %arg2[%dma_start3A_38, %dma_start3A_39] : memref<128x12288xf32, #tpu.memory_space<hbm>> -> memref<128x12288xf32, #tpu.memory_space<hbm>>
    tpu.enqueue_indirect_dma source(%dma_start3A_40 : memref<128x12288xf32, #tpu.memory_space<hbm>>) target(%arg9 : memref<1x12288xf32, #tpu.memory_space<vmem>>) offsets(%dma_start3A_37 : memref<1xi32, #tpu.memory_space<vmem>>) semaphore(%arg13 : memref<!tpu.dma_semaphore, #tpu.memory_space<semaphore_mem>>)
    %dma_wait3A_41 = arith.constant 1 : i32
    %dma_wait3A_42 = arith.constant 0 : i32
    %dma_wait3A_43 = tpu.memref_slice %arg6[%dma_wait3A_41, %dma_wait3A_42] : memref<16x1xi32, #tpu.memory_space<vmem>> -> memref<1x1xi32, #tpu.memory_space<vmem>>
    %dma_wait3A_44 = tpu.memref_squeeze %dma_wait3A_43 : memref<1x1xi32, #tpu.memory_space<vmem>> -> memref<1xi32, #tpu.memory_space<vmem>>
    %dma_wait3A_45 = arith.constant 0 : i32
    %dma_wait3A_46 = arith.constant 0 : i32
    %dma_wait3A_47 = tpu.memref_slice %arg2[%dma_wait3A_45, %dma_wait3A_46] : memref<128x12288xf32, #tpu.memory_space<hbm>> -> memref<128x12288xf32, #tpu.memory_space<hbm>>
    tpu.wait_indirect_dma semaphore(%arg12 : memref<!tpu.dma_semaphore, #tpu.memory_space<semaphore_mem>>) src(%dma_wait3A_47 : memref<128x12288xf32, #tpu.memory_space<hbm>>) dst(%arg8 : memref<1x12288xf32, #tpu.memory_space<vmem>>)
    %add3A_48 = arith.constant 1 : i32
    %add3A_49 = arith.addi %mul3A_2, %add3A_48 : i32
    %dma_start3A_50 = arith.constant 0 : i32
    %dma_start3A_51 = arith.constant 12288 : i32
    %dma_start3A_52 = tpu.memref_slice %arg4[%dma_start3A_50, %dma_start3A_51] : memref<512x49152xf32, #tpu.memory_space<hbm>> -> memref<512x12288xf32, #tpu.memory_space<hbm>>
    %dma_start3A_53 = arith.constant 0 : i32
    %dma_start3A_54 = tpu.memref_slice %dma_start3A_52[%add3A_49, %dma_start3A_53] : memref<512x12288xf32, #tpu.memory_space<hbm>> -> memref<1x12288xf32, #tpu.memory_space<hbm>>
    %dma_start3A_55 = arith.constant 0 : i32
    %dma_start3A_56 = arith.constant 12288 : i32
    %dma_start3A_57 = tpu.memref_slice %arg4[%dma_start3A_55, %dma_start3A_56] : memref<512x49152xf32, #tpu.memory_space<hbm>> -> memref<512x12288xf32, #tpu.memory_space<hbm>>
    %dma_start3A_58 = arith.constant 0 : i32
    %dma_start3A_59 = tpu.memref_slice %dma_start3A_57[%add3A_49, %dma_start3A_58] : memref<512x12288xf32, #tpu.memory_space<hbm>> -> memref<1x12288xf32, #tpu.memory_space<hbm>>
    tpu.enqueue_dma source(%arg8 : memref<1x12288xf32, #tpu.memory_space<vmem>>) target(%dma_start3A_59 : memref<1x12288xf32, #tpu.memory_space<hbm>>) target_semaphore(%arg16 : memref<!tpu.dma_semaphore, #tpu.memory_space<semaphore_mem>>)
    %dma_start3A_60 = arith.constant 3 : i32
    %dma_start3A_61 = arith.constant 0 : i32
    %dma_start3A_62 = tpu.memref_slice %arg6[%dma_start3A_60, %dma_start3A_61] : memref<16x1xi32, #tpu.memory_space<vmem>> -> memref<1x1xi32, #tpu.memory_space<vmem>>
    %dma_start3A_63 = tpu.memref_squeeze %dma_start3A_62 : memref<1x1xi32, #tpu.memory_space<vmem>> -> memref<1xi32, #tpu.memory_space<vmem>>
    %dma_start3A_64 = arith.constant 0 : i32
    %dma_start3A_65 = arith.constant 0 : i32
    %dma_start3A_66 = tpu.memref_slice %arg2[%dma_start3A_64, %dma_start3A_65] : memref<128x12288xf32, #tpu.memory_space<hbm>> -> memref<128x12288xf32, #tpu.memory_space<hbm>>
    tpu.enqueue_indirect_dma source(%dma_start3A_66 : memref<128x12288xf32, #tpu.memory_space<hbm>>) target(%arg10 : memref<1x12288xf32, #tpu.memory_space<vmem>>) offsets(%dma_start3A_63 : memref<1xi32, #tpu.memory_space<vmem>>) semaphore(%arg14 : memref<!tpu.dma_semaphore, #tpu.memory_space<semaphore_mem>>)
    %dma_wait3A_67 = arith.constant 2 : i32
    %dma_wait3A_68 = arith.constant 0 : i32
    %dma_wait3A_69 = tpu.memref_slice %arg6[%dma_wait3A_67, %dma_wait3A_68] : memref<16x1xi32, #tpu.memory_space<vmem>> -> memref<1x1xi32, #tpu.memory_space<vmem>>
    %dma_wait3A_70 = tpu.memref_squeeze %dma_wait3A_69 : memref<1x1xi32, #tpu.memory_space<vmem>> -> memref<1xi32, #tpu.memory_space<vmem>>
    %dma_wait3A_71 = arith.constant 0 : i32
    %dma_wait3A_72 = arith.constant 0 : i32
    %dma_wait3A_73 = tpu.memref_slice %arg2[%dma_wait3A_71, %dma_wait3A_72] : memref<128x12288xf32, #tpu.memory_space<hbm>> -> memref<128x12288xf32, #tpu.memory_space<hbm>>
    tpu.wait_indirect_dma semaphore(%arg13 : memref<!tpu.dma_semaphore, #tpu.memory_space<semaphore_mem>>) src(%dma_wait3A_73 : memref<128x12288xf32, #tpu.memory_space<hbm>>) dst(%arg9 : memref<1x12288xf32, #tpu.memory_space<vmem>>)
    %add3A_74 = arith.constant 2 : i32
    %add3A_75 = arith.addi %mul3A_2, %add3A_74 : i32
    %dma_start3A_76 = arith.constant 0 : i32
    %dma_start3A_77 = arith.constant 12288 : i32
    %dma_start3A_78 = tpu.memref_slice %arg4[%dma_start3A_76, %dma_start3A_77] : memref<512x49152xf32, #tpu.memory_space<hbm>> -> memref<512x12288xf32, #tpu.memory_space<hbm>>
    %dma_start3A_79 = arith.constant 0 : i32
    %dma_start3A_80 = tpu.memref_slice %dma_start3A_78[%add3A_75, %dma_start3A_79] : memref<512x12288xf32, #tpu.memory_space<hbm>> -> memref<1x12288xf32, #tpu.memory_space<hbm>>
    %dma_start3A_81 = arith.constant 0 : i32
    %dma_start3A_82 = arith.constant 12288 : i32
    %dma_start3A_83 = tpu.memref_slice %arg4[%dma_start3A_81, %dma_start3A_82] : memref<512x49152xf32, #tpu.memory_space<hbm>> -> memref<512x12288xf32, #tpu.memory_space<hbm>>
    %dma_start3A_84 = arith.constant 0 : i32
    %dma_start3A_85 = tpu.memref_slice %dma_start3A_83[%add3A_75, %dma_start3A_84] : memref<512x12288xf32, #tpu.memory_space<hbm>> -> memref<1x12288xf32, #tpu.memory_space<hbm>>
    tpu.enqueue_dma source(%arg9 : memref<1x12288xf32, #tpu.memory_space<vmem>>) target(%dma_start3A_85 : memref<1x12288xf32, #tpu.memory_space<hbm>>) target_semaphore(%arg17 : memref<!tpu.dma_semaphore, #tpu.memory_space<semaphore_mem>>)
    %add3A_86 = arith.constant 0 : i32
    %add3A_87 = arith.addi %mul3A_2, %add3A_86 : i32
    %dma_wait3A_88 = arith.constant 0 : i32
    %dma_wait3A_89 = arith.constant 12288 : i32
    %dma_wait3A_90 = tpu.memref_slice %arg4[%dma_wait3A_88, %dma_wait3A_89] : memref<512x49152xf32, #tpu.memory_space<hbm>> -> memref<512x12288xf32, #tpu.memory_space<hbm>>
    %dma_wait3A_91 = arith.constant 0 : i32
    %dma_wait3A_92 = tpu.memref_slice %dma_wait3A_90[%add3A_87, %dma_wait3A_91] : memref<512x12288xf32, #tpu.memory_space<hbm>> -> memref<1x12288xf32, #tpu.memory_space<hbm>>
    %dma_wait3A_93 = arith.constant 0 : i32
    %dma_wait3A_94 = arith.constant 12288 : i32
    %dma_wait3A_95 = tpu.memref_slice %arg4[%dma_wait3A_93, %dma_wait3A_94] : memref<512x49152xf32, #tpu.memory_space<hbm>> -> memref<512x12288xf32, #tpu.memory_space<hbm>>
    %dma_wait3A_96 = arith.constant 0 : i32
    %dma_wait3A_97 = tpu.memref_slice %dma_wait3A_95[%add3A_87, %dma_wait3A_96] : memref<512x12288xf32, #tpu.memory_space<hbm>> -> memref<1x12288xf32, #tpu.memory_space<hbm>>
    tpu.wait_dma2 semaphore(%arg15 : memref<!tpu.dma_semaphore, #tpu.memory_space<semaphore_mem>>) src(%arg7 : memref<1x12288xf32, #tpu.memory_space<vmem>>) dst(%dma_wait3A_97 : memref<1x12288xf32, #tpu.memory_space<hbm>>)
    %dma_start3A_98 = arith.constant 4 : i32
    %dma_start3A_99 = arith.constant 0 : i32
    %dma_start3A_100 = tpu.memref_slice %arg6[%dma_start3A_98, %dma_start3A_99] : memref<16x1xi32, #tpu.memory_space<vmem>> -> memref<1x1xi32, #tpu.memory_space<vmem>>
    %dma_start3A_101 = tpu.memref_squeeze %dma_start3A_100 : memref<1x1xi32, #tpu.memory_space<vmem>> -> memref<1xi32, #tpu.memory_space<vmem>>
    %dma_start3A_102 = arith.constant 0 : i32
    %dma_start3A_103 = arith.constant 0 : i32
    %dma_start3A_104 = tpu.memref_slice %arg2[%dma_start3A_102, %dma_start3A_103] : memref<128x12288xf32, #tpu.memory_space<hbm>> -> memref<128x12288xf32, #tpu.memory_space<hbm>>
    tpu.enqueue_indirect_dma source(%dma_start3A_104 : memref<128x12288xf32, #tpu.memory_space<hbm>>) target(%arg7 : memref<1x12288xf32, #tpu.memory_space<vmem>>) offsets(%dma_start3A_101 : memref<1xi32, #tpu.memory_space<vmem>>) semaphore(%arg11 : memref<!tpu.dma_semaphore, #tpu.memory_space<semaphore_mem>>)
    %dma_wait3A_105 = arith.constant 3 : i32
    %dma_wait3A_106 = arith.constant 0 : i32
    %dma_wait3A_107 = tpu.memref_slice %arg6[%dma_wait3A_105, %dma_wait3A_106] : memref<16x1xi32, #tpu.memory_space<vmem>> -> memref<1x1xi32, #tpu.memory_space<vmem>>
    %dma_wait3A_108 = tpu.memref_squeeze %dma_wait3A_107 : memref<1x1xi32, #tpu.memory_space<vmem>> -> memref<1xi32, #tpu.memory_space<vmem>>
    %dma_wait3A_109 = arith.constant 0 : i32
    %dma_wait3A_110 = arith.constant 0 : i32
    %dma_wait3A_111 = tpu.memref_slice %arg2[%dma_wait3A_109, %dma_wait3A_110] : memref<128x12288xf32, #tpu.memory_space<hbm>> -> memref<128x12288xf32, #tpu.memory_space<hbm>>
    tpu.wait_indirect_dma semaphore(%arg14 : memref<!tpu.dma_semaphore, #tpu.memory_space<semaphore_mem>>) src(%dma_wait3A_111 : memref<128x12288xf32, #tpu.memory_space<hbm>>) dst(%arg10 : memref<1x12288xf32, #tpu.memory_space<vmem>>)
    %add3A_112 = arith.constant 3 : i32
    %add3A_113 = arith.addi %mul3A_2, %add3A_112 : i32
    %dma_start3A_114 = arith.constant 0 : i32
    %dma_start3A_115 = arith.constant 12288 : i32
    %dma_start3A_116 = tpu.memref_slice %arg4[%dma_start3A_114, %dma_start3A_115] : memref<512x49152xf32, #tpu.memory_space<hbm>> -> memref<512x12288xf32, #tpu.memory_space<hbm>>
    %dma_start3A_117 = arith.constant 0 : i32
    %dma_start3A_118 = tpu.memref_slice %dma_start3A_116[%add3A_113, %dma_start3A_117] : memref<512x12288xf32, #tpu.memory_space<hbm>> -> memref<1x12288xf32, #tpu.memory_space<hbm>>
    %dma_start3A_119 = arith.constant 0 : i32
    %dma_start3A_120 = arith.constant 12288 : i32
    %dma_start3A_121 = tpu.memref_slice %arg4[%dma_start3A_119, %dma_start3A_120] : memref<512x49152xf32, #tpu.memory_space<hbm>> -> memref<512x12288xf32, #tpu.memory_space<hbm>>
    %dma_start3A_122 = arith.constant 0 : i32
    %dma_start3A_123 = tpu.memref_slice %dma_start3A_121[%add3A_113, %dma_start3A_122] : memref<512x12288xf32, #tpu.memory_space<hbm>> -> memref<1x12288xf32, #tpu.memory_space<hbm>>
    tpu.enqueue_dma source(%arg10 : memref<1x12288xf32, #tpu.memory_space<vmem>>) target(%dma_start3A_123 : memref<1x12288xf32, #tpu.memory_space<hbm>>) target_semaphore(%arg18 : memref<!tpu.dma_semaphore, #tpu.memory_space<semaphore_mem>>)
    %add3A_124 = arith.constant 1 : i32
    %add3A_125 = arith.addi %mul3A_2, %add3A_124 : i32
    %dma_wait3A_126 = arith.constant 0 : i32
    %dma_wait3A_127 = arith.constant 12288 : i32
    %dma_wait3A_128 = tpu.memref_slice %arg4[%dma_wait3A_126, %dma_wait3A_127] : memref<512x49152xf32, #tpu.memory_space<hbm>> -> memref<512x12288xf32, #tpu.memory_space<hbm>>
    %dma_wait3A_129 = arith.constant 0 : i32
    %dma_wait3A_130 = tpu.memref_slice %dma_wait3A_128[%add3A_125, %dma_wait3A_129] : memref<512x12288xf32, #tpu.memory_space<hbm>> -> memref<1x12288xf32, #tpu.memory_space<hbm>>
    %dma_wait3A_131 = arith.constant 0 : i32
    %dma_wait3A_132 = arith.constant 12288 : i32
    %dma_wait3A_133 = tpu.memref_slice %arg4[%dma_wait3A_131, %dma_wait3A_132] : memref<512x49152xf32, #tpu.memory_space<hbm>> -> memref<512x12288xf32, #tpu.memory_space<hbm>>
    %dma_wait3A_134 = arith.constant 0 : i32
    %dma_wait3A_135 = tpu.memref_slice %dma_wait3A_133[%add3A_125, %dma_wait3A_134] : memref<512x12288xf32, #tpu.memory_space<hbm>> -> memref<1x12288xf32, #tpu.memory_space<hbm>>
    tpu.wait_dma2 semaphore(%arg16 : memref<!tpu.dma_semaphore, #tpu.memory_space<semaphore_mem>>) src(%arg8 : memref<1x12288xf32, #tpu.memory_space<vmem>>) dst(%dma_wait3A_135 : memref<1x12288xf32, #tpu.memory_space<hbm>>)
    %dma_start3A_136 = arith.constant 5 : i32
    %dma_start3A_137 = arith.constant 0 : i32
    %dma_start3A_138 = tpu.memref_slice %arg6[%dma_start3A_136, %dma_start3A_137] : memref<16x1xi32, #tpu.memory_space<vmem>> -> memref<1x1xi32, #tpu.memory_space<vmem>>
    %dma_start3A_139 = tpu.memref_squeeze %dma_start3A_138 : memref<1x1xi32, #tpu.memory_space<vmem>> -> memref<1xi32, #tpu.memory_space<vmem>>
    %dma_start3A_140 = arith.constant 0 : i32
    %dma_start3A_141 = arith.constant 0 : i32
    %dma_start3A_142 = tpu.memref_slice %arg2[%dma_start3A_140, %dma_start3A_141] : memref<128x12288xf32, #tpu.memory_space<hbm>> -> memref<128x12288xf32, #tpu.memory_space<hbm>>
    tpu.enqueue_indirect_dma source(%dma_start3A_142 : memref<128x12288xf32, #tpu.memory_space<hbm>>) target(%arg8 : memref<1x12288xf32, #tpu.memory_space<vmem>>) offsets(%dma_start3A_139 : memref<1xi32, #tpu.memory_space<vmem>>) semaphore(%arg12 : memref<!tpu.dma_semaphore, #tpu.memory_space<semaphore_mem>>)
    %dma_wait3A_143 = arith.constant 4 : i32
    %dma_wait3A_144 = arith.constant 0 : i32
    %dma_wait3A_145 = tpu.memref_slice %arg6[%dma_wait3A_143, %dma_wait3A_144] : memref<16x1xi32, #tpu.memory_space<vmem>> -> memref<1x1xi32, #tpu.memory_space<vmem>>
    %dma_wait3A_146 = tpu.memref_squeeze %dma_wait3A_145 : memref<1x1xi32, #tpu.memory_space<vmem>> -> memref<1xi32, #tpu.memory_space<vmem>>
    %dma_wait3A_147 = arith.constant 0 : i32
    %dma_wait3A_148 = arith.constant 0 : i32
    %dma_wait3A_149 = tpu.memref_slice %arg2[%dma_wait3A_147, %dma_wait3A_148] : memref<128x12288xf32, #tpu.memory_space<hbm>> -> memref<128x12288xf32, #tpu.memory_space<hbm>>
    tpu.wait_indirect_dma semaphore(%arg11 : memref<!tpu.dma_semaphore, #tpu.memory_space<semaphore_mem>>) src(%dma_wait3A_149 : memref<128x12288xf32, #tpu.memory_space<hbm>>) dst(%arg7 : memref<1x12288xf32, #tpu.memory_space<vmem>>)
    %add3A_150 = arith.constant 4 : i32
    %add3A_151 = arith.addi %mul3A_2, %add3A_150 : i32
    %dma_start3A_152 = arith.constant 0 : i32
    %dma_start3A_153 = arith.constant 12288 : i32
    %dma_start3A_154 = tpu.memref_slice %arg4[%dma_start3A_152, %dma_start3A_153] : memref<512x49152xf32, #tpu.memory_space<hbm>> -> memref<512x12288xf32, #tpu.memory_space<hbm>>
    %dma_start3A_155 = arith.constant 0 : i32
    %dma_start3A_156 = tpu.memref_slice %dma_start3A_154[%add3A_151, %dma_start3A_155] : memref<512x12288xf32, #tpu.memory_space<hbm>> -> memref<1x12288xf32, #tpu.memory_space<hbm>>
    %dma_start3A_157 = arith.constant 0 : i32
    %dma_start3A_158 = arith.constant 12288 : i32
    %dma_start3A_159 = tpu.memref_slice %arg4[%dma_start3A_157, %dma_start3A_158] : memref<512x49152xf32, #tpu.memory_space<hbm>> -> memref<512x12288xf32, #tpu.memory_space<hbm>>
    %dma_start3A_160 = arith.constant 0 : i32
    %dma_start3A_161 = tpu.memref_slice %dma_start3A_159[%add3A_151, %dma_start3A_160] : memref<512x12288xf32, #tpu.memory_space<hbm>> -> memref<1x12288xf32, #tpu.memory_space<hbm>>
    tpu.enqueue_dma source(%arg7 : memref<1x12288xf32, #tpu.memory_space<vmem>>) target(%dma_start3A_161 : memref<1x12288xf32, #tpu.memory_space<hbm>>) target_semaphore(%arg15 : memref<!tpu.dma_semaphore, #tpu.memory_space<semaphore_mem>>)
    %add3A_162 = arith.constant 2 : i32
    %add3A_163 = arith.addi %mul3A_2, %add3A_162 : i32
    %dma_wait3A_164 = arith.constant 0 : i32
    %dma_wait3A_165 = arith.constant 12288 : i32
    %dma_wait3A_166 = tpu.memref_slice %arg4[%dma_wait3A_164, %dma_wait3A_165] : memref<512x49152xf32, #tpu.memory_space<hbm>> -> memref<512x12288xf32, #tpu.memory_space<hbm>>
    %dma_wait3A_167 = arith.constant 0 : i32
    %dma_wait3A_168 = tpu.memref_slice %dma_wait3A_166[%add3A_163, %dma_wait3A_167] : memref<512x12288xf32, #tpu.memory_space<hbm>> -> memref<1x12288xf32, #tpu.memory_space<hbm>>
    %dma_wait3A_169 = arith.constant 0 : i32
    %dma_wait3A_170 = arith.constant 12288 : i32
    %dma_wait3A_171 = tpu.memref_slice %arg4[%dma_wait3A_169, %dma_wait3A_170] : memref<512x49152xf32, #tpu.memory_space<hbm>> -> memref<512x12288xf32, #tpu.memory_space<hbm>>
    %dma_wait3A_172 = arith.constant 0 : i32
    %dma_wait3A_173 = tpu.memref_slice %dma_wait3A_171[%add3A_163, %dma_wait3A_172] : memref<512x12288xf32, #tpu.memory_space<hbm>> -> memref<1x12288xf32, #tpu.memory_space<hbm>>
    tpu.wait_dma2 semaphore(%arg17 : memref<!tpu.dma_semaphore, #tpu.memory_space<semaphore_mem>>) src(%arg9 : memref<1x12288xf32, #tpu.memory_space<vmem>>) dst(%dma_wait3A_173 : memref<1x12288xf32, #tpu.memory_space<hbm>>)
    %dma_start3A_174 = arith.constant 6 : i32
    %dma_start3A_175 = arith.constant 0 : i32
    %dma_start3A_176 = tpu.memref_slice %arg6[%dma_start3A_174, %dma_start3A_175] : memref<16x1xi32, #tpu.memory_space<vmem>> -> memref<1x1xi32, #tpu.memory_space<vmem>>
    %dma_start3A_177 = tpu.memref_squeeze %dma_start3A_176 : memref<1x1xi32, #tpu.memory_space<vmem>> -> memref<1xi32, #tpu.memory_space<vmem>>
    %dma_start3A_178 = arith.constant 0 : i32
    %dma_start3A_179 = arith.constant 0 : i32
    %dma_start3A_180 = tpu.memref_slice %arg2[%dma_start3A_178, %dma_start3A_179] : memref<128x12288xf32, #tpu.memory_space<hbm>> -> memref<128x12288xf32, #tpu.memory_space<hbm>>
    tpu.enqueue_indirect_dma source(%dma_start3A_180 : memref<128x12288xf32, #tpu.memory_space<hbm>>) target(%arg9 : memref<1x12288xf32, #tpu.memory_space<vmem>>) offsets(%dma_start3A_177 : memref<1xi32, #tpu.memory_space<vmem>>) semaphore(%arg13 : memref<!tpu.dma_semaphore, #tpu.memory_space<semaphore_mem>>)
    %dma_wait3A_181 = arith.constant 5 : i32
    %dma_wait3A_182 = arith.constant 0 : i32
    %dma_wait3A_183 = tpu.memref_slice %arg6[%dma_wait3A_181, %dma_wait3A_182] : memref<16x1xi32, #tpu.memory_space<vmem>> -> memref<1x1xi32, #tpu.memory_space<vmem>>
    %dma_wait3A_184 = tpu.memref_squeeze %dma_wait3A_183 : memref<1x1xi32, #tpu.memory_space<vmem>> -> memref<1xi32, #tpu.memory_space<vmem>>
    %dma_wait3A_185 = arith.constant 0 : i32
    %dma_wait3A_186 = arith.constant 0 : i32
    %dma_wait3A_187 = tpu.memref_slice %arg2[%dma_wait3A_185, %dma_wait3A_186] : memref<128x12288xf32, #tpu.memory_space<hbm>> -> memref<128x12288xf32, #tpu.memory_space<hbm>>
    tpu.wait_indirect_dma semaphore(%arg12 : memref<!tpu.dma_semaphore, #tpu.memory_space<semaphore_mem>>) src(%dma_wait3A_187 : memref<128x12288xf32, #tpu.memory_space<hbm>>) dst(%arg8 : memref<1x12288xf32, #tpu.memory_space<vmem>>)
    %add3A_188 = arith.constant 5 : i32
    %add3A_189 = arith.addi %mul3A_2, %add3A_188 : i32
    %dma_start3A_190 = arith.constant 0 : i32
    %dma_start3A_191 = arith.constant 12288 : i32
    %dma_start3A_192 = tpu.memref_slice %arg4[%dma_start3A_190, %dma_start3A_191] : memref<512x49152xf32, #tpu.memory_space<hbm>> -> memref<512x12288xf32, #tpu.memory_space<hbm>>
    %dma_start3A_193 = arith.constant 0 : i32
    %dma_start3A_194 = tpu.memref_slice %dma_start3A_192[%add3A_189, %dma_start3A_193] : memref<512x12288xf32, #tpu.memory_space<hbm>> -> memref<1x12288xf32, #tpu.memory_space<hbm>>
    %dma_start3A_195 = arith.constant 0 : i32
    %dma_start3A_196 = arith.constant 12288 : i32
    %dma_start3A_197 = tpu.memref_slice %arg4[%dma_start3A_195, %dma_start3A_196] : memref<512x49152xf32, #tpu.memory_space<hbm>> -> memref<512x12288xf32, #tpu.memory_space<hbm>>
    %dma_start3A_198 = arith.constant 0 : i32
    %dma_start3A_199 = tpu.memref_slice %dma_start3A_197[%add3A_189, %dma_start3A_198] : memref<512x12288xf32, #tpu.memory_space<hbm>> -> memref<1x12288xf32, #tpu.memory_space<hbm>>
    tpu.enqueue_dma source(%arg8 : memref<1x12288xf32, #tpu.memory_space<vmem>>) target(%dma_start3A_199 : memref<1x12288xf32, #tpu.memory_space<hbm>>) target_semaphore(%arg16 : memref<!tpu.dma_semaphore, #tpu.memory_space<semaphore_mem>>)
    %add3A_200 = arith.constant 3 : i32
    %add3A_201 = arith.addi %mul3A_2, %add3A_200 : i32
    %dma_wait3A_202 = arith.constant 0 : i32
    %dma_wait3A_203 = arith.constant 12288 : i32
    %dma_wait3A_204 = tpu.memref_slice %arg4[%dma_wait3A_202, %dma_wait3A_203] : memref<512x49152xf32, #tpu.memory_space<hbm>> -> memref<512x12288xf32, #tpu.memory_space<hbm>>
    %dma_wait3A_205 = arith.constant 0 : i32
    %dma_wait3A_206 = tpu.memref_slice %dma_wait3A_204[%add3A_201, %dma_wait3A_205] : memref<512x12288xf32, #tpu.memory_space<hbm>> -> memref<1x12288xf32, #tpu.memory_space<hbm>>
    %dma_wait3A_207 = arith.constant 0 : i32
    %dma_wait3A_208 = arith.constant 12288 : i32
    %dma_wait3A_209 = tpu.memref_slice %arg4[%dma_wait3A_207, %dma_wait3A_208] : memref<512x49152xf32, #tpu.memory_space<hbm>> -> memref<512x12288xf32, #tpu.memory_space<hbm>>
    %dma_wait3A_210 = arith.constant 0 : i32
    %dma_wait3A_211 = tpu.memref_slice %dma_wait3A_209[%add3A_201, %dma_wait3A_210] : memref<512x12288xf32, #tpu.memory_space<hbm>> -> memref<1x12288xf32, #tpu.memory_space<hbm>>
    tpu.wait_dma2 semaphore(%arg18 : memref<!tpu.dma_semaphore, #tpu.memory_space<semaphore_mem>>) src(%arg10 : memref<1x12288xf32, #tpu.memory_space<vmem>>) dst(%dma_wait3A_211 : memref<1x12288xf32, #tpu.memory_space<hbm>>)
    %dma_start3A_212 = arith.constant 7 : i32
    %dma_start3A_213 = arith.constant 0 : i32
    %dma_start3A_214 = tpu.memref_slice %arg6[%dma_start3A_212, %dma_start3A_213] : memref<16x1xi32, #tpu.memory_space<vmem>> -> memref<1x1xi32, #tpu.memory_space<vmem>>
    %dma_start3A_215 = tpu.memref_squeeze %dma_start3A_214 : memref<1x1xi32, #tpu.memory_space<vmem>> -> memref<1xi32, #tpu.memory_space<vmem>>
    %dma_start3A_216 = arith.constant 0 : i32
    %dma_start3A_217 = arith.constant 0 : i32
    %dma_start3A_218 = tpu.memref_slice %arg2[%dma_start3A_216, %dma_start3A_217] : memref<128x12288xf32, #tpu.memory_space<hbm>> -> memref<128x12288xf32, #tpu.memory_space<hbm>>
    tpu.enqueue_indirect_dma source(%dma_start3A_218 : memref<128x12288xf32, #tpu.memory_space<hbm>>) target(%arg10 : memref<1x12288xf32, #tpu.memory_space<vmem>>) offsets(%dma_start3A_215 : memref<1xi32, #tpu.memory_space<vmem>>) semaphore(%arg14 : memref<!tpu.dma_semaphore, #tpu.memory_space<semaphore_mem>>)
    %dma_wait3A_219 = arith.constant 6 : i32
    %dma_wait3A_220 = arith.constant 0 : i32
    %dma_wait3A_221 = tpu.memref_slice %arg6[%dma_wait3A_219, %dma_wait3A_220] : memref<16x1xi32, #tpu.memory_space<vmem>> -> memref<1x1xi32, #tpu.memory_space<vmem>>
    %dma_wait3A_222 = tpu.memref_squeeze %dma_wait3A_221 : memref<1x1xi32, #tpu.memory_space<vmem>> -> memref<1xi32, #tpu.memory_space<vmem>>
    %dma_wait3A_223 = arith.constant 0 : i32
    %dma_wait3A_224 = arith.constant 0 : i32
    %dma_wait3A_225 = tpu.memref_slice %arg2[%dma_wait3A_223, %dma_wait3A_224] : memref<128x12288xf32, #tpu.memory_space<hbm>> -> memref<128x12288xf32, #tpu.memory_space<hbm>>
    tpu.wait_indirect_dma semaphore(%arg13 : memref<!tpu.dma_semaphore, #tpu.memory_space<semaphore_mem>>) src(%dma_wait3A_225 : memref<128x12288xf32, #tpu.memory_space<hbm>>) dst(%arg9 : memref<1x12288xf32, #tpu.memory_space<vmem>>)
    %add3A_226 = arith.constant 6 : i32
    %add3A_227 = arith.addi %mul3A_2, %add3A_226 : i32
    %dma_start3A_228 = arith.constant 0 : i32
    %dma_start3A_229 = arith.constant 12288 : i32
    %dma_start3A_230 = tpu.memref_slice %arg4[%dma_start3A_228, %dma_start3A_229] : memref<512x49152xf32, #tpu.memory_space<hbm>> -> memref<512x12288xf32, #tpu.memory_space<hbm>>
    %dma_start3A_231 = arith.constant 0 : i32
    %dma_start3A_232 = tpu.memref_slice %dma_start3A_230[%add3A_227, %dma_start3A_231] : memref<512x12288xf32, #tpu.memory_space<hbm>> -> memref<1x12288xf32, #tpu.memory_space<hbm>>
    %dma_start3A_233 = arith.constant 0 : i32
    %dma_start3A_234 = arith.constant 12288 : i32
    %dma_start3A_235 = tpu.memref_slice %arg4[%dma_start3A_233, %dma_start3A_234] : memref<512x49152xf32, #tpu.memory_space<hbm>> -> memref<512x12288xf32, #tpu.memory_space<hbm>>
    %dma_start3A_236 = arith.constant 0 : i32
    %dma_start3A_237 = tpu.memref_slice %dma_start3A_235[%add3A_227, %dma_start3A_236] : memref<512x12288xf32, #tpu.memory_space<hbm>> -> memref<1x12288xf32, #tpu.memory_space<hbm>>
    tpu.enqueue_dma source(%arg9 : memref<1x12288xf32, #tpu.memory_space<vmem>>) target(%dma_start3A_237 : memref<1x12288xf32, #tpu.memory_space<hbm>>) target_semaphore(%arg17 : memref<!tpu.dma_semaphore, #tpu.memory_space<semaphore_mem>>)
    %add3A_238 = arith.constant 4 : i32
    %add3A_239 = arith.addi %mul3A_2, %add3A_238 : i32
    %dma_wait3A_240 = arith.constant 0 : i32
    %dma_wait3A_241 = arith.constant 12288 : i32
    %dma_wait3A_242 = tpu.memref_slice %arg4[%dma_wait3A_240, %dma_wait3A_241] : memref<512x49152xf32, #tpu.memory_space<hbm>> -> memref<512x12288xf32, #tpu.memory_space<hbm>>
    %dma_wait3A_243 = arith.constant 0 : i32
    %dma_wait3A_244 = tpu.memref_slice %dma_wait3A_242[%add3A_239, %dma_wait3A_243] : memref<512x12288xf32, #tpu.memory_space<hbm>> -> memref<1x12288xf32, #tpu.memory_space<hbm>>
    %dma_wait3A_245 = arith.constant 0 : i32
    %dma_wait3A_246 = arith.constant 12288 : i32
    %dma_wait3A_247 = tpu.memref_slice %arg4[%dma_wait3A_245, %dma_wait3A_246] : memref<512x49152xf32, #tpu.memory_space<hbm>> -> memref<512x12288xf32, #tpu.memory_space<hbm>>
    %dma_wait3A_248 = arith.constant 0 : i32
    %dma_wait3A_249 = tpu.memref_slice %dma_wait3A_247[%add3A_239, %dma_wait3A_248] : memref<512x12288xf32, #tpu.memory_space<hbm>> -> memref<1x12288xf32, #tpu.memory_space<hbm>>
    tpu.wait_dma2 semaphore(%arg15 : memref<!tpu.dma_semaphore, #tpu.memory_space<semaphore_mem>>) src(%arg7 : memref<1x12288xf32, #tpu.memory_space<vmem>>) dst(%dma_wait3A_249 : memref<1x12288xf32, #tpu.memory_space<hbm>>)
    %dma_start3A_250 = arith.constant 8 : i32
    %dma_start3A_251 = arith.constant 0 : i32
    %dma_start3A_252 = tpu.memref_slice %arg6[%dma_start3A_250, %dma_start3A_251] : memref<16x1xi32, #tpu.memory_space<vmem>> -> memref<1x1xi32, #tpu.memory_space<vmem>>
    %dma_start3A_253 = tpu.memref_squeeze %dma_start3A_252 : memref<1x1xi32, #tpu.memory_space<vmem>> -> memref<1xi32, #tpu.memory_space<vmem>>
    %dma_start3A_254 = arith.constant 0 : i32
    %dma_start3A_255 = arith.constant 0 : i32
    %dma_start3A_256 = tpu.memref_slice %arg2[%dma_start3A_254, %dma_start3A_255] : memref<128x12288xf32, #tpu.memory_space<hbm>> -> memref<128x12288xf32, #tpu.memory_space<hbm>>
    tpu.enqueue_indirect_dma source(%dma_start3A_256 : memref<128x12288xf32, #tpu.memory_space<hbm>>) target(%arg7 : memref<1x12288xf32, #tpu.memory_space<vmem>>) offsets(%dma_start3A_253 : memref<1xi32, #tpu.memory_space<vmem>>) semaphore(%arg11 : memref<!tpu.dma_semaphore, #tpu.memory_space<semaphore_mem>>)
    %dma_wait3A_257 = arith.constant 7 : i32
    %dma_wait3A_258 = arith.constant 0 : i32
    %dma_wait3A_259 = tpu.memref_slice %arg6[%dma_wait3A_257, %dma_wait3A_258] : memref<16x1xi32, #tpu.memory_space<vmem>> -> memref<1x1xi32, #tpu.memory_space<vmem>>
    %dma_wait3A_260 = tpu.memref_squeeze %dma_wait3A_259 : memref<1x1xi32, #tpu.memory_space<vmem>> -> memref<1xi32, #tpu.memory_space<vmem>>
    %dma_wait3A_261 = arith.constant 0 : i32
    %dma_wait3A_262 = arith.constant 0 : i32
    %dma_wait3A_263 = tpu.memref_slice %arg2[%dma_wait3A_261, %dma_wait3A_262] : memref<128x12288xf32, #tpu.memory_space<hbm>> -> memref<128x12288xf32, #tpu.memory_space<hbm>>
    tpu.wait_indirect_dma semaphore(%arg14 : memref<!tpu.dma_semaphore, #tpu.memory_space<semaphore_mem>>) src(%dma_wait3A_263 : memref<128x12288xf32, #tpu.memory_space<hbm>>) dst(%arg10 : memref<1x12288xf32, #tpu.memory_space<vmem>>)
    %add3A_264 = arith.constant 7 : i32
    %add3A_265 = arith.addi %mul3A_2, %add3A_264 : i32
    %dma_start3A_266 = arith.constant 0 : i32
    %dma_start3A_267 = arith.constant 12288 : i32
    %dma_start3A_268 = tpu.memref_slice %arg4[%dma_start3A_266, %dma_start3A_267] : memref<512x49152xf32, #tpu.memory_space<hbm>> -> memref<512x12288xf32, #tpu.memory_space<hbm>>
    %dma_start3A_269 = arith.constant 0 : i32
    %dma_start3A_270 = tpu.memref_slice %dma_start3A_268[%add3A_265, %dma_start3A_269] : memref<512x12288xf32, #tpu.memory_space<hbm>> -> memref<1x12288xf32, #tpu.memory_space<hbm>>
    %dma_start3A_271 = arith.constant 0 : i32
    %dma_start3A_272 = arith.constant 12288 : i32
    %dma_start3A_273 = tpu.memref_slice %arg4[%dma_start3A_271, %dma_start3A_272] : memref<512x49152xf32, #tpu.memory_space<hbm>> -> memref<512x12288xf32, #tpu.memory_space<hbm>>
    %dma_start3A_274 = arith.constant 0 : i32
    %dma_start3A_275 = tpu.memref_slice %dma_start3A_273[%add3A_265, %dma_start3A_274] : memref<512x12288xf32, #tpu.memory_space<hbm>> -> memref<1x12288xf32, #tpu.memory_space<hbm>>
    tpu.enqueue_dma source(%arg10 : memref<1x12288xf32, #tpu.memory_space<vmem>>) target(%dma_start3A_275 : memref<1x12288xf32, #tpu.memory_space<hbm>>) target_semaphore(%arg18 : memref<!tpu.dma_semaphore, #tpu.memory_space<semaphore_mem>>)
    %add3A_276 = arith.constant 5 : i32
    %add3A_277 = arith.addi %mul3A_2, %add3A_276 : i32
    %dma_wait3A_278 = arith.constant 0 : i32
    %dma_wait3A_279 = arith.constant 12288 : i32
    %dma_wait3A_280 = tpu.memref_slice %arg4[%dma_wait3A_278, %dma_wait3A_279] : memref<512x49152xf32, #tpu.memory_space<hbm>> -> memref<512x12288xf32, #tpu.memory_space<hbm>>
    %dma_wait3A_281 = arith.constant 0 : i32
    %dma_wait3A_282 = tpu.memref_slice %dma_wait3A_280[%add3A_277, %dma_wait3A_281] : memref<512x12288xf32, #tpu.memory_space<hbm>> -> memref<1x12288xf32, #tpu.memory_space<hbm>>
    %dma_wait3A_283 = arith.constant 0 : i32
    %dma_wait3A_284 = arith.constant 12288 : i32
    %dma_wait3A_285 = tpu.memref_slice %arg4[%dma_wait3A_283, %dma_wait3A_284] : memref<512x49152xf32, #tpu.memory_space<hbm>> -> memref<512x12288xf32, #tpu.memory_space<hbm>>
    %dma_wait3A_286 = arith.constant 0 : i32
    %dma_wait3A_287 = tpu.memref_slice %dma_wait3A_285[%add3A_277, %dma_wait3A_286] : memref<512x12288xf32, #tpu.memory_space<hbm>> -> memref<1x12288xf32, #tpu.memory_space<hbm>>
    tpu.wait_dma2 semaphore(%arg16 : memref<!tpu.dma_semaphore, #tpu.memory_space<semaphore_mem>>) src(%arg8 : memref<1x12288xf32, #tpu.memory_space<vmem>>) dst(%dma_wait3A_287 : memref<1x12288xf32, #tpu.memory_space<hbm>>)
    %dma_start3A_288 = arith.constant 9 : i32
    %dma_start3A_289 = arith.constant 0 : i32
    %dma_start3A_290 = tpu.memref_slice %arg6[%dma_start3A_288, %dma_start3A_289] : memref<16x1xi32, #tpu.memory_space<vmem>> -> memref<1x1xi32, #tpu.memory_space<vmem>>
    %dma_start3A_291 = tpu.memref_squeeze %dma_start3A_290 : memref<1x1xi32, #tpu.memory_space<vmem>> -> memref<1xi32, #tpu.memory_space<vmem>>
    %dma_start3A_292 = arith.constant 0 : i32
    %dma_start3A_293 = arith.constant 0 : i32
    %dma_start3A_294 = tpu.memref_slice %arg2[%dma_start3A_292, %dma_start3A_293] : memref<128x12288xf32, #tpu.memory_space<hbm>> -> memref<128x12288xf32, #tpu.memory_space<hbm>>
    tpu.enqueue_indirect_dma source(%dma_start3A_294 : memref<128x12288xf32, #tpu.memory_space<hbm>>) target(%arg8 : memref<1x12288xf32, #tpu.memory_space<vmem>>) offsets(%dma_start3A_291 : memref<1xi32, #tpu.memory_space<vmem>>) semaphore(%arg12 : memref<!tpu.dma_semaphore, #tpu.memory_space<semaphore_mem>>)
    %dma_wait3A_295 = arith.constant 8 : i32
    %dma_wait3A_296 = arith.constant 0 : i32
    %dma_wait3A_297 = tpu.memref_slice %arg6[%dma_wait3A_295, %dma_wait3A_296] : memref<16x1xi32, #tpu.memory_space<vmem>> -> memref<1x1xi32, #tpu.memory_space<vmem>>
    %dma_wait3A_298 = tpu.memref_squeeze %dma_wait3A_297 : memref<1x1xi32, #tpu.memory_space<vmem>> -> memref<1xi32, #tpu.memory_space<vmem>>
    %dma_wait3A_299 = arith.constant 0 : i32
    %dma_wait3A_300 = arith.constant 0 : i32
    %dma_wait3A_301 = tpu.memref_slice %arg2[%dma_wait3A_299, %dma_wait3A_300] : memref<128x12288xf32, #tpu.memory_space<hbm>> -> memref<128x12288xf32, #tpu.memory_space<hbm>>
    tpu.wait_indirect_dma semaphore(%arg11 : memref<!tpu.dma_semaphore, #tpu.memory_space<semaphore_mem>>) src(%dma_wait3A_301 : memref<128x12288xf32, #tpu.memory_space<hbm>>) dst(%arg7 : memref<1x12288xf32, #tpu.memory_space<vmem>>)
    %add3A_302 = arith.constant 8 : i32
    %add3A_303 = arith.addi %mul3A_2, %add3A_302 : i32
    %dma_start3A_304 = arith.constant 0 : i32
    %dma_start3A_305 = arith.constant 12288 : i32
    %dma_start3A_306 = tpu.memref_slice %arg4[%dma_start3A_304, %dma_start3A_305] : memref<512x49152xf32, #tpu.memory_space<hbm>> -> memref<512x12288xf32, #tpu.memory_space<hbm>>
    %dma_start3A_307 = arith.constant 0 : i32
    %dma_start3A_308 = tpu.memref_slice %dma_start3A_306[%add3A_303, %dma_start3A_307] : memref<512x12288xf32, #tpu.memory_space<hbm>> -> memref<1x12288xf32, #tpu.memory_space<hbm>>
    %dma_start3A_309 = arith.constant 0 : i32
    %dma_start3A_310 = arith.constant 12288 : i32
    %dma_start3A_311 = tpu.memref_slice %arg4[%dma_start3A_309, %dma_start3A_310] : memref<512x49152xf32, #tpu.memory_space<hbm>> -> memref<512x12288xf32, #tpu.memory_space<hbm>>
    %dma_start3A_312 = arith.constant 0 : i32
    %dma_start3A_313 = tpu.memref_slice %dma_start3A_311[%add3A_303, %dma_start3A_312] : memref<512x12288xf32, #tpu.memory_space<hbm>> -> memref<1x12288xf32, #tpu.memory_space<hbm>>
    tpu.enqueue_dma source(%arg7 : memref<1x12288xf32, #tpu.memory_space<vmem>>) target(%dma_start3A_313 : memref<1x12288xf32, #tpu.memory_space<hbm>>) target_semaphore(%arg15 : memref<!tpu.dma_semaphore, #tpu.memory_space<semaphore_mem>>)
    %add3A_314 = arith.constant 6 : i32
    %add3A_315 = arith.addi %mul3A_2, %add3A_314 : i32
    %dma_wait3A_316 = arith.constant 0 : i32
    %dma_wait3A_317 = arith.constant 12288 : i32
    %dma_wait3A_318 = tpu.memref_slice %arg4[%dma_wait3A_316, %dma_wait3A_317] : memref<512x49152xf32, #tpu.memory_space<hbm>> -> memref<512x12288xf32, #tpu.memory_space<hbm>>
    %dma_wait3A_319 = arith.constant 0 : i32
    %dma_wait3A_320 = tpu.memref_slice %dma_wait3A_318[%add3A_315, %dma_wait3A_319] : memref<512x12288xf32, #tpu.memory_space<hbm>> -> memref<1x12288xf32, #tpu.memory_space<hbm>>
    %dma_wait3A_321 = arith.constant 0 : i32
    %dma_wait3A_322 = arith.constant 12288 : i32
    %dma_wait3A_323 = tpu.memref_slice %arg4[%dma_wait3A_321, %dma_wait3A_322] : memref<512x49152xf32, #tpu.memory_space<hbm>> -> memref<512x12288xf32, #tpu.memory_space<hbm>>
    %dma_wait3A_324 = arith.constant 0 : i32
    %dma_wait3A_325 = tpu.memref_slice %dma_wait3A_323[%add3A_315, %dma_wait3A_324] : memref<512x12288xf32, #tpu.memory_space<hbm>> -> memref<1x12288xf32, #tpu.memory_space<hbm>>
    tpu.wait_dma2 semaphore(%arg17 : memref<!tpu.dma_semaphore, #tpu.memory_space<semaphore_mem>>) src(%arg9 : memref<1x12288xf32, #tpu.memory_space<vmem>>) dst(%dma_wait3A_325 : memref<1x12288xf32, #tpu.memory_space<hbm>>)
    %dma_start3A_326 = arith.constant 10 : i32
    %dma_start3A_327 = arith.constant 0 : i32
    %dma_start3A_328 = tpu.memref_slice %arg6[%dma_start3A_326, %dma_start3A_327] : memref<16x1xi32, #tpu.memory_space<vmem>> -> memref<1x1xi32, #tpu.memory_space<vmem>>
    %dma_start3A_329 = tpu.memref_squeeze %dma_start3A_328 : memref<1x1xi32, #tpu.memory_space<vmem>> -> memref<1xi32, #tpu.memory_space<vmem>>
    %dma_start3A_330 = arith.constant 0 : i32
    %dma_start3A_331 = arith.constant 0 : i32
    %dma_start3A_332 = tpu.memref_slice %arg2[%dma_start3A_330, %dma_start3A_331] : memref<128x12288xf32, #tpu.memory_space<hbm>> -> memref<128x12288xf32, #tpu.memory_space<hbm>>
    tpu.enqueue_indirect_dma source(%dma_start3A_332 : memref<128x12288xf32, #tpu.memory_space<hbm>>) target(%arg9 : memref<1x12288xf32, #tpu.memory_space<vmem>>) offsets(%dma_start3A_329 : memref<1xi32, #tpu.memory_space<vmem>>) semaphore(%arg13 : memref<!tpu.dma_semaphore, #tpu.memory_space<semaphore_mem>>)
    %dma_wait3A_333 = arith.constant 9 : i32
    %dma_wait3A_334 = arith.constant 0 : i32
    %dma_wait3A_335 = tpu.memref_slice %arg6[%dma_wait3A_333, %dma_wait3A_334] : memref<16x1xi32, #tpu.memory_space<vmem>> -> memref<1x1xi32, #tpu.memory_space<vmem>>
    %dma_wait3A_336 = tpu.memref_squeeze %dma_wait3A_335 : memref<1x1xi32, #tpu.memory_space<vmem>> -> memref<1xi32, #tpu.memory_space<vmem>>
    %dma_wait3A_337 = arith.constant 0 : i32
    %dma_wait3A_338 = arith.constant 0 : i32
    %dma_wait3A_339 = tpu.memref_slice %arg2[%dma_wait3A_337, %dma_wait3A_338] : memref<128x12288xf32, #tpu.memory_space<hbm>> -> memref<128x12288xf32, #tpu.memory_space<hbm>>
    tpu.wait_indirect_dma semaphore(%arg12 : memref<!tpu.dma_semaphore, #tpu.memory_space<semaphore_mem>>) src(%dma_wait3A_339 : memref<128x12288xf32, #tpu.memory_space<hbm>>) dst(%arg8 : memref<1x12288xf32, #tpu.memory_space<vmem>>)
    %add3A_340 = arith.constant 9 : i32
    %add3A_341 = arith.addi %mul3A_2, %add3A_340 : i32
    %dma_start3A_342 = arith.constant 0 : i32
    %dma_start3A_343 = arith.constant 12288 : i32
    %dma_start3A_344 = tpu.memref_slice %arg4[%dma_start3A_342, %dma_start3A_343] : memref<512x49152xf32, #tpu.memory_space<hbm>> -> memref<512x12288xf32, #tpu.memory_space<hbm>>
    %dma_start3A_345 = arith.constant 0 : i32
    %dma_start3A_346 = tpu.memref_slice %dma_start3A_344[%add3A_341, %dma_start3A_345] : memref<512x12288xf32, #tpu.memory_space<hbm>> -> memref<1x12288xf32, #tpu.memory_space<hbm>>
    %dma_start3A_347 = arith.constant 0 : i32
    %dma_start3A_348 = arith.constant 12288 : i32
    %dma_start3A_349 = tpu.memref_slice %arg4[%dma_start3A_347, %dma_start3A_348] : memref<512x49152xf32, #tpu.memory_space<hbm>> -> memref<512x12288xf32, #tpu.memory_space<hbm>>
    %dma_start3A_350 = arith.constant 0 : i32
    %dma_start3A_351 = tpu.memref_slice %dma_start3A_349[%add3A_341, %dma_start3A_350] : memref<512x12288xf32, #tpu.memory_space<hbm>> -> memref<1x12288xf32, #tpu.memory_space<hbm>>
    tpu.enqueue_dma source(%arg8 : memref<1x12288xf32, #tpu.memory_space<vmem>>) target(%dma_start3A_351 : memref<1x12288xf32, #tpu.memory_space<hbm>>) target_semaphore(%arg16 : memref<!tpu.dma_semaphore, #tpu.memory_space<semaphore_mem>>)
    %add3A_352 = arith.constant 7 : i32
    %add3A_353 = arith.addi %mul3A_2, %add3A_352 : i32
    %dma_wait3A_354 = arith.constant 0 : i32
    %dma_wait3A_355 = arith.constant 12288 : i32
    %dma_wait3A_356 = tpu.memref_slice %arg4[%dma_wait3A_354, %dma_wait3A_355] : memref<512x49152xf32, #tpu.memory_space<hbm>> -> memref<512x12288xf32, #tpu.memory_space<hbm>>
    %dma_wait3A_357 = arith.constant 0 : i32
    %dma_wait3A_358 = tpu.memref_slice %dma_wait3A_356[%add3A_353, %dma_wait3A_357] : memref<512x12288xf32, #tpu.memory_space<hbm>> -> memref<1x12288xf32, #tpu.memory_space<hbm>>
    %dma_wait3A_359 = arith.constant 0 : i32
    %dma_wait3A_360 = arith.constant 12288 : i32
    %dma_wait3A_361 = tpu.memref_slice %arg4[%dma_wait3A_359, %dma_wait3A_360] : memref<512x49152xf32, #tpu.memory_space<hbm>> -> memref<512x12288xf32, #tpu.memory_space<hbm>>
    %dma_wait3A_362 = arith.constant 0 : i32
    %dma_wait3A_363 = tpu.memref_slice %dma_wait3A_361[%add3A_353, %dma_wait3A_362] : memref<512x12288xf32, #tpu.memory_space<hbm>> -> memref<1x12288xf32, #tpu.memory_space<hbm>>
    tpu.wait_dma2 semaphore(%arg18 : memref<!tpu.dma_semaphore, #tpu.memory_space<semaphore_mem>>) src(%arg10 : memref<1x12288xf32, #tpu.memory_space<vmem>>) dst(%dma_wait3A_363 : memref<1x12288xf32, #tpu.memory_space<hbm>>)
    %dma_start3A_364 = arith.constant 11 : i32
    %dma_start3A_365 = arith.constant 0 : i32
    %dma_start3A_366 = tpu.memref_slice %arg6[%dma_start3A_364, %dma_start3A_365] : memref<16x1xi32, #tpu.memory_space<vmem>> -> memref<1x1xi32, #tpu.memory_space<vmem>>
    %dma_start3A_367 = tpu.memref_squeeze %dma_start3A_366 : memref<1x1xi32, #tpu.memory_space<vmem>> -> memref<1xi32, #tpu.memory_space<vmem>>
    %dma_start3A_368 = arith.constant 0 : i32
    %dma_start3A_369 = arith.constant 0 : i32
    %dma_start3A_370 = tpu.memref_slice %arg2[%dma_start3A_368, %dma_start3A_369] : memref<128x12288xf32, #tpu.memory_space<hbm>> -> memref<128x12288xf32, #tpu.memory_space<hbm>>
    tpu.enqueue_indirect_dma source(%dma_start3A_370 : memref<128x12288xf32, #tpu.memory_space<hbm>>) target(%arg10 : memref<1x12288xf32, #tpu.memory_space<vmem>>) offsets(%dma_start3A_367 : memref<1xi32, #tpu.memory_space<vmem>>) semaphore(%arg14 : memref<!tpu.dma_semaphore, #tpu.memory_space<semaphore_mem>>)
    %dma_wait3A_371 = arith.constant 10 : i32
    %dma_wait3A_372 = arith.constant 0 : i32
    %dma_wait3A_373 = tpu.memref_slice %arg6[%dma_wait3A_371, %dma_wait3A_372] : memref<16x1xi32, #tpu.memory_space<vmem>> -> memref<1x1xi32, #tpu.memory_space<vmem>>
    %dma_wait3A_374 = tpu.memref_squeeze %dma_wait3A_373 : memref<1x1xi32, #tpu.memory_space<vmem>> -> memref<1xi32, #tpu.memory_space<vmem>>
    %dma_wait3A_375 = arith.constant 0 : i32
    %dma_wait3A_376 = arith.constant 0 : i32
    %dma_wait3A_377 = tpu.memref_slice %arg2[%dma_wait3A_375, %dma_wait3A_376] : memref<128x12288xf32, #tpu.memory_space<hbm>> -> memref<128x12288xf32, #tpu.memory_space<hbm>>
    tpu.wait_indirect_dma semaphore(%arg13 : memref<!tpu.dma_semaphore, #tpu.memory_space<semaphore_mem>>) src(%dma_wait3A_377 : memref<128x12288xf32, #tpu.memory_space<hbm>>) dst(%arg9 : memref<1x12288xf32, #tpu.memory_space<vmem>>)
    %add3A_378 = arith.constant 10 : i32
    %add3A_379 = arith.addi %mul3A_2, %add3A_378 : i32
    %dma_start3A_380 = arith.constant 0 : i32
    %dma_start3A_381 = arith.constant 12288 : i32
    %dma_start3A_382 = tpu.memref_slice %arg4[%dma_start3A_380, %dma_start3A_381] : memref<512x49152xf32, #tpu.memory_space<hbm>> -> memref<512x12288xf32, #tpu.memory_space<hbm>>
    %dma_start3A_383 = arith.constant 0 : i32
    %dma_start3A_384 = tpu.memref_slice %dma_start3A_382[%add3A_379, %dma_start3A_383] : memref<512x12288xf32, #tpu.memory_space<hbm>> -> memref<1x12288xf32, #tpu.memory_space<hbm>>
    %dma_start3A_385 = arith.constant 0 : i32
    %dma_start3A_386 = arith.constant 12288 : i32
    %dma_start3A_387 = tpu.memref_slice %arg4[%dma_start3A_385, %dma_start3A_386] : memref<512x49152xf32, #tpu.memory_space<hbm>> -> memref<512x12288xf32, #tpu.memory_space<hbm>>
    %dma_start3A_388 = arith.constant 0 : i32
    %dma_start3A_389 = tpu.memref_slice %dma_start3A_387[%add3A_379, %dma_start3A_388] : memref<512x12288xf32, #tpu.memory_space<hbm>> -> memref<1x12288xf32, #tpu.memory_space<hbm>>
    tpu.enqueue_dma source(%arg9 : memref<1x12288xf32, #tpu.memory_space<vmem>>) target(%dma_start3A_389 : memref<1x12288xf32, #tpu.memory_space<hbm>>) target_semaphore(%arg17 : memref<!tpu.dma_semaphore, #tpu.memory_space<semaphore_mem>>)
    %add3A_390 = arith.constant 8 : i32
    %add3A_391 = arith.addi %mul3A_2, %add3A_390 : i32
    %dma_wait3A_392 = arith.constant 0 : i32
    %dma_wait3A_393 = arith.constant 12288 : i32
    %dma_wait3A_394 = tpu.memref_slice %arg4[%dma_wait3A_392, %dma_wait3A_393] : memref<512x49152xf32, #tpu.memory_space<hbm>> -> memref<512x12288xf32, #tpu.memory_space<hbm>>
    %dma_wait3A_395 = arith.constant 0 : i32
    %dma_wait3A_396 = tpu.memref_slice %dma_wait3A_394[%add3A_391, %dma_wait3A_395] : memref<512x12288xf32, #tpu.memory_space<hbm>> -> memref<1x12288xf32, #tpu.memory_space<hbm>>
    %dma_wait3A_397 = arith.constant 0 : i32
    %dma_wait3A_398 = arith.constant 12288 : i32
    %dma_wait3A_399 = tpu.memref_slice %arg4[%dma_wait3A_397, %dma_wait3A_398] : memref<512x49152xf32, #tpu.memory_space<hbm>> -> memref<512x12288xf32, #tpu.memory_space<hbm>>
    %dma_wait3A_400 = arith.constant 0 : i32
    %dma_wait3A_401 = tpu.memref_slice %dma_wait3A_399[%add3A_391, %dma_wait3A_400] : memref<512x12288xf32, #tpu.memory_space<hbm>> -> memref<1x12288xf32, #tpu.memory_space<hbm>>
    tpu.wait_dma2 semaphore(%arg15 : memref<!tpu.dma_semaphore, #tpu.memory_space<semaphore_mem>>) src(%arg7 : memref<1x12288xf32, #tpu.memory_space<vmem>>) dst(%dma_wait3A_401 : memref<1x12288xf32, #tpu.memory_space<hbm>>)
    %dma_start3A_402 = arith.constant 12 : i32
    %dma_start3A_403 = arith.constant 0 : i32
    %dma_start3A_404 = tpu.memref_slice %arg6[%dma_start3A_402, %dma_start3A_403] : memref<16x1xi32, #tpu.memory_space<vmem>> -> memref<1x1xi32, #tpu.memory_space<vmem>>
    %dma_start3A_405 = tpu.memref_squeeze %dma_start3A_404 : memref<1x1xi32, #tpu.memory_space<vmem>> -> memref<1xi32, #tpu.memory_space<vmem>>
    %dma_start3A_406 = arith.constant 0 : i32
    %dma_start3A_407 = arith.constant 0 : i32
    %dma_start3A_408 = tpu.memref_slice %arg2[%dma_start3A_406, %dma_start3A_407] : memref<128x12288xf32, #tpu.memory_space<hbm>> -> memref<128x12288xf32, #tpu.memory_space<hbm>>
    tpu.enqueue_indirect_dma source(%dma_start3A_408 : memref<128x12288xf32, #tpu.memory_space<hbm>>) target(%arg7 : memref<1x12288xf32, #tpu.memory_space<vmem>>) offsets(%dma_start3A_405 : memref<1xi32, #tpu.memory_space<vmem>>) semaphore(%arg11 : memref<!tpu.dma_semaphore, #tpu.memory_space<semaphore_mem>>)
    %dma_wait3A_409 = arith.constant 11 : i32
    %dma_wait3A_410 = arith.constant 0 : i32
    %dma_wait3A_411 = tpu.memref_slice %arg6[%dma_wait3A_409, %dma_wait3A_410] : memref<16x1xi32, #tpu.memory_space<vmem>> -> memref<1x1xi32, #tpu.memory_space<vmem>>
    %dma_wait3A_412 = tpu.memref_squeeze %dma_wait3A_411 : memref<1x1xi32, #tpu.memory_space<vmem>> -> memref<1xi32, #tpu.memory_space<vmem>>
    %dma_wait3A_413 = arith.constant 0 : i32
    %dma_wait3A_414 = arith.constant 0 : i32
    %dma_wait3A_415 = tpu.memref_slice %arg2[%dma_wait3A_413, %dma_wait3A_414] : memref<128x12288xf32, #tpu.memory_space<hbm>> -> memref<128x12288xf32, #tpu.memory_space<hbm>>
    tpu.wait_indirect_dma semaphore(%arg14 : memref<!tpu.dma_semaphore, #tpu.memory_space<semaphore_mem>>) src(%dma_wait3A_415 : memref<128x12288xf32, #tpu.memory_space<hbm>>) dst(%arg10 : memref<1x12288xf32, #tpu.memory_space<vmem>>)
    %add3A_416 = arith.constant 11 : i32
    %add3A_417 = arith.addi %mul3A_2, %add3A_416 : i32
    %dma_start3A_418 = arith.constant 0 : i32
    %dma_start3A_419 = arith.constant 12288 : i32
    %dma_start3A_420 = tpu.memref_slice %arg4[%dma_start3A_418, %dma_start3A_419] : memref<512x49152xf32, #tpu.memory_space<hbm>> -> memref<512x12288xf32, #tpu.memory_space<hbm>>
    %dma_start3A_421 = arith.constant 0 : i32
    %dma_start3A_422 = tpu.memref_slice %dma_start3A_420[%add3A_417, %dma_start3A_421] : memref<512x12288xf32, #tpu.memory_space<hbm>> -> memref<1x12288xf32, #tpu.memory_space<hbm>>
    %dma_start3A_423 = arith.constant 0 : i32
    %dma_start3A_424 = arith.constant 12288 : i32
    %dma_start3A_425 = tpu.memref_slice %arg4[%dma_start3A_423, %dma_start3A_424] : memref<512x49152xf32, #tpu.memory_space<hbm>> -> memref<512x12288xf32, #tpu.memory_space<hbm>>
    %dma_start3A_426 = arith.constant 0 : i32
    %dma_start3A_427 = tpu.memref_slice %dma_start3A_425[%add3A_417, %dma_start3A_426] : memref<512x12288xf32, #tpu.memory_space<hbm>> -> memref<1x12288xf32, #tpu.memory_space<hbm>>
    tpu.enqueue_dma source(%arg10 : memref<1x12288xf32, #tpu.memory_space<vmem>>) target(%dma_start3A_427 : memref<1x12288xf32, #tpu.memory_space<hbm>>) target_semaphore(%arg18 : memref<!tpu.dma_semaphore, #tpu.memory_space<semaphore_mem>>)
    %add3A_428 = arith.constant 9 : i32
    %add3A_429 = arith.addi %mul3A_2, %add3A_428 : i32
    %dma_wait3A_430 = arith.constant 0 : i32
    %dma_wait3A_431 = arith.constant 12288 : i32
    %dma_wait3A_432 = tpu.memref_slice %arg4[%dma_wait3A_430, %dma_wait3A_431] : memref<512x49152xf32, #tpu.memory_space<hbm>> -> memref<512x12288xf32, #tpu.memory_space<hbm>>
    %dma_wait3A_433 = arith.constant 0 : i32
    %dma_wait3A_434 = tpu.memref_slice %dma_wait3A_432[%add3A_429, %dma_wait3A_433] : memref<512x12288xf32, #tpu.memory_space<hbm>> -> memref<1x12288xf32, #tpu.memory_space<hbm>>
    %dma_wait3A_435 = arith.constant 0 : i32
    %dma_wait3A_436 = arith.constant 12288 : i32
    %dma_wait3A_437 = tpu.memref_slice %arg4[%dma_wait3A_435, %dma_wait3A_436] : memref<512x49152xf32, #tpu.memory_space<hbm>> -> memref<512x12288xf32, #tpu.memory_space<hbm>>
    %dma_wait3A_438 = arith.constant 0 : i32
    %dma_wait3A_439 = tpu.memref_slice %dma_wait3A_437[%add3A_429, %dma_wait3A_438] : memref<512x12288xf32, #tpu.memory_space<hbm>> -> memref<1x12288xf32, #tpu.memory_space<hbm>>
    tpu.wait_dma2 semaphore(%arg16 : memref<!tpu.dma_semaphore, #tpu.memory_space<semaphore_mem>>) src(%arg8 : memref<1x12288xf32, #tpu.memory_space<vmem>>) dst(%dma_wait3A_439 : memref<1x12288xf32, #tpu.memory_space<hbm>>)
    %dma_start3A_440 = arith.constant 13 : i32
    %dma_start3A_441 = arith.constant 0 : i32
    %dma_start3A_442 = tpu.memref_slice %arg6[%dma_start3A_440, %dma_start3A_441] : memref<16x1xi32, #tpu.memory_space<vmem>> -> memref<1x1xi32, #tpu.memory_space<vmem>>
    %dma_start3A_443 = tpu.memref_squeeze %dma_start3A_442 : memref<1x1xi32, #tpu.memory_space<vmem>> -> memref<1xi32, #tpu.memory_space<vmem>>
    %dma_start3A_444 = arith.constant 0 : i32
    %dma_start3A_445 = arith.constant 0 : i32
    %dma_start3A_446 = tpu.memref_slice %arg2[%dma_start3A_444, %dma_start3A_445] : memref<128x12288xf32, #tpu.memory_space<hbm>> -> memref<128x12288xf32, #tpu.memory_space<hbm>>
    tpu.enqueue_indirect_dma source(%dma_start3A_446 : memref<128x12288xf32, #tpu.memory_space<hbm>>) target(%arg8 : memref<1x12288xf32, #tpu.memory_space<vmem>>) offsets(%dma_start3A_443 : memref<1xi32, #tpu.memory_space<vmem>>) semaphore(%arg12 : memref<!tpu.dma_semaphore, #tpu.memory_space<semaphore_mem>>)
    %dma_wait3A_447 = arith.constant 12 : i32
    %dma_wait3A_448 = arith.constant 0 : i32
    %dma_wait3A_449 = tpu.memref_slice %arg6[%dma_wait3A_447, %dma_wait3A_448] : memref<16x1xi32, #tpu.memory_space<vmem>> -> memref<1x1xi32, #tpu.memory_space<vmem>>
    %dma_wait3A_450 = tpu.memref_squeeze %dma_wait3A_449 : memref<1x1xi32, #tpu.memory_space<vmem>> -> memref<1xi32, #tpu.memory_space<vmem>>
    %dma_wait3A_451 = arith.constant 0 : i32
    %dma_wait3A_452 = arith.constant 0 : i32
    %dma_wait3A_453 = tpu.memref_slice %arg2[%dma_wait3A_451, %dma_wait3A_452] : memref<128x12288xf32, #tpu.memory_space<hbm>> -> memref<128x12288xf32, #tpu.memory_space<hbm>>
    tpu.wait_indirect_dma semaphore(%arg11 : memref<!tpu.dma_semaphore, #tpu.memory_space<semaphore_mem>>) src(%dma_wait3A_453 : memref<128x12288xf32, #tpu.memory_space<hbm>>) dst(%arg7 : memref<1x12288xf32, #tpu.memory_space<vmem>>)
    %add3A_454 = arith.constant 12 : i32
    %add3A_455 = arith.addi %mul3A_2, %add3A_454 : i32
    %dma_start3A_456 = arith.constant 0 : i32
    %dma_start3A_457 = arith.constant 12288 : i32
    %dma_start3A_458 = tpu.memref_slice %arg4[%dma_start3A_456, %dma_start3A_457] : memref<512x49152xf32, #tpu.memory_space<hbm>> -> memref<512x12288xf32, #tpu.memory_space<hbm>>
    %dma_start3A_459 = arith.constant 0 : i32
    %dma_start3A_460 = tpu.memref_slice %dma_start3A_458[%add3A_455, %dma_start3A_459] : memref<512x12288xf32, #tpu.memory_space<hbm>> -> memref<1x12288xf32, #tpu.memory_space<hbm>>
    %dma_start3A_461 = arith.constant 0 : i32
    %dma_start3A_462 = arith.constant 12288 : i32
    %dma_start3A_463 = tpu.memref_slice %arg4[%dma_start3A_461, %dma_start3A_462] : memref<512x49152xf32, #tpu.memory_space<hbm>> -> memref<512x12288xf32, #tpu.memory_space<hbm>>
    %dma_start3A_464 = arith.constant 0 : i32
    %dma_start3A_465 = tpu.memref_slice %dma_start3A_463[%add3A_455, %dma_start3A_464] : memref<512x12288xf32, #tpu.memory_space<hbm>> -> memref<1x12288xf32, #tpu.memory_space<hbm>>
    tpu.enqueue_dma source(%arg7 : memref<1x12288xf32, #tpu.memory_space<vmem>>) target(%dma_start3A_465 : memref<1x12288xf32, #tpu.memory_space<hbm>>) target_semaphore(%arg15 : memref<!tpu.dma_semaphore, #tpu.memory_space<semaphore_mem>>)
    %add3A_466 = arith.constant 10 : i32
    %add3A_467 = arith.addi %mul3A_2, %add3A_466 : i32
    %dma_wait3A_468 = arith.constant 0 : i32
    %dma_wait3A_469 = arith.constant 12288 : i32
    %dma_wait3A_470 = tpu.memref_slice %arg4[%dma_wait3A_468, %dma_wait3A_469] : memref<512x49152xf32, #tpu.memory_space<hbm>> -> memref<512x12288xf32, #tpu.memory_space<hbm>>
    %dma_wait3A_471 = arith.constant 0 : i32
    %dma_wait3A_472 = tpu.memref_slice %dma_wait3A_470[%add3A_467, %dma_wait3A_471] : memref<512x12288xf32, #tpu.memory_space<hbm>> -> memref<1x12288xf32, #tpu.memory_space<hbm>>
    %dma_wait3A_473 = arith.constant 0 : i32
    %dma_wait3A_474 = arith.constant 12288 : i32
    %dma_wait3A_475 = tpu.memref_slice %arg4[%dma_wait3A_473, %dma_wait3A_474] : memref<512x49152xf32, #tpu.memory_space<hbm>> -> memref<512x12288xf32, #tpu.memory_space<hbm>>
    %dma_wait3A_476 = arith.constant 0 : i32
    %dma_wait3A_477 = tpu.memref_slice %dma_wait3A_475[%add3A_467, %dma_wait3A_476] : memref<512x12288xf32, #tpu.memory_space<hbm>> -> memref<1x12288xf32, #tpu.memory_space<hbm>>
    tpu.wait_dma2 semaphore(%arg17 : memref<!tpu.dma_semaphore, #tpu.memory_space<semaphore_mem>>) src(%arg9 : memref<1x12288xf32, #tpu.memory_space<vmem>>) dst(%dma_wait3A_477 : memref<1x12288xf32, #tpu.memory_space<hbm>>)
    %dma_start3A_478 = arith.constant 14 : i32
    %dma_start3A_479 = arith.constant 0 : i32
    %dma_start3A_480 = tpu.memref_slice %arg6[%dma_start3A_478, %dma_start3A_479] : memref<16x1xi32, #tpu.memory_space<vmem>> -> memref<1x1xi32, #tpu.memory_space<vmem>>
    %dma_start3A_481 = tpu.memref_squeeze %dma_start3A_480 : memref<1x1xi32, #tpu.memory_space<vmem>> -> memref<1xi32, #tpu.memory_space<vmem>>
    %dma_start3A_482 = arith.constant 0 : i32
    %dma_start3A_483 = arith.constant 0 : i32
    %dma_start3A_484 = tpu.memref_slice %arg2[%dma_start3A_482, %dma_start3A_483] : memref<128x12288xf32, #tpu.memory_space<hbm>> -> memref<128x12288xf32, #tpu.memory_space<hbm>>
    tpu.enqueue_indirect_dma source(%dma_start3A_484 : memref<128x12288xf32, #tpu.memory_space<hbm>>) target(%arg9 : memref<1x12288xf32, #tpu.memory_space<vmem>>) offsets(%dma_start3A_481 : memref<1xi32, #tpu.memory_space<vmem>>) semaphore(%arg13 : memref<!tpu.dma_semaphore, #tpu.memory_space<semaphore_mem>>)
    %dma_wait3A_485 = arith.constant 13 : i32
    %dma_wait3A_486 = arith.constant 0 : i32
    %dma_wait3A_487 = tpu.memref_slice %arg6[%dma_wait3A_485, %dma_wait3A_486] : memref<16x1xi32, #tpu.memory_space<vmem>> -> memref<1x1xi32, #tpu.memory_space<vmem>>
    %dma_wait3A_488 = tpu.memref_squeeze %dma_wait3A_487 : memref<1x1xi32, #tpu.memory_space<vmem>> -> memref<1xi32, #tpu.memory_space<vmem>>
    %dma_wait3A_489 = arith.constant 0 : i32
    %dma_wait3A_490 = arith.constant 0 : i32
    %dma_wait3A_491 = tpu.memref_slice %arg2[%dma_wait3A_489, %dma_wait3A_490] : memref<128x12288xf32, #tpu.memory_space<hbm>> -> memref<128x12288xf32, #tpu.memory_space<hbm>>
    tpu.wait_indirect_dma semaphore(%arg12 : memref<!tpu.dma_semaphore, #tpu.memory_space<semaphore_mem>>) src(%dma_wait3A_491 : memref<128x12288xf32, #tpu.memory_space<hbm>>) dst(%arg8 : memref<1x12288xf32, #tpu.memory_space<vmem>>)
    %add3A_492 = arith.constant 13 : i32
    %add3A_493 = arith.addi %mul3A_2, %add3A_492 : i32
    %dma_start3A_494 = arith.constant 0 : i32
    %dma_start3A_495 = arith.constant 12288 : i32
    %dma_start3A_496 = tpu.memref_slice %arg4[%dma_start3A_494, %dma_start3A_495] : memref<512x49152xf32, #tpu.memory_space<hbm>> -> memref<512x12288xf32, #tpu.memory_space<hbm>>
    %dma_start3A_497 = arith.constant 0 : i32
    %dma_start3A_498 = tpu.memref_slice %dma_start3A_496[%add3A_493, %dma_start3A_497] : memref<512x12288xf32, #tpu.memory_space<hbm>> -> memref<1x12288xf32, #tpu.memory_space<hbm>>
    %dma_start3A_499 = arith.constant 0 : i32
    %dma_start3A_500 = arith.constant 12288 : i32
    %dma_start3A_501 = tpu.memref_slice %arg4[%dma_start3A_499, %dma_start3A_500] : memref<512x49152xf32, #tpu.memory_space<hbm>> -> memref<512x12288xf32, #tpu.memory_space<hbm>>
    %dma_start3A_502 = arith.constant 0 : i32
    %dma_start3A_503 = tpu.memref_slice %dma_start3A_501[%add3A_493, %dma_start3A_502] : memref<512x12288xf32, #tpu.memory_space<hbm>> -> memref<1x12288xf32, #tpu.memory_space<hbm>>
    tpu.enqueue_dma source(%arg8 : memref<1x12288xf32, #tpu.memory_space<vmem>>) target(%dma_start3A_503 : memref<1x12288xf32, #tpu.memory_space<hbm>>) target_semaphore(%arg16 : memref<!tpu.dma_semaphore, #tpu.memory_space<semaphore_mem>>)
    %add3A_504 = arith.constant 11 : i32
    %add3A_505 = arith.addi %mul3A_2, %add3A_504 : i32
    %dma_wait3A_506 = arith.constant 0 : i32
    %dma_wait3A_507 = arith.constant 12288 : i32
    %dma_wait3A_508 = tpu.memref_slice %arg4[%dma_wait3A_506, %dma_wait3A_507] : memref<512x49152xf32, #tpu.memory_space<hbm>> -> memref<512x12288xf32, #tpu.memory_space<hbm>>
    %dma_wait3A_509 = arith.constant 0 : i32
    %dma_wait3A_510 = tpu.memref_slice %dma_wait3A_508[%add3A_505, %dma_wait3A_509] : memref<512x12288xf32, #tpu.memory_space<hbm>> -> memref<1x12288xf32, #tpu.memory_space<hbm>>
    %dma_wait3A_511 = arith.constant 0 : i32
    %dma_wait3A_512 = arith.constant 12288 : i32
    %dma_wait3A_513 = tpu.memref_slice %arg4[%dma_wait3A_511, %dma_wait3A_512] : memref<512x49152xf32, #tpu.memory_space<hbm>> -> memref<512x12288xf32, #tpu.memory_space<hbm>>
    %dma_wait3A_514 = arith.constant 0 : i32
    %dma_wait3A_515 = tpu.memref_slice %dma_wait3A_513[%add3A_505, %dma_wait3A_514] : memref<512x12288xf32, #tpu.memory_space<hbm>> -> memref<1x12288xf32, #tpu.memory_space<hbm>>
    tpu.wait_dma2 semaphore(%arg18 : memref<!tpu.dma_semaphore, #tpu.memory_space<semaphore_mem>>) src(%arg10 : memref<1x12288xf32, #tpu.memory_space<vmem>>) dst(%dma_wait3A_515 : memref<1x12288xf32, #tpu.memory_space<hbm>>)
    %dma_start3A_516 = arith.constant 15 : i32
    %dma_start3A_517 = arith.constant 0 : i32
    %dma_start3A_518 = tpu.memref_slice %arg6[%dma_start3A_516, %dma_start3A_517] : memref<16x1xi32, #tpu.memory_space<vmem>> -> memref<1x1xi32, #tpu.memory_space<vmem>>
    %dma_start3A_519 = tpu.memref_squeeze %dma_start3A_518 : memref<1x1xi32, #tpu.memory_space<vmem>> -> memref<1xi32, #tpu.memory_space<vmem>>
    %dma_start3A_520 = arith.constant 0 : i32
    %dma_start3A_521 = arith.constant 0 : i32
    %dma_start3A_522 = tpu.memref_slice %arg2[%dma_start3A_520, %dma_start3A_521] : memref<128x12288xf32, #tpu.memory_space<hbm>> -> memref<128x12288xf32, #tpu.memory_space<hbm>>
    tpu.enqueue_indirect_dma source(%dma_start3A_522 : memref<128x12288xf32, #tpu.memory_space<hbm>>) target(%arg10 : memref<1x12288xf32, #tpu.memory_space<vmem>>) offsets(%dma_start3A_519 : memref<1xi32, #tpu.memory_space<vmem>>) semaphore(%arg14 : memref<!tpu.dma_semaphore, #tpu.memory_space<semaphore_mem>>)
    %dma_wait3A_523 = arith.constant 14 : i32
    %dma_wait3A_524 = arith.constant 0 : i32
    %dma_wait3A_525 = tpu.memref_slice %arg6[%dma_wait3A_523, %dma_wait3A_524] : memref<16x1xi32, #tpu.memory_space<vmem>> -> memref<1x1xi32, #tpu.memory_space<vmem>>
    %dma_wait3A_526 = tpu.memref_squeeze %dma_wait3A_525 : memref<1x1xi32, #tpu.memory_space<vmem>> -> memref<1xi32, #tpu.memory_space<vmem>>
    %dma_wait3A_527 = arith.constant 0 : i32
    %dma_wait3A_528 = arith.constant 0 : i32
    %dma_wait3A_529 = tpu.memref_slice %arg2[%dma_wait3A_527, %dma_wait3A_528] : memref<128x12288xf32, #tpu.memory_space<hbm>> -> memref<128x12288xf32, #tpu.memory_space<hbm>>
    tpu.wait_indirect_dma semaphore(%arg13 : memref<!tpu.dma_semaphore, #tpu.memory_space<semaphore_mem>>) src(%dma_wait3A_529 : memref<128x12288xf32, #tpu.memory_space<hbm>>) dst(%arg9 : memref<1x12288xf32, #tpu.memory_space<vmem>>)
    %add3A_530 = arith.constant 14 : i32
    %add3A_531 = arith.addi %mul3A_2, %add3A_530 : i32
    %dma_start3A_532 = arith.constant 0 : i32
    %dma_start3A_533 = arith.constant 12288 : i32
    %dma_start3A_534 = tpu.memref_slice %arg4[%dma_start3A_532, %dma_start3A_533] : memref<512x49152xf32, #tpu.memory_space<hbm>> -> memref<512x12288xf32, #tpu.memory_space<hbm>>
    %dma_start3A_535 = arith.constant 0 : i32
    %dma_start3A_536 = tpu.memref_slice %dma_start3A_534[%add3A_531, %dma_start3A_535] : memref<512x12288xf32, #tpu.memory_space<hbm>> -> memref<1x12288xf32, #tpu.memory_space<hbm>>
    %dma_start3A_537 = arith.constant 0 : i32
    %dma_start3A_538 = arith.constant 12288 : i32
    %dma_start3A_539 = tpu.memref_slice %arg4[%dma_start3A_537, %dma_start3A_538] : memref<512x49152xf32, #tpu.memory_space<hbm>> -> memref<512x12288xf32, #tpu.memory_space<hbm>>
    %dma_start3A_540 = arith.constant 0 : i32
    %dma_start3A_541 = tpu.memref_slice %dma_start3A_539[%add3A_531, %dma_start3A_540] : memref<512x12288xf32, #tpu.memory_space<hbm>> -> memref<1x12288xf32, #tpu.memory_space<hbm>>
    tpu.enqueue_dma source(%arg9 : memref<1x12288xf32, #tpu.memory_space<vmem>>) target(%dma_start3A_541 : memref<1x12288xf32, #tpu.memory_space<hbm>>) target_semaphore(%arg17 : memref<!tpu.dma_semaphore, #tpu.memory_space<semaphore_mem>>)
    %dma_wait3A_542 = arith.constant 15 : i32
    %dma_wait3A_543 = arith.constant 0 : i32
    %dma_wait3A_544 = tpu.memref_slice %arg6[%dma_wait3A_542, %dma_wait3A_543] : memref<16x1xi32, #tpu.memory_space<vmem>> -> memref<1x1xi32, #tpu.memory_space<vmem>>
    %dma_wait3A_545 = tpu.memref_squeeze %dma_wait3A_544 : memref<1x1xi32, #tpu.memory_space<vmem>> -> memref<1xi32, #tpu.memory_space<vmem>>
    %dma_wait3A_546 = arith.constant 0 : i32
    %dma_wait3A_547 = arith.constant 0 : i32
    %dma_wait3A_548 = tpu.memref_slice %arg2[%dma_wait3A_546, %dma_wait3A_547] : memref<128x12288xf32, #tpu.memory_space<hbm>> -> memref<128x12288xf32, #tpu.memory_space<hbm>>
    tpu.wait_indirect_dma semaphore(%arg14 : memref<!tpu.dma_semaphore, #tpu.memory_space<semaphore_mem>>) src(%dma_wait3A_548 : memref<128x12288xf32, #tpu.memory_space<hbm>>) dst(%arg10 : memref<1x12288xf32, #tpu.memory_space<vmem>>)
    %add3A_549 = arith.constant 15 : i32
    %add3A_550 = arith.addi %mul3A_2, %add3A_549 : i32
    %dma_start3A_551 = arith.constant 0 : i32
    %dma_start3A_552 = arith.constant 12288 : i32
    %dma_start3A_553 = tpu.memref_slice %arg4[%dma_start3A_551, %dma_start3A_552] : memref<512x49152xf32, #tpu.memory_space<hbm>> -> memref<512x12288xf32, #tpu.memory_space<hbm>>
    %dma_start3A_554 = arith.constant 0 : i32
    %dma_start3A_555 = tpu.memref_slice %dma_start3A_553[%add3A_550, %dma_start3A_554] : memref<512x12288xf32, #tpu.memory_space<hbm>> -> memref<1x12288xf32, #tpu.memory_space<hbm>>
    %dma_start3A_556 = arith.constant 0 : i32
    %dma_start3A_557 = arith.constant 12288 : i32
    %dma_start3A_558 = tpu.memref_slice %arg4[%dma_start3A_556, %dma_start3A_557] : memref<512x49152xf32, #tpu.memory_space<hbm>> -> memref<512x12288xf32, #tpu.memory_space<hbm>>
    %dma_start3A_559 = arith.constant 0 : i32
    %dma_start3A_560 = tpu.memref_slice %dma_start3A_558[%add3A_550, %dma_start3A_559] : memref<512x12288xf32, #tpu.memory_space<hbm>> -> memref<1x12288xf32, #tpu.memory_space<hbm>>
    tpu.enqueue_dma source(%arg10 : memref<1x12288xf32, #tpu.memory_space<vmem>>) target(%dma_start3A_560 : memref<1x12288xf32, #tpu.memory_space<hbm>>) target_semaphore(%arg18 : memref<!tpu.dma_semaphore, #tpu.memory_space<semaphore_mem>>)
    %add3A_561 = arith.constant 14 : i32
    %add3A_562 = arith.addi %mul3A_2, %add3A_561 : i32
    %dma_wait3A_563 = arith.constant 0 : i32
    %dma_wait3A_564 = arith.constant 12288 : i32
    %dma_wait3A_565 = tpu.memref_slice %arg4[%dma_wait3A_563, %dma_wait3A_564] : memref<512x49152xf32, #tpu.memory_space<hbm>> -> memref<512x12288xf32, #tpu.memory_space<hbm>>
    %dma_wait3A_566 = arith.constant 0 : i32
    %dma_wait3A_567 = tpu.memref_slice %dma_wait3A_565[%add3A_562, %dma_wait3A_566] : memref<512x12288xf32, #tpu.memory_space<hbm>> -> memref<1x12288xf32, #tpu.memory_space<hbm>>
    %dma_wait3A_568 = arith.constant 0 : i32
    %dma_wait3A_569 = arith.constant 12288 : i32
    %dma_wait3A_570 = tpu.memref_slice %arg4[%dma_wait3A_568, %dma_wait3A_569] : memref<512x49152xf32, #tpu.memory_space<hbm>> -> memref<512x12288xf32, #tpu.memory_space<hbm>>
    %dma_wait3A_571 = arith.constant 0 : i32
    %dma_wait3A_572 = tpu.memref_slice %dma_wait3A_570[%add3A_562, %dma_wait3A_571] : memref<512x12288xf32, #tpu.memory_space<hbm>> -> memref<1x12288xf32, #tpu.memory_space<hbm>>
    tpu.wait_dma2 semaphore(%arg17 : memref<!tpu.dma_semaphore, #tpu.memory_space<semaphore_mem>>) src(%arg9 : memref<1x12288xf32, #tpu.memory_space<vmem>>) dst(%dma_wait3A_572 : memref<1x12288xf32, #tpu.memory_space<hbm>>)
    %add3A_573 = arith.constant 15 : i32
    %add3A_574 = arith.addi %mul3A_2, %add3A_573 : i32
    %dma_wait3A_575 = arith.constant 0 : i32
    %dma_wait3A_576 = arith.constant 12288 : i32
    %dma_wait3A_577 = tpu.memref_slice %arg4[%dma_wait3A_575, %dma_wait3A_576] : memref<512x49152xf32, #tpu.memory_space<hbm>> -> memref<512x12288xf32, #tpu.memory_space<hbm>>
    %dma_wait3A_578 = arith.constant 0 : i32
    %dma_wait3A_579 = tpu.memref_slice %dma_wait3A_577[%add3A_574, %dma_wait3A_578] : memref<512x12288xf32, #tpu.memory_space<hbm>> -> memref<1x12288xf32, #tpu.memory_space<hbm>>
    %dma_wait3A_580 = arith.constant 0 : i32
    %dma_wait3A_581 = arith.constant 12288 : i32
    %dma_wait3A_582 = tpu.memref_slice %arg4[%dma_wait3A_580, %dma_wait3A_581] : memref<512x49152xf32, #tpu.memory_space<hbm>> -> memref<512x12288xf32, #tpu.memory_space<hbm>>
    %dma_wait3A_583 = arith.constant 0 : i32
    %dma_wait3A_584 = tpu.memref_slice %dma_wait3A_582[%add3A_574, %dma_wait3A_583] : memref<512x12288xf32, #tpu.memory_space<hbm>> -> memref<1x12288xf32, #tpu.memory_space<hbm>>
    tpu.wait_dma2 semaphore(%arg18 : memref<!tpu.dma_semaphore, #tpu.memory_space<semaphore_mem>>) src(%arg10 : memref<1x12288xf32, #tpu.memory_space<vmem>>) dst(%dma_wait3A_584 : memref<1x12288xf32, #tpu.memory_space<hbm>>)
    return
  }
}

#map = affine_map<(d0, d1) -> (0, 0)>
module attributes {stable_mosaic.version = 14 : i64} {
  func.func @new_body(%arg0: i32, %arg1: i32, %arg2: memref<128x12288xf32, #tpu.memory_space<hbm>>, %arg3: memref<512x1xi32, #tpu.memory_space<hbm>>, %arg4: memref<512x49152xf32, #tpu.memory_space<hbm>>, %arg5: memref<512x49152xf32, #tpu.memory_space<hbm>>, %arg6: memref<16x1xi32, #tpu.memory_space<vmem>>, %arg7: memref<1x12288xf32, #tpu.memory_space<vmem>>, %arg8: memref<1x12288xf32, #tpu.memory_space<vmem>>, %arg9: memref<1x12288xf32, #tpu.memory_space<vmem>>, %arg10: memref<1x12288xf32, #tpu.memory_space<vmem>>, %arg11: memref<!tpu.dma_semaphore, #tpu.memory_space<semaphore_mem>>, %arg12: memref<!tpu.dma_semaphore, #tpu.memory_space<semaphore_mem>>, %arg13: memref<!tpu.dma_semaphore, #tpu.memory_space<semaphore_mem>>, %arg14: memref<!tpu.dma_semaphore, #tpu.memory_space<semaphore_mem>>, %arg15: memref<!tpu.dma_semaphore, #tpu.memory_space<semaphore_mem>>, %arg16: memref<!tpu.dma_semaphore, #tpu.memory_space<semaphore_mem>>, %arg17: memref<!tpu.dma_semaphore, #tpu.memory_space<semaphore_mem>>, %arg18: memref<!tpu.dma_semaphore, #tpu.memory_space<semaphore_mem>>) attributes {dimension_semantics = [#tpu.dimension_semantics<core_parallel>, #tpu.dimension_semantics<subcore_parallel>], iteration_bounds = array<i64: 2, 16>, scalar_prefetch = 0 : i64, scratch_operands = 13 : i64, tpu.core_type = #tpu.core_type<sc_vector_subcore>, window_params = [{transform_indices = #map}, {transform_indices = #map}, {transform_indices = #map}, {transform_indices = #map}]} {
    %mul3A = arith.constant 2 : i32
    %mul3A_0 = arith.muli %arg1, %mul3A : i32
    %add3A = arith.addi %mul3A_0, %arg0 : i32
    %mul3A_1 = arith.constant 16 : i32
    %mul3A_2 = arith.muli %add3A, %mul3A_1 : i32
    "tpu.region"() ({
      %run_scoped3A = tpu.sem_alloc : memref<!tpu.dma_semaphore, #tpu.memory_space<semaphore_mem>>
      %dma_start3A_585 = arith.constant 0 : i32
      %dma_start3A_586 = tpu.memref_slice %arg3[%mul3A_2, %dma_start3A_585] : memref<512x1xi32, #tpu.memory_space<hbm>> -> memref<16x1xi32, #tpu.memory_space<hbm>>
      %dma_start3A_587 = arith.constant 0 : i32
      %dma_start3A_588 = tpu.memref_slice %arg3[%mul3A_2, %dma_start3A_587] : memref<512x1xi32, #tpu.memory_space<hbm>> -> memref<16x1xi32, #tpu.memory_space<hbm>>
      tpu.enqueue_dma source(%dma_start3A_588 : memref<16x1xi32, #tpu.memory_space<hbm>>) target(%arg6 : memref<16x1xi32, #tpu.memory_space<vmem>>) target_semaphore(%run_scoped3A : memref<!tpu.dma_semaphore, #tpu.memory_space<semaphore_mem>>)
      %dma_wait3A_589 = arith.constant 0 : i32
      %dma_wait3A_590 = tpu.memref_slice %arg3[%mul3A_2, %dma_wait3A_589] : memref<512x1xi32, #tpu.memory_space<hbm>> -> memref<16x1xi32, #tpu.memory_space<hbm>>
      %dma_wait3A_591 = arith.constant 0 : i32
      %dma_wait3A_592 = tpu.memref_slice %arg3[%mul3A_2, %dma_wait3A_591] : memref<512x1xi32, #tpu.memory_space<hbm>> -> memref<16x1xi32, #tpu.memory_space<hbm>>
      tpu.wait_dma2 semaphore(%run_scoped3A : memref<!tpu.dma_semaphore, #tpu.memory_space<semaphore_mem>>) src(%dma_wait3A_592 : memref<16x1xi32, #tpu.memory_space<hbm>>) dst(%arg6 : memref<16x1xi32, #tpu.memory_space<vmem>>)
      tpu.yield
    }) : () -> ()
    %dma_start3A = arith.constant 0 : i32
    %dma_start3A_3 = arith.constant 0 : i32
    %dma_start3A_4 = tpu.memref_slice %arg6[%dma_start3A, %dma_start3A_3] : memref<16x1xi32, #tpu.memory_space<vmem>> -> memref<1x1xi32, #tpu.memory_space<vmem>>
    %dma_start3A_5 = tpu.memref_squeeze %dma_start3A_4 : memref<1x1xi32, #tpu.memory_space<vmem>> -> memref<1xi32, #tpu.memory_space<vmem>>
    %dma_start3A_6 = arith.constant 0 : i32
    %dma_start3A_7 = arith.constant 0 : i32
    %dma_start3A_8 = tpu.memref_slice %arg2[%dma_start3A_6, %dma_start3A_7] : memref<128x12288xf32, #tpu.memory_space<hbm>> -> memref<128x12288xf32, #tpu.memory_space<hbm>>
    tpu.enqueue_indirect_dma source(%dma_start3A_8 : memref<128x12288xf32, #tpu.memory_space<hbm>>) target(%arg7 : memref<1x12288xf32, #tpu.memory_space<vmem>>) offsets(%dma_start3A_5 : memref<1xi32, #tpu.memory_space<vmem>>) semaphore(%arg11 : memref<!tpu.dma_semaphore, #tpu.memory_space<semaphore_mem>>)
    %dma_start3A_9 = arith.constant 1 : i32
    %dma_start3A_10 = arith.constant 0 : i32
    %dma_start3A_11 = tpu.memref_slice %arg6[%dma_start3A_9, %dma_start3A_10] : memref<16x1xi32, #tpu.memory_space<vmem>> -> memref<1x1xi32, #tpu.memory_space<vmem>>
    %dma_start3A_12 = tpu.memref_squeeze %dma_start3A_11 : memref<1x1xi32, #tpu.memory_space<vmem>> -> memref<1xi32, #tpu.memory_space<vmem>>
    %dma_start3A_13 = arith.constant 0 : i32
    %dma_start3A_14 = arith.constant 0 : i32
    %dma_start3A_15 = tpu.memref_slice %arg2[%dma_start3A_13, %dma_start3A_14] : memref<128x12288xf32, #tpu.memory_space<hbm>> -> memref<128x12288xf32, #tpu.memory_space<hbm>>
    tpu.enqueue_indirect_dma source(%dma_start3A_15 : memref<128x12288xf32, #tpu.memory_space<hbm>>) target(%arg8 : memref<1x12288xf32, #tpu.memory_space<vmem>>) offsets(%dma_start3A_12 : memref<1xi32, #tpu.memory_space<vmem>>) semaphore(%arg12 : memref<!tpu.dma_semaphore, #tpu.memory_space<semaphore_mem>>)
    %dma_wait3A = arith.constant 0 : i32
    %dma_wait3A_16 = arith.constant 0 : i32
    %dma_wait3A_17 = tpu.memref_slice %arg6[%dma_wait3A, %dma_wait3A_16] : memref<16x1xi32, #tpu.memory_space<vmem>> -> memref<1x1xi32, #tpu.memory_space<vmem>>
    %dma_wait3A_18 = tpu.memref_squeeze %dma_wait3A_17 : memref<1x1xi32, #tpu.memory_space<vmem>> -> memref<1xi32, #tpu.memory_space<vmem>>
    %dma_wait3A_19 = arith.constant 0 : i32
    %dma_wait3A_20 = arith.constant 0 : i32
    %dma_wait3A_21 = tpu.memref_slice %arg2[%dma_wait3A_19, %dma_wait3A_20] : memref<128x12288xf32, #tpu.memory_space<hbm>> -> memref<128x12288xf32, #tpu.memory_space<hbm>>
    tpu.wait_indirect_dma semaphore(%arg11 : memref<!tpu.dma_semaphore, #tpu.memory_space<semaphore_mem>>) src(%dma_wait3A_21 : memref<128x12288xf32, #tpu.memory_space<hbm>>) dst(%arg7 : memref<1x12288xf32, #tpu.memory_space<vmem>>)
    %add3A_22 = arith.constant 0 : i32
    %add3A_23 = arith.addi %mul3A_2, %add3A_22 : i32
    %dma_start3A_24 = arith.constant 0 : i32
    %dma_start3A_25 = arith.constant 36864 : i32
    %dma_start3A_26 = tpu.memref_slice %arg4[%dma_start3A_24, %dma_start3A_25] : memref<512x49152xf32, #tpu.memory_space<hbm>> -> memref<512x12288xf32, #tpu.memory_space<hbm>>
    %dma_start3A_27 = arith.constant 0 : i32
    %dma_start3A_28 = tpu.memref_slice %dma_start3A_26[%add3A_23, %dma_start3A_27] : memref<512x12288xf32, #tpu.memory_space<hbm>> -> memref<1x12288xf32, #tpu.memory_space<hbm>>
    %dma_start3A_29 = arith.constant 0 : i32
    %dma_start3A_30 = arith.constant 36864 : i32
    %dma_start3A_31 = tpu.memref_slice %arg4[%dma_start3A_29, %dma_start3A_30] : memref<512x49152xf32, #tpu.memory_space<hbm>> -> memref<512x12288xf32, #tpu.memory_space<hbm>>
    %dma_start3A_32 = arith.constant 0 : i32
    %dma_start3A_33 = tpu.memref_slice %dma_start3A_31[%add3A_23, %dma_start3A_32] : memref<512x12288xf32, #tpu.memory_space<hbm>> -> memref<1x12288xf32, #tpu.memory_space<hbm>>
    tpu.enqueue_dma source(%arg7 : memref<1x12288xf32, #tpu.memory_space<vmem>>) target(%dma_start3A_33 : memref<1x12288xf32, #tpu.memory_space<hbm>>) target_semaphore(%arg15 : memref<!tpu.dma_semaphore, #tpu.memory_space<semaphore_mem>>)
    %dma_start3A_34 = arith.constant 2 : i32
    %dma_start3A_35 = arith.constant 0 : i32
    %dma_start3A_36 = tpu.memref_slice %arg6[%dma_start3A_34, %dma_start3A_35] : memref<16x1xi32, #tpu.memory_space<vmem>> -> memref<1x1xi32, #tpu.memory_space<vmem>>
    %dma_start3A_37 = tpu.memref_squeeze %dma_start3A_36 : memref<1x1xi32, #tpu.memory_space<vmem>> -> memref<1xi32, #tpu.memory_space<vmem>>
    %dma_start3A_38 = arith.constant 0 : i32
    %dma_start3A_39 = arith.constant 0 : i32
    %dma_start3A_40 = tpu.memref_slice %arg2[%dma_start3A_38, %dma_start3A_39] : memref<128x12288xf32, #tpu.memory_space<hbm>> -> memref<128x12288xf32, #tpu.memory_space<hbm>>
    tpu.enqueue_indirect_dma source(%dma_start3A_40 : memref<128x12288xf32, #tpu.memory_space<hbm>>) target(%arg9 : memref<1x12288xf32, #tpu.memory_space<vmem>>) offsets(%dma_start3A_37 : memref<1xi32, #tpu.memory_space<vmem>>) semaphore(%arg13 : memref<!tpu.dma_semaphore, #tpu.memory_space<semaphore_mem>>)
    %dma_wait3A_41 = arith.constant 1 : i32
    %dma_wait3A_42 = arith.constant 0 : i32
    %dma_wait3A_43 = tpu.memref_slice %arg6[%dma_wait3A_41, %dma_wait3A_42] : memref<16x1xi32, #tpu.memory_space<vmem>> -> memref<1x1xi32, #tpu.memory_space<vmem>>
    %dma_wait3A_44 = tpu.memref_squeeze %dma_wait3A_43 : memref<1x1xi32, #tpu.memory_space<vmem>> -> memref<1xi32, #tpu.memory_space<vmem>>
    %dma_wait3A_45 = arith.constant 0 : i32
    %dma_wait3A_46 = arith.constant 0 : i32
    %dma_wait3A_47 = tpu.memref_slice %arg2[%dma_wait3A_45, %dma_wait3A_46] : memref<128x12288xf32, #tpu.memory_space<hbm>> -> memref<128x12288xf32, #tpu.memory_space<hbm>>
    tpu.wait_indirect_dma semaphore(%arg12 : memref<!tpu.dma_semaphore, #tpu.memory_space<semaphore_mem>>) src(%dma_wait3A_47 : memref<128x12288xf32, #tpu.memory_space<hbm>>) dst(%arg8 : memref<1x12288xf32, #tpu.memory_space<vmem>>)
    %add3A_48 = arith.constant 1 : i32
    %add3A_49 = arith.addi %mul3A_2, %add3A_48 : i32
    %dma_start3A_50 = arith.constant 0 : i32
    %dma_start3A_51 = arith.constant 36864 : i32
    %dma_start3A_52 = tpu.memref_slice %arg4[%dma_start3A_50, %dma_start3A_51] : memref<512x49152xf32, #tpu.memory_space<hbm>> -> memref<512x12288xf32, #tpu.memory_space<hbm>>
    %dma_start3A_53 = arith.constant 0 : i32
    %dma_start3A_54 = tpu.memref_slice %dma_start3A_52[%add3A_49, %dma_start3A_53] : memref<512x12288xf32, #tpu.memory_space<hbm>> -> memref<1x12288xf32, #tpu.memory_space<hbm>>
    %dma_start3A_55 = arith.constant 0 : i32
    %dma_start3A_56 = arith.constant 36864 : i32
    %dma_start3A_57 = tpu.memref_slice %arg4[%dma_start3A_55, %dma_start3A_56] : memref<512x49152xf32, #tpu.memory_space<hbm>> -> memref<512x12288xf32, #tpu.memory_space<hbm>>
    %dma_start3A_58 = arith.constant 0 : i32
    %dma_start3A_59 = tpu.memref_slice %dma_start3A_57[%add3A_49, %dma_start3A_58] : memref<512x12288xf32, #tpu.memory_space<hbm>> -> memref<1x12288xf32, #tpu.memory_space<hbm>>
    tpu.enqueue_dma source(%arg8 : memref<1x12288xf32, #tpu.memory_space<vmem>>) target(%dma_start3A_59 : memref<1x12288xf32, #tpu.memory_space<hbm>>) target_semaphore(%arg16 : memref<!tpu.dma_semaphore, #tpu.memory_space<semaphore_mem>>)
    %dma_start3A_60 = arith.constant 3 : i32
    %dma_start3A_61 = arith.constant 0 : i32
    %dma_start3A_62 = tpu.memref_slice %arg6[%dma_start3A_60, %dma_start3A_61] : memref<16x1xi32, #tpu.memory_space<vmem>> -> memref<1x1xi32, #tpu.memory_space<vmem>>
    %dma_start3A_63 = tpu.memref_squeeze %dma_start3A_62 : memref<1x1xi32, #tpu.memory_space<vmem>> -> memref<1xi32, #tpu.memory_space<vmem>>
    %dma_start3A_64 = arith.constant 0 : i32
    %dma_start3A_65 = arith.constant 0 : i32
    %dma_start3A_66 = tpu.memref_slice %arg2[%dma_start3A_64, %dma_start3A_65] : memref<128x12288xf32, #tpu.memory_space<hbm>> -> memref<128x12288xf32, #tpu.memory_space<hbm>>
    tpu.enqueue_indirect_dma source(%dma_start3A_66 : memref<128x12288xf32, #tpu.memory_space<hbm>>) target(%arg10 : memref<1x12288xf32, #tpu.memory_space<vmem>>) offsets(%dma_start3A_63 : memref<1xi32, #tpu.memory_space<vmem>>) semaphore(%arg14 : memref<!tpu.dma_semaphore, #tpu.memory_space<semaphore_mem>>)
    %dma_wait3A_67 = arith.constant 2 : i32
    %dma_wait3A_68 = arith.constant 0 : i32
    %dma_wait3A_69 = tpu.memref_slice %arg6[%dma_wait3A_67, %dma_wait3A_68] : memref<16x1xi32, #tpu.memory_space<vmem>> -> memref<1x1xi32, #tpu.memory_space<vmem>>
    %dma_wait3A_70 = tpu.memref_squeeze %dma_wait3A_69 : memref<1x1xi32, #tpu.memory_space<vmem>> -> memref<1xi32, #tpu.memory_space<vmem>>
    %dma_wait3A_71 = arith.constant 0 : i32
    %dma_wait3A_72 = arith.constant 0 : i32
    %dma_wait3A_73 = tpu.memref_slice %arg2[%dma_wait3A_71, %dma_wait3A_72] : memref<128x12288xf32, #tpu.memory_space<hbm>> -> memref<128x12288xf32, #tpu.memory_space<hbm>>
    tpu.wait_indirect_dma semaphore(%arg13 : memref<!tpu.dma_semaphore, #tpu.memory_space<semaphore_mem>>) src(%dma_wait3A_73 : memref<128x12288xf32, #tpu.memory_space<hbm>>) dst(%arg9 : memref<1x12288xf32, #tpu.memory_space<vmem>>)
    %add3A_74 = arith.constant 2 : i32
    %add3A_75 = arith.addi %mul3A_2, %add3A_74 : i32
    %dma_start3A_76 = arith.constant 0 : i32
    %dma_start3A_77 = arith.constant 36864 : i32
    %dma_start3A_78 = tpu.memref_slice %arg4[%dma_start3A_76, %dma_start3A_77] : memref<512x49152xf32, #tpu.memory_space<hbm>> -> memref<512x12288xf32, #tpu.memory_space<hbm>>
    %dma_start3A_79 = arith.constant 0 : i32
    %dma_start3A_80 = tpu.memref_slice %dma_start3A_78[%add3A_75, %dma_start3A_79] : memref<512x12288xf32, #tpu.memory_space<hbm>> -> memref<1x12288xf32, #tpu.memory_space<hbm>>
    %dma_start3A_81 = arith.constant 0 : i32
    %dma_start3A_82 = arith.constant 36864 : i32
    %dma_start3A_83 = tpu.memref_slice %arg4[%dma_start3A_81, %dma_start3A_82] : memref<512x49152xf32, #tpu.memory_space<hbm>> -> memref<512x12288xf32, #tpu.memory_space<hbm>>
    %dma_start3A_84 = arith.constant 0 : i32
    %dma_start3A_85 = tpu.memref_slice %dma_start3A_83[%add3A_75, %dma_start3A_84] : memref<512x12288xf32, #tpu.memory_space<hbm>> -> memref<1x12288xf32, #tpu.memory_space<hbm>>
    tpu.enqueue_dma source(%arg9 : memref<1x12288xf32, #tpu.memory_space<vmem>>) target(%dma_start3A_85 : memref<1x12288xf32, #tpu.memory_space<hbm>>) target_semaphore(%arg17 : memref<!tpu.dma_semaphore, #tpu.memory_space<semaphore_mem>>)
    %add3A_86 = arith.constant 0 : i32
    %add3A_87 = arith.addi %mul3A_2, %add3A_86 : i32
    %dma_wait3A_88 = arith.constant 0 : i32
    %dma_wait3A_89 = arith.constant 36864 : i32
    %dma_wait3A_90 = tpu.memref_slice %arg4[%dma_wait3A_88, %dma_wait3A_89] : memref<512x49152xf32, #tpu.memory_space<hbm>> -> memref<512x12288xf32, #tpu.memory_space<hbm>>
    %dma_wait3A_91 = arith.constant 0 : i32
    %dma_wait3A_92 = tpu.memref_slice %dma_wait3A_90[%add3A_87, %dma_wait3A_91] : memref<512x12288xf32, #tpu.memory_space<hbm>> -> memref<1x12288xf32, #tpu.memory_space<hbm>>
    %dma_wait3A_93 = arith.constant 0 : i32
    %dma_wait3A_94 = arith.constant 36864 : i32
    %dma_wait3A_95 = tpu.memref_slice %arg4[%dma_wait3A_93, %dma_wait3A_94] : memref<512x49152xf32, #tpu.memory_space<hbm>> -> memref<512x12288xf32, #tpu.memory_space<hbm>>
    %dma_wait3A_96 = arith.constant 0 : i32
    %dma_wait3A_97 = tpu.memref_slice %dma_wait3A_95[%add3A_87, %dma_wait3A_96] : memref<512x12288xf32, #tpu.memory_space<hbm>> -> memref<1x12288xf32, #tpu.memory_space<hbm>>
    tpu.wait_dma2 semaphore(%arg15 : memref<!tpu.dma_semaphore, #tpu.memory_space<semaphore_mem>>) src(%arg7 : memref<1x12288xf32, #tpu.memory_space<vmem>>) dst(%dma_wait3A_97 : memref<1x12288xf32, #tpu.memory_space<hbm>>)
    %dma_start3A_98 = arith.constant 4 : i32
    %dma_start3A_99 = arith.constant 0 : i32
    %dma_start3A_100 = tpu.memref_slice %arg6[%dma_start3A_98, %dma_start3A_99] : memref<16x1xi32, #tpu.memory_space<vmem>> -> memref<1x1xi32, #tpu.memory_space<vmem>>
    %dma_start3A_101 = tpu.memref_squeeze %dma_start3A_100 : memref<1x1xi32, #tpu.memory_space<vmem>> -> memref<1xi32, #tpu.memory_space<vmem>>
    %dma_start3A_102 = arith.constant 0 : i32
    %dma_start3A_103 = arith.constant 0 : i32
    %dma_start3A_104 = tpu.memref_slice %arg2[%dma_start3A_102, %dma_start3A_103] : memref<128x12288xf32, #tpu.memory_space<hbm>> -> memref<128x12288xf32, #tpu.memory_space<hbm>>
    tpu.enqueue_indirect_dma source(%dma_start3A_104 : memref<128x12288xf32, #tpu.memory_space<hbm>>) target(%arg7 : memref<1x12288xf32, #tpu.memory_space<vmem>>) offsets(%dma_start3A_101 : memref<1xi32, #tpu.memory_space<vmem>>) semaphore(%arg11 : memref<!tpu.dma_semaphore, #tpu.memory_space<semaphore_mem>>)
    %dma_wait3A_105 = arith.constant 3 : i32
    %dma_wait3A_106 = arith.constant 0 : i32
    %dma_wait3A_107 = tpu.memref_slice %arg6[%dma_wait3A_105, %dma_wait3A_106] : memref<16x1xi32, #tpu.memory_space<vmem>> -> memref<1x1xi32, #tpu.memory_space<vmem>>
    %dma_wait3A_108 = tpu.memref_squeeze %dma_wait3A_107 : memref<1x1xi32, #tpu.memory_space<vmem>> -> memref<1xi32, #tpu.memory_space<vmem>>
    %dma_wait3A_109 = arith.constant 0 : i32
    %dma_wait3A_110 = arith.constant 0 : i32
    %dma_wait3A_111 = tpu.memref_slice %arg2[%dma_wait3A_109, %dma_wait3A_110] : memref<128x12288xf32, #tpu.memory_space<hbm>> -> memref<128x12288xf32, #tpu.memory_space<hbm>>
    tpu.wait_indirect_dma semaphore(%arg14 : memref<!tpu.dma_semaphore, #tpu.memory_space<semaphore_mem>>) src(%dma_wait3A_111 : memref<128x12288xf32, #tpu.memory_space<hbm>>) dst(%arg10 : memref<1x12288xf32, #tpu.memory_space<vmem>>)
    %add3A_112 = arith.constant 3 : i32
    %add3A_113 = arith.addi %mul3A_2, %add3A_112 : i32
    %dma_start3A_114 = arith.constant 0 : i32
    %dma_start3A_115 = arith.constant 36864 : i32
    %dma_start3A_116 = tpu.memref_slice %arg4[%dma_start3A_114, %dma_start3A_115] : memref<512x49152xf32, #tpu.memory_space<hbm>> -> memref<512x12288xf32, #tpu.memory_space<hbm>>
    %dma_start3A_117 = arith.constant 0 : i32
    %dma_start3A_118 = tpu.memref_slice %dma_start3A_116[%add3A_113, %dma_start3A_117] : memref<512x12288xf32, #tpu.memory_space<hbm>> -> memref<1x12288xf32, #tpu.memory_space<hbm>>
    %dma_start3A_119 = arith.constant 0 : i32
    %dma_start3A_120 = arith.constant 36864 : i32
    %dma_start3A_121 = tpu.memref_slice %arg4[%dma_start3A_119, %dma_start3A_120] : memref<512x49152xf32, #tpu.memory_space<hbm>> -> memref<512x12288xf32, #tpu.memory_space<hbm>>
    %dma_start3A_122 = arith.constant 0 : i32
    %dma_start3A_123 = tpu.memref_slice %dma_start3A_121[%add3A_113, %dma_start3A_122] : memref<512x12288xf32, #tpu.memory_space<hbm>> -> memref<1x12288xf32, #tpu.memory_space<hbm>>
    tpu.enqueue_dma source(%arg10 : memref<1x12288xf32, #tpu.memory_space<vmem>>) target(%dma_start3A_123 : memref<1x12288xf32, #tpu.memory_space<hbm>>) target_semaphore(%arg18 : memref<!tpu.dma_semaphore, #tpu.memory_space<semaphore_mem>>)
    %add3A_124 = arith.constant 1 : i32
    %add3A_125 = arith.addi %mul3A_2, %add3A_124 : i32
    %dma_wait3A_126 = arith.constant 0 : i32
    %dma_wait3A_127 = arith.constant 36864 : i32
    %dma_wait3A_128 = tpu.memref_slice %arg4[%dma_wait3A_126, %dma_wait3A_127] : memref<512x49152xf32, #tpu.memory_space<hbm>> -> memref<512x12288xf32, #tpu.memory_space<hbm>>
    %dma_wait3A_129 = arith.constant 0 : i32
    %dma_wait3A_130 = tpu.memref_slice %dma_wait3A_128[%add3A_125, %dma_wait3A_129] : memref<512x12288xf32, #tpu.memory_space<hbm>> -> memref<1x12288xf32, #tpu.memory_space<hbm>>
    %dma_wait3A_131 = arith.constant 0 : i32
    %dma_wait3A_132 = arith.constant 36864 : i32
    %dma_wait3A_133 = tpu.memref_slice %arg4[%dma_wait3A_131, %dma_wait3A_132] : memref<512x49152xf32, #tpu.memory_space<hbm>> -> memref<512x12288xf32, #tpu.memory_space<hbm>>
    %dma_wait3A_134 = arith.constant 0 : i32
    %dma_wait3A_135 = tpu.memref_slice %dma_wait3A_133[%add3A_125, %dma_wait3A_134] : memref<512x12288xf32, #tpu.memory_space<hbm>> -> memref<1x12288xf32, #tpu.memory_space<hbm>>
    tpu.wait_dma2 semaphore(%arg16 : memref<!tpu.dma_semaphore, #tpu.memory_space<semaphore_mem>>) src(%arg8 : memref<1x12288xf32, #tpu.memory_space<vmem>>) dst(%dma_wait3A_135 : memref<1x12288xf32, #tpu.memory_space<hbm>>)
    %dma_start3A_136 = arith.constant 5 : i32
    %dma_start3A_137 = arith.constant 0 : i32
    %dma_start3A_138 = tpu.memref_slice %arg6[%dma_start3A_136, %dma_start3A_137] : memref<16x1xi32, #tpu.memory_space<vmem>> -> memref<1x1xi32, #tpu.memory_space<vmem>>
    %dma_start3A_139 = tpu.memref_squeeze %dma_start3A_138 : memref<1x1xi32, #tpu.memory_space<vmem>> -> memref<1xi32, #tpu.memory_space<vmem>>
    %dma_start3A_140 = arith.constant 0 : i32
    %dma_start3A_141 = arith.constant 0 : i32
    %dma_start3A_142 = tpu.memref_slice %arg2[%dma_start3A_140, %dma_start3A_141] : memref<128x12288xf32, #tpu.memory_space<hbm>> -> memref<128x12288xf32, #tpu.memory_space<hbm>>
    tpu.enqueue_indirect_dma source(%dma_start3A_142 : memref<128x12288xf32, #tpu.memory_space<hbm>>) target(%arg8 : memref<1x12288xf32, #tpu.memory_space<vmem>>) offsets(%dma_start3A_139 : memref<1xi32, #tpu.memory_space<vmem>>) semaphore(%arg12 : memref<!tpu.dma_semaphore, #tpu.memory_space<semaphore_mem>>)
    %dma_wait3A_143 = arith.constant 4 : i32
    %dma_wait3A_144 = arith.constant 0 : i32
    %dma_wait3A_145 = tpu.memref_slice %arg6[%dma_wait3A_143, %dma_wait3A_144] : memref<16x1xi32, #tpu.memory_space<vmem>> -> memref<1x1xi32, #tpu.memory_space<vmem>>
    %dma_wait3A_146 = tpu.memref_squeeze %dma_wait3A_145 : memref<1x1xi32, #tpu.memory_space<vmem>> -> memref<1xi32, #tpu.memory_space<vmem>>
    %dma_wait3A_147 = arith.constant 0 : i32
    %dma_wait3A_148 = arith.constant 0 : i32
    %dma_wait3A_149 = tpu.memref_slice %arg2[%dma_wait3A_147, %dma_wait3A_148] : memref<128x12288xf32, #tpu.memory_space<hbm>> -> memref<128x12288xf32, #tpu.memory_space<hbm>>
    tpu.wait_indirect_dma semaphore(%arg11 : memref<!tpu.dma_semaphore, #tpu.memory_space<semaphore_mem>>) src(%dma_wait3A_149 : memref<128x12288xf32, #tpu.memory_space<hbm>>) dst(%arg7 : memref<1x12288xf32, #tpu.memory_space<vmem>>)
    %add3A_150 = arith.constant 4 : i32
    %add3A_151 = arith.addi %mul3A_2, %add3A_150 : i32
    %dma_start3A_152 = arith.constant 0 : i32
    %dma_start3A_153 = arith.constant 36864 : i32
    %dma_start3A_154 = tpu.memref_slice %arg4[%dma_start3A_152, %dma_start3A_153] : memref<512x49152xf32, #tpu.memory_space<hbm>> -> memref<512x12288xf32, #tpu.memory_space<hbm>>
    %dma_start3A_155 = arith.constant 0 : i32
    %dma_start3A_156 = tpu.memref_slice %dma_start3A_154[%add3A_151, %dma_start3A_155] : memref<512x12288xf32, #tpu.memory_space<hbm>> -> memref<1x12288xf32, #tpu.memory_space<hbm>>
    %dma_start3A_157 = arith.constant 0 : i32
    %dma_start3A_158 = arith.constant 36864 : i32
    %dma_start3A_159 = tpu.memref_slice %arg4[%dma_start3A_157, %dma_start3A_158] : memref<512x49152xf32, #tpu.memory_space<hbm>> -> memref<512x12288xf32, #tpu.memory_space<hbm>>
    %dma_start3A_160 = arith.constant 0 : i32
    %dma_start3A_161 = tpu.memref_slice %dma_start3A_159[%add3A_151, %dma_start3A_160] : memref<512x12288xf32, #tpu.memory_space<hbm>> -> memref<1x12288xf32, #tpu.memory_space<hbm>>
    tpu.enqueue_dma source(%arg7 : memref<1x12288xf32, #tpu.memory_space<vmem>>) target(%dma_start3A_161 : memref<1x12288xf32, #tpu.memory_space<hbm>>) target_semaphore(%arg15 : memref<!tpu.dma_semaphore, #tpu.memory_space<semaphore_mem>>)
    %add3A_162 = arith.constant 2 : i32
    %add3A_163 = arith.addi %mul3A_2, %add3A_162 : i32
    %dma_wait3A_164 = arith.constant 0 : i32
    %dma_wait3A_165 = arith.constant 36864 : i32
    %dma_wait3A_166 = tpu.memref_slice %arg4[%dma_wait3A_164, %dma_wait3A_165] : memref<512x49152xf32, #tpu.memory_space<hbm>> -> memref<512x12288xf32, #tpu.memory_space<hbm>>
    %dma_wait3A_167 = arith.constant 0 : i32
    %dma_wait3A_168 = tpu.memref_slice %dma_wait3A_166[%add3A_163, %dma_wait3A_167] : memref<512x12288xf32, #tpu.memory_space<hbm>> -> memref<1x12288xf32, #tpu.memory_space<hbm>>
    %dma_wait3A_169 = arith.constant 0 : i32
    %dma_wait3A_170 = arith.constant 36864 : i32
    %dma_wait3A_171 = tpu.memref_slice %arg4[%dma_wait3A_169, %dma_wait3A_170] : memref<512x49152xf32, #tpu.memory_space<hbm>> -> memref<512x12288xf32, #tpu.memory_space<hbm>>
    %dma_wait3A_172 = arith.constant 0 : i32
    %dma_wait3A_173 = tpu.memref_slice %dma_wait3A_171[%add3A_163, %dma_wait3A_172] : memref<512x12288xf32, #tpu.memory_space<hbm>> -> memref<1x12288xf32, #tpu.memory_space<hbm>>
    tpu.wait_dma2 semaphore(%arg17 : memref<!tpu.dma_semaphore, #tpu.memory_space<semaphore_mem>>) src(%arg9 : memref<1x12288xf32, #tpu.memory_space<vmem>>) dst(%dma_wait3A_173 : memref<1x12288xf32, #tpu.memory_space<hbm>>)
    %dma_start3A_174 = arith.constant 6 : i32
    %dma_start3A_175 = arith.constant 0 : i32
    %dma_start3A_176 = tpu.memref_slice %arg6[%dma_start3A_174, %dma_start3A_175] : memref<16x1xi32, #tpu.memory_space<vmem>> -> memref<1x1xi32, #tpu.memory_space<vmem>>
    %dma_start3A_177 = tpu.memref_squeeze %dma_start3A_176 : memref<1x1xi32, #tpu.memory_space<vmem>> -> memref<1xi32, #tpu.memory_space<vmem>>
    %dma_start3A_178 = arith.constant 0 : i32
    %dma_start3A_179 = arith.constant 0 : i32
    %dma_start3A_180 = tpu.memref_slice %arg2[%dma_start3A_178, %dma_start3A_179] : memref<128x12288xf32, #tpu.memory_space<hbm>> -> memref<128x12288xf32, #tpu.memory_space<hbm>>
    tpu.enqueue_indirect_dma source(%dma_start3A_180 : memref<128x12288xf32, #tpu.memory_space<hbm>>) target(%arg9 : memref<1x12288xf32, #tpu.memory_space<vmem>>) offsets(%dma_start3A_177 : memref<1xi32, #tpu.memory_space<vmem>>) semaphore(%arg13 : memref<!tpu.dma_semaphore, #tpu.memory_space<semaphore_mem>>)
    %dma_wait3A_181 = arith.constant 5 : i32
    %dma_wait3A_182 = arith.constant 0 : i32
    %dma_wait3A_183 = tpu.memref_slice %arg6[%dma_wait3A_181, %dma_wait3A_182] : memref<16x1xi32, #tpu.memory_space<vmem>> -> memref<1x1xi32, #tpu.memory_space<vmem>>
    %dma_wait3A_184 = tpu.memref_squeeze %dma_wait3A_183 : memref<1x1xi32, #tpu.memory_space<vmem>> -> memref<1xi32, #tpu.memory_space<vmem>>
    %dma_wait3A_185 = arith.constant 0 : i32
    %dma_wait3A_186 = arith.constant 0 : i32
    %dma_wait3A_187 = tpu.memref_slice %arg2[%dma_wait3A_185, %dma_wait3A_186] : memref<128x12288xf32, #tpu.memory_space<hbm>> -> memref<128x12288xf32, #tpu.memory_space<hbm>>
    tpu.wait_indirect_dma semaphore(%arg12 : memref<!tpu.dma_semaphore, #tpu.memory_space<semaphore_mem>>) src(%dma_wait3A_187 : memref<128x12288xf32, #tpu.memory_space<hbm>>) dst(%arg8 : memref<1x12288xf32, #tpu.memory_space<vmem>>)
    %add3A_188 = arith.constant 5 : i32
    %add3A_189 = arith.addi %mul3A_2, %add3A_188 : i32
    %dma_start3A_190 = arith.constant 0 : i32
    %dma_start3A_191 = arith.constant 36864 : i32
    %dma_start3A_192 = tpu.memref_slice %arg4[%dma_start3A_190, %dma_start3A_191] : memref<512x49152xf32, #tpu.memory_space<hbm>> -> memref<512x12288xf32, #tpu.memory_space<hbm>>
    %dma_start3A_193 = arith.constant 0 : i32
    %dma_start3A_194 = tpu.memref_slice %dma_start3A_192[%add3A_189, %dma_start3A_193] : memref<512x12288xf32, #tpu.memory_space<hbm>> -> memref<1x12288xf32, #tpu.memory_space<hbm>>
    %dma_start3A_195 = arith.constant 0 : i32
    %dma_start3A_196 = arith.constant 36864 : i32
    %dma_start3A_197 = tpu.memref_slice %arg4[%dma_start3A_195, %dma_start3A_196] : memref<512x49152xf32, #tpu.memory_space<hbm>> -> memref<512x12288xf32, #tpu.memory_space<hbm>>
    %dma_start3A_198 = arith.constant 0 : i32
    %dma_start3A_199 = tpu.memref_slice %dma_start3A_197[%add3A_189, %dma_start3A_198] : memref<512x12288xf32, #tpu.memory_space<hbm>> -> memref<1x12288xf32, #tpu.memory_space<hbm>>
    tpu.enqueue_dma source(%arg8 : memref<1x12288xf32, #tpu.memory_space<vmem>>) target(%dma_start3A_199 : memref<1x12288xf32, #tpu.memory_space<hbm>>) target_semaphore(%arg16 : memref<!tpu.dma_semaphore, #tpu.memory_space<semaphore_mem>>)
    %add3A_200 = arith.constant 3 : i32
    %add3A_201 = arith.addi %mul3A_2, %add3A_200 : i32
    %dma_wait3A_202 = arith.constant 0 : i32
    %dma_wait3A_203 = arith.constant 36864 : i32
    %dma_wait3A_204 = tpu.memref_slice %arg4[%dma_wait3A_202, %dma_wait3A_203] : memref<512x49152xf32, #tpu.memory_space<hbm>> -> memref<512x12288xf32, #tpu.memory_space<hbm>>
    %dma_wait3A_205 = arith.constant 0 : i32
    %dma_wait3A_206 = tpu.memref_slice %dma_wait3A_204[%add3A_201, %dma_wait3A_205] : memref<512x12288xf32, #tpu.memory_space<hbm>> -> memref<1x12288xf32, #tpu.memory_space<hbm>>
    %dma_wait3A_207 = arith.constant 0 : i32
    %dma_wait3A_208 = arith.constant 36864 : i32
    %dma_wait3A_209 = tpu.memref_slice %arg4[%dma_wait3A_207, %dma_wait3A_208] : memref<512x49152xf32, #tpu.memory_space<hbm>> -> memref<512x12288xf32, #tpu.memory_space<hbm>>
    %dma_wait3A_210 = arith.constant 0 : i32
    %dma_wait3A_211 = tpu.memref_slice %dma_wait3A_209[%add3A_201, %dma_wait3A_210] : memref<512x12288xf32, #tpu.memory_space<hbm>> -> memref<1x12288xf32, #tpu.memory_space<hbm>>
    tpu.wait_dma2 semaphore(%arg18 : memref<!tpu.dma_semaphore, #tpu.memory_space<semaphore_mem>>) src(%arg10 : memref<1x12288xf32, #tpu.memory_space<vmem>>) dst(%dma_wait3A_211 : memref<1x12288xf32, #tpu.memory_space<hbm>>)
    %dma_start3A_212 = arith.constant 7 : i32
    %dma_start3A_213 = arith.constant 0 : i32
    %dma_start3A_214 = tpu.memref_slice %arg6[%dma_start3A_212, %dma_start3A_213] : memref<16x1xi32, #tpu.memory_space<vmem>> -> memref<1x1xi32, #tpu.memory_space<vmem>>
    %dma_start3A_215 = tpu.memref_squeeze %dma_start3A_214 : memref<1x1xi32, #tpu.memory_space<vmem>> -> memref<1xi32, #tpu.memory_space<vmem>>
    %dma_start3A_216 = arith.constant 0 : i32
    %dma_start3A_217 = arith.constant 0 : i32
    %dma_start3A_218 = tpu.memref_slice %arg2[%dma_start3A_216, %dma_start3A_217] : memref<128x12288xf32, #tpu.memory_space<hbm>> -> memref<128x12288xf32, #tpu.memory_space<hbm>>
    tpu.enqueue_indirect_dma source(%dma_start3A_218 : memref<128x12288xf32, #tpu.memory_space<hbm>>) target(%arg10 : memref<1x12288xf32, #tpu.memory_space<vmem>>) offsets(%dma_start3A_215 : memref<1xi32, #tpu.memory_space<vmem>>) semaphore(%arg14 : memref<!tpu.dma_semaphore, #tpu.memory_space<semaphore_mem>>)
    %dma_wait3A_219 = arith.constant 6 : i32
    %dma_wait3A_220 = arith.constant 0 : i32
    %dma_wait3A_221 = tpu.memref_slice %arg6[%dma_wait3A_219, %dma_wait3A_220] : memref<16x1xi32, #tpu.memory_space<vmem>> -> memref<1x1xi32, #tpu.memory_space<vmem>>
    %dma_wait3A_222 = tpu.memref_squeeze %dma_wait3A_221 : memref<1x1xi32, #tpu.memory_space<vmem>> -> memref<1xi32, #tpu.memory_space<vmem>>
    %dma_wait3A_223 = arith.constant 0 : i32
    %dma_wait3A_224 = arith.constant 0 : i32
    %dma_wait3A_225 = tpu.memref_slice %arg2[%dma_wait3A_223, %dma_wait3A_224] : memref<128x12288xf32, #tpu.memory_space<hbm>> -> memref<128x12288xf32, #tpu.memory_space<hbm>>
    tpu.wait_indirect_dma semaphore(%arg13 : memref<!tpu.dma_semaphore, #tpu.memory_space<semaphore_mem>>) src(%dma_wait3A_225 : memref<128x12288xf32, #tpu.memory_space<hbm>>) dst(%arg9 : memref<1x12288xf32, #tpu.memory_space<vmem>>)
    %add3A_226 = arith.constant 6 : i32
    %add3A_227 = arith.addi %mul3A_2, %add3A_226 : i32
    %dma_start3A_228 = arith.constant 0 : i32
    %dma_start3A_229 = arith.constant 36864 : i32
    %dma_start3A_230 = tpu.memref_slice %arg4[%dma_start3A_228, %dma_start3A_229] : memref<512x49152xf32, #tpu.memory_space<hbm>> -> memref<512x12288xf32, #tpu.memory_space<hbm>>
    %dma_start3A_231 = arith.constant 0 : i32
    %dma_start3A_232 = tpu.memref_slice %dma_start3A_230[%add3A_227, %dma_start3A_231] : memref<512x12288xf32, #tpu.memory_space<hbm>> -> memref<1x12288xf32, #tpu.memory_space<hbm>>
    %dma_start3A_233 = arith.constant 0 : i32
    %dma_start3A_234 = arith.constant 36864 : i32
    %dma_start3A_235 = tpu.memref_slice %arg4[%dma_start3A_233, %dma_start3A_234] : memref<512x49152xf32, #tpu.memory_space<hbm>> -> memref<512x12288xf32, #tpu.memory_space<hbm>>
    %dma_start3A_236 = arith.constant 0 : i32
    %dma_start3A_237 = tpu.memref_slice %dma_start3A_235[%add3A_227, %dma_start3A_236] : memref<512x12288xf32, #tpu.memory_space<hbm>> -> memref<1x12288xf32, #tpu.memory_space<hbm>>
    tpu.enqueue_dma source(%arg9 : memref<1x12288xf32, #tpu.memory_space<vmem>>) target(%dma_start3A_237 : memref<1x12288xf32, #tpu.memory_space<hbm>>) target_semaphore(%arg17 : memref<!tpu.dma_semaphore, #tpu.memory_space<semaphore_mem>>)
    %add3A_238 = arith.constant 4 : i32
    %add3A_239 = arith.addi %mul3A_2, %add3A_238 : i32
    %dma_wait3A_240 = arith.constant 0 : i32
    %dma_wait3A_241 = arith.constant 36864 : i32
    %dma_wait3A_242 = tpu.memref_slice %arg4[%dma_wait3A_240, %dma_wait3A_241] : memref<512x49152xf32, #tpu.memory_space<hbm>> -> memref<512x12288xf32, #tpu.memory_space<hbm>>
    %dma_wait3A_243 = arith.constant 0 : i32
    %dma_wait3A_244 = tpu.memref_slice %dma_wait3A_242[%add3A_239, %dma_wait3A_243] : memref<512x12288xf32, #tpu.memory_space<hbm>> -> memref<1x12288xf32, #tpu.memory_space<hbm>>
    %dma_wait3A_245 = arith.constant 0 : i32
    %dma_wait3A_246 = arith.constant 36864 : i32
    %dma_wait3A_247 = tpu.memref_slice %arg4[%dma_wait3A_245, %dma_wait3A_246] : memref<512x49152xf32, #tpu.memory_space<hbm>> -> memref<512x12288xf32, #tpu.memory_space<hbm>>
    %dma_wait3A_248 = arith.constant 0 : i32
    %dma_wait3A_249 = tpu.memref_slice %dma_wait3A_247[%add3A_239, %dma_wait3A_248] : memref<512x12288xf32, #tpu.memory_space<hbm>> -> memref<1x12288xf32, #tpu.memory_space<hbm>>
    tpu.wait_dma2 semaphore(%arg15 : memref<!tpu.dma_semaphore, #tpu.memory_space<semaphore_mem>>) src(%arg7 : memref<1x12288xf32, #tpu.memory_space<vmem>>) dst(%dma_wait3A_249 : memref<1x12288xf32, #tpu.memory_space<hbm>>)
    %dma_start3A_250 = arith.constant 8 : i32
    %dma_start3A_251 = arith.constant 0 : i32
    %dma_start3A_252 = tpu.memref_slice %arg6[%dma_start3A_250, %dma_start3A_251] : memref<16x1xi32, #tpu.memory_space<vmem>> -> memref<1x1xi32, #tpu.memory_space<vmem>>
    %dma_start3A_253 = tpu.memref_squeeze %dma_start3A_252 : memref<1x1xi32, #tpu.memory_space<vmem>> -> memref<1xi32, #tpu.memory_space<vmem>>
    %dma_start3A_254 = arith.constant 0 : i32
    %dma_start3A_255 = arith.constant 0 : i32
    %dma_start3A_256 = tpu.memref_slice %arg2[%dma_start3A_254, %dma_start3A_255] : memref<128x12288xf32, #tpu.memory_space<hbm>> -> memref<128x12288xf32, #tpu.memory_space<hbm>>
    tpu.enqueue_indirect_dma source(%dma_start3A_256 : memref<128x12288xf32, #tpu.memory_space<hbm>>) target(%arg7 : memref<1x12288xf32, #tpu.memory_space<vmem>>) offsets(%dma_start3A_253 : memref<1xi32, #tpu.memory_space<vmem>>) semaphore(%arg11 : memref<!tpu.dma_semaphore, #tpu.memory_space<semaphore_mem>>)
    %dma_wait3A_257 = arith.constant 7 : i32
    %dma_wait3A_258 = arith.constant 0 : i32
    %dma_wait3A_259 = tpu.memref_slice %arg6[%dma_wait3A_257, %dma_wait3A_258] : memref<16x1xi32, #tpu.memory_space<vmem>> -> memref<1x1xi32, #tpu.memory_space<vmem>>
    %dma_wait3A_260 = tpu.memref_squeeze %dma_wait3A_259 : memref<1x1xi32, #tpu.memory_space<vmem>> -> memref<1xi32, #tpu.memory_space<vmem>>
    %dma_wait3A_261 = arith.constant 0 : i32
    %dma_wait3A_262 = arith.constant 0 : i32
    %dma_wait3A_263 = tpu.memref_slice %arg2[%dma_wait3A_261, %dma_wait3A_262] : memref<128x12288xf32, #tpu.memory_space<hbm>> -> memref<128x12288xf32, #tpu.memory_space<hbm>>
    tpu.wait_indirect_dma semaphore(%arg14 : memref<!tpu.dma_semaphore, #tpu.memory_space<semaphore_mem>>) src(%dma_wait3A_263 : memref<128x12288xf32, #tpu.memory_space<hbm>>) dst(%arg10 : memref<1x12288xf32, #tpu.memory_space<vmem>>)
    %add3A_264 = arith.constant 7 : i32
    %add3A_265 = arith.addi %mul3A_2, %add3A_264 : i32
    %dma_start3A_266 = arith.constant 0 : i32
    %dma_start3A_267 = arith.constant 36864 : i32
    %dma_start3A_268 = tpu.memref_slice %arg4[%dma_start3A_266, %dma_start3A_267] : memref<512x49152xf32, #tpu.memory_space<hbm>> -> memref<512x12288xf32, #tpu.memory_space<hbm>>
    %dma_start3A_269 = arith.constant 0 : i32
    %dma_start3A_270 = tpu.memref_slice %dma_start3A_268[%add3A_265, %dma_start3A_269] : memref<512x12288xf32, #tpu.memory_space<hbm>> -> memref<1x12288xf32, #tpu.memory_space<hbm>>
    %dma_start3A_271 = arith.constant 0 : i32
    %dma_start3A_272 = arith.constant 36864 : i32
    %dma_start3A_273 = tpu.memref_slice %arg4[%dma_start3A_271, %dma_start3A_272] : memref<512x49152xf32, #tpu.memory_space<hbm>> -> memref<512x12288xf32, #tpu.memory_space<hbm>>
    %dma_start3A_274 = arith.constant 0 : i32
    %dma_start3A_275 = tpu.memref_slice %dma_start3A_273[%add3A_265, %dma_start3A_274] : memref<512x12288xf32, #tpu.memory_space<hbm>> -> memref<1x12288xf32, #tpu.memory_space<hbm>>
    tpu.enqueue_dma source(%arg10 : memref<1x12288xf32, #tpu.memory_space<vmem>>) target(%dma_start3A_275 : memref<1x12288xf32, #tpu.memory_space<hbm>>) target_semaphore(%arg18 : memref<!tpu.dma_semaphore, #tpu.memory_space<semaphore_mem>>)
    %add3A_276 = arith.constant 5 : i32
    %add3A_277 = arith.addi %mul3A_2, %add3A_276 : i32
    %dma_wait3A_278 = arith.constant 0 : i32
    %dma_wait3A_279 = arith.constant 36864 : i32
    %dma_wait3A_280 = tpu.memref_slice %arg4[%dma_wait3A_278, %dma_wait3A_279] : memref<512x49152xf32, #tpu.memory_space<hbm>> -> memref<512x12288xf32, #tpu.memory_space<hbm>>
    %dma_wait3A_281 = arith.constant 0 : i32
    %dma_wait3A_282 = tpu.memref_slice %dma_wait3A_280[%add3A_277, %dma_wait3A_281] : memref<512x12288xf32, #tpu.memory_space<hbm>> -> memref<1x12288xf32, #tpu.memory_space<hbm>>
    %dma_wait3A_283 = arith.constant 0 : i32
    %dma_wait3A_284 = arith.constant 36864 : i32
    %dma_wait3A_285 = tpu.memref_slice %arg4[%dma_wait3A_283, %dma_wait3A_284] : memref<512x49152xf32, #tpu.memory_space<hbm>> -> memref<512x12288xf32, #tpu.memory_space<hbm>>
    %dma_wait3A_286 = arith.constant 0 : i32
    %dma_wait3A_287 = tpu.memref_slice %dma_wait3A_285[%add3A_277, %dma_wait3A_286] : memref<512x12288xf32, #tpu.memory_space<hbm>> -> memref<1x12288xf32, #tpu.memory_space<hbm>>
    tpu.wait_dma2 semaphore(%arg16 : memref<!tpu.dma_semaphore, #tpu.memory_space<semaphore_mem>>) src(%arg8 : memref<1x12288xf32, #tpu.memory_space<vmem>>) dst(%dma_wait3A_287 : memref<1x12288xf32, #tpu.memory_space<hbm>>)
    %dma_start3A_288 = arith.constant 9 : i32
    %dma_start3A_289 = arith.constant 0 : i32
    %dma_start3A_290 = tpu.memref_slice %arg6[%dma_start3A_288, %dma_start3A_289] : memref<16x1xi32, #tpu.memory_space<vmem>> -> memref<1x1xi32, #tpu.memory_space<vmem>>
    %dma_start3A_291 = tpu.memref_squeeze %dma_start3A_290 : memref<1x1xi32, #tpu.memory_space<vmem>> -> memref<1xi32, #tpu.memory_space<vmem>>
    %dma_start3A_292 = arith.constant 0 : i32
    %dma_start3A_293 = arith.constant 0 : i32
    %dma_start3A_294 = tpu.memref_slice %arg2[%dma_start3A_292, %dma_start3A_293] : memref<128x12288xf32, #tpu.memory_space<hbm>> -> memref<128x12288xf32, #tpu.memory_space<hbm>>
    tpu.enqueue_indirect_dma source(%dma_start3A_294 : memref<128x12288xf32, #tpu.memory_space<hbm>>) target(%arg8 : memref<1x12288xf32, #tpu.memory_space<vmem>>) offsets(%dma_start3A_291 : memref<1xi32, #tpu.memory_space<vmem>>) semaphore(%arg12 : memref<!tpu.dma_semaphore, #tpu.memory_space<semaphore_mem>>)
    %dma_wait3A_295 = arith.constant 8 : i32
    %dma_wait3A_296 = arith.constant 0 : i32
    %dma_wait3A_297 = tpu.memref_slice %arg6[%dma_wait3A_295, %dma_wait3A_296] : memref<16x1xi32, #tpu.memory_space<vmem>> -> memref<1x1xi32, #tpu.memory_space<vmem>>
    %dma_wait3A_298 = tpu.memref_squeeze %dma_wait3A_297 : memref<1x1xi32, #tpu.memory_space<vmem>> -> memref<1xi32, #tpu.memory_space<vmem>>
    %dma_wait3A_299 = arith.constant 0 : i32
    %dma_wait3A_300 = arith.constant 0 : i32
    %dma_wait3A_301 = tpu.memref_slice %arg2[%dma_wait3A_299, %dma_wait3A_300] : memref<128x12288xf32, #tpu.memory_space<hbm>> -> memref<128x12288xf32, #tpu.memory_space<hbm>>
    tpu.wait_indirect_dma semaphore(%arg11 : memref<!tpu.dma_semaphore, #tpu.memory_space<semaphore_mem>>) src(%dma_wait3A_301 : memref<128x12288xf32, #tpu.memory_space<hbm>>) dst(%arg7 : memref<1x12288xf32, #tpu.memory_space<vmem>>)
    %add3A_302 = arith.constant 8 : i32
    %add3A_303 = arith.addi %mul3A_2, %add3A_302 : i32
    %dma_start3A_304 = arith.constant 0 : i32
    %dma_start3A_305 = arith.constant 36864 : i32
    %dma_start3A_306 = tpu.memref_slice %arg4[%dma_start3A_304, %dma_start3A_305] : memref<512x49152xf32, #tpu.memory_space<hbm>> -> memref<512x12288xf32, #tpu.memory_space<hbm>>
    %dma_start3A_307 = arith.constant 0 : i32
    %dma_start3A_308 = tpu.memref_slice %dma_start3A_306[%add3A_303, %dma_start3A_307] : memref<512x12288xf32, #tpu.memory_space<hbm>> -> memref<1x12288xf32, #tpu.memory_space<hbm>>
    %dma_start3A_309 = arith.constant 0 : i32
    %dma_start3A_310 = arith.constant 36864 : i32
    %dma_start3A_311 = tpu.memref_slice %arg4[%dma_start3A_309, %dma_start3A_310] : memref<512x49152xf32, #tpu.memory_space<hbm>> -> memref<512x12288xf32, #tpu.memory_space<hbm>>
    %dma_start3A_312 = arith.constant 0 : i32
    %dma_start3A_313 = tpu.memref_slice %dma_start3A_311[%add3A_303, %dma_start3A_312] : memref<512x12288xf32, #tpu.memory_space<hbm>> -> memref<1x12288xf32, #tpu.memory_space<hbm>>
    tpu.enqueue_dma source(%arg7 : memref<1x12288xf32, #tpu.memory_space<vmem>>) target(%dma_start3A_313 : memref<1x12288xf32, #tpu.memory_space<hbm>>) target_semaphore(%arg15 : memref<!tpu.dma_semaphore, #tpu.memory_space<semaphore_mem>>)
    %add3A_314 = arith.constant 6 : i32
    %add3A_315 = arith.addi %mul3A_2, %add3A_314 : i32
    %dma_wait3A_316 = arith.constant 0 : i32
    %dma_wait3A_317 = arith.constant 36864 : i32
    %dma_wait3A_318 = tpu.memref_slice %arg4[%dma_wait3A_316, %dma_wait3A_317] : memref<512x49152xf32, #tpu.memory_space<hbm>> -> memref<512x12288xf32, #tpu.memory_space<hbm>>
    %dma_wait3A_319 = arith.constant 0 : i32
    %dma_wait3A_320 = tpu.memref_slice %dma_wait3A_318[%add3A_315, %dma_wait3A_319] : memref<512x12288xf32, #tpu.memory_space<hbm>> -> memref<1x12288xf32, #tpu.memory_space<hbm>>
    %dma_wait3A_321 = arith.constant 0 : i32
    %dma_wait3A_322 = arith.constant 36864 : i32
    %dma_wait3A_323 = tpu.memref_slice %arg4[%dma_wait3A_321, %dma_wait3A_322] : memref<512x49152xf32, #tpu.memory_space<hbm>> -> memref<512x12288xf32, #tpu.memory_space<hbm>>
    %dma_wait3A_324 = arith.constant 0 : i32
    %dma_wait3A_325 = tpu.memref_slice %dma_wait3A_323[%add3A_315, %dma_wait3A_324] : memref<512x12288xf32, #tpu.memory_space<hbm>> -> memref<1x12288xf32, #tpu.memory_space<hbm>>
    tpu.wait_dma2 semaphore(%arg17 : memref<!tpu.dma_semaphore, #tpu.memory_space<semaphore_mem>>) src(%arg9 : memref<1x12288xf32, #tpu.memory_space<vmem>>) dst(%dma_wait3A_325 : memref<1x12288xf32, #tpu.memory_space<hbm>>)
    %dma_start3A_326 = arith.constant 10 : i32
    %dma_start3A_327 = arith.constant 0 : i32
    %dma_start3A_328 = tpu.memref_slice %arg6[%dma_start3A_326, %dma_start3A_327] : memref<16x1xi32, #tpu.memory_space<vmem>> -> memref<1x1xi32, #tpu.memory_space<vmem>>
    %dma_start3A_329 = tpu.memref_squeeze %dma_start3A_328 : memref<1x1xi32, #tpu.memory_space<vmem>> -> memref<1xi32, #tpu.memory_space<vmem>>
    %dma_start3A_330 = arith.constant 0 : i32
    %dma_start3A_331 = arith.constant 0 : i32
    %dma_start3A_332 = tpu.memref_slice %arg2[%dma_start3A_330, %dma_start3A_331] : memref<128x12288xf32, #tpu.memory_space<hbm>> -> memref<128x12288xf32, #tpu.memory_space<hbm>>
    tpu.enqueue_indirect_dma source(%dma_start3A_332 : memref<128x12288xf32, #tpu.memory_space<hbm>>) target(%arg9 : memref<1x12288xf32, #tpu.memory_space<vmem>>) offsets(%dma_start3A_329 : memref<1xi32, #tpu.memory_space<vmem>>) semaphore(%arg13 : memref<!tpu.dma_semaphore, #tpu.memory_space<semaphore_mem>>)
    %dma_wait3A_333 = arith.constant 9 : i32
    %dma_wait3A_334 = arith.constant 0 : i32
    %dma_wait3A_335 = tpu.memref_slice %arg6[%dma_wait3A_333, %dma_wait3A_334] : memref<16x1xi32, #tpu.memory_space<vmem>> -> memref<1x1xi32, #tpu.memory_space<vmem>>
    %dma_wait3A_336 = tpu.memref_squeeze %dma_wait3A_335 : memref<1x1xi32, #tpu.memory_space<vmem>> -> memref<1xi32, #tpu.memory_space<vmem>>
    %dma_wait3A_337 = arith.constant 0 : i32
    %dma_wait3A_338 = arith.constant 0 : i32
    %dma_wait3A_339 = tpu.memref_slice %arg2[%dma_wait3A_337, %dma_wait3A_338] : memref<128x12288xf32, #tpu.memory_space<hbm>> -> memref<128x12288xf32, #tpu.memory_space<hbm>>
    tpu.wait_indirect_dma semaphore(%arg12 : memref<!tpu.dma_semaphore, #tpu.memory_space<semaphore_mem>>) src(%dma_wait3A_339 : memref<128x12288xf32, #tpu.memory_space<hbm>>) dst(%arg8 : memref<1x12288xf32, #tpu.memory_space<vmem>>)
    %add3A_340 = arith.constant 9 : i32
    %add3A_341 = arith.addi %mul3A_2, %add3A_340 : i32
    %dma_start3A_342 = arith.constant 0 : i32
    %dma_start3A_343 = arith.constant 36864 : i32
    %dma_start3A_344 = tpu.memref_slice %arg4[%dma_start3A_342, %dma_start3A_343] : memref<512x49152xf32, #tpu.memory_space<hbm>> -> memref<512x12288xf32, #tpu.memory_space<hbm>>
    %dma_start3A_345 = arith.constant 0 : i32
    %dma_start3A_346 = tpu.memref_slice %dma_start3A_344[%add3A_341, %dma_start3A_345] : memref<512x12288xf32, #tpu.memory_space<hbm>> -> memref<1x12288xf32, #tpu.memory_space<hbm>>
    %dma_start3A_347 = arith.constant 0 : i32
    %dma_start3A_348 = arith.constant 36864 : i32
    %dma_start3A_349 = tpu.memref_slice %arg4[%dma_start3A_347, %dma_start3A_348] : memref<512x49152xf32, #tpu.memory_space<hbm>> -> memref<512x12288xf32, #tpu.memory_space<hbm>>
    %dma_start3A_350 = arith.constant 0 : i32
    %dma_start3A_351 = tpu.memref_slice %dma_start3A_349[%add3A_341, %dma_start3A_350] : memref<512x12288xf32, #tpu.memory_space<hbm>> -> memref<1x12288xf32, #tpu.memory_space<hbm>>
    tpu.enqueue_dma source(%arg8 : memref<1x12288xf32, #tpu.memory_space<vmem>>) target(%dma_start3A_351 : memref<1x12288xf32, #tpu.memory_space<hbm>>) target_semaphore(%arg16 : memref<!tpu.dma_semaphore, #tpu.memory_space<semaphore_mem>>)
    %add3A_352 = arith.constant 7 : i32
    %add3A_353 = arith.addi %mul3A_2, %add3A_352 : i32
    %dma_wait3A_354 = arith.constant 0 : i32
    %dma_wait3A_355 = arith.constant 36864 : i32
    %dma_wait3A_356 = tpu.memref_slice %arg4[%dma_wait3A_354, %dma_wait3A_355] : memref<512x49152xf32, #tpu.memory_space<hbm>> -> memref<512x12288xf32, #tpu.memory_space<hbm>>
    %dma_wait3A_357 = arith.constant 0 : i32
    %dma_wait3A_358 = tpu.memref_slice %dma_wait3A_356[%add3A_353, %dma_wait3A_357] : memref<512x12288xf32, #tpu.memory_space<hbm>> -> memref<1x12288xf32, #tpu.memory_space<hbm>>
    %dma_wait3A_359 = arith.constant 0 : i32
    %dma_wait3A_360 = arith.constant 36864 : i32
    %dma_wait3A_361 = tpu.memref_slice %arg4[%dma_wait3A_359, %dma_wait3A_360] : memref<512x49152xf32, #tpu.memory_space<hbm>> -> memref<512x12288xf32, #tpu.memory_space<hbm>>
    %dma_wait3A_362 = arith.constant 0 : i32
    %dma_wait3A_363 = tpu.memref_slice %dma_wait3A_361[%add3A_353, %dma_wait3A_362] : memref<512x12288xf32, #tpu.memory_space<hbm>> -> memref<1x12288xf32, #tpu.memory_space<hbm>>
    tpu.wait_dma2 semaphore(%arg18 : memref<!tpu.dma_semaphore, #tpu.memory_space<semaphore_mem>>) src(%arg10 : memref<1x12288xf32, #tpu.memory_space<vmem>>) dst(%dma_wait3A_363 : memref<1x12288xf32, #tpu.memory_space<hbm>>)
    %dma_start3A_364 = arith.constant 11 : i32
    %dma_start3A_365 = arith.constant 0 : i32
    %dma_start3A_366 = tpu.memref_slice %arg6[%dma_start3A_364, %dma_start3A_365] : memref<16x1xi32, #tpu.memory_space<vmem>> -> memref<1x1xi32, #tpu.memory_space<vmem>>
    %dma_start3A_367 = tpu.memref_squeeze %dma_start3A_366 : memref<1x1xi32, #tpu.memory_space<vmem>> -> memref<1xi32, #tpu.memory_space<vmem>>
    %dma_start3A_368 = arith.constant 0 : i32
    %dma_start3A_369 = arith.constant 0 : i32
    %dma_start3A_370 = tpu.memref_slice %arg2[%dma_start3A_368, %dma_start3A_369] : memref<128x12288xf32, #tpu.memory_space<hbm>> -> memref<128x12288xf32, #tpu.memory_space<hbm>>
    tpu.enqueue_indirect_dma source(%dma_start3A_370 : memref<128x12288xf32, #tpu.memory_space<hbm>>) target(%arg10 : memref<1x12288xf32, #tpu.memory_space<vmem>>) offsets(%dma_start3A_367 : memref<1xi32, #tpu.memory_space<vmem>>) semaphore(%arg14 : memref<!tpu.dma_semaphore, #tpu.memory_space<semaphore_mem>>)
    %dma_wait3A_371 = arith.constant 10 : i32
    %dma_wait3A_372 = arith.constant 0 : i32
    %dma_wait3A_373 = tpu.memref_slice %arg6[%dma_wait3A_371, %dma_wait3A_372] : memref<16x1xi32, #tpu.memory_space<vmem>> -> memref<1x1xi32, #tpu.memory_space<vmem>>
    %dma_wait3A_374 = tpu.memref_squeeze %dma_wait3A_373 : memref<1x1xi32, #tpu.memory_space<vmem>> -> memref<1xi32, #tpu.memory_space<vmem>>
    %dma_wait3A_375 = arith.constant 0 : i32
    %dma_wait3A_376 = arith.constant 0 : i32
    %dma_wait3A_377 = tpu.memref_slice %arg2[%dma_wait3A_375, %dma_wait3A_376] : memref<128x12288xf32, #tpu.memory_space<hbm>> -> memref<128x12288xf32, #tpu.memory_space<hbm>>
    tpu.wait_indirect_dma semaphore(%arg13 : memref<!tpu.dma_semaphore, #tpu.memory_space<semaphore_mem>>) src(%dma_wait3A_377 : memref<128x12288xf32, #tpu.memory_space<hbm>>) dst(%arg9 : memref<1x12288xf32, #tpu.memory_space<vmem>>)
    %add3A_378 = arith.constant 10 : i32
    %add3A_379 = arith.addi %mul3A_2, %add3A_378 : i32
    %dma_start3A_380 = arith.constant 0 : i32
    %dma_start3A_381 = arith.constant 36864 : i32
    %dma_start3A_382 = tpu.memref_slice %arg4[%dma_start3A_380, %dma_start3A_381] : memref<512x49152xf32, #tpu.memory_space<hbm>> -> memref<512x12288xf32, #tpu.memory_space<hbm>>
    %dma_start3A_383 = arith.constant 0 : i32
    %dma_start3A_384 = tpu.memref_slice %dma_start3A_382[%add3A_379, %dma_start3A_383] : memref<512x12288xf32, #tpu.memory_space<hbm>> -> memref<1x12288xf32, #tpu.memory_space<hbm>>
    %dma_start3A_385 = arith.constant 0 : i32
    %dma_start3A_386 = arith.constant 36864 : i32
    %dma_start3A_387 = tpu.memref_slice %arg4[%dma_start3A_385, %dma_start3A_386] : memref<512x49152xf32, #tpu.memory_space<hbm>> -> memref<512x12288xf32, #tpu.memory_space<hbm>>
    %dma_start3A_388 = arith.constant 0 : i32
    %dma_start3A_389 = tpu.memref_slice %dma_start3A_387[%add3A_379, %dma_start3A_388] : memref<512x12288xf32, #tpu.memory_space<hbm>> -> memref<1x12288xf32, #tpu.memory_space<hbm>>
    tpu.enqueue_dma source(%arg9 : memref<1x12288xf32, #tpu.memory_space<vmem>>) target(%dma_start3A_389 : memref<1x12288xf32, #tpu.memory_space<hbm>>) target_semaphore(%arg17 : memref<!tpu.dma_semaphore, #tpu.memory_space<semaphore_mem>>)
    %add3A_390 = arith.constant 8 : i32
    %add3A_391 = arith.addi %mul3A_2, %add3A_390 : i32
    %dma_wait3A_392 = arith.constant 0 : i32
    %dma_wait3A_393 = arith.constant 36864 : i32
    %dma_wait3A_394 = tpu.memref_slice %arg4[%dma_wait3A_392, %dma_wait3A_393] : memref<512x49152xf32, #tpu.memory_space<hbm>> -> memref<512x12288xf32, #tpu.memory_space<hbm>>
    %dma_wait3A_395 = arith.constant 0 : i32
    %dma_wait3A_396 = tpu.memref_slice %dma_wait3A_394[%add3A_391, %dma_wait3A_395] : memref<512x12288xf32, #tpu.memory_space<hbm>> -> memref<1x12288xf32, #tpu.memory_space<hbm>>
    %dma_wait3A_397 = arith.constant 0 : i32
    %dma_wait3A_398 = arith.constant 36864 : i32
    %dma_wait3A_399 = tpu.memref_slice %arg4[%dma_wait3A_397, %dma_wait3A_398] : memref<512x49152xf32, #tpu.memory_space<hbm>> -> memref<512x12288xf32, #tpu.memory_space<hbm>>
    %dma_wait3A_400 = arith.constant 0 : i32
    %dma_wait3A_401 = tpu.memref_slice %dma_wait3A_399[%add3A_391, %dma_wait3A_400] : memref<512x12288xf32, #tpu.memory_space<hbm>> -> memref<1x12288xf32, #tpu.memory_space<hbm>>
    tpu.wait_dma2 semaphore(%arg15 : memref<!tpu.dma_semaphore, #tpu.memory_space<semaphore_mem>>) src(%arg7 : memref<1x12288xf32, #tpu.memory_space<vmem>>) dst(%dma_wait3A_401 : memref<1x12288xf32, #tpu.memory_space<hbm>>)
    %dma_start3A_402 = arith.constant 12 : i32
    %dma_start3A_403 = arith.constant 0 : i32
    %dma_start3A_404 = tpu.memref_slice %arg6[%dma_start3A_402, %dma_start3A_403] : memref<16x1xi32, #tpu.memory_space<vmem>> -> memref<1x1xi32, #tpu.memory_space<vmem>>
    %dma_start3A_405 = tpu.memref_squeeze %dma_start3A_404 : memref<1x1xi32, #tpu.memory_space<vmem>> -> memref<1xi32, #tpu.memory_space<vmem>>
    %dma_start3A_406 = arith.constant 0 : i32
    %dma_start3A_407 = arith.constant 0 : i32
    %dma_start3A_408 = tpu.memref_slice %arg2[%dma_start3A_406, %dma_start3A_407] : memref<128x12288xf32, #tpu.memory_space<hbm>> -> memref<128x12288xf32, #tpu.memory_space<hbm>>
    tpu.enqueue_indirect_dma source(%dma_start3A_408 : memref<128x12288xf32, #tpu.memory_space<hbm>>) target(%arg7 : memref<1x12288xf32, #tpu.memory_space<vmem>>) offsets(%dma_start3A_405 : memref<1xi32, #tpu.memory_space<vmem>>) semaphore(%arg11 : memref<!tpu.dma_semaphore, #tpu.memory_space<semaphore_mem>>)
    %dma_wait3A_409 = arith.constant 11 : i32
    %dma_wait3A_410 = arith.constant 0 : i32
    %dma_wait3A_411 = tpu.memref_slice %arg6[%dma_wait3A_409, %dma_wait3A_410] : memref<16x1xi32, #tpu.memory_space<vmem>> -> memref<1x1xi32, #tpu.memory_space<vmem>>
    %dma_wait3A_412 = tpu.memref_squeeze %dma_wait3A_411 : memref<1x1xi32, #tpu.memory_space<vmem>> -> memref<1xi32, #tpu.memory_space<vmem>>
    %dma_wait3A_413 = arith.constant 0 : i32
    %dma_wait3A_414 = arith.constant 0 : i32
    %dma_wait3A_415 = tpu.memref_slice %arg2[%dma_wait3A_413, %dma_wait3A_414] : memref<128x12288xf32, #tpu.memory_space<hbm>> -> memref<128x12288xf32, #tpu.memory_space<hbm>>
    tpu.wait_indirect_dma semaphore(%arg14 : memref<!tpu.dma_semaphore, #tpu.memory_space<semaphore_mem>>) src(%dma_wait3A_415 : memref<128x12288xf32, #tpu.memory_space<hbm>>) dst(%arg10 : memref<1x12288xf32, #tpu.memory_space<vmem>>)
    %add3A_416 = arith.constant 11 : i32
    %add3A_417 = arith.addi %mul3A_2, %add3A_416 : i32
    %dma_start3A_418 = arith.constant 0 : i32
    %dma_start3A_419 = arith.constant 36864 : i32
    %dma_start3A_420 = tpu.memref_slice %arg4[%dma_start3A_418, %dma_start3A_419] : memref<512x49152xf32, #tpu.memory_space<hbm>> -> memref<512x12288xf32, #tpu.memory_space<hbm>>
    %dma_start3A_421 = arith.constant 0 : i32
    %dma_start3A_422 = tpu.memref_slice %dma_start3A_420[%add3A_417, %dma_start3A_421] : memref<512x12288xf32, #tpu.memory_space<hbm>> -> memref<1x12288xf32, #tpu.memory_space<hbm>>
    %dma_start3A_423 = arith.constant 0 : i32
    %dma_start3A_424 = arith.constant 36864 : i32
    %dma_start3A_425 = tpu.memref_slice %arg4[%dma_start3A_423, %dma_start3A_424] : memref<512x49152xf32, #tpu.memory_space<hbm>> -> memref<512x12288xf32, #tpu.memory_space<hbm>>
    %dma_start3A_426 = arith.constant 0 : i32
    %dma_start3A_427 = tpu.memref_slice %dma_start3A_425[%add3A_417, %dma_start3A_426] : memref<512x12288xf32, #tpu.memory_space<hbm>> -> memref<1x12288xf32, #tpu.memory_space<hbm>>
    tpu.enqueue_dma source(%arg10 : memref<1x12288xf32, #tpu.memory_space<vmem>>) target(%dma_start3A_427 : memref<1x12288xf32, #tpu.memory_space<hbm>>) target_semaphore(%arg18 : memref<!tpu.dma_semaphore, #tpu.memory_space<semaphore_mem>>)
    %add3A_428 = arith.constant 9 : i32
    %add3A_429 = arith.addi %mul3A_2, %add3A_428 : i32
    %dma_wait3A_430 = arith.constant 0 : i32
    %dma_wait3A_431 = arith.constant 36864 : i32
    %dma_wait3A_432 = tpu.memref_slice %arg4[%dma_wait3A_430, %dma_wait3A_431] : memref<512x49152xf32, #tpu.memory_space<hbm>> -> memref<512x12288xf32, #tpu.memory_space<hbm>>
    %dma_wait3A_433 = arith.constant 0 : i32
    %dma_wait3A_434 = tpu.memref_slice %dma_wait3A_432[%add3A_429, %dma_wait3A_433] : memref<512x12288xf32, #tpu.memory_space<hbm>> -> memref<1x12288xf32, #tpu.memory_space<hbm>>
    %dma_wait3A_435 = arith.constant 0 : i32
    %dma_wait3A_436 = arith.constant 36864 : i32
    %dma_wait3A_437 = tpu.memref_slice %arg4[%dma_wait3A_435, %dma_wait3A_436] : memref<512x49152xf32, #tpu.memory_space<hbm>> -> memref<512x12288xf32, #tpu.memory_space<hbm>>
    %dma_wait3A_438 = arith.constant 0 : i32
    %dma_wait3A_439 = tpu.memref_slice %dma_wait3A_437[%add3A_429, %dma_wait3A_438] : memref<512x12288xf32, #tpu.memory_space<hbm>> -> memref<1x12288xf32, #tpu.memory_space<hbm>>
    tpu.wait_dma2 semaphore(%arg16 : memref<!tpu.dma_semaphore, #tpu.memory_space<semaphore_mem>>) src(%arg8 : memref<1x12288xf32, #tpu.memory_space<vmem>>) dst(%dma_wait3A_439 : memref<1x12288xf32, #tpu.memory_space<hbm>>)
    %dma_start3A_440 = arith.constant 13 : i32
    %dma_start3A_441 = arith.constant 0 : i32
    %dma_start3A_442 = tpu.memref_slice %arg6[%dma_start3A_440, %dma_start3A_441] : memref<16x1xi32, #tpu.memory_space<vmem>> -> memref<1x1xi32, #tpu.memory_space<vmem>>
    %dma_start3A_443 = tpu.memref_squeeze %dma_start3A_442 : memref<1x1xi32, #tpu.memory_space<vmem>> -> memref<1xi32, #tpu.memory_space<vmem>>
    %dma_start3A_444 = arith.constant 0 : i32
    %dma_start3A_445 = arith.constant 0 : i32
    %dma_start3A_446 = tpu.memref_slice %arg2[%dma_start3A_444, %dma_start3A_445] : memref<128x12288xf32, #tpu.memory_space<hbm>> -> memref<128x12288xf32, #tpu.memory_space<hbm>>
    tpu.enqueue_indirect_dma source(%dma_start3A_446 : memref<128x12288xf32, #tpu.memory_space<hbm>>) target(%arg8 : memref<1x12288xf32, #tpu.memory_space<vmem>>) offsets(%dma_start3A_443 : memref<1xi32, #tpu.memory_space<vmem>>) semaphore(%arg12 : memref<!tpu.dma_semaphore, #tpu.memory_space<semaphore_mem>>)
    %dma_wait3A_447 = arith.constant 12 : i32
    %dma_wait3A_448 = arith.constant 0 : i32
    %dma_wait3A_449 = tpu.memref_slice %arg6[%dma_wait3A_447, %dma_wait3A_448] : memref<16x1xi32, #tpu.memory_space<vmem>> -> memref<1x1xi32, #tpu.memory_space<vmem>>
    %dma_wait3A_450 = tpu.memref_squeeze %dma_wait3A_449 : memref<1x1xi32, #tpu.memory_space<vmem>> -> memref<1xi32, #tpu.memory_space<vmem>>
    %dma_wait3A_451 = arith.constant 0 : i32
    %dma_wait3A_452 = arith.constant 0 : i32
    %dma_wait3A_453 = tpu.memref_slice %arg2[%dma_wait3A_451, %dma_wait3A_452] : memref<128x12288xf32, #tpu.memory_space<hbm>> -> memref<128x12288xf32, #tpu.memory_space<hbm>>
    tpu.wait_indirect_dma semaphore(%arg11 : memref<!tpu.dma_semaphore, #tpu.memory_space<semaphore_mem>>) src(%dma_wait3A_453 : memref<128x12288xf32, #tpu.memory_space<hbm>>) dst(%arg7 : memref<1x12288xf32, #tpu.memory_space<vmem>>)
    %add3A_454 = arith.constant 12 : i32
    %add3A_455 = arith.addi %mul3A_2, %add3A_454 : i32
    %dma_start3A_456 = arith.constant 0 : i32
    %dma_start3A_457 = arith.constant 36864 : i32
    %dma_start3A_458 = tpu.memref_slice %arg4[%dma_start3A_456, %dma_start3A_457] : memref<512x49152xf32, #tpu.memory_space<hbm>> -> memref<512x12288xf32, #tpu.memory_space<hbm>>
    %dma_start3A_459 = arith.constant 0 : i32
    %dma_start3A_460 = tpu.memref_slice %dma_start3A_458[%add3A_455, %dma_start3A_459] : memref<512x12288xf32, #tpu.memory_space<hbm>> -> memref<1x12288xf32, #tpu.memory_space<hbm>>
    %dma_start3A_461 = arith.constant 0 : i32
    %dma_start3A_462 = arith.constant 36864 : i32
    %dma_start3A_463 = tpu.memref_slice %arg4[%dma_start3A_461, %dma_start3A_462] : memref<512x49152xf32, #tpu.memory_space<hbm>> -> memref<512x12288xf32, #tpu.memory_space<hbm>>
    %dma_start3A_464 = arith.constant 0 : i32
    %dma_start3A_465 = tpu.memref_slice %dma_start3A_463[%add3A_455, %dma_start3A_464] : memref<512x12288xf32, #tpu.memory_space<hbm>> -> memref<1x12288xf32, #tpu.memory_space<hbm>>
    tpu.enqueue_dma source(%arg7 : memref<1x12288xf32, #tpu.memory_space<vmem>>) target(%dma_start3A_465 : memref<1x12288xf32, #tpu.memory_space<hbm>>) target_semaphore(%arg15 : memref<!tpu.dma_semaphore, #tpu.memory_space<semaphore_mem>>)
    %add3A_466 = arith.constant 10 : i32
    %add3A_467 = arith.addi %mul3A_2, %add3A_466 : i32
    %dma_wait3A_468 = arith.constant 0 : i32
    %dma_wait3A_469 = arith.constant 36864 : i32
    %dma_wait3A_470 = tpu.memref_slice %arg4[%dma_wait3A_468, %dma_wait3A_469] : memref<512x49152xf32, #tpu.memory_space<hbm>> -> memref<512x12288xf32, #tpu.memory_space<hbm>>
    %dma_wait3A_471 = arith.constant 0 : i32
    %dma_wait3A_472 = tpu.memref_slice %dma_wait3A_470[%add3A_467, %dma_wait3A_471] : memref<512x12288xf32, #tpu.memory_space<hbm>> -> memref<1x12288xf32, #tpu.memory_space<hbm>>
    %dma_wait3A_473 = arith.constant 0 : i32
    %dma_wait3A_474 = arith.constant 36864 : i32
    %dma_wait3A_475 = tpu.memref_slice %arg4[%dma_wait3A_473, %dma_wait3A_474] : memref<512x49152xf32, #tpu.memory_space<hbm>> -> memref<512x12288xf32, #tpu.memory_space<hbm>>
    %dma_wait3A_476 = arith.constant 0 : i32
    %dma_wait3A_477 = tpu.memref_slice %dma_wait3A_475[%add3A_467, %dma_wait3A_476] : memref<512x12288xf32, #tpu.memory_space<hbm>> -> memref<1x12288xf32, #tpu.memory_space<hbm>>
    tpu.wait_dma2 semaphore(%arg17 : memref<!tpu.dma_semaphore, #tpu.memory_space<semaphore_mem>>) src(%arg9 : memref<1x12288xf32, #tpu.memory_space<vmem>>) dst(%dma_wait3A_477 : memref<1x12288xf32, #tpu.memory_space<hbm>>)
    %dma_start3A_478 = arith.constant 14 : i32
    %dma_start3A_479 = arith.constant 0 : i32
    %dma_start3A_480 = tpu.memref_slice %arg6[%dma_start3A_478, %dma_start3A_479] : memref<16x1xi32, #tpu.memory_space<vmem>> -> memref<1x1xi32, #tpu.memory_space<vmem>>
    %dma_start3A_481 = tpu.memref_squeeze %dma_start3A_480 : memref<1x1xi32, #tpu.memory_space<vmem>> -> memref<1xi32, #tpu.memory_space<vmem>>
    %dma_start3A_482 = arith.constant 0 : i32
    %dma_start3A_483 = arith.constant 0 : i32
    %dma_start3A_484 = tpu.memref_slice %arg2[%dma_start3A_482, %dma_start3A_483] : memref<128x12288xf32, #tpu.memory_space<hbm>> -> memref<128x12288xf32, #tpu.memory_space<hbm>>
    tpu.enqueue_indirect_dma source(%dma_start3A_484 : memref<128x12288xf32, #tpu.memory_space<hbm>>) target(%arg9 : memref<1x12288xf32, #tpu.memory_space<vmem>>) offsets(%dma_start3A_481 : memref<1xi32, #tpu.memory_space<vmem>>) semaphore(%arg13 : memref<!tpu.dma_semaphore, #tpu.memory_space<semaphore_mem>>)
    %dma_wait3A_485 = arith.constant 13 : i32
    %dma_wait3A_486 = arith.constant 0 : i32
    %dma_wait3A_487 = tpu.memref_slice %arg6[%dma_wait3A_485, %dma_wait3A_486] : memref<16x1xi32, #tpu.memory_space<vmem>> -> memref<1x1xi32, #tpu.memory_space<vmem>>
    %dma_wait3A_488 = tpu.memref_squeeze %dma_wait3A_487 : memref<1x1xi32, #tpu.memory_space<vmem>> -> memref<1xi32, #tpu.memory_space<vmem>>
    %dma_wait3A_489 = arith.constant 0 : i32
    %dma_wait3A_490 = arith.constant 0 : i32
    %dma_wait3A_491 = tpu.memref_slice %arg2[%dma_wait3A_489, %dma_wait3A_490] : memref<128x12288xf32, #tpu.memory_space<hbm>> -> memref<128x12288xf32, #tpu.memory_space<hbm>>
    tpu.wait_indirect_dma semaphore(%arg12 : memref<!tpu.dma_semaphore, #tpu.memory_space<semaphore_mem>>) src(%dma_wait3A_491 : memref<128x12288xf32, #tpu.memory_space<hbm>>) dst(%arg8 : memref<1x12288xf32, #tpu.memory_space<vmem>>)
    %add3A_492 = arith.constant 13 : i32
    %add3A_493 = arith.addi %mul3A_2, %add3A_492 : i32
    %dma_start3A_494 = arith.constant 0 : i32
    %dma_start3A_495 = arith.constant 36864 : i32
    %dma_start3A_496 = tpu.memref_slice %arg4[%dma_start3A_494, %dma_start3A_495] : memref<512x49152xf32, #tpu.memory_space<hbm>> -> memref<512x12288xf32, #tpu.memory_space<hbm>>
    %dma_start3A_497 = arith.constant 0 : i32
    %dma_start3A_498 = tpu.memref_slice %dma_start3A_496[%add3A_493, %dma_start3A_497] : memref<512x12288xf32, #tpu.memory_space<hbm>> -> memref<1x12288xf32, #tpu.memory_space<hbm>>
    %dma_start3A_499 = arith.constant 0 : i32
    %dma_start3A_500 = arith.constant 36864 : i32
    %dma_start3A_501 = tpu.memref_slice %arg4[%dma_start3A_499, %dma_start3A_500] : memref<512x49152xf32, #tpu.memory_space<hbm>> -> memref<512x12288xf32, #tpu.memory_space<hbm>>
    %dma_start3A_502 = arith.constant 0 : i32
    %dma_start3A_503 = tpu.memref_slice %dma_start3A_501[%add3A_493, %dma_start3A_502] : memref<512x12288xf32, #tpu.memory_space<hbm>> -> memref<1x12288xf32, #tpu.memory_space<hbm>>
    tpu.enqueue_dma source(%arg8 : memref<1x12288xf32, #tpu.memory_space<vmem>>) target(%dma_start3A_503 : memref<1x12288xf32, #tpu.memory_space<hbm>>) target_semaphore(%arg16 : memref<!tpu.dma_semaphore, #tpu.memory_space<semaphore_mem>>)
    %add3A_504 = arith.constant 11 : i32
    %add3A_505 = arith.addi %mul3A_2, %add3A_504 : i32
    %dma_wait3A_506 = arith.constant 0 : i32
    %dma_wait3A_507 = arith.constant 36864 : i32
    %dma_wait3A_508 = tpu.memref_slice %arg4[%dma_wait3A_506, %dma_wait3A_507] : memref<512x49152xf32, #tpu.memory_space<hbm>> -> memref<512x12288xf32, #tpu.memory_space<hbm>>
    %dma_wait3A_509 = arith.constant 0 : i32
    %dma_wait3A_510 = tpu.memref_slice %dma_wait3A_508[%add3A_505, %dma_wait3A_509] : memref<512x12288xf32, #tpu.memory_space<hbm>> -> memref<1x12288xf32, #tpu.memory_space<hbm>>
    %dma_wait3A_511 = arith.constant 0 : i32
    %dma_wait3A_512 = arith.constant 36864 : i32
    %dma_wait3A_513 = tpu.memref_slice %arg4[%dma_wait3A_511, %dma_wait3A_512] : memref<512x49152xf32, #tpu.memory_space<hbm>> -> memref<512x12288xf32, #tpu.memory_space<hbm>>
    %dma_wait3A_514 = arith.constant 0 : i32
    %dma_wait3A_515 = tpu.memref_slice %dma_wait3A_513[%add3A_505, %dma_wait3A_514] : memref<512x12288xf32, #tpu.memory_space<hbm>> -> memref<1x12288xf32, #tpu.memory_space<hbm>>
    tpu.wait_dma2 semaphore(%arg18 : memref<!tpu.dma_semaphore, #tpu.memory_space<semaphore_mem>>) src(%arg10 : memref<1x12288xf32, #tpu.memory_space<vmem>>) dst(%dma_wait3A_515 : memref<1x12288xf32, #tpu.memory_space<hbm>>)
    %dma_start3A_516 = arith.constant 15 : i32
    %dma_start3A_517 = arith.constant 0 : i32
    %dma_start3A_518 = tpu.memref_slice %arg6[%dma_start3A_516, %dma_start3A_517] : memref<16x1xi32, #tpu.memory_space<vmem>> -> memref<1x1xi32, #tpu.memory_space<vmem>>
    %dma_start3A_519 = tpu.memref_squeeze %dma_start3A_518 : memref<1x1xi32, #tpu.memory_space<vmem>> -> memref<1xi32, #tpu.memory_space<vmem>>
    %dma_start3A_520 = arith.constant 0 : i32
    %dma_start3A_521 = arith.constant 0 : i32
    %dma_start3A_522 = tpu.memref_slice %arg2[%dma_start3A_520, %dma_start3A_521] : memref<128x12288xf32, #tpu.memory_space<hbm>> -> memref<128x12288xf32, #tpu.memory_space<hbm>>
    tpu.enqueue_indirect_dma source(%dma_start3A_522 : memref<128x12288xf32, #tpu.memory_space<hbm>>) target(%arg10 : memref<1x12288xf32, #tpu.memory_space<vmem>>) offsets(%dma_start3A_519 : memref<1xi32, #tpu.memory_space<vmem>>) semaphore(%arg14 : memref<!tpu.dma_semaphore, #tpu.memory_space<semaphore_mem>>)
    %dma_wait3A_523 = arith.constant 14 : i32
    %dma_wait3A_524 = arith.constant 0 : i32
    %dma_wait3A_525 = tpu.memref_slice %arg6[%dma_wait3A_523, %dma_wait3A_524] : memref<16x1xi32, #tpu.memory_space<vmem>> -> memref<1x1xi32, #tpu.memory_space<vmem>>
    %dma_wait3A_526 = tpu.memref_squeeze %dma_wait3A_525 : memref<1x1xi32, #tpu.memory_space<vmem>> -> memref<1xi32, #tpu.memory_space<vmem>>
    %dma_wait3A_527 = arith.constant 0 : i32
    %dma_wait3A_528 = arith.constant 0 : i32
    %dma_wait3A_529 = tpu.memref_slice %arg2[%dma_wait3A_527, %dma_wait3A_528] : memref<128x12288xf32, #tpu.memory_space<hbm>> -> memref<128x12288xf32, #tpu.memory_space<hbm>>
    tpu.wait_indirect_dma semaphore(%arg13 : memref<!tpu.dma_semaphore, #tpu.memory_space<semaphore_mem>>) src(%dma_wait3A_529 : memref<128x12288xf32, #tpu.memory_space<hbm>>) dst(%arg9 : memref<1x12288xf32, #tpu.memory_space<vmem>>)
    %add3A_530 = arith.constant 14 : i32
    %add3A_531 = arith.addi %mul3A_2, %add3A_530 : i32
    %dma_start3A_532 = arith.constant 0 : i32
    %dma_start3A_533 = arith.constant 36864 : i32
    %dma_start3A_534 = tpu.memref_slice %arg4[%dma_start3A_532, %dma_start3A_533] : memref<512x49152xf32, #tpu.memory_space<hbm>> -> memref<512x12288xf32, #tpu.memory_space<hbm>>
    %dma_start3A_535 = arith.constant 0 : i32
    %dma_start3A_536 = tpu.memref_slice %dma_start3A_534[%add3A_531, %dma_start3A_535] : memref<512x12288xf32, #tpu.memory_space<hbm>> -> memref<1x12288xf32, #tpu.memory_space<hbm>>
    %dma_start3A_537 = arith.constant 0 : i32
    %dma_start3A_538 = arith.constant 36864 : i32
    %dma_start3A_539 = tpu.memref_slice %arg4[%dma_start3A_537, %dma_start3A_538] : memref<512x49152xf32, #tpu.memory_space<hbm>> -> memref<512x12288xf32, #tpu.memory_space<hbm>>
    %dma_start3A_540 = arith.constant 0 : i32
    %dma_start3A_541 = tpu.memref_slice %dma_start3A_539[%add3A_531, %dma_start3A_540] : memref<512x12288xf32, #tpu.memory_space<hbm>> -> memref<1x12288xf32, #tpu.memory_space<hbm>>
    tpu.enqueue_dma source(%arg9 : memref<1x12288xf32, #tpu.memory_space<vmem>>) target(%dma_start3A_541 : memref<1x12288xf32, #tpu.memory_space<hbm>>) target_semaphore(%arg17 : memref<!tpu.dma_semaphore, #tpu.memory_space<semaphore_mem>>)
    %dma_wait3A_542 = arith.constant 15 : i32
    %dma_wait3A_543 = arith.constant 0 : i32
    %dma_wait3A_544 = tpu.memref_slice %arg6[%dma_wait3A_542, %dma_wait3A_543] : memref<16x1xi32, #tpu.memory_space<vmem>> -> memref<1x1xi32, #tpu.memory_space<vmem>>
    %dma_wait3A_545 = tpu.memref_squeeze %dma_wait3A_544 : memref<1x1xi32, #tpu.memory_space<vmem>> -> memref<1xi32, #tpu.memory_space<vmem>>
    %dma_wait3A_546 = arith.constant 0 : i32
    %dma_wait3A_547 = arith.constant 0 : i32
    %dma_wait3A_548 = tpu.memref_slice %arg2[%dma_wait3A_546, %dma_wait3A_547] : memref<128x12288xf32, #tpu.memory_space<hbm>> -> memref<128x12288xf32, #tpu.memory_space<hbm>>
    tpu.wait_indirect_dma semaphore(%arg14 : memref<!tpu.dma_semaphore, #tpu.memory_space<semaphore_mem>>) src(%dma_wait3A_548 : memref<128x12288xf32, #tpu.memory_space<hbm>>) dst(%arg10 : memref<1x12288xf32, #tpu.memory_space<vmem>>)
    %add3A_549 = arith.constant 15 : i32
    %add3A_550 = arith.addi %mul3A_2, %add3A_549 : i32
    %dma_start3A_551 = arith.constant 0 : i32
    %dma_start3A_552 = arith.constant 36864 : i32
    %dma_start3A_553 = tpu.memref_slice %arg4[%dma_start3A_551, %dma_start3A_552] : memref<512x49152xf32, #tpu.memory_space<hbm>> -> memref<512x12288xf32, #tpu.memory_space<hbm>>
    %dma_start3A_554 = arith.constant 0 : i32
    %dma_start3A_555 = tpu.memref_slice %dma_start3A_553[%add3A_550, %dma_start3A_554] : memref<512x12288xf32, #tpu.memory_space<hbm>> -> memref<1x12288xf32, #tpu.memory_space<hbm>>
    %dma_start3A_556 = arith.constant 0 : i32
    %dma_start3A_557 = arith.constant 36864 : i32
    %dma_start3A_558 = tpu.memref_slice %arg4[%dma_start3A_556, %dma_start3A_557] : memref<512x49152xf32, #tpu.memory_space<hbm>> -> memref<512x12288xf32, #tpu.memory_space<hbm>>
    %dma_start3A_559 = arith.constant 0 : i32
    %dma_start3A_560 = tpu.memref_slice %dma_start3A_558[%add3A_550, %dma_start3A_559] : memref<512x12288xf32, #tpu.memory_space<hbm>> -> memref<1x12288xf32, #tpu.memory_space<hbm>>
    tpu.enqueue_dma source(%arg10 : memref<1x12288xf32, #tpu.memory_space<vmem>>) target(%dma_start3A_560 : memref<1x12288xf32, #tpu.memory_space<hbm>>) target_semaphore(%arg18 : memref<!tpu.dma_semaphore, #tpu.memory_space<semaphore_mem>>)
    %add3A_561 = arith.constant 14 : i32
    %add3A_562 = arith.addi %mul3A_2, %add3A_561 : i32
    %dma_wait3A_563 = arith.constant 0 : i32
    %dma_wait3A_564 = arith.constant 36864 : i32
    %dma_wait3A_565 = tpu.memref_slice %arg4[%dma_wait3A_563, %dma_wait3A_564] : memref<512x49152xf32, #tpu.memory_space<hbm>> -> memref<512x12288xf32, #tpu.memory_space<hbm>>
    %dma_wait3A_566 = arith.constant 0 : i32
    %dma_wait3A_567 = tpu.memref_slice %dma_wait3A_565[%add3A_562, %dma_wait3A_566] : memref<512x12288xf32, #tpu.memory_space<hbm>> -> memref<1x12288xf32, #tpu.memory_space<hbm>>
    %dma_wait3A_568 = arith.constant 0 : i32
    %dma_wait3A_569 = arith.constant 36864 : i32
    %dma_wait3A_570 = tpu.memref_slice %arg4[%dma_wait3A_568, %dma_wait3A_569] : memref<512x49152xf32, #tpu.memory_space<hbm>> -> memref<512x12288xf32, #tpu.memory_space<hbm>>
    %dma_wait3A_571 = arith.constant 0 : i32
    %dma_wait3A_572 = tpu.memref_slice %dma_wait3A_570[%add3A_562, %dma_wait3A_571] : memref<512x12288xf32, #tpu.memory_space<hbm>> -> memref<1x12288xf32, #tpu.memory_space<hbm>>
    tpu.wait_dma2 semaphore(%arg17 : memref<!tpu.dma_semaphore, #tpu.memory_space<semaphore_mem>>) src(%arg9 : memref<1x12288xf32, #tpu.memory_space<vmem>>) dst(%dma_wait3A_572 : memref<1x12288xf32, #tpu.memory_space<hbm>>)
    %add3A_573 = arith.constant 15 : i32
    %add3A_574 = arith.addi %mul3A_2, %add3A_573 : i32
    %dma_wait3A_575 = arith.constant 0 : i32
    %dma_wait3A_576 = arith.constant 36864 : i32
    %dma_wait3A_577 = tpu.memref_slice %arg4[%dma_wait3A_575, %dma_wait3A_576] : memref<512x49152xf32, #tpu.memory_space<hbm>> -> memref<512x12288xf32, #tpu.memory_space<hbm>>
    %dma_wait3A_578 = arith.constant 0 : i32
    %dma_wait3A_579 = tpu.memref_slice %dma_wait3A_577[%add3A_574, %dma_wait3A_578] : memref<512x12288xf32, #tpu.memory_space<hbm>> -> memref<1x12288xf32, #tpu.memory_space<hbm>>
    %dma_wait3A_580 = arith.constant 0 : i32
    %dma_wait3A_581 = arith.constant 36864 : i32
    %dma_wait3A_582 = tpu.memref_slice %arg4[%dma_wait3A_580, %dma_wait3A_581] : memref<512x49152xf32, #tpu.memory_space<hbm>> -> memref<512x12288xf32, #tpu.memory_space<hbm>>
    %dma_wait3A_583 = arith.constant 0 : i32
    %dma_wait3A_584 = tpu.memref_slice %dma_wait3A_582[%add3A_574, %dma_wait3A_583] : memref<512x12288xf32, #tpu.memory_space<hbm>> -> memref<1x12288xf32, #tpu.memory_space<hbm>>
    tpu.wait_dma2 semaphore(%arg18 : memref<!tpu.dma_semaphore, #tpu.memory_space<semaphore_mem>>) src(%arg10 : memref<1x12288xf32, #tpu.memory_space<vmem>>) dst(%dma_wait3A_584 : memref<1x12288xf32, #tpu.memory_space<hbm>>)
    return
  }
}

#map = affine_map<(d0, d1) -> (0, 0)>
module attributes {stable_mosaic.version = 14 : i64} {
  func.func @new_body(%arg0: i32, %arg1: i32, %arg2: memref<128x12288xf32, #tpu.memory_space<hbm>>, %arg3: memref<512x1xi32, #tpu.memory_space<hbm>>, %arg4: memref<512x49152xf32, #tpu.memory_space<hbm>>, %arg5: memref<512x49152xf32, #tpu.memory_space<hbm>>, %arg6: memref<16x1xi32, #tpu.memory_space<vmem>>, %arg7: memref<1x12288xf32, #tpu.memory_space<vmem>>, %arg8: memref<1x12288xf32, #tpu.memory_space<vmem>>, %arg9: memref<1x12288xf32, #tpu.memory_space<vmem>>, %arg10: memref<1x12288xf32, #tpu.memory_space<vmem>>, %arg11: memref<!tpu.dma_semaphore, #tpu.memory_space<semaphore_mem>>, %arg12: memref<!tpu.dma_semaphore, #tpu.memory_space<semaphore_mem>>, %arg13: memref<!tpu.dma_semaphore, #tpu.memory_space<semaphore_mem>>, %arg14: memref<!tpu.dma_semaphore, #tpu.memory_space<semaphore_mem>>, %arg15: memref<!tpu.dma_semaphore, #tpu.memory_space<semaphore_mem>>, %arg16: memref<!tpu.dma_semaphore, #tpu.memory_space<semaphore_mem>>, %arg17: memref<!tpu.dma_semaphore, #tpu.memory_space<semaphore_mem>>, %arg18: memref<!tpu.dma_semaphore, #tpu.memory_space<semaphore_mem>>) attributes {dimension_semantics = [#tpu.dimension_semantics<core_parallel>, #tpu.dimension_semantics<subcore_parallel>], iteration_bounds = array<i64: 2, 16>, scalar_prefetch = 0 : i64, scratch_operands = 13 : i64, tpu.core_type = #tpu.core_type<sc_vector_subcore>, window_params = [{transform_indices = #map}, {transform_indices = #map}, {transform_indices = #map}, {transform_indices = #map}]} {
    %mul3A = arith.constant 2 : i32
    %mul3A_0 = arith.muli %arg1, %mul3A : i32
    %add3A = arith.addi %mul3A_0, %arg0 : i32
    %mul3A_1 = arith.constant 16 : i32
    %mul3A_2 = arith.muli %add3A, %mul3A_1 : i32
    "tpu.region"() ({
      %run_scoped3A = tpu.sem_alloc : memref<!tpu.dma_semaphore, #tpu.memory_space<semaphore_mem>>
      %dma_start3A_585 = arith.constant 0 : i32
      %dma_start3A_586 = tpu.memref_slice %arg3[%mul3A_2, %dma_start3A_585] : memref<512x1xi32, #tpu.memory_space<hbm>> -> memref<16x1xi32, #tpu.memory_space<hbm>>
      %dma_start3A_587 = arith.constant 0 : i32
      %dma_start3A_588 = tpu.memref_slice %arg3[%mul3A_2, %dma_start3A_587] : memref<512x1xi32, #tpu.memory_space<hbm>> -> memref<16x1xi32, #tpu.memory_space<hbm>>
      tpu.enqueue_dma source(%dma_start3A_588 : memref<16x1xi32, #tpu.memory_space<hbm>>) target(%arg6 : memref<16x1xi32, #tpu.memory_space<vmem>>) target_semaphore(%run_scoped3A : memref<!tpu.dma_semaphore, #tpu.memory_space<semaphore_mem>>)
      %dma_wait3A_589 = arith.constant 0 : i32
      %dma_wait3A_590 = tpu.memref_slice %arg3[%mul3A_2, %dma_wait3A_589] : memref<512x1xi32, #tpu.memory_space<hbm>> -> memref<16x1xi32, #tpu.memory_space<hbm>>
      %dma_wait3A_591 = arith.constant 0 : i32
      %dma_wait3A_592 = tpu.memref_slice %arg3[%mul3A_2, %dma_wait3A_591] : memref<512x1xi32, #tpu.memory_space<hbm>> -> memref<16x1xi32, #tpu.memory_space<hbm>>
      tpu.wait_dma2 semaphore(%run_scoped3A : memref<!tpu.dma_semaphore, #tpu.memory_space<semaphore_mem>>) src(%dma_wait3A_592 : memref<16x1xi32, #tpu.memory_space<hbm>>) dst(%arg6 : memref<16x1xi32, #tpu.memory_space<vmem>>)
      tpu.yield
    }) : () -> ()
    %dma_start3A = arith.constant 0 : i32
    %dma_start3A_3 = arith.constant 0 : i32
    %dma_start3A_4 = tpu.memref_slice %arg6[%dma_start3A, %dma_start3A_3] : memref<16x1xi32, #tpu.memory_space<vmem>> -> memref<1x1xi32, #tpu.memory_space<vmem>>
    %dma_start3A_5 = tpu.memref_squeeze %dma_start3A_4 : memref<1x1xi32, #tpu.memory_space<vmem>> -> memref<1xi32, #tpu.memory_space<vmem>>
    %dma_start3A_6 = arith.constant 0 : i32
    %dma_start3A_7 = arith.constant 0 : i32
    %dma_start3A_8 = tpu.memref_slice %arg2[%dma_start3A_6, %dma_start3A_7] : memref<128x12288xf32, #tpu.memory_space<hbm>> -> memref<128x12288xf32, #tpu.memory_space<hbm>>
    tpu.enqueue_indirect_dma source(%dma_start3A_8 : memref<128x12288xf32, #tpu.memory_space<hbm>>) target(%arg7 : memref<1x12288xf32, #tpu.memory_space<vmem>>) offsets(%dma_start3A_5 : memref<1xi32, #tpu.memory_space<vmem>>) semaphore(%arg11 : memref<!tpu.dma_semaphore, #tpu.memory_space<semaphore_mem>>)
    %dma_start3A_9 = arith.constant 1 : i32
    %dma_start3A_10 = arith.constant 0 : i32
    %dma_start3A_11 = tpu.memref_slice %arg6[%dma_start3A_9, %dma_start3A_10] : memref<16x1xi32, #tpu.memory_space<vmem>> -> memref<1x1xi32, #tpu.memory_space<vmem>>
    %dma_start3A_12 = tpu.memref_squeeze %dma_start3A_11 : memref<1x1xi32, #tpu.memory_space<vmem>> -> memref<1xi32, #tpu.memory_space<vmem>>
    %dma_start3A_13 = arith.constant 0 : i32
    %dma_start3A_14 = arith.constant 0 : i32
    %dma_start3A_15 = tpu.memref_slice %arg2[%dma_start3A_13, %dma_start3A_14] : memref<128x12288xf32, #tpu.memory_space<hbm>> -> memref<128x12288xf32, #tpu.memory_space<hbm>>
    tpu.enqueue_indirect_dma source(%dma_start3A_15 : memref<128x12288xf32, #tpu.memory_space<hbm>>) target(%arg8 : memref<1x12288xf32, #tpu.memory_space<vmem>>) offsets(%dma_start3A_12 : memref<1xi32, #tpu.memory_space<vmem>>) semaphore(%arg12 : memref<!tpu.dma_semaphore, #tpu.memory_space<semaphore_mem>>)
    %dma_wait3A = arith.constant 0 : i32
    %dma_wait3A_16 = arith.constant 0 : i32
    %dma_wait3A_17 = tpu.memref_slice %arg6[%dma_wait3A, %dma_wait3A_16] : memref<16x1xi32, #tpu.memory_space<vmem>> -> memref<1x1xi32, #tpu.memory_space<vmem>>
    %dma_wait3A_18 = tpu.memref_squeeze %dma_wait3A_17 : memref<1x1xi32, #tpu.memory_space<vmem>> -> memref<1xi32, #tpu.memory_space<vmem>>
    %dma_wait3A_19 = arith.constant 0 : i32
    %dma_wait3A_20 = arith.constant 0 : i32
    %dma_wait3A_21 = tpu.memref_slice %arg2[%dma_wait3A_19, %dma_wait3A_20] : memref<128x12288xf32, #tpu.memory_space<hbm>> -> memref<128x12288xf32, #tpu.memory_space<hbm>>
    tpu.wait_indirect_dma semaphore(%arg11 : memref<!tpu.dma_semaphore, #tpu.memory_space<semaphore_mem>>) src(%dma_wait3A_21 : memref<128x12288xf32, #tpu.memory_space<hbm>>) dst(%arg7 : memref<1x12288xf32, #tpu.memory_space<vmem>>)
    %add3A_22 = arith.constant 0 : i32
    %add3A_23 = arith.addi %mul3A_2, %add3A_22 : i32
    %dma_start3A_24 = arith.constant 0 : i32
    %dma_start3A_25 = arith.constant 24576 : i32
    %dma_start3A_26 = tpu.memref_slice %arg4[%dma_start3A_24, %dma_start3A_25] : memref<512x49152xf32, #tpu.memory_space<hbm>> -> memref<512x12288xf32, #tpu.memory_space<hbm>>
    %dma_start3A_27 = arith.constant 0 : i32
    %dma_start3A_28 = tpu.memref_slice %dma_start3A_26[%add3A_23, %dma_start3A_27] : memref<512x12288xf32, #tpu.memory_space<hbm>> -> memref<1x12288xf32, #tpu.memory_space<hbm>>
    %dma_start3A_29 = arith.constant 0 : i32
    %dma_start3A_30 = arith.constant 24576 : i32
    %dma_start3A_31 = tpu.memref_slice %arg4[%dma_start3A_29, %dma_start3A_30] : memref<512x49152xf32, #tpu.memory_space<hbm>> -> memref<512x12288xf32, #tpu.memory_space<hbm>>
    %dma_start3A_32 = arith.constant 0 : i32
    %dma_start3A_33 = tpu.memref_slice %dma_start3A_31[%add3A_23, %dma_start3A_32] : memref<512x12288xf32, #tpu.memory_space<hbm>> -> memref<1x12288xf32, #tpu.memory_space<hbm>>
    tpu.enqueue_dma source(%arg7 : memref<1x12288xf32, #tpu.memory_space<vmem>>) target(%dma_start3A_33 : memref<1x12288xf32, #tpu.memory_space<hbm>>) target_semaphore(%arg15 : memref<!tpu.dma_semaphore, #tpu.memory_space<semaphore_mem>>)
    %dma_start3A_34 = arith.constant 2 : i32
    %dma_start3A_35 = arith.constant 0 : i32
    %dma_start3A_36 = tpu.memref_slice %arg6[%dma_start3A_34, %dma_start3A_35] : memref<16x1xi32, #tpu.memory_space<vmem>> -> memref<1x1xi32, #tpu.memory_space<vmem>>
    %dma_start3A_37 = tpu.memref_squeeze %dma_start3A_36 : memref<1x1xi32, #tpu.memory_space<vmem>> -> memref<1xi32, #tpu.memory_space<vmem>>
    %dma_start3A_38 = arith.constant 0 : i32
    %dma_start3A_39 = arith.constant 0 : i32
    %dma_start3A_40 = tpu.memref_slice %arg2[%dma_start3A_38, %dma_start3A_39] : memref<128x12288xf32, #tpu.memory_space<hbm>> -> memref<128x12288xf32, #tpu.memory_space<hbm>>
    tpu.enqueue_indirect_dma source(%dma_start3A_40 : memref<128x12288xf32, #tpu.memory_space<hbm>>) target(%arg9 : memref<1x12288xf32, #tpu.memory_space<vmem>>) offsets(%dma_start3A_37 : memref<1xi32, #tpu.memory_space<vmem>>) semaphore(%arg13 : memref<!tpu.dma_semaphore, #tpu.memory_space<semaphore_mem>>)
    %dma_wait3A_41 = arith.constant 1 : i32
    %dma_wait3A_42 = arith.constant 0 : i32
    %dma_wait3A_43 = tpu.memref_slice %arg6[%dma_wait3A_41, %dma_wait3A_42] : memref<16x1xi32, #tpu.memory_space<vmem>> -> memref<1x1xi32, #tpu.memory_space<vmem>>
    %dma_wait3A_44 = tpu.memref_squeeze %dma_wait3A_43 : memref<1x1xi32, #tpu.memory_space<vmem>> -> memref<1xi32, #tpu.memory_space<vmem>>
    %dma_wait3A_45 = arith.constant 0 : i32
    %dma_wait3A_46 = arith.constant 0 : i32
    %dma_wait3A_47 = tpu.memref_slice %arg2[%dma_wait3A_45, %dma_wait3A_46] : memref<128x12288xf32, #tpu.memory_space<hbm>> -> memref<128x12288xf32, #tpu.memory_space<hbm>>
    tpu.wait_indirect_dma semaphore(%arg12 : memref<!tpu.dma_semaphore, #tpu.memory_space<semaphore_mem>>) src(%dma_wait3A_47 : memref<128x12288xf32, #tpu.memory_space<hbm>>) dst(%arg8 : memref<1x12288xf32, #tpu.memory_space<vmem>>)
    %add3A_48 = arith.constant 1 : i32
    %add3A_49 = arith.addi %mul3A_2, %add3A_48 : i32
    %dma_start3A_50 = arith.constant 0 : i32
    %dma_start3A_51 = arith.constant 24576 : i32
    %dma_start3A_52 = tpu.memref_slice %arg4[%dma_start3A_50, %dma_start3A_51] : memref<512x49152xf32, #tpu.memory_space<hbm>> -> memref<512x12288xf32, #tpu.memory_space<hbm>>
    %dma_start3A_53 = arith.constant 0 : i32
    %dma_start3A_54 = tpu.memref_slice %dma_start3A_52[%add3A_49, %dma_start3A_53] : memref<512x12288xf32, #tpu.memory_space<hbm>> -> memref<1x12288xf32, #tpu.memory_space<hbm>>
    %dma_start3A_55 = arith.constant 0 : i32
    %dma_start3A_56 = arith.constant 24576 : i32
    %dma_start3A_57 = tpu.memref_slice %arg4[%dma_start3A_55, %dma_start3A_56] : memref<512x49152xf32, #tpu.memory_space<hbm>> -> memref<512x12288xf32, #tpu.memory_space<hbm>>
    %dma_start3A_58 = arith.constant 0 : i32
    %dma_start3A_59 = tpu.memref_slice %dma_start3A_57[%add3A_49, %dma_start3A_58] : memref<512x12288xf32, #tpu.memory_space<hbm>> -> memref<1x12288xf32, #tpu.memory_space<hbm>>
    tpu.enqueue_dma source(%arg8 : memref<1x12288xf32, #tpu.memory_space<vmem>>) target(%dma_start3A_59 : memref<1x12288xf32, #tpu.memory_space<hbm>>) target_semaphore(%arg16 : memref<!tpu.dma_semaphore, #tpu.memory_space<semaphore_mem>>)
    %dma_start3A_60 = arith.constant 3 : i32
    %dma_start3A_61 = arith.constant 0 : i32
    %dma_start3A_62 = tpu.memref_slice %arg6[%dma_start3A_60, %dma_start3A_61] : memref<16x1xi32, #tpu.memory_space<vmem>> -> memref<1x1xi32, #tpu.memory_space<vmem>>
    %dma_start3A_63 = tpu.memref_squeeze %dma_start3A_62 : memref<1x1xi32, #tpu.memory_space<vmem>> -> memref<1xi32, #tpu.memory_space<vmem>>
    %dma_start3A_64 = arith.constant 0 : i32
    %dma_start3A_65 = arith.constant 0 : i32
    %dma_start3A_66 = tpu.memref_slice %arg2[%dma_start3A_64, %dma_start3A_65] : memref<128x12288xf32, #tpu.memory_space<hbm>> -> memref<128x12288xf32, #tpu.memory_space<hbm>>
    tpu.enqueue_indirect_dma source(%dma_start3A_66 : memref<128x12288xf32, #tpu.memory_space<hbm>>) target(%arg10 : memref<1x12288xf32, #tpu.memory_space<vmem>>) offsets(%dma_start3A_63 : memref<1xi32, #tpu.memory_space<vmem>>) semaphore(%arg14 : memref<!tpu.dma_semaphore, #tpu.memory_space<semaphore_mem>>)
    %dma_wait3A_67 = arith.constant 2 : i32
    %dma_wait3A_68 = arith.constant 0 : i32
    %dma_wait3A_69 = tpu.memref_slice %arg6[%dma_wait3A_67, %dma_wait3A_68] : memref<16x1xi32, #tpu.memory_space<vmem>> -> memref<1x1xi32, #tpu.memory_space<vmem>>
    %dma_wait3A_70 = tpu.memref_squeeze %dma_wait3A_69 : memref<1x1xi32, #tpu.memory_space<vmem>> -> memref<1xi32, #tpu.memory_space<vmem>>
    %dma_wait3A_71 = arith.constant 0 : i32
    %dma_wait3A_72 = arith.constant 0 : i32
    %dma_wait3A_73 = tpu.memref_slice %arg2[%dma_wait3A_71, %dma_wait3A_72] : memref<128x12288xf32, #tpu.memory_space<hbm>> -> memref<128x12288xf32, #tpu.memory_space<hbm>>
    tpu.wait_indirect_dma semaphore(%arg13 : memref<!tpu.dma_semaphore, #tpu.memory_space<semaphore_mem>>) src(%dma_wait3A_73 : memref<128x12288xf32, #tpu.memory_space<hbm>>) dst(%arg9 : memref<1x12288xf32, #tpu.memory_space<vmem>>)
    %add3A_74 = arith.constant 2 : i32
    %add3A_75 = arith.addi %mul3A_2, %add3A_74 : i32
    %dma_start3A_76 = arith.constant 0 : i32
    %dma_start3A_77 = arith.constant 24576 : i32
    %dma_start3A_78 = tpu.memref_slice %arg4[%dma_start3A_76, %dma_start3A_77] : memref<512x49152xf32, #tpu.memory_space<hbm>> -> memref<512x12288xf32, #tpu.memory_space<hbm>>
    %dma_start3A_79 = arith.constant 0 : i32
    %dma_start3A_80 = tpu.memref_slice %dma_start3A_78[%add3A_75, %dma_start3A_79] : memref<512x12288xf32, #tpu.memory_space<hbm>> -> memref<1x12288xf32, #tpu.memory_space<hbm>>
    %dma_start3A_81 = arith.constant 0 : i32
    %dma_start3A_82 = arith.constant 24576 : i32
    %dma_start3A_83 = tpu.memref_slice %arg4[%dma_start3A_81, %dma_start3A_82] : memref<512x49152xf32, #tpu.memory_space<hbm>> -> memref<512x12288xf32, #tpu.memory_space<hbm>>
    %dma_start3A_84 = arith.constant 0 : i32
    %dma_start3A_85 = tpu.memref_slice %dma_start3A_83[%add3A_75, %dma_start3A_84] : memref<512x12288xf32, #tpu.memory_space<hbm>> -> memref<1x12288xf32, #tpu.memory_space<hbm>>
    tpu.enqueue_dma source(%arg9 : memref<1x12288xf32, #tpu.memory_space<vmem>>) target(%dma_start3A_85 : memref<1x12288xf32, #tpu.memory_space<hbm>>) target_semaphore(%arg17 : memref<!tpu.dma_semaphore, #tpu.memory_space<semaphore_mem>>)
    %add3A_86 = arith.constant 0 : i32
    %add3A_87 = arith.addi %mul3A_2, %add3A_86 : i32
    %dma_wait3A_88 = arith.constant 0 : i32
    %dma_wait3A_89 = arith.constant 24576 : i32
    %dma_wait3A_90 = tpu.memref_slice %arg4[%dma_wait3A_88, %dma_wait3A_89] : memref<512x49152xf32, #tpu.memory_space<hbm>> -> memref<512x12288xf32, #tpu.memory_space<hbm>>
    %dma_wait3A_91 = arith.constant 0 : i32
    %dma_wait3A_92 = tpu.memref_slice %dma_wait3A_90[%add3A_87, %dma_wait3A_91] : memref<512x12288xf32, #tpu.memory_space<hbm>> -> memref<1x12288xf32, #tpu.memory_space<hbm>>
    %dma_wait3A_93 = arith.constant 0 : i32
    %dma_wait3A_94 = arith.constant 24576 : i32
    %dma_wait3A_95 = tpu.memref_slice %arg4[%dma_wait3A_93, %dma_wait3A_94] : memref<512x49152xf32, #tpu.memory_space<hbm>> -> memref<512x12288xf32, #tpu.memory_space<hbm>>
    %dma_wait3A_96 = arith.constant 0 : i32
    %dma_wait3A_97 = tpu.memref_slice %dma_wait3A_95[%add3A_87, %dma_wait3A_96] : memref<512x12288xf32, #tpu.memory_space<hbm>> -> memref<1x12288xf32, #tpu.memory_space<hbm>>
    tpu.wait_dma2 semaphore(%arg15 : memref<!tpu.dma_semaphore, #tpu.memory_space<semaphore_mem>>) src(%arg7 : memref<1x12288xf32, #tpu.memory_space<vmem>>) dst(%dma_wait3A_97 : memref<1x12288xf32, #tpu.memory_space<hbm>>)
    %dma_start3A_98 = arith.constant 4 : i32
    %dma_start3A_99 = arith.constant 0 : i32
    %dma_start3A_100 = tpu.memref_slice %arg6[%dma_start3A_98, %dma_start3A_99] : memref<16x1xi32, #tpu.memory_space<vmem>> -> memref<1x1xi32, #tpu.memory_space<vmem>>
    %dma_start3A_101 = tpu.memref_squeeze %dma_start3A_100 : memref<1x1xi32, #tpu.memory_space<vmem>> -> memref<1xi32, #tpu.memory_space<vmem>>
    %dma_start3A_102 = arith.constant 0 : i32
    %dma_start3A_103 = arith.constant 0 : i32
    %dma_start3A_104 = tpu.memref_slice %arg2[%dma_start3A_102, %dma_start3A_103] : memref<128x12288xf32, #tpu.memory_space<hbm>> -> memref<128x12288xf32, #tpu.memory_space<hbm>>
    tpu.enqueue_indirect_dma source(%dma_start3A_104 : memref<128x12288xf32, #tpu.memory_space<hbm>>) target(%arg7 : memref<1x12288xf32, #tpu.memory_space<vmem>>) offsets(%dma_start3A_101 : memref<1xi32, #tpu.memory_space<vmem>>) semaphore(%arg11 : memref<!tpu.dma_semaphore, #tpu.memory_space<semaphore_mem>>)
    %dma_wait3A_105 = arith.constant 3 : i32
    %dma_wait3A_106 = arith.constant 0 : i32
    %dma_wait3A_107 = tpu.memref_slice %arg6[%dma_wait3A_105, %dma_wait3A_106] : memref<16x1xi32, #tpu.memory_space<vmem>> -> memref<1x1xi32, #tpu.memory_space<vmem>>
    %dma_wait3A_108 = tpu.memref_squeeze %dma_wait3A_107 : memref<1x1xi32, #tpu.memory_space<vmem>> -> memref<1xi32, #tpu.memory_space<vmem>>
    %dma_wait3A_109 = arith.constant 0 : i32
    %dma_wait3A_110 = arith.constant 0 : i32
    %dma_wait3A_111 = tpu.memref_slice %arg2[%dma_wait3A_109, %dma_wait3A_110] : memref<128x12288xf32, #tpu.memory_space<hbm>> -> memref<128x12288xf32, #tpu.memory_space<hbm>>
    tpu.wait_indirect_dma semaphore(%arg14 : memref<!tpu.dma_semaphore, #tpu.memory_space<semaphore_mem>>) src(%dma_wait3A_111 : memref<128x12288xf32, #tpu.memory_space<hbm>>) dst(%arg10 : memref<1x12288xf32, #tpu.memory_space<vmem>>)
    %add3A_112 = arith.constant 3 : i32
    %add3A_113 = arith.addi %mul3A_2, %add3A_112 : i32
    %dma_start3A_114 = arith.constant 0 : i32
    %dma_start3A_115 = arith.constant 24576 : i32
    %dma_start3A_116 = tpu.memref_slice %arg4[%dma_start3A_114, %dma_start3A_115] : memref<512x49152xf32, #tpu.memory_space<hbm>> -> memref<512x12288xf32, #tpu.memory_space<hbm>>
    %dma_start3A_117 = arith.constant 0 : i32
    %dma_start3A_118 = tpu.memref_slice %dma_start3A_116[%add3A_113, %dma_start3A_117] : memref<512x12288xf32, #tpu.memory_space<hbm>> -> memref<1x12288xf32, #tpu.memory_space<hbm>>
    %dma_start3A_119 = arith.constant 0 : i32
    %dma_start3A_120 = arith.constant 24576 : i32
    %dma_start3A_121 = tpu.memref_slice %arg4[%dma_start3A_119, %dma_start3A_120] : memref<512x49152xf32, #tpu.memory_space<hbm>> -> memref<512x12288xf32, #tpu.memory_space<hbm>>
    %dma_start3A_122 = arith.constant 0 : i32
    %dma_start3A_123 = tpu.memref_slice %dma_start3A_121[%add3A_113, %dma_start3A_122] : memref<512x12288xf32, #tpu.memory_space<hbm>> -> memref<1x12288xf32, #tpu.memory_space<hbm>>
    tpu.enqueue_dma source(%arg10 : memref<1x12288xf32, #tpu.memory_space<vmem>>) target(%dma_start3A_123 : memref<1x12288xf32, #tpu.memory_space<hbm>>) target_semaphore(%arg18 : memref<!tpu.dma_semaphore, #tpu.memory_space<semaphore_mem>>)
    %add3A_124 = arith.constant 1 : i32
    %add3A_125 = arith.addi %mul3A_2, %add3A_124 : i32
    %dma_wait3A_126 = arith.constant 0 : i32
    %dma_wait3A_127 = arith.constant 24576 : i32
    %dma_wait3A_128 = tpu.memref_slice %arg4[%dma_wait3A_126, %dma_wait3A_127] : memref<512x49152xf32, #tpu.memory_space<hbm>> -> memref<512x12288xf32, #tpu.memory_space<hbm>>
    %dma_wait3A_129 = arith.constant 0 : i32
    %dma_wait3A_130 = tpu.memref_slice %dma_wait3A_128[%add3A_125, %dma_wait3A_129] : memref<512x12288xf32, #tpu.memory_space<hbm>> -> memref<1x12288xf32, #tpu.memory_space<hbm>>
    %dma_wait3A_131 = arith.constant 0 : i32
    %dma_wait3A_132 = arith.constant 24576 : i32
    %dma_wait3A_133 = tpu.memref_slice %arg4[%dma_wait3A_131, %dma_wait3A_132] : memref<512x49152xf32, #tpu.memory_space<hbm>> -> memref<512x12288xf32, #tpu.memory_space<hbm>>
    %dma_wait3A_134 = arith.constant 0 : i32
    %dma_wait3A_135 = tpu.memref_slice %dma_wait3A_133[%add3A_125, %dma_wait3A_134] : memref<512x12288xf32, #tpu.memory_space<hbm>> -> memref<1x12288xf32, #tpu.memory_space<hbm>>
    tpu.wait_dma2 semaphore(%arg16 : memref<!tpu.dma_semaphore, #tpu.memory_space<semaphore_mem>>) src(%arg8 : memref<1x12288xf32, #tpu.memory_space<vmem>>) dst(%dma_wait3A_135 : memref<1x12288xf32, #tpu.memory_space<hbm>>)
    %dma_start3A_136 = arith.constant 5 : i32
    %dma_start3A_137 = arith.constant 0 : i32
    %dma_start3A_138 = tpu.memref_slice %arg6[%dma_start3A_136, %dma_start3A_137] : memref<16x1xi32, #tpu.memory_space<vmem>> -> memref<1x1xi32, #tpu.memory_space<vmem>>
    %dma_start3A_139 = tpu.memref_squeeze %dma_start3A_138 : memref<1x1xi32, #tpu.memory_space<vmem>> -> memref<1xi32, #tpu.memory_space<vmem>>
    %dma_start3A_140 = arith.constant 0 : i32
    %dma_start3A_141 = arith.constant 0 : i32
    %dma_start3A_142 = tpu.memref_slice %arg2[%dma_start3A_140, %dma_start3A_141] : memref<128x12288xf32, #tpu.memory_space<hbm>> -> memref<128x12288xf32, #tpu.memory_space<hbm>>
    tpu.enqueue_indirect_dma source(%dma_start3A_142 : memref<128x12288xf32, #tpu.memory_space<hbm>>) target(%arg8 : memref<1x12288xf32, #tpu.memory_space<vmem>>) offsets(%dma_start3A_139 : memref<1xi32, #tpu.memory_space<vmem>>) semaphore(%arg12 : memref<!tpu.dma_semaphore, #tpu.memory_space<semaphore_mem>>)
    %dma_wait3A_143 = arith.constant 4 : i32
    %dma_wait3A_144 = arith.constant 0 : i32
    %dma_wait3A_145 = tpu.memref_slice %arg6[%dma_wait3A_143, %dma_wait3A_144] : memref<16x1xi32, #tpu.memory_space<vmem>> -> memref<1x1xi32, #tpu.memory_space<vmem>>
    %dma_wait3A_146 = tpu.memref_squeeze %dma_wait3A_145 : memref<1x1xi32, #tpu.memory_space<vmem>> -> memref<1xi32, #tpu.memory_space<vmem>>
    %dma_wait3A_147 = arith.constant 0 : i32
    %dma_wait3A_148 = arith.constant 0 : i32
    %dma_wait3A_149 = tpu.memref_slice %arg2[%dma_wait3A_147, %dma_wait3A_148] : memref<128x12288xf32, #tpu.memory_space<hbm>> -> memref<128x12288xf32, #tpu.memory_space<hbm>>
    tpu.wait_indirect_dma semaphore(%arg11 : memref<!tpu.dma_semaphore, #tpu.memory_space<semaphore_mem>>) src(%dma_wait3A_149 : memref<128x12288xf32, #tpu.memory_space<hbm>>) dst(%arg7 : memref<1x12288xf32, #tpu.memory_space<vmem>>)
    %add3A_150 = arith.constant 4 : i32
    %add3A_151 = arith.addi %mul3A_2, %add3A_150 : i32
    %dma_start3A_152 = arith.constant 0 : i32
    %dma_start3A_153 = arith.constant 24576 : i32
    %dma_start3A_154 = tpu.memref_slice %arg4[%dma_start3A_152, %dma_start3A_153] : memref<512x49152xf32, #tpu.memory_space<hbm>> -> memref<512x12288xf32, #tpu.memory_space<hbm>>
    %dma_start3A_155 = arith.constant 0 : i32
    %dma_start3A_156 = tpu.memref_slice %dma_start3A_154[%add3A_151, %dma_start3A_155] : memref<512x12288xf32, #tpu.memory_space<hbm>> -> memref<1x12288xf32, #tpu.memory_space<hbm>>
    %dma_start3A_157 = arith.constant 0 : i32
    %dma_start3A_158 = arith.constant 24576 : i32
    %dma_start3A_159 = tpu.memref_slice %arg4[%dma_start3A_157, %dma_start3A_158] : memref<512x49152xf32, #tpu.memory_space<hbm>> -> memref<512x12288xf32, #tpu.memory_space<hbm>>
    %dma_start3A_160 = arith.constant 0 : i32
    %dma_start3A_161 = tpu.memref_slice %dma_start3A_159[%add3A_151, %dma_start3A_160] : memref<512x12288xf32, #tpu.memory_space<hbm>> -> memref<1x12288xf32, #tpu.memory_space<hbm>>
    tpu.enqueue_dma source(%arg7 : memref<1x12288xf32, #tpu.memory_space<vmem>>) target(%dma_start3A_161 : memref<1x12288xf32, #tpu.memory_space<hbm>>) target_semaphore(%arg15 : memref<!tpu.dma_semaphore, #tpu.memory_space<semaphore_mem>>)
    %add3A_162 = arith.constant 2 : i32
    %add3A_163 = arith.addi %mul3A_2, %add3A_162 : i32
    %dma_wait3A_164 = arith.constant 0 : i32
    %dma_wait3A_165 = arith.constant 24576 : i32
    %dma_wait3A_166 = tpu.memref_slice %arg4[%dma_wait3A_164, %dma_wait3A_165] : memref<512x49152xf32, #tpu.memory_space<hbm>> -> memref<512x12288xf32, #tpu.memory_space<hbm>>
    %dma_wait3A_167 = arith.constant 0 : i32
    %dma_wait3A_168 = tpu.memref_slice %dma_wait3A_166[%add3A_163, %dma_wait3A_167] : memref<512x12288xf32, #tpu.memory_space<hbm>> -> memref<1x12288xf32, #tpu.memory_space<hbm>>
    %dma_wait3A_169 = arith.constant 0 : i32
    %dma_wait3A_170 = arith.constant 24576 : i32
    %dma_wait3A_171 = tpu.memref_slice %arg4[%dma_wait3A_169, %dma_wait3A_170] : memref<512x49152xf32, #tpu.memory_space<hbm>> -> memref<512x12288xf32, #tpu.memory_space<hbm>>
    %dma_wait3A_172 = arith.constant 0 : i32
    %dma_wait3A_173 = tpu.memref_slice %dma_wait3A_171[%add3A_163, %dma_wait3A_172] : memref<512x12288xf32, #tpu.memory_space<hbm>> -> memref<1x12288xf32, #tpu.memory_space<hbm>>
    tpu.wait_dma2 semaphore(%arg17 : memref<!tpu.dma_semaphore, #tpu.memory_space<semaphore_mem>>) src(%arg9 : memref<1x12288xf32, #tpu.memory_space<vmem>>) dst(%dma_wait3A_173 : memref<1x12288xf32, #tpu.memory_space<hbm>>)
    %dma_start3A_174 = arith.constant 6 : i32
    %dma_start3A_175 = arith.constant 0 : i32
    %dma_start3A_176 = tpu.memref_slice %arg6[%dma_start3A_174, %dma_start3A_175] : memref<16x1xi32, #tpu.memory_space<vmem>> -> memref<1x1xi32, #tpu.memory_space<vmem>>
    %dma_start3A_177 = tpu.memref_squeeze %dma_start3A_176 : memref<1x1xi32, #tpu.memory_space<vmem>> -> memref<1xi32, #tpu.memory_space<vmem>>
    %dma_start3A_178 = arith.constant 0 : i32
    %dma_start3A_179 = arith.constant 0 : i32
    %dma_start3A_180 = tpu.memref_slice %arg2[%dma_start3A_178, %dma_start3A_179] : memref<128x12288xf32, #tpu.memory_space<hbm>> -> memref<128x12288xf32, #tpu.memory_space<hbm>>
    tpu.enqueue_indirect_dma source(%dma_start3A_180 : memref<128x12288xf32, #tpu.memory_space<hbm>>) target(%arg9 : memref<1x12288xf32, #tpu.memory_space<vmem>>) offsets(%dma_start3A_177 : memref<1xi32, #tpu.memory_space<vmem>>) semaphore(%arg13 : memref<!tpu.dma_semaphore, #tpu.memory_space<semaphore_mem>>)
    %dma_wait3A_181 = arith.constant 5 : i32
    %dma_wait3A_182 = arith.constant 0 : i32
    %dma_wait3A_183 = tpu.memref_slice %arg6[%dma_wait3A_181, %dma_wait3A_182] : memref<16x1xi32, #tpu.memory_space<vmem>> -> memref<1x1xi32, #tpu.memory_space<vmem>>
    %dma_wait3A_184 = tpu.memref_squeeze %dma_wait3A_183 : memref<1x1xi32, #tpu.memory_space<vmem>> -> memref<1xi32, #tpu.memory_space<vmem>>
    %dma_wait3A_185 = arith.constant 0 : i32
    %dma_wait3A_186 = arith.constant 0 : i32
    %dma_wait3A_187 = tpu.memref_slice %arg2[%dma_wait3A_185, %dma_wait3A_186] : memref<128x12288xf32, #tpu.memory_space<hbm>> -> memref<128x12288xf32, #tpu.memory_space<hbm>>
    tpu.wait_indirect_dma semaphore(%arg12 : memref<!tpu.dma_semaphore, #tpu.memory_space<semaphore_mem>>) src(%dma_wait3A_187 : memref<128x12288xf32, #tpu.memory_space<hbm>>) dst(%arg8 : memref<1x12288xf32, #tpu.memory_space<vmem>>)
    %add3A_188 = arith.constant 5 : i32
    %add3A_189 = arith.addi %mul3A_2, %add3A_188 : i32
    %dma_start3A_190 = arith.constant 0 : i32
    %dma_start3A_191 = arith.constant 24576 : i32
    %dma_start3A_192 = tpu.memref_slice %arg4[%dma_start3A_190, %dma_start3A_191] : memref<512x49152xf32, #tpu.memory_space<hbm>> -> memref<512x12288xf32, #tpu.memory_space<hbm>>
    %dma_start3A_193 = arith.constant 0 : i32
    %dma_start3A_194 = tpu.memref_slice %dma_start3A_192[%add3A_189, %dma_start3A_193] : memref<512x12288xf32, #tpu.memory_space<hbm>> -> memref<1x12288xf32, #tpu.memory_space<hbm>>
    %dma_start3A_195 = arith.constant 0 : i32
    %dma_start3A_196 = arith.constant 24576 : i32
    %dma_start3A_197 = tpu.memref_slice %arg4[%dma_start3A_195, %dma_start3A_196] : memref<512x49152xf32, #tpu.memory_space<hbm>> -> memref<512x12288xf32, #tpu.memory_space<hbm>>
    %dma_start3A_198 = arith.constant 0 : i32
    %dma_start3A_199 = tpu.memref_slice %dma_start3A_197[%add3A_189, %dma_start3A_198] : memref<512x12288xf32, #tpu.memory_space<hbm>> -> memref<1x12288xf32, #tpu.memory_space<hbm>>
    tpu.enqueue_dma source(%arg8 : memref<1x12288xf32, #tpu.memory_space<vmem>>) target(%dma_start3A_199 : memref<1x12288xf32, #tpu.memory_space<hbm>>) target_semaphore(%arg16 : memref<!tpu.dma_semaphore, #tpu.memory_space<semaphore_mem>>)
    %add3A_200 = arith.constant 3 : i32
    %add3A_201 = arith.addi %mul3A_2, %add3A_200 : i32
    %dma_wait3A_202 = arith.constant 0 : i32
    %dma_wait3A_203 = arith.constant 24576 : i32
    %dma_wait3A_204 = tpu.memref_slice %arg4[%dma_wait3A_202, %dma_wait3A_203] : memref<512x49152xf32, #tpu.memory_space<hbm>> -> memref<512x12288xf32, #tpu.memory_space<hbm>>
    %dma_wait3A_205 = arith.constant 0 : i32
    %dma_wait3A_206 = tpu.memref_slice %dma_wait3A_204[%add3A_201, %dma_wait3A_205] : memref<512x12288xf32, #tpu.memory_space<hbm>> -> memref<1x12288xf32, #tpu.memory_space<hbm>>
    %dma_wait3A_207 = arith.constant 0 : i32
    %dma_wait3A_208 = arith.constant 24576 : i32
    %dma_wait3A_209 = tpu.memref_slice %arg4[%dma_wait3A_207, %dma_wait3A_208] : memref<512x49152xf32, #tpu.memory_space<hbm>> -> memref<512x12288xf32, #tpu.memory_space<hbm>>
    %dma_wait3A_210 = arith.constant 0 : i32
    %dma_wait3A_211 = tpu.memref_slice %dma_wait3A_209[%add3A_201, %dma_wait3A_210] : memref<512x12288xf32, #tpu.memory_space<hbm>> -> memref<1x12288xf32, #tpu.memory_space<hbm>>
    tpu.wait_dma2 semaphore(%arg18 : memref<!tpu.dma_semaphore, #tpu.memory_space<semaphore_mem>>) src(%arg10 : memref<1x12288xf32, #tpu.memory_space<vmem>>) dst(%dma_wait3A_211 : memref<1x12288xf32, #tpu.memory_space<hbm>>)
    %dma_start3A_212 = arith.constant 7 : i32
    %dma_start3A_213 = arith.constant 0 : i32
    %dma_start3A_214 = tpu.memref_slice %arg6[%dma_start3A_212, %dma_start3A_213] : memref<16x1xi32, #tpu.memory_space<vmem>> -> memref<1x1xi32, #tpu.memory_space<vmem>>
    %dma_start3A_215 = tpu.memref_squeeze %dma_start3A_214 : memref<1x1xi32, #tpu.memory_space<vmem>> -> memref<1xi32, #tpu.memory_space<vmem>>
    %dma_start3A_216 = arith.constant 0 : i32
    %dma_start3A_217 = arith.constant 0 : i32
    %dma_start3A_218 = tpu.memref_slice %arg2[%dma_start3A_216, %dma_start3A_217] : memref<128x12288xf32, #tpu.memory_space<hbm>> -> memref<128x12288xf32, #tpu.memory_space<hbm>>
    tpu.enqueue_indirect_dma source(%dma_start3A_218 : memref<128x12288xf32, #tpu.memory_space<hbm>>) target(%arg10 : memref<1x12288xf32, #tpu.memory_space<vmem>>) offsets(%dma_start3A_215 : memref<1xi32, #tpu.memory_space<vmem>>) semaphore(%arg14 : memref<!tpu.dma_semaphore, #tpu.memory_space<semaphore_mem>>)
    %dma_wait3A_219 = arith.constant 6 : i32
    %dma_wait3A_220 = arith.constant 0 : i32
    %dma_wait3A_221 = tpu.memref_slice %arg6[%dma_wait3A_219, %dma_wait3A_220] : memref<16x1xi32, #tpu.memory_space<vmem>> -> memref<1x1xi32, #tpu.memory_space<vmem>>
    %dma_wait3A_222 = tpu.memref_squeeze %dma_wait3A_221 : memref<1x1xi32, #tpu.memory_space<vmem>> -> memref<1xi32, #tpu.memory_space<vmem>>
    %dma_wait3A_223 = arith.constant 0 : i32
    %dma_wait3A_224 = arith.constant 0 : i32
    %dma_wait3A_225 = tpu.memref_slice %arg2[%dma_wait3A_223, %dma_wait3A_224] : memref<128x12288xf32, #tpu.memory_space<hbm>> -> memref<128x12288xf32, #tpu.memory_space<hbm>>
    tpu.wait_indirect_dma semaphore(%arg13 : memref<!tpu.dma_semaphore, #tpu.memory_space<semaphore_mem>>) src(%dma_wait3A_225 : memref<128x12288xf32, #tpu.memory_space<hbm>>) dst(%arg9 : memref<1x12288xf32, #tpu.memory_space<vmem>>)
    %add3A_226 = arith.constant 6 : i32
    %add3A_227 = arith.addi %mul3A_2, %add3A_226 : i32
    %dma_start3A_228 = arith.constant 0 : i32
    %dma_start3A_229 = arith.constant 24576 : i32
    %dma_start3A_230 = tpu.memref_slice %arg4[%dma_start3A_228, %dma_start3A_229] : memref<512x49152xf32, #tpu.memory_space<hbm>> -> memref<512x12288xf32, #tpu.memory_space<hbm>>
    %dma_start3A_231 = arith.constant 0 : i32
    %dma_start3A_232 = tpu.memref_slice %dma_start3A_230[%add3A_227, %dma_start3A_231] : memref<512x12288xf32, #tpu.memory_space<hbm>> -> memref<1x12288xf32, #tpu.memory_space<hbm>>
    %dma_start3A_233 = arith.constant 0 : i32
    %dma_start3A_234 = arith.constant 24576 : i32
    %dma_start3A_235 = tpu.memref_slice %arg4[%dma_start3A_233, %dma_start3A_234] : memref<512x49152xf32, #tpu.memory_space<hbm>> -> memref<512x12288xf32, #tpu.memory_space<hbm>>
    %dma_start3A_236 = arith.constant 0 : i32
    %dma_start3A_237 = tpu.memref_slice %dma_start3A_235[%add3A_227, %dma_start3A_236] : memref<512x12288xf32, #tpu.memory_space<hbm>> -> memref<1x12288xf32, #tpu.memory_space<hbm>>
    tpu.enqueue_dma source(%arg9 : memref<1x12288xf32, #tpu.memory_space<vmem>>) target(%dma_start3A_237 : memref<1x12288xf32, #tpu.memory_space<hbm>>) target_semaphore(%arg17 : memref<!tpu.dma_semaphore, #tpu.memory_space<semaphore_mem>>)
    %add3A_238 = arith.constant 4 : i32
    %add3A_239 = arith.addi %mul3A_2, %add3A_238 : i32
    %dma_wait3A_240 = arith.constant 0 : i32
    %dma_wait3A_241 = arith.constant 24576 : i32
    %dma_wait3A_242 = tpu.memref_slice %arg4[%dma_wait3A_240, %dma_wait3A_241] : memref<512x49152xf32, #tpu.memory_space<hbm>> -> memref<512x12288xf32, #tpu.memory_space<hbm>>
    %dma_wait3A_243 = arith.constant 0 : i32
    %dma_wait3A_244 = tpu.memref_slice %dma_wait3A_242[%add3A_239, %dma_wait3A_243] : memref<512x12288xf32, #tpu.memory_space<hbm>> -> memref<1x12288xf32, #tpu.memory_space<hbm>>
    %dma_wait3A_245 = arith.constant 0 : i32
    %dma_wait3A_246 = arith.constant 24576 : i32
    %dma_wait3A_247 = tpu.memref_slice %arg4[%dma_wait3A_245, %dma_wait3A_246] : memref<512x49152xf32, #tpu.memory_space<hbm>> -> memref<512x12288xf32, #tpu.memory_space<hbm>>
    %dma_wait3A_248 = arith.constant 0 : i32
    %dma_wait3A_249 = tpu.memref_slice %dma_wait3A_247[%add3A_239, %dma_wait3A_248] : memref<512x12288xf32, #tpu.memory_space<hbm>> -> memref<1x12288xf32, #tpu.memory_space<hbm>>
    tpu.wait_dma2 semaphore(%arg15 : memref<!tpu.dma_semaphore, #tpu.memory_space<semaphore_mem>>) src(%arg7 : memref<1x12288xf32, #tpu.memory_space<vmem>>) dst(%dma_wait3A_249 : memref<1x12288xf32, #tpu.memory_space<hbm>>)
    %dma_start3A_250 = arith.constant 8 : i32
    %dma_start3A_251 = arith.constant 0 : i32
    %dma_start3A_252 = tpu.memref_slice %arg6[%dma_start3A_250, %dma_start3A_251] : memref<16x1xi32, #tpu.memory_space<vmem>> -> memref<1x1xi32, #tpu.memory_space<vmem>>
    %dma_start3A_253 = tpu.memref_squeeze %dma_start3A_252 : memref<1x1xi32, #tpu.memory_space<vmem>> -> memref<1xi32, #tpu.memory_space<vmem>>
    %dma_start3A_254 = arith.constant 0 : i32
    %dma_start3A_255 = arith.constant 0 : i32
    %dma_start3A_256 = tpu.memref_slice %arg2[%dma_start3A_254, %dma_start3A_255] : memref<128x12288xf32, #tpu.memory_space<hbm>> -> memref<128x12288xf32, #tpu.memory_space<hbm>>
    tpu.enqueue_indirect_dma source(%dma_start3A_256 : memref<128x12288xf32, #tpu.memory_space<hbm>>) target(%arg7 : memref<1x12288xf32, #tpu.memory_space<vmem>>) offsets(%dma_start3A_253 : memref<1xi32, #tpu.memory_space<vmem>>) semaphore(%arg11 : memref<!tpu.dma_semaphore, #tpu.memory_space<semaphore_mem>>)
    %dma_wait3A_257 = arith.constant 7 : i32
    %dma_wait3A_258 = arith.constant 0 : i32
    %dma_wait3A_259 = tpu.memref_slice %arg6[%dma_wait3A_257, %dma_wait3A_258] : memref<16x1xi32, #tpu.memory_space<vmem>> -> memref<1x1xi32, #tpu.memory_space<vmem>>
    %dma_wait3A_260 = tpu.memref_squeeze %dma_wait3A_259 : memref<1x1xi32, #tpu.memory_space<vmem>> -> memref<1xi32, #tpu.memory_space<vmem>>
    %dma_wait3A_261 = arith.constant 0 : i32
    %dma_wait3A_262 = arith.constant 0 : i32
    %dma_wait3A_263 = tpu.memref_slice %arg2[%dma_wait3A_261, %dma_wait3A_262] : memref<128x12288xf32, #tpu.memory_space<hbm>> -> memref<128x12288xf32, #tpu.memory_space<hbm>>
    tpu.wait_indirect_dma semaphore(%arg14 : memref<!tpu.dma_semaphore, #tpu.memory_space<semaphore_mem>>) src(%dma_wait3A_263 : memref<128x12288xf32, #tpu.memory_space<hbm>>) dst(%arg10 : memref<1x12288xf32, #tpu.memory_space<vmem>>)
    %add3A_264 = arith.constant 7 : i32
    %add3A_265 = arith.addi %mul3A_2, %add3A_264 : i32
    %dma_start3A_266 = arith.constant 0 : i32
    %dma_start3A_267 = arith.constant 24576 : i32
    %dma_start3A_268 = tpu.memref_slice %arg4[%dma_start3A_266, %dma_start3A_267] : memref<512x49152xf32, #tpu.memory_space<hbm>> -> memref<512x12288xf32, #tpu.memory_space<hbm>>
    %dma_start3A_269 = arith.constant 0 : i32
    %dma_start3A_270 = tpu.memref_slice %dma_start3A_268[%add3A_265, %dma_start3A_269] : memref<512x12288xf32, #tpu.memory_space<hbm>> -> memref<1x12288xf32, #tpu.memory_space<hbm>>
    %dma_start3A_271 = arith.constant 0 : i32
    %dma_start3A_272 = arith.constant 24576 : i32
    %dma_start3A_273 = tpu.memref_slice %arg4[%dma_start3A_271, %dma_start3A_272] : memref<512x49152xf32, #tpu.memory_space<hbm>> -> memref<512x12288xf32, #tpu.memory_space<hbm>>
    %dma_start3A_274 = arith.constant 0 : i32
    %dma_start3A_275 = tpu.memref_slice %dma_start3A_273[%add3A_265, %dma_start3A_274] : memref<512x12288xf32, #tpu.memory_space<hbm>> -> memref<1x12288xf32, #tpu.memory_space<hbm>>
    tpu.enqueue_dma source(%arg10 : memref<1x12288xf32, #tpu.memory_space<vmem>>) target(%dma_start3A_275 : memref<1x12288xf32, #tpu.memory_space<hbm>>) target_semaphore(%arg18 : memref<!tpu.dma_semaphore, #tpu.memory_space<semaphore_mem>>)
    %add3A_276 = arith.constant 5 : i32
    %add3A_277 = arith.addi %mul3A_2, %add3A_276 : i32
    %dma_wait3A_278 = arith.constant 0 : i32
    %dma_wait3A_279 = arith.constant 24576 : i32
    %dma_wait3A_280 = tpu.memref_slice %arg4[%dma_wait3A_278, %dma_wait3A_279] : memref<512x49152xf32, #tpu.memory_space<hbm>> -> memref<512x12288xf32, #tpu.memory_space<hbm>>
    %dma_wait3A_281 = arith.constant 0 : i32
    %dma_wait3A_282 = tpu.memref_slice %dma_wait3A_280[%add3A_277, %dma_wait3A_281] : memref<512x12288xf32, #tpu.memory_space<hbm>> -> memref<1x12288xf32, #tpu.memory_space<hbm>>
    %dma_wait3A_283 = arith.constant 0 : i32
    %dma_wait3A_284 = arith.constant 24576 : i32
    %dma_wait3A_285 = tpu.memref_slice %arg4[%dma_wait3A_283, %dma_wait3A_284] : memref<512x49152xf32, #tpu.memory_space<hbm>> -> memref<512x12288xf32, #tpu.memory_space<hbm>>
    %dma_wait3A_286 = arith.constant 0 : i32
    %dma_wait3A_287 = tpu.memref_slice %dma_wait3A_285[%add3A_277, %dma_wait3A_286] : memref<512x12288xf32, #tpu.memory_space<hbm>> -> memref<1x12288xf32, #tpu.memory_space<hbm>>
    tpu.wait_dma2 semaphore(%arg16 : memref<!tpu.dma_semaphore, #tpu.memory_space<semaphore_mem>>) src(%arg8 : memref<1x12288xf32, #tpu.memory_space<vmem>>) dst(%dma_wait3A_287 : memref<1x12288xf32, #tpu.memory_space<hbm>>)
    %dma_start3A_288 = arith.constant 9 : i32
    %dma_start3A_289 = arith.constant 0 : i32
    %dma_start3A_290 = tpu.memref_slice %arg6[%dma_start3A_288, %dma_start3A_289] : memref<16x1xi32, #tpu.memory_space<vmem>> -> memref<1x1xi32, #tpu.memory_space<vmem>>
    %dma_start3A_291 = tpu.memref_squeeze %dma_start3A_290 : memref<1x1xi32, #tpu.memory_space<vmem>> -> memref<1xi32, #tpu.memory_space<vmem>>
    %dma_start3A_292 = arith.constant 0 : i32
    %dma_start3A_293 = arith.constant 0 : i32
    %dma_start3A_294 = tpu.memref_slice %arg2[%dma_start3A_292, %dma_start3A_293] : memref<128x12288xf32, #tpu.memory_space<hbm>> -> memref<128x12288xf32, #tpu.memory_space<hbm>>
    tpu.enqueue_indirect_dma source(%dma_start3A_294 : memref<128x12288xf32, #tpu.memory_space<hbm>>) target(%arg8 : memref<1x12288xf32, #tpu.memory_space<vmem>>) offsets(%dma_start3A_291 : memref<1xi32, #tpu.memory_space<vmem>>) semaphore(%arg12 : memref<!tpu.dma_semaphore, #tpu.memory_space<semaphore_mem>>)
    %dma_wait3A_295 = arith.constant 8 : i32
    %dma_wait3A_296 = arith.constant 0 : i32
    %dma_wait3A_297 = tpu.memref_slice %arg6[%dma_wait3A_295, %dma_wait3A_296] : memref<16x1xi32, #tpu.memory_space<vmem>> -> memref<1x1xi32, #tpu.memory_space<vmem>>
    %dma_wait3A_298 = tpu.memref_squeeze %dma_wait3A_297 : memref<1x1xi32, #tpu.memory_space<vmem>> -> memref<1xi32, #tpu.memory_space<vmem>>
    %dma_wait3A_299 = arith.constant 0 : i32
    %dma_wait3A_300 = arith.constant 0 : i32
    %dma_wait3A_301 = tpu.memref_slice %arg2[%dma_wait3A_299, %dma_wait3A_300] : memref<128x12288xf32, #tpu.memory_space<hbm>> -> memref<128x12288xf32, #tpu.memory_space<hbm>>
    tpu.wait_indirect_dma semaphore(%arg11 : memref<!tpu.dma_semaphore, #tpu.memory_space<semaphore_mem>>) src(%dma_wait3A_301 : memref<128x12288xf32, #tpu.memory_space<hbm>>) dst(%arg7 : memref<1x12288xf32, #tpu.memory_space<vmem>>)
    %add3A_302 = arith.constant 8 : i32
    %add3A_303 = arith.addi %mul3A_2, %add3A_302 : i32
    %dma_start3A_304 = arith.constant 0 : i32
    %dma_start3A_305 = arith.constant 24576 : i32
    %dma_start3A_306 = tpu.memref_slice %arg4[%dma_start3A_304, %dma_start3A_305] : memref<512x49152xf32, #tpu.memory_space<hbm>> -> memref<512x12288xf32, #tpu.memory_space<hbm>>
    %dma_start3A_307 = arith.constant 0 : i32
    %dma_start3A_308 = tpu.memref_slice %dma_start3A_306[%add3A_303, %dma_start3A_307] : memref<512x12288xf32, #tpu.memory_space<hbm>> -> memref<1x12288xf32, #tpu.memory_space<hbm>>
    %dma_start3A_309 = arith.constant 0 : i32
    %dma_start3A_310 = arith.constant 24576 : i32
    %dma_start3A_311 = tpu.memref_slice %arg4[%dma_start3A_309, %dma_start3A_310] : memref<512x49152xf32, #tpu.memory_space<hbm>> -> memref<512x12288xf32, #tpu.memory_space<hbm>>
    %dma_start3A_312 = arith.constant 0 : i32
    %dma_start3A_313 = tpu.memref_slice %dma_start3A_311[%add3A_303, %dma_start3A_312] : memref<512x12288xf32, #tpu.memory_space<hbm>> -> memref<1x12288xf32, #tpu.memory_space<hbm>>
    tpu.enqueue_dma source(%arg7 : memref<1x12288xf32, #tpu.memory_space<vmem>>) target(%dma_start3A_313 : memref<1x12288xf32, #tpu.memory_space<hbm>>) target_semaphore(%arg15 : memref<!tpu.dma_semaphore, #tpu.memory_space<semaphore_mem>>)
    %add3A_314 = arith.constant 6 : i32
    %add3A_315 = arith.addi %mul3A_2, %add3A_314 : i32
    %dma_wait3A_316 = arith.constant 0 : i32
    %dma_wait3A_317 = arith.constant 24576 : i32
    %dma_wait3A_318 = tpu.memref_slice %arg4[%dma_wait3A_316, %dma_wait3A_317] : memref<512x49152xf32, #tpu.memory_space<hbm>> -> memref<512x12288xf32, #tpu.memory_space<hbm>>
    %dma_wait3A_319 = arith.constant 0 : i32
    %dma_wait3A_320 = tpu.memref_slice %dma_wait3A_318[%add3A_315, %dma_wait3A_319] : memref<512x12288xf32, #tpu.memory_space<hbm>> -> memref<1x12288xf32, #tpu.memory_space<hbm>>
    %dma_wait3A_321 = arith.constant 0 : i32
    %dma_wait3A_322 = arith.constant 24576 : i32
    %dma_wait3A_323 = tpu.memref_slice %arg4[%dma_wait3A_321, %dma_wait3A_322] : memref<512x49152xf32, #tpu.memory_space<hbm>> -> memref<512x12288xf32, #tpu.memory_space<hbm>>
    %dma_wait3A_324 = arith.constant 0 : i32
    %dma_wait3A_325 = tpu.memref_slice %dma_wait3A_323[%add3A_315, %dma_wait3A_324] : memref<512x12288xf32, #tpu.memory_space<hbm>> -> memref<1x12288xf32, #tpu.memory_space<hbm>>
    tpu.wait_dma2 semaphore(%arg17 : memref<!tpu.dma_semaphore, #tpu.memory_space<semaphore_mem>>) src(%arg9 : memref<1x12288xf32, #tpu.memory_space<vmem>>) dst(%dma_wait3A_325 : memref<1x12288xf32, #tpu.memory_space<hbm>>)
    %dma_start3A_326 = arith.constant 10 : i32
    %dma_start3A_327 = arith.constant 0 : i32
    %dma_start3A_328 = tpu.memref_slice %arg6[%dma_start3A_326, %dma_start3A_327] : memref<16x1xi32, #tpu.memory_space<vmem>> -> memref<1x1xi32, #tpu.memory_space<vmem>>
    %dma_start3A_329 = tpu.memref_squeeze %dma_start3A_328 : memref<1x1xi32, #tpu.memory_space<vmem>> -> memref<1xi32, #tpu.memory_space<vmem>>
    %dma_start3A_330 = arith.constant 0 : i32
    %dma_start3A_331 = arith.constant 0 : i32
    %dma_start3A_332 = tpu.memref_slice %arg2[%dma_start3A_330, %dma_start3A_331] : memref<128x12288xf32, #tpu.memory_space<hbm>> -> memref<128x12288xf32, #tpu.memory_space<hbm>>
    tpu.enqueue_indirect_dma source(%dma_start3A_332 : memref<128x12288xf32, #tpu.memory_space<hbm>>) target(%arg9 : memref<1x12288xf32, #tpu.memory_space<vmem>>) offsets(%dma_start3A_329 : memref<1xi32, #tpu.memory_space<vmem>>) semaphore(%arg13 : memref<!tpu.dma_semaphore, #tpu.memory_space<semaphore_mem>>)
    %dma_wait3A_333 = arith.constant 9 : i32
    %dma_wait3A_334 = arith.constant 0 : i32
    %dma_wait3A_335 = tpu.memref_slice %arg6[%dma_wait3A_333, %dma_wait3A_334] : memref<16x1xi32, #tpu.memory_space<vmem>> -> memref<1x1xi32, #tpu.memory_space<vmem>>
    %dma_wait3A_336 = tpu.memref_squeeze %dma_wait3A_335 : memref<1x1xi32, #tpu.memory_space<vmem>> -> memref<1xi32, #tpu.memory_space<vmem>>
    %dma_wait3A_337 = arith.constant 0 : i32
    %dma_wait3A_338 = arith.constant 0 : i32
    %dma_wait3A_339 = tpu.memref_slice %arg2[%dma_wait3A_337, %dma_wait3A_338] : memref<128x12288xf32, #tpu.memory_space<hbm>> -> memref<128x12288xf32, #tpu.memory_space<hbm>>
    tpu.wait_indirect_dma semaphore(%arg12 : memref<!tpu.dma_semaphore, #tpu.memory_space<semaphore_mem>>) src(%dma_wait3A_339 : memref<128x12288xf32, #tpu.memory_space<hbm>>) dst(%arg8 : memref<1x12288xf32, #tpu.memory_space<vmem>>)
    %add3A_340 = arith.constant 9 : i32
    %add3A_341 = arith.addi %mul3A_2, %add3A_340 : i32
    %dma_start3A_342 = arith.constant 0 : i32
    %dma_start3A_343 = arith.constant 24576 : i32
    %dma_start3A_344 = tpu.memref_slice %arg4[%dma_start3A_342, %dma_start3A_343] : memref<512x49152xf32, #tpu.memory_space<hbm>> -> memref<512x12288xf32, #tpu.memory_space<hbm>>
    %dma_start3A_345 = arith.constant 0 : i32
    %dma_start3A_346 = tpu.memref_slice %dma_start3A_344[%add3A_341, %dma_start3A_345] : memref<512x12288xf32, #tpu.memory_space<hbm>> -> memref<1x12288xf32, #tpu.memory_space<hbm>>
    %dma_start3A_347 = arith.constant 0 : i32
    %dma_start3A_348 = arith.constant 24576 : i32
    %dma_start3A_349 = tpu.memref_slice %arg4[%dma_start3A_347, %dma_start3A_348] : memref<512x49152xf32, #tpu.memory_space<hbm>> -> memref<512x12288xf32, #tpu.memory_space<hbm>>
    %dma_start3A_350 = arith.constant 0 : i32
    %dma_start3A_351 = tpu.memref_slice %dma_start3A_349[%add3A_341, %dma_start3A_350] : memref<512x12288xf32, #tpu.memory_space<hbm>> -> memref<1x12288xf32, #tpu.memory_space<hbm>>
    tpu.enqueue_dma source(%arg8 : memref<1x12288xf32, #tpu.memory_space<vmem>>) target(%dma_start3A_351 : memref<1x12288xf32, #tpu.memory_space<hbm>>) target_semaphore(%arg16 : memref<!tpu.dma_semaphore, #tpu.memory_space<semaphore_mem>>)
    %add3A_352 = arith.constant 7 : i32
    %add3A_353 = arith.addi %mul3A_2, %add3A_352 : i32
    %dma_wait3A_354 = arith.constant 0 : i32
    %dma_wait3A_355 = arith.constant 24576 : i32
    %dma_wait3A_356 = tpu.memref_slice %arg4[%dma_wait3A_354, %dma_wait3A_355] : memref<512x49152xf32, #tpu.memory_space<hbm>> -> memref<512x12288xf32, #tpu.memory_space<hbm>>
    %dma_wait3A_357 = arith.constant 0 : i32
    %dma_wait3A_358 = tpu.memref_slice %dma_wait3A_356[%add3A_353, %dma_wait3A_357] : memref<512x12288xf32, #tpu.memory_space<hbm>> -> memref<1x12288xf32, #tpu.memory_space<hbm>>
    %dma_wait3A_359 = arith.constant 0 : i32
    %dma_wait3A_360 = arith.constant 24576 : i32
    %dma_wait3A_361 = tpu.memref_slice %arg4[%dma_wait3A_359, %dma_wait3A_360] : memref<512x49152xf32, #tpu.memory_space<hbm>> -> memref<512x12288xf32, #tpu.memory_space<hbm>>
    %dma_wait3A_362 = arith.constant 0 : i32
    %dma_wait3A_363 = tpu.memref_slice %dma_wait3A_361[%add3A_353, %dma_wait3A_362] : memref<512x12288xf32, #tpu.memory_space<hbm>> -> memref<1x12288xf32, #tpu.memory_space<hbm>>
    tpu.wait_dma2 semaphore(%arg18 : memref<!tpu.dma_semaphore, #tpu.memory_space<semaphore_mem>>) src(%arg10 : memref<1x12288xf32, #tpu.memory_space<vmem>>) dst(%dma_wait3A_363 : memref<1x12288xf32, #tpu.memory_space<hbm>>)
    %dma_start3A_364 = arith.constant 11 : i32
    %dma_start3A_365 = arith.constant 0 : i32
    %dma_start3A_366 = tpu.memref_slice %arg6[%dma_start3A_364, %dma_start3A_365] : memref<16x1xi32, #tpu.memory_space<vmem>> -> memref<1x1xi32, #tpu.memory_space<vmem>>
    %dma_start3A_367 = tpu.memref_squeeze %dma_start3A_366 : memref<1x1xi32, #tpu.memory_space<vmem>> -> memref<1xi32, #tpu.memory_space<vmem>>
    %dma_start3A_368 = arith.constant 0 : i32
    %dma_start3A_369 = arith.constant 0 : i32
    %dma_start3A_370 = tpu.memref_slice %arg2[%dma_start3A_368, %dma_start3A_369] : memref<128x12288xf32, #tpu.memory_space<hbm>> -> memref<128x12288xf32, #tpu.memory_space<hbm>>
    tpu.enqueue_indirect_dma source(%dma_start3A_370 : memref<128x12288xf32, #tpu.memory_space<hbm>>) target(%arg10 : memref<1x12288xf32, #tpu.memory_space<vmem>>) offsets(%dma_start3A_367 : memref<1xi32, #tpu.memory_space<vmem>>) semaphore(%arg14 : memref<!tpu.dma_semaphore, #tpu.memory_space<semaphore_mem>>)
    %dma_wait3A_371 = arith.constant 10 : i32
    %dma_wait3A_372 = arith.constant 0 : i32
    %dma_wait3A_373 = tpu.memref_slice %arg6[%dma_wait3A_371, %dma_wait3A_372] : memref<16x1xi32, #tpu.memory_space<vmem>> -> memref<1x1xi32, #tpu.memory_space<vmem>>
    %dma_wait3A_374 = tpu.memref_squeeze %dma_wait3A_373 : memref<1x1xi32, #tpu.memory_space<vmem>> -> memref<1xi32, #tpu.memory_space<vmem>>
    %dma_wait3A_375 = arith.constant 0 : i32
    %dma_wait3A_376 = arith.constant 0 : i32
    %dma_wait3A_377 = tpu.memref_slice %arg2[%dma_wait3A_375, %dma_wait3A_376] : memref<128x12288xf32, #tpu.memory_space<hbm>> -> memref<128x12288xf32, #tpu.memory_space<hbm>>
    tpu.wait_indirect_dma semaphore(%arg13 : memref<!tpu.dma_semaphore, #tpu.memory_space<semaphore_mem>>) src(%dma_wait3A_377 : memref<128x12288xf32, #tpu.memory_space<hbm>>) dst(%arg9 : memref<1x12288xf32, #tpu.memory_space<vmem>>)
    %add3A_378 = arith.constant 10 : i32
    %add3A_379 = arith.addi %mul3A_2, %add3A_378 : i32
    %dma_start3A_380 = arith.constant 0 : i32
    %dma_start3A_381 = arith.constant 24576 : i32
    %dma_start3A_382 = tpu.memref_slice %arg4[%dma_start3A_380, %dma_start3A_381] : memref<512x49152xf32, #tpu.memory_space<hbm>> -> memref<512x12288xf32, #tpu.memory_space<hbm>>
    %dma_start3A_383 = arith.constant 0 : i32
    %dma_start3A_384 = tpu.memref_slice %dma_start3A_382[%add3A_379, %dma_start3A_383] : memref<512x12288xf32, #tpu.memory_space<hbm>> -> memref<1x12288xf32, #tpu.memory_space<hbm>>
    %dma_start3A_385 = arith.constant 0 : i32
    %dma_start3A_386 = arith.constant 24576 : i32
    %dma_start3A_387 = tpu.memref_slice %arg4[%dma_start3A_385, %dma_start3A_386] : memref<512x49152xf32, #tpu.memory_space<hbm>> -> memref<512x12288xf32, #tpu.memory_space<hbm>>
    %dma_start3A_388 = arith.constant 0 : i32
    %dma_start3A_389 = tpu.memref_slice %dma_start3A_387[%add3A_379, %dma_start3A_388] : memref<512x12288xf32, #tpu.memory_space<hbm>> -> memref<1x12288xf32, #tpu.memory_space<hbm>>
    tpu.enqueue_dma source(%arg9 : memref<1x12288xf32, #tpu.memory_space<vmem>>) target(%dma_start3A_389 : memref<1x12288xf32, #tpu.memory_space<hbm>>) target_semaphore(%arg17 : memref<!tpu.dma_semaphore, #tpu.memory_space<semaphore_mem>>)
    %add3A_390 = arith.constant 8 : i32
    %add3A_391 = arith.addi %mul3A_2, %add3A_390 : i32
    %dma_wait3A_392 = arith.constant 0 : i32
    %dma_wait3A_393 = arith.constant 24576 : i32
    %dma_wait3A_394 = tpu.memref_slice %arg4[%dma_wait3A_392, %dma_wait3A_393] : memref<512x49152xf32, #tpu.memory_space<hbm>> -> memref<512x12288xf32, #tpu.memory_space<hbm>>
    %dma_wait3A_395 = arith.constant 0 : i32
    %dma_wait3A_396 = tpu.memref_slice %dma_wait3A_394[%add3A_391, %dma_wait3A_395] : memref<512x12288xf32, #tpu.memory_space<hbm>> -> memref<1x12288xf32, #tpu.memory_space<hbm>>
    %dma_wait3A_397 = arith.constant 0 : i32
    %dma_wait3A_398 = arith.constant 24576 : i32
    %dma_wait3A_399 = tpu.memref_slice %arg4[%dma_wait3A_397, %dma_wait3A_398] : memref<512x49152xf32, #tpu.memory_space<hbm>> -> memref<512x12288xf32, #tpu.memory_space<hbm>>
    %dma_wait3A_400 = arith.constant 0 : i32
    %dma_wait3A_401 = tpu.memref_slice %dma_wait3A_399[%add3A_391, %dma_wait3A_400] : memref<512x12288xf32, #tpu.memory_space<hbm>> -> memref<1x12288xf32, #tpu.memory_space<hbm>>
    tpu.wait_dma2 semaphore(%arg15 : memref<!tpu.dma_semaphore, #tpu.memory_space<semaphore_mem>>) src(%arg7 : memref<1x12288xf32, #tpu.memory_space<vmem>>) dst(%dma_wait3A_401 : memref<1x12288xf32, #tpu.memory_space<hbm>>)
    %dma_start3A_402 = arith.constant 12 : i32
    %dma_start3A_403 = arith.constant 0 : i32
    %dma_start3A_404 = tpu.memref_slice %arg6[%dma_start3A_402, %dma_start3A_403] : memref<16x1xi32, #tpu.memory_space<vmem>> -> memref<1x1xi32, #tpu.memory_space<vmem>>
    %dma_start3A_405 = tpu.memref_squeeze %dma_start3A_404 : memref<1x1xi32, #tpu.memory_space<vmem>> -> memref<1xi32, #tpu.memory_space<vmem>>
    %dma_start3A_406 = arith.constant 0 : i32
    %dma_start3A_407 = arith.constant 0 : i32
    %dma_start3A_408 = tpu.memref_slice %arg2[%dma_start3A_406, %dma_start3A_407] : memref<128x12288xf32, #tpu.memory_space<hbm>> -> memref<128x12288xf32, #tpu.memory_space<hbm>>
    tpu.enqueue_indirect_dma source(%dma_start3A_408 : memref<128x12288xf32, #tpu.memory_space<hbm>>) target(%arg7 : memref<1x12288xf32, #tpu.memory_space<vmem>>) offsets(%dma_start3A_405 : memref<1xi32, #tpu.memory_space<vmem>>) semaphore(%arg11 : memref<!tpu.dma_semaphore, #tpu.memory_space<semaphore_mem>>)
    %dma_wait3A_409 = arith.constant 11 : i32
    %dma_wait3A_410 = arith.constant 0 : i32
    %dma_wait3A_411 = tpu.memref_slice %arg6[%dma_wait3A_409, %dma_wait3A_410] : memref<16x1xi32, #tpu.memory_space<vmem>> -> memref<1x1xi32, #tpu.memory_space<vmem>>
    %dma_wait3A_412 = tpu.memref_squeeze %dma_wait3A_411 : memref<1x1xi32, #tpu.memory_space<vmem>> -> memref<1xi32, #tpu.memory_space<vmem>>
    %dma_wait3A_413 = arith.constant 0 : i32
    %dma_wait3A_414 = arith.constant 0 : i32
    %dma_wait3A_415 = tpu.memref_slice %arg2[%dma_wait3A_413, %dma_wait3A_414] : memref<128x12288xf32, #tpu.memory_space<hbm>> -> memref<128x12288xf32, #tpu.memory_space<hbm>>
    tpu.wait_indirect_dma semaphore(%arg14 : memref<!tpu.dma_semaphore, #tpu.memory_space<semaphore_mem>>) src(%dma_wait3A_415 : memref<128x12288xf32, #tpu.memory_space<hbm>>) dst(%arg10 : memref<1x12288xf32, #tpu.memory_space<vmem>>)
    %add3A_416 = arith.constant 11 : i32
    %add3A_417 = arith.addi %mul3A_2, %add3A_416 : i32
    %dma_start3A_418 = arith.constant 0 : i32
    %dma_start3A_419 = arith.constant 24576 : i32
    %dma_start3A_420 = tpu.memref_slice %arg4[%dma_start3A_418, %dma_start3A_419] : memref<512x49152xf32, #tpu.memory_space<hbm>> -> memref<512x12288xf32, #tpu.memory_space<hbm>>
    %dma_start3A_421 = arith.constant 0 : i32
    %dma_start3A_422 = tpu.memref_slice %dma_start3A_420[%add3A_417, %dma_start3A_421] : memref<512x12288xf32, #tpu.memory_space<hbm>> -> memref<1x12288xf32, #tpu.memory_space<hbm>>
    %dma_start3A_423 = arith.constant 0 : i32
    %dma_start3A_424 = arith.constant 24576 : i32
    %dma_start3A_425 = tpu.memref_slice %arg4[%dma_start3A_423, %dma_start3A_424] : memref<512x49152xf32, #tpu.memory_space<hbm>> -> memref<512x12288xf32, #tpu.memory_space<hbm>>
    %dma_start3A_426 = arith.constant 0 : i32
    %dma_start3A_427 = tpu.memref_slice %dma_start3A_425[%add3A_417, %dma_start3A_426] : memref<512x12288xf32, #tpu.memory_space<hbm>> -> memref<1x12288xf32, #tpu.memory_space<hbm>>
    tpu.enqueue_dma source(%arg10 : memref<1x12288xf32, #tpu.memory_space<vmem>>) target(%dma_start3A_427 : memref<1x12288xf32, #tpu.memory_space<hbm>>) target_semaphore(%arg18 : memref<!tpu.dma_semaphore, #tpu.memory_space<semaphore_mem>>)
    %add3A_428 = arith.constant 9 : i32
    %add3A_429 = arith.addi %mul3A_2, %add3A_428 : i32
    %dma_wait3A_430 = arith.constant 0 : i32
    %dma_wait3A_431 = arith.constant 24576 : i32
    %dma_wait3A_432 = tpu.memref_slice %arg4[%dma_wait3A_430, %dma_wait3A_431] : memref<512x49152xf32, #tpu.memory_space<hbm>> -> memref<512x12288xf32, #tpu.memory_space<hbm>>
    %dma_wait3A_433 = arith.constant 0 : i32
    %dma_wait3A_434 = tpu.memref_slice %dma_wait3A_432[%add3A_429, %dma_wait3A_433] : memref<512x12288xf32, #tpu.memory_space<hbm>> -> memref<1x12288xf32, #tpu.memory_space<hbm>>
    %dma_wait3A_435 = arith.constant 0 : i32
    %dma_wait3A_436 = arith.constant 24576 : i32
    %dma_wait3A_437 = tpu.memref_slice %arg4[%dma_wait3A_435, %dma_wait3A_436] : memref<512x49152xf32, #tpu.memory_space<hbm>> -> memref<512x12288xf32, #tpu.memory_space<hbm>>
    %dma_wait3A_438 = arith.constant 0 : i32
    %dma_wait3A_439 = tpu.memref_slice %dma_wait3A_437[%add3A_429, %dma_wait3A_438] : memref<512x12288xf32, #tpu.memory_space<hbm>> -> memref<1x12288xf32, #tpu.memory_space<hbm>>
    tpu.wait_dma2 semaphore(%arg16 : memref<!tpu.dma_semaphore, #tpu.memory_space<semaphore_mem>>) src(%arg8 : memref<1x12288xf32, #tpu.memory_space<vmem>>) dst(%dma_wait3A_439 : memref<1x12288xf32, #tpu.memory_space<hbm>>)
    %dma_start3A_440 = arith.constant 13 : i32
    %dma_start3A_441 = arith.constant 0 : i32
    %dma_start3A_442 = tpu.memref_slice %arg6[%dma_start3A_440, %dma_start3A_441] : memref<16x1xi32, #tpu.memory_space<vmem>> -> memref<1x1xi32, #tpu.memory_space<vmem>>
    %dma_start3A_443 = tpu.memref_squeeze %dma_start3A_442 : memref<1x1xi32, #tpu.memory_space<vmem>> -> memref<1xi32, #tpu.memory_space<vmem>>
    %dma_start3A_444 = arith.constant 0 : i32
    %dma_start3A_445 = arith.constant 0 : i32
    %dma_start3A_446 = tpu.memref_slice %arg2[%dma_start3A_444, %dma_start3A_445] : memref<128x12288xf32, #tpu.memory_space<hbm>> -> memref<128x12288xf32, #tpu.memory_space<hbm>>
    tpu.enqueue_indirect_dma source(%dma_start3A_446 : memref<128x12288xf32, #tpu.memory_space<hbm>>) target(%arg8 : memref<1x12288xf32, #tpu.memory_space<vmem>>) offsets(%dma_start3A_443 : memref<1xi32, #tpu.memory_space<vmem>>) semaphore(%arg12 : memref<!tpu.dma_semaphore, #tpu.memory_space<semaphore_mem>>)
    %dma_wait3A_447 = arith.constant 12 : i32
    %dma_wait3A_448 = arith.constant 0 : i32
    %dma_wait3A_449 = tpu.memref_slice %arg6[%dma_wait3A_447, %dma_wait3A_448] : memref<16x1xi32, #tpu.memory_space<vmem>> -> memref<1x1xi32, #tpu.memory_space<vmem>>
    %dma_wait3A_450 = tpu.memref_squeeze %dma_wait3A_449 : memref<1x1xi32, #tpu.memory_space<vmem>> -> memref<1xi32, #tpu.memory_space<vmem>>
    %dma_wait3A_451 = arith.constant 0 : i32
    %dma_wait3A_452 = arith.constant 0 : i32
    %dma_wait3A_453 = tpu.memref_slice %arg2[%dma_wait3A_451, %dma_wait3A_452] : memref<128x12288xf32, #tpu.memory_space<hbm>> -> memref<128x12288xf32, #tpu.memory_space<hbm>>
    tpu.wait_indirect_dma semaphore(%arg11 : memref<!tpu.dma_semaphore, #tpu.memory_space<semaphore_mem>>) src(%dma_wait3A_453 : memref<128x12288xf32, #tpu.memory_space<hbm>>) dst(%arg7 : memref<1x12288xf32, #tpu.memory_space<vmem>>)
    %add3A_454 = arith.constant 12 : i32
    %add3A_455 = arith.addi %mul3A_2, %add3A_454 : i32
    %dma_start3A_456 = arith.constant 0 : i32
    %dma_start3A_457 = arith.constant 24576 : i32
    %dma_start3A_458 = tpu.memref_slice %arg4[%dma_start3A_456, %dma_start3A_457] : memref<512x49152xf32, #tpu.memory_space<hbm>> -> memref<512x12288xf32, #tpu.memory_space<hbm>>
    %dma_start3A_459 = arith.constant 0 : i32
    %dma_start3A_460 = tpu.memref_slice %dma_start3A_458[%add3A_455, %dma_start3A_459] : memref<512x12288xf32, #tpu.memory_space<hbm>> -> memref<1x12288xf32, #tpu.memory_space<hbm>>
    %dma_start3A_461 = arith.constant 0 : i32
    %dma_start3A_462 = arith.constant 24576 : i32
    %dma_start3A_463 = tpu.memref_slice %arg4[%dma_start3A_461, %dma_start3A_462] : memref<512x49152xf32, #tpu.memory_space<hbm>> -> memref<512x12288xf32, #tpu.memory_space<hbm>>
    %dma_start3A_464 = arith.constant 0 : i32
    %dma_start3A_465 = tpu.memref_slice %dma_start3A_463[%add3A_455, %dma_start3A_464] : memref<512x12288xf32, #tpu.memory_space<hbm>> -> memref<1x12288xf32, #tpu.memory_space<hbm>>
    tpu.enqueue_dma source(%arg7 : memref<1x12288xf32, #tpu.memory_space<vmem>>) target(%dma_start3A_465 : memref<1x12288xf32, #tpu.memory_space<hbm>>) target_semaphore(%arg15 : memref<!tpu.dma_semaphore, #tpu.memory_space<semaphore_mem>>)
    %add3A_466 = arith.constant 10 : i32
    %add3A_467 = arith.addi %mul3A_2, %add3A_466 : i32
    %dma_wait3A_468 = arith.constant 0 : i32
    %dma_wait3A_469 = arith.constant 24576 : i32
    %dma_wait3A_470 = tpu.memref_slice %arg4[%dma_wait3A_468, %dma_wait3A_469] : memref<512x49152xf32, #tpu.memory_space<hbm>> -> memref<512x12288xf32, #tpu.memory_space<hbm>>
    %dma_wait3A_471 = arith.constant 0 : i32
    %dma_wait3A_472 = tpu.memref_slice %dma_wait3A_470[%add3A_467, %dma_wait3A_471] : memref<512x12288xf32, #tpu.memory_space<hbm>> -> memref<1x12288xf32, #tpu.memory_space<hbm>>
    %dma_wait3A_473 = arith.constant 0 : i32
    %dma_wait3A_474 = arith.constant 24576 : i32
    %dma_wait3A_475 = tpu.memref_slice %arg4[%dma_wait3A_473, %dma_wait3A_474] : memref<512x49152xf32, #tpu.memory_space<hbm>> -> memref<512x12288xf32, #tpu.memory_space<hbm>>
    %dma_wait3A_476 = arith.constant 0 : i32
    %dma_wait3A_477 = tpu.memref_slice %dma_wait3A_475[%add3A_467, %dma_wait3A_476] : memref<512x12288xf32, #tpu.memory_space<hbm>> -> memref<1x12288xf32, #tpu.memory_space<hbm>>
    tpu.wait_dma2 semaphore(%arg17 : memref<!tpu.dma_semaphore, #tpu.memory_space<semaphore_mem>>) src(%arg9 : memref<1x12288xf32, #tpu.memory_space<vmem>>) dst(%dma_wait3A_477 : memref<1x12288xf32, #tpu.memory_space<hbm>>)
    %dma_start3A_478 = arith.constant 14 : i32
    %dma_start3A_479 = arith.constant 0 : i32
    %dma_start3A_480 = tpu.memref_slice %arg6[%dma_start3A_478, %dma_start3A_479] : memref<16x1xi32, #tpu.memory_space<vmem>> -> memref<1x1xi32, #tpu.memory_space<vmem>>
    %dma_start3A_481 = tpu.memref_squeeze %dma_start3A_480 : memref<1x1xi32, #tpu.memory_space<vmem>> -> memref<1xi32, #tpu.memory_space<vmem>>
    %dma_start3A_482 = arith.constant 0 : i32
    %dma_start3A_483 = arith.constant 0 : i32
    %dma_start3A_484 = tpu.memref_slice %arg2[%dma_start3A_482, %dma_start3A_483] : memref<128x12288xf32, #tpu.memory_space<hbm>> -> memref<128x12288xf32, #tpu.memory_space<hbm>>
    tpu.enqueue_indirect_dma source(%dma_start3A_484 : memref<128x12288xf32, #tpu.memory_space<hbm>>) target(%arg9 : memref<1x12288xf32, #tpu.memory_space<vmem>>) offsets(%dma_start3A_481 : memref<1xi32, #tpu.memory_space<vmem>>) semaphore(%arg13 : memref<!tpu.dma_semaphore, #tpu.memory_space<semaphore_mem>>)
    %dma_wait3A_485 = arith.constant 13 : i32
    %dma_wait3A_486 = arith.constant 0 : i32
    %dma_wait3A_487 = tpu.memref_slice %arg6[%dma_wait3A_485, %dma_wait3A_486] : memref<16x1xi32, #tpu.memory_space<vmem>> -> memref<1x1xi32, #tpu.memory_space<vmem>>
    %dma_wait3A_488 = tpu.memref_squeeze %dma_wait3A_487 : memref<1x1xi32, #tpu.memory_space<vmem>> -> memref<1xi32, #tpu.memory_space<vmem>>
    %dma_wait3A_489 = arith.constant 0 : i32
    %dma_wait3A_490 = arith.constant 0 : i32
    %dma_wait3A_491 = tpu.memref_slice %arg2[%dma_wait3A_489, %dma_wait3A_490] : memref<128x12288xf32, #tpu.memory_space<hbm>> -> memref<128x12288xf32, #tpu.memory_space<hbm>>
    tpu.wait_indirect_dma semaphore(%arg12 : memref<!tpu.dma_semaphore, #tpu.memory_space<semaphore_mem>>) src(%dma_wait3A_491 : memref<128x12288xf32, #tpu.memory_space<hbm>>) dst(%arg8 : memref<1x12288xf32, #tpu.memory_space<vmem>>)
    %add3A_492 = arith.constant 13 : i32
    %add3A_493 = arith.addi %mul3A_2, %add3A_492 : i32
    %dma_start3A_494 = arith.constant 0 : i32
    %dma_start3A_495 = arith.constant 24576 : i32
    %dma_start3A_496 = tpu.memref_slice %arg4[%dma_start3A_494, %dma_start3A_495] : memref<512x49152xf32, #tpu.memory_space<hbm>> -> memref<512x12288xf32, #tpu.memory_space<hbm>>
    %dma_start3A_497 = arith.constant 0 : i32
    %dma_start3A_498 = tpu.memref_slice %dma_start3A_496[%add3A_493, %dma_start3A_497] : memref<512x12288xf32, #tpu.memory_space<hbm>> -> memref<1x12288xf32, #tpu.memory_space<hbm>>
    %dma_start3A_499 = arith.constant 0 : i32
    %dma_start3A_500 = arith.constant 24576 : i32
    %dma_start3A_501 = tpu.memref_slice %arg4[%dma_start3A_499, %dma_start3A_500] : memref<512x49152xf32, #tpu.memory_space<hbm>> -> memref<512x12288xf32, #tpu.memory_space<hbm>>
    %dma_start3A_502 = arith.constant 0 : i32
    %dma_start3A_503 = tpu.memref_slice %dma_start3A_501[%add3A_493, %dma_start3A_502] : memref<512x12288xf32, #tpu.memory_space<hbm>> -> memref<1x12288xf32, #tpu.memory_space<hbm>>
    tpu.enqueue_dma source(%arg8 : memref<1x12288xf32, #tpu.memory_space<vmem>>) target(%dma_start3A_503 : memref<1x12288xf32, #tpu.memory_space<hbm>>) target_semaphore(%arg16 : memref<!tpu.dma_semaphore, #tpu.memory_space<semaphore_mem>>)
    %add3A_504 = arith.constant 11 : i32
    %add3A_505 = arith.addi %mul3A_2, %add3A_504 : i32
    %dma_wait3A_506 = arith.constant 0 : i32
    %dma_wait3A_507 = arith.constant 24576 : i32
    %dma_wait3A_508 = tpu.memref_slice %arg4[%dma_wait3A_506, %dma_wait3A_507] : memref<512x49152xf32, #tpu.memory_space<hbm>> -> memref<512x12288xf32, #tpu.memory_space<hbm>>
    %dma_wait3A_509 = arith.constant 0 : i32
    %dma_wait3A_510 = tpu.memref_slice %dma_wait3A_508[%add3A_505, %dma_wait3A_509] : memref<512x12288xf32, #tpu.memory_space<hbm>> -> memref<1x12288xf32, #tpu.memory_space<hbm>>
    %dma_wait3A_511 = arith.constant 0 : i32
    %dma_wait3A_512 = arith.constant 24576 : i32
    %dma_wait3A_513 = tpu.memref_slice %arg4[%dma_wait3A_511, %dma_wait3A_512] : memref<512x49152xf32, #tpu.memory_space<hbm>> -> memref<512x12288xf32, #tpu.memory_space<hbm>>
    %dma_wait3A_514 = arith.constant 0 : i32
    %dma_wait3A_515 = tpu.memref_slice %dma_wait3A_513[%add3A_505, %dma_wait3A_514] : memref<512x12288xf32, #tpu.memory_space<hbm>> -> memref<1x12288xf32, #tpu.memory_space<hbm>>
    tpu.wait_dma2 semaphore(%arg18 : memref<!tpu.dma_semaphore, #tpu.memory_space<semaphore_mem>>) src(%arg10 : memref<1x12288xf32, #tpu.memory_space<vmem>>) dst(%dma_wait3A_515 : memref<1x12288xf32, #tpu.memory_space<hbm>>)
    %dma_start3A_516 = arith.constant 15 : i32
    %dma_start3A_517 = arith.constant 0 : i32
    %dma_start3A_518 = tpu.memref_slice %arg6[%dma_start3A_516, %dma_start3A_517] : memref<16x1xi32, #tpu.memory_space<vmem>> -> memref<1x1xi32, #tpu.memory_space<vmem>>
    %dma_start3A_519 = tpu.memref_squeeze %dma_start3A_518 : memref<1x1xi32, #tpu.memory_space<vmem>> -> memref<1xi32, #tpu.memory_space<vmem>>
    %dma_start3A_520 = arith.constant 0 : i32
    %dma_start3A_521 = arith.constant 0 : i32
    %dma_start3A_522 = tpu.memref_slice %arg2[%dma_start3A_520, %dma_start3A_521] : memref<128x12288xf32, #tpu.memory_space<hbm>> -> memref<128x12288xf32, #tpu.memory_space<hbm>>
    tpu.enqueue_indirect_dma source(%dma_start3A_522 : memref<128x12288xf32, #tpu.memory_space<hbm>>) target(%arg10 : memref<1x12288xf32, #tpu.memory_space<vmem>>) offsets(%dma_start3A_519 : memref<1xi32, #tpu.memory_space<vmem>>) semaphore(%arg14 : memref<!tpu.dma_semaphore, #tpu.memory_space<semaphore_mem>>)
    %dma_wait3A_523 = arith.constant 14 : i32
    %dma_wait3A_524 = arith.constant 0 : i32
    %dma_wait3A_525 = tpu.memref_slice %arg6[%dma_wait3A_523, %dma_wait3A_524] : memref<16x1xi32, #tpu.memory_space<vmem>> -> memref<1x1xi32, #tpu.memory_space<vmem>>
    %dma_wait3A_526 = tpu.memref_squeeze %dma_wait3A_525 : memref<1x1xi32, #tpu.memory_space<vmem>> -> memref<1xi32, #tpu.memory_space<vmem>>
    %dma_wait3A_527 = arith.constant 0 : i32
    %dma_wait3A_528 = arith.constant 0 : i32
    %dma_wait3A_529 = tpu.memref_slice %arg2[%dma_wait3A_527, %dma_wait3A_528] : memref<128x12288xf32, #tpu.memory_space<hbm>> -> memref<128x12288xf32, #tpu.memory_space<hbm>>
    tpu.wait_indirect_dma semaphore(%arg13 : memref<!tpu.dma_semaphore, #tpu.memory_space<semaphore_mem>>) src(%dma_wait3A_529 : memref<128x12288xf32, #tpu.memory_space<hbm>>) dst(%arg9 : memref<1x12288xf32, #tpu.memory_space<vmem>>)
    %add3A_530 = arith.constant 14 : i32
    %add3A_531 = arith.addi %mul3A_2, %add3A_530 : i32
    %dma_start3A_532 = arith.constant 0 : i32
    %dma_start3A_533 = arith.constant 24576 : i32
    %dma_start3A_534 = tpu.memref_slice %arg4[%dma_start3A_532, %dma_start3A_533] : memref<512x49152xf32, #tpu.memory_space<hbm>> -> memref<512x12288xf32, #tpu.memory_space<hbm>>
    %dma_start3A_535 = arith.constant 0 : i32
    %dma_start3A_536 = tpu.memref_slice %dma_start3A_534[%add3A_531, %dma_start3A_535] : memref<512x12288xf32, #tpu.memory_space<hbm>> -> memref<1x12288xf32, #tpu.memory_space<hbm>>
    %dma_start3A_537 = arith.constant 0 : i32
    %dma_start3A_538 = arith.constant 24576 : i32
    %dma_start3A_539 = tpu.memref_slice %arg4[%dma_start3A_537, %dma_start3A_538] : memref<512x49152xf32, #tpu.memory_space<hbm>> -> memref<512x12288xf32, #tpu.memory_space<hbm>>
    %dma_start3A_540 = arith.constant 0 : i32
    %dma_start3A_541 = tpu.memref_slice %dma_start3A_539[%add3A_531, %dma_start3A_540] : memref<512x12288xf32, #tpu.memory_space<hbm>> -> memref<1x12288xf32, #tpu.memory_space<hbm>>
    tpu.enqueue_dma source(%arg9 : memref<1x12288xf32, #tpu.memory_space<vmem>>) target(%dma_start3A_541 : memref<1x12288xf32, #tpu.memory_space<hbm>>) target_semaphore(%arg17 : memref<!tpu.dma_semaphore, #tpu.memory_space<semaphore_mem>>)
    %dma_wait3A_542 = arith.constant 15 : i32
    %dma_wait3A_543 = arith.constant 0 : i32
    %dma_wait3A_544 = tpu.memref_slice %arg6[%dma_wait3A_542, %dma_wait3A_543] : memref<16x1xi32, #tpu.memory_space<vmem>> -> memref<1x1xi32, #tpu.memory_space<vmem>>
    %dma_wait3A_545 = tpu.memref_squeeze %dma_wait3A_544 : memref<1x1xi32, #tpu.memory_space<vmem>> -> memref<1xi32, #tpu.memory_space<vmem>>
    %dma_wait3A_546 = arith.constant 0 : i32
    %dma_wait3A_547 = arith.constant 0 : i32
    %dma_wait3A_548 = tpu.memref_slice %arg2[%dma_wait3A_546, %dma_wait3A_547] : memref<128x12288xf32, #tpu.memory_space<hbm>> -> memref<128x12288xf32, #tpu.memory_space<hbm>>
    tpu.wait_indirect_dma semaphore(%arg14 : memref<!tpu.dma_semaphore, #tpu.memory_space<semaphore_mem>>) src(%dma_wait3A_548 : memref<128x12288xf32, #tpu.memory_space<hbm>>) dst(%arg10 : memref<1x12288xf32, #tpu.memory_space<vmem>>)
    %add3A_549 = arith.constant 15 : i32
    %add3A_550 = arith.addi %mul3A_2, %add3A_549 : i32
    %dma_start3A_551 = arith.constant 0 : i32
    %dma_start3A_552 = arith.constant 24576 : i32
    %dma_start3A_553 = tpu.memref_slice %arg4[%dma_start3A_551, %dma_start3A_552] : memref<512x49152xf32, #tpu.memory_space<hbm>> -> memref<512x12288xf32, #tpu.memory_space<hbm>>
    %dma_start3A_554 = arith.constant 0 : i32
    %dma_start3A_555 = tpu.memref_slice %dma_start3A_553[%add3A_550, %dma_start3A_554] : memref<512x12288xf32, #tpu.memory_space<hbm>> -> memref<1x12288xf32, #tpu.memory_space<hbm>>
    %dma_start3A_556 = arith.constant 0 : i32
    %dma_start3A_557 = arith.constant 24576 : i32
    %dma_start3A_558 = tpu.memref_slice %arg4[%dma_start3A_556, %dma_start3A_557] : memref<512x49152xf32, #tpu.memory_space<hbm>> -> memref<512x12288xf32, #tpu.memory_space<hbm>>
    %dma_start3A_559 = arith.constant 0 : i32
    %dma_start3A_560 = tpu.memref_slice %dma_start3A_558[%add3A_550, %dma_start3A_559] : memref<512x12288xf32, #tpu.memory_space<hbm>> -> memref<1x12288xf32, #tpu.memory_space<hbm>>
    tpu.enqueue_dma source(%arg10 : memref<1x12288xf32, #tpu.memory_space<vmem>>) target(%dma_start3A_560 : memref<1x12288xf32, #tpu.memory_space<hbm>>) target_semaphore(%arg18 : memref<!tpu.dma_semaphore, #tpu.memory_space<semaphore_mem>>)
    %add3A_561 = arith.constant 14 : i32
    %add3A_562 = arith.addi %mul3A_2, %add3A_561 : i32
    %dma_wait3A_563 = arith.constant 0 : i32
    %dma_wait3A_564 = arith.constant 24576 : i32
    %dma_wait3A_565 = tpu.memref_slice %arg4[%dma_wait3A_563, %dma_wait3A_564] : memref<512x49152xf32, #tpu.memory_space<hbm>> -> memref<512x12288xf32, #tpu.memory_space<hbm>>
    %dma_wait3A_566 = arith.constant 0 : i32
    %dma_wait3A_567 = tpu.memref_slice %dma_wait3A_565[%add3A_562, %dma_wait3A_566] : memref<512x12288xf32, #tpu.memory_space<hbm>> -> memref<1x12288xf32, #tpu.memory_space<hbm>>
    %dma_wait3A_568 = arith.constant 0 : i32
    %dma_wait3A_569 = arith.constant 24576 : i32
    %dma_wait3A_570 = tpu.memref_slice %arg4[%dma_wait3A_568, %dma_wait3A_569] : memref<512x49152xf32, #tpu.memory_space<hbm>> -> memref<512x12288xf32, #tpu.memory_space<hbm>>
    %dma_wait3A_571 = arith.constant 0 : i32
    %dma_wait3A_572 = tpu.memref_slice %dma_wait3A_570[%add3A_562, %dma_wait3A_571] : memref<512x12288xf32, #tpu.memory_space<hbm>> -> memref<1x12288xf32, #tpu.memory_space<hbm>>
    tpu.wait_dma2 semaphore(%arg17 : memref<!tpu.dma_semaphore, #tpu.memory_space<semaphore_mem>>) src(%arg9 : memref<1x12288xf32, #tpu.memory_space<vmem>>) dst(%dma_wait3A_572 : memref<1x12288xf32, #tpu.memory_space<hbm>>)
    %add3A_573 = arith.constant 15 : i32
    %add3A_574 = arith.addi %mul3A_2, %add3A_573 : i32
    %dma_wait3A_575 = arith.constant 0 : i32
    %dma_wait3A_576 = arith.constant 24576 : i32
    %dma_wait3A_577 = tpu.memref_slice %arg4[%dma_wait3A_575, %dma_wait3A_576] : memref<512x49152xf32, #tpu.memory_space<hbm>> -> memref<512x12288xf32, #tpu.memory_space<hbm>>
    %dma_wait3A_578 = arith.constant 0 : i32
    %dma_wait3A_579 = tpu.memref_slice %dma_wait3A_577[%add3A_574, %dma_wait3A_578] : memref<512x12288xf32, #tpu.memory_space<hbm>> -> memref<1x12288xf32, #tpu.memory_space<hbm>>
    %dma_wait3A_580 = arith.constant 0 : i32
    %dma_wait3A_581 = arith.constant 24576 : i32
    %dma_wait3A_582 = tpu.memref_slice %arg4[%dma_wait3A_580, %dma_wait3A_581] : memref<512x49152xf32, #tpu.memory_space<hbm>> -> memref<512x12288xf32, #tpu.memory_space<hbm>>
    %dma_wait3A_583 = arith.constant 0 : i32
    %dma_wait3A_584 = tpu.memref_slice %dma_wait3A_582[%add3A_574, %dma_wait3A_583] : memref<512x12288xf32, #tpu.memory_space<hbm>> -> memref<1x12288xf32, #tpu.memory_space<hbm>>
    tpu.wait_dma2 semaphore(%arg18 : memref<!tpu.dma_semaphore, #tpu.memory_space<semaphore_mem>>) src(%arg10 : memref<1x12288xf32, #tpu.memory_space<vmem>>) dst(%dma_wait3A_584 : memref<1x12288xf32, #tpu.memory_space<hbm>>)
    return
  }
}

module attributes {stable_mosaic.version = 14 : i64} {
  func.func @_chunk_body(%arg0: i32, %arg1: memref<128x1024xf32, #tpu.memory_space<vmem>>, %arg2: memref<1024x2048xf32, #tpu.memory_space<vmem>>, %arg3: memref<1x2048xf32, #tpu.memory_space<vmem>>, %arg4: memref<128x2048xf32, #tpu.memory_space<vmem>>) attributes {dimension_semantics = [#tpu.dimension_semantics<arbitrary>], iteration_bounds = array<i64: 6>, scalar_prefetch = 0 : i64, scratch_operands = 0 : i64, tpu.core_type = #tpu.core_type<tc>, window_params = [{pipeline_mode = #tpu.pipeline_mode<synchronous>, transform_indices = @transform_0, window_bounds = array<i64: 128, 1024>}, {transform_indices = @transform_1, window_bounds = array<i64: 1024, 2048>}, {transform_indices = @transform_2, window_bounds = array<i64: 1, 2048>}, {transform_indices = @transform_3, window_bounds = array<i64: 128, 2048>}]} {
    %get3A = arith.constant 0 : index
    %get3A_0 = arith.constant 0 : index
    %get3A_1 = vector.load %arg1[%get3A, %get3A_0] : memref<128x1024xf32, #tpu.memory_space<vmem>>, vector<128x1024xf32>
    %get3A_2 = arith.constant 0 : index
    %get3A_3 = arith.constant 0 : index
    %get3A_4 = vector.load %arg2[%get3A_2, %get3A_3] : memref<1024x2048xf32, #tpu.memory_space<vmem>>, vector<1024x2048xf32>
    %dot_general3A = arith.constant dense<0.000000e+00> : vector<128x2048xf32>
    %dot_general3A_5 = tpu.matmul %get3A_1, %get3A_4, %dot_general3A {dimension_numbers = #tpu.dot_dimension_numbers<[1], [0], [0], [1], [0, 0, 1, 1], [], []>, transpose_lhs_hint = false} : vector<128x1024xf32>, vector<1024x2048xf32>, vector<128x2048xf32> -> vector<128x2048xf32>
    %get3A_6 = arith.constant 0 : index
    %get3A_7 = arith.constant 0 : index
    %get3A_8 = vector.load %arg3[%get3A_6, %get3A_7] : memref<1x2048xf32, #tpu.memory_space<vmem>>, vector<1x2048xf32>
    %add3A = vector.broadcast %get3A_8 : vector<1x2048xf32> to vector<128x2048xf32>
    %add3A_9 = arith.addf %dot_general3A_5, %add3A : vector<128x2048xf32>
    %swap3A = arith.constant 0 : index
    %swap3A_10 = arith.constant 0 : index
    %swap3A_11 = vector.load %arg4[%swap3A, %swap3A_10] : memref<128x2048xf32, #tpu.memory_space<vmem>>, vector<128x2048xf32>
    tpu.vector_store %arg4[%swap3A, %swap3A_10], %add3A_9 {strides = array<i32>} : memref<128x2048xf32, #tpu.memory_space<vmem>>, vector<128x2048xf32>,
    return
  }
  func.func @transform_0(%arg0: i32) -> (i32, i32) {
    %c0_i32 = arith.constant 0 : i32
    %c0_i32_0 = arith.constant 0 : i32
    %c0_i32_1 = arith.constant 0 : i32
    return %c0_i32, %c0_i32_0 : i32, i32
  }
  func.func @transform_1(%arg0: i32) -> (i32, i32) {
    %add3A = arith.constant 6 : i32
    %add3A_0 = arith.addi %add3A, %arg0 : i32
    %c0_i32 = arith.constant 0 : i32
    %c0_i32_1 = arith.constant 0 : i32
    return %c0_i32, %add3A_0 : i32, i32
  }
  func.func @transform_2(%arg0: i32) -> (i32, i32) {
    %add3A = arith.constant 6 : i32
    %add3A_0 = arith.addi %add3A, %arg0 : i32
    %c0_i32 = arith.constant 0 : i32
    %c0_i32_1 = arith.constant 0 : i32
    return %c0_i32, %add3A_0 : i32, i32
  }
  func.func @transform_3(%arg0: i32) -> (i32, i32) {
    %c0_i32 = arith.constant 0 : i32
    %c0_i32_0 = arith.constant 0 : i32
    return %c0_i32, %arg0 : i32, i32
  }
}

module attributes {stable_mosaic.version = 14 : i64} {
  func.func @_chunk_body(%arg0: i32, %arg1: memref<128x1024xf32, #tpu.memory_space<vmem>>, %arg2: memref<1024x2048xf32, #tpu.memory_space<vmem>>, %arg3: memref<1x2048xf32, #tpu.memory_space<vmem>>, %arg4: memref<128x2048xf32, #tpu.memory_space<vmem>>) attributes {dimension_semantics = [#tpu.dimension_semantics<arbitrary>], iteration_bounds = array<i64: 6>, scalar_prefetch = 0 : i64, scratch_operands = 0 : i64, tpu.core_type = #tpu.core_type<tc>, window_params = [{pipeline_mode = #tpu.pipeline_mode<synchronous>, transform_indices = @transform_0, window_bounds = array<i64: 128, 1024>}, {transform_indices = @transform_1, window_bounds = array<i64: 1024, 2048>}, {transform_indices = @transform_2, window_bounds = array<i64: 1, 2048>}, {transform_indices = @transform_3, window_bounds = array<i64: 128, 2048>}]} {
    %get3A = arith.constant 0 : index
    %get3A_0 = arith.constant 0 : index
    %get3A_1 = vector.load %arg1[%get3A, %get3A_0] : memref<128x1024xf32, #tpu.memory_space<vmem>>, vector<128x1024xf32>
    %get3A_2 = arith.constant 0 : index
    %get3A_3 = arith.constant 0 : index
    %get3A_4 = vector.load %arg2[%get3A_2, %get3A_3] : memref<1024x2048xf32, #tpu.memory_space<vmem>>, vector<1024x2048xf32>
    %dot_general3A = arith.constant dense<0.000000e+00> : vector<128x2048xf32>
    %dot_general3A_5 = tpu.matmul %get3A_1, %get3A_4, %dot_general3A {dimension_numbers = #tpu.dot_dimension_numbers<[1], [0], [0], [1], [0, 0, 1, 1], [], []>, transpose_lhs_hint = false} : vector<128x1024xf32>, vector<1024x2048xf32>, vector<128x2048xf32> -> vector<128x2048xf32>
    %get3A_6 = arith.constant 0 : index
    %get3A_7 = arith.constant 0 : index
    %get3A_8 = vector.load %arg3[%get3A_6, %get3A_7] : memref<1x2048xf32, #tpu.memory_space<vmem>>, vector<1x2048xf32>
    %add3A = vector.broadcast %get3A_8 : vector<1x2048xf32> to vector<128x2048xf32>
    %add3A_9 = arith.addf %dot_general3A_5, %add3A : vector<128x2048xf32>
    %swap3A = arith.constant 0 : index
    %swap3A_10 = arith.constant 0 : index
    %swap3A_11 = vector.load %arg4[%swap3A, %swap3A_10] : memref<128x2048xf32, #tpu.memory_space<vmem>>, vector<128x2048xf32>
    tpu.vector_store %arg4[%swap3A, %swap3A_10], %add3A_9 {strides = array<i32>} : memref<128x2048xf32, #tpu.memory_space<vmem>>, vector<128x2048xf32>,
    return
  }
  func.func @transform_0(%arg0: i32) -> (i32, i32) {
    %c0_i32 = arith.constant 0 : i32
    %c0_i32_0 = arith.constant 0 : i32
    %c0_i32_1 = arith.constant 0 : i32
    return %c0_i32, %c0_i32_0 : i32, i32
  }
  func.func @transform_1(%arg0: i32) -> (i32, i32) {
    %add3A = arith.constant 0 : i32
    %add3A_0 = arith.addi %add3A, %arg0 : i32
    %c0_i32 = arith.constant 0 : i32
    %c0_i32_1 = arith.constant 0 : i32
    return %c0_i32, %add3A_0 : i32, i32
  }
  func.func @transform_2(%arg0: i32) -> (i32, i32) {
    %add3A = arith.constant 0 : i32
    %add3A_0 = arith.addi %add3A, %arg0 : i32
    %c0_i32 = arith.constant 0 : i32
    %c0_i32_1 = arith.constant 0 : i32
    return %c0_i32, %add3A_0 : i32, i32
  }
  func.func @transform_3(%arg0: i32) -> (i32, i32) {
    %c0_i32 = arith.constant 0 : i32
    %c0_i32_0 = arith.constant 0 : i32
    return %c0_i32, %arg0 : i32, i32
  }
}

module attributes {stable_mosaic.version = 14 : i64} {
  func.func @_h_body(%arg0: memref<128x1024xf32, #tpu.memory_space<vmem>>, %arg1: memref<1024x1024xf32, #tpu.memory_space<vmem>>, %arg2: memref<1x1024xf32, #tpu.memory_space<vmem>>, %arg3: memref<128x1024xf32, #tpu.memory_space<vmem>>) attributes {dimension_semantics = [], scalar_prefetch = 0 : i64, scratch_operands = 0 : i64, tpu.core_type = #tpu.core_type<tc>} {
    %get3A = arith.constant 0 : index
    %get3A_0 = arith.constant 0 : index
    %get3A_1 = vector.load %arg0[%get3A, %get3A_0] : memref<128x1024xf32, #tpu.memory_space<vmem>>, vector<128x1024xf32>
    %get3A_2 = arith.constant 0 : index
    %get3A_3 = arith.constant 0 : index
    %get3A_4 = vector.load %arg1[%get3A_2, %get3A_3] : memref<1024x1024xf32, #tpu.memory_space<vmem>>, vector<1024x1024xf32>
    %dot_general3A = arith.constant dense<0.000000e+00> : vector<128x1024xf32>
    %dot_general3A_5 = tpu.matmul %get3A_1, %get3A_4, %dot_general3A {dimension_numbers = #tpu.dot_dimension_numbers<[1], [0], [0], [1], [0, 0, 1, 1], [], []>, transpose_lhs_hint = false} : vector<128x1024xf32>, vector<1024x1024xf32>, vector<128x1024xf32> -> vector<128x1024xf32>
    %get3A_6 = arith.constant 0 : index
    %get3A_7 = arith.constant 0 : index
    %get3A_8 = vector.load %arg2[%get3A_6, %get3A_7] : memref<1x1024xf32, #tpu.memory_space<vmem>>, vector<1x1024xf32>
    %add3A = vector.broadcast %get3A_8 : vector<1x1024xf32> to vector<128x1024xf32>
    %add3A_9 = arith.addf %dot_general3A_5, %add3A : vector<128x1024xf32>
    %tanh3A = math.tanh %add3A_9 : vector<128x1024xf32>
    %swap3A = arith.constant 0 : index
    %swap3A_10 = arith.constant 0 : index
    %swap3A_11 = vector.load %arg3[%swap3A, %swap3A_10] : memref<128x1024xf32, #tpu.memory_space<vmem>>, vector<128x1024xf32>
    tpu.vector_store %arg3[%swap3A, %swap3A_10], %tanh3A {strides = array<i32>} : memref<128x1024xf32, #tpu.memory_space<vmem>>, vector<128x1024xf32>,
    return
  }
}

module attributes {stable_mosaic.version = 14 : i64} {
  func.func @_chunk_body(%arg0: i32, %arg1: memref<128x1024xf32, #tpu.memory_space<vmem>>, %arg2: memref<1024x2048xf32, #tpu.memory_space<vmem>>, %arg3: memref<1x2048xf32, #tpu.memory_space<vmem>>, %arg4: memref<128x2048xf32, #tpu.memory_space<vmem>>) attributes {dimension_semantics = [#tpu.dimension_semantics<arbitrary>], iteration_bounds = array<i64: 6>, scalar_prefetch = 0 : i64, scratch_operands = 0 : i64, tpu.core_type = #tpu.core_type<tc>, window_params = [{pipeline_mode = #tpu.pipeline_mode<synchronous>, transform_indices = @transform_0, window_bounds = array<i64: 128, 1024>}, {transform_indices = @transform_1, window_bounds = array<i64: 1024, 2048>}, {transform_indices = @transform_2, window_bounds = array<i64: 1, 2048>}, {transform_indices = @transform_3, window_bounds = array<i64: 128, 2048>}]} {
    %get3A = arith.constant 0 : index
    %get3A_0 = arith.constant 0 : index
    %get3A_1 = vector.load %arg1[%get3A, %get3A_0] : memref<128x1024xf32, #tpu.memory_space<vmem>>, vector<128x1024xf32>
    %get3A_2 = arith.constant 0 : index
    %get3A_3 = arith.constant 0 : index
    %get3A_4 = vector.load %arg2[%get3A_2, %get3A_3] : memref<1024x2048xf32, #tpu.memory_space<vmem>>, vector<1024x2048xf32>
    %dot_general3A = arith.constant dense<0.000000e+00> : vector<128x2048xf32>
    %dot_general3A_5 = tpu.matmul %get3A_1, %get3A_4, %dot_general3A {dimension_numbers = #tpu.dot_dimension_numbers<[1], [0], [0], [1], [0, 0, 1, 1], [], []>, transpose_lhs_hint = false} : vector<128x1024xf32>, vector<1024x2048xf32>, vector<128x2048xf32> -> vector<128x2048xf32>
    %get3A_6 = arith.constant 0 : index
    %get3A_7 = arith.constant 0 : index
    %get3A_8 = vector.load %arg3[%get3A_6, %get3A_7] : memref<1x2048xf32, #tpu.memory_space<vmem>>, vector<1x2048xf32>
    %add3A = vector.broadcast %get3A_8 : vector<1x2048xf32> to vector<128x2048xf32>
    %add3A_9 = arith.addf %dot_general3A_5, %add3A : vector<128x2048xf32>
    %swap3A = arith.constant 0 : index
    %swap3A_10 = arith.constant 0 : index
    %swap3A_11 = vector.load %arg4[%swap3A, %swap3A_10] : memref<128x2048xf32, #tpu.memory_space<vmem>>, vector<128x2048xf32>
    tpu.vector_store %arg4[%swap3A, %swap3A_10], %add3A_9 {strides = array<i32>} : memref<128x2048xf32, #tpu.memory_space<vmem>>, vector<128x2048xf32>,
    return
  }
  func.func @transform_0(%arg0: i32) -> (i32, i32) {
    %c0_i32 = arith.constant 0 : i32
    %c0_i32_0 = arith.constant 0 : i32
    %c0_i32_1 = arith.constant 0 : i32
    return %c0_i32, %c0_i32_0 : i32, i32
  }
  func.func @transform_1(%arg0: i32) -> (i32, i32) {
    %add3A = arith.constant 12 : i32
    %add3A_0 = arith.addi %add3A, %arg0 : i32
    %c0_i32 = arith.constant 0 : i32
    %c0_i32_1 = arith.constant 0 : i32
    return %c0_i32, %add3A_0 : i32, i32
  }
  func.func @transform_2(%arg0: i32) -> (i32, i32) {
    %add3A = arith.constant 12 : i32
    %add3A_0 = arith.addi %add3A, %arg0 : i32
    %c0_i32 = arith.constant 0 : i32
    %c0_i32_1 = arith.constant 0 : i32
    return %c0_i32, %add3A_0 : i32, i32
  }
  func.func @transform_3(%arg0: i32) -> (i32, i32) {
    %c0_i32 = arith.constant 0 : i32
    %c0_i32_0 = arith.constant 0 : i32
    return %c0_i32, %arg0 : i32, i32
  }
}

module attributes {stable_mosaic.version = 14 : i64} {
  func.func @_chunk_body(%arg0: i32, %arg1: memref<128x1024xf32, #tpu.memory_space<vmem>>, %arg2: memref<1024x2048xf32, #tpu.memory_space<vmem>>, %arg3: memref<1x2048xf32, #tpu.memory_space<vmem>>, %arg4: memref<128x2048xf32, #tpu.memory_space<vmem>>) attributes {dimension_semantics = [#tpu.dimension_semantics<arbitrary>], iteration_bounds = array<i64: 6>, scalar_prefetch = 0 : i64, scratch_operands = 0 : i64, tpu.core_type = #tpu.core_type<tc>, window_params = [{pipeline_mode = #tpu.pipeline_mode<synchronous>, transform_indices = @transform_0, window_bounds = array<i64: 128, 1024>}, {transform_indices = @transform_1, window_bounds = array<i64: 1024, 2048>}, {transform_indices = @transform_2, window_bounds = array<i64: 1, 2048>}, {transform_indices = @transform_3, window_bounds = array<i64: 128, 2048>}]} {
    %get3A = arith.constant 0 : index
    %get3A_0 = arith.constant 0 : index
    %get3A_1 = vector.load %arg1[%get3A, %get3A_0] : memref<128x1024xf32, #tpu.memory_space<vmem>>, vector<128x1024xf32>
    %get3A_2 = arith.constant 0 : index
    %get3A_3 = arith.constant 0 : index
    %get3A_4 = vector.load %arg2[%get3A_2, %get3A_3] : memref<1024x2048xf32, #tpu.memory_space<vmem>>, vector<1024x2048xf32>
    %dot_general3A = arith.constant dense<0.000000e+00> : vector<128x2048xf32>
    %dot_general3A_5 = tpu.matmul %get3A_1, %get3A_4, %dot_general3A {dimension_numbers = #tpu.dot_dimension_numbers<[1], [0], [0], [1], [0, 0, 1, 1], [], []>, transpose_lhs_hint = false} : vector<128x1024xf32>, vector<1024x2048xf32>, vector<128x2048xf32> -> vector<128x2048xf32>
    %get3A_6 = arith.constant 0 : index
    %get3A_7 = arith.constant 0 : index
    %get3A_8 = vector.load %arg3[%get3A_6, %get3A_7] : memref<1x2048xf32, #tpu.memory_space<vmem>>, vector<1x2048xf32>
    %add3A = vector.broadcast %get3A_8 : vector<1x2048xf32> to vector<128x2048xf32>
    %add3A_9 = arith.addf %dot_general3A_5, %add3A : vector<128x2048xf32>
    %swap3A = arith.constant 0 : index
    %swap3A_10 = arith.constant 0 : index
    %swap3A_11 = vector.load %arg4[%swap3A, %swap3A_10] : memref<128x2048xf32, #tpu.memory_space<vmem>>, vector<128x2048xf32>
    tpu.vector_store %arg4[%swap3A, %swap3A_10], %add3A_9 {strides = array<i32>} : memref<128x2048xf32, #tpu.memory_space<vmem>>, vector<128x2048xf32>,
    return
  }
  func.func @transform_0(%arg0: i32) -> (i32, i32) {
    %c0_i32 = arith.constant 0 : i32
    %c0_i32_0 = arith.constant 0 : i32
    %c0_i32_1 = arith.constant 0 : i32
    return %c0_i32, %c0_i32_0 : i32, i32
  }
  func.func @transform_1(%arg0: i32) -> (i32, i32) {
    %add3A = arith.constant 18 : i32
    %add3A_0 = arith.addi %add3A, %arg0 : i32
    %c0_i32 = arith.constant 0 : i32
    %c0_i32_1 = arith.constant 0 : i32
    return %c0_i32, %add3A_0 : i32, i32
  }
  func.func @transform_2(%arg0: i32) -> (i32, i32) {
    %add3A = arith.constant 18 : i32
    %add3A_0 = arith.addi %add3A, %arg0 : i32
    %c0_i32 = arith.constant 0 : i32
    %c0_i32_1 = arith.constant 0 : i32
    return %c0_i32, %add3A_0 : i32, i32
  }
  func.func @transform_3(%arg0: i32) -> (i32, i32) {
    %c0_i32 = arith.constant 0 : i32
    %c0_i32_0 = arith.constant 0 : i32
    return %c0_i32, %arg0 : i32, i32
  }
}

</mosaic_0001>

<sc_bundles>
// kernel: kernel.11.cloned.1.call-start
scs
__scs_entry_jumppad:
0x0: {  	(pc) =	sbr.rel $0x88, $3  }
0x1: {  	(tag) =	ssettag $0x0;
	lr =	simm.s32 $0x1  }
0x2: {  	[smem:$0x3F9B] =	sst lr;
	_ =	strace $0xD0000000  }
0x3: {  	_ = 	snop  }
0x4: {  	_ = 	snop  }
0x5: {  	_ = 	snop  }
0x6: {  	_ = 	snop  }
0x7: {  	_ = 	snop  }
__scs_overlays_trampoline_lowered:
0x8: {  	[smem:$0x3FAA] =	sst s0  }
0x9: {  	[smem:$0x3FAB] =	sst s1  }
0xa: {  	[smem:$0x3FAC] =	sst s2  }
0xb: {  	[smem:$0x3FAD] =	sst s3  }
0xc: {  	[smem:$0x3FAE] =	sst s4  }
0xd: {  	[smem:$0x3FAF] =	sst s5  }
0xe: {  	[smem:$0x3FB0] =	sst s6  }
0xf: {  	[smem:$0x3FB1] =	sst s7  }
0x10: {  	[smem:$0x3FB2] =	sst s8  }
0x11: {  	[smem:$0x3FB3] =	sst s9;
	s0 =	simm.s32 @!p0 $0x0  }
0x12: {  	s1 =	sld [smem:$0x3F99];
	s0 =	simm.s32 @p0 $0x1  }
0x13: {  	[smem:$0x3FB4] =	sst s0;
	s0 =	simm.s32 @!p1 $0x0  }
0x14: {  	s2 =	sld [smem:$0x3F98];
	s0 =	simm.s32 @p1 $0x1  }
0x15: {  	[smem:$0x3FB5] =	sst s0;
	s0 =	simm.s32 @!p2 $0x0  }
0x16: {  	s3 =	sld [smem:$0x3FDB];
	s0 =	simm.s32 @p2 $0x1  }
0x17: {  	s4 =	simm.s32 $0x1BF5;
	[smem:$0x3FB7] =	sst s0  }
0x18: {  	s0 =	sld [smem:$0x3F9A];
	_ =	swait.ge [sflag:s4], $0x0  }
0x19: {  	s7 =	sld [smem:$0x3F9B]  }
0x1a: {  	s8 =	sadd.s32 $0xFFFFE003, lr  }
0x1b: {  	s9 =	sadd.s32 $0xFFFFFEF7, lr;
	s5 =	simm.s32 $0xFFFFFFFF;
	p2 =	slt.u32 s8, $0xFFFFF086  }
0x1c: {  	p1 =	slt.u32 s9, $0xF7A;
	s5 =	simm.s32 @!p2 $0x0  }
0x1d: {  	s5 =	simm.s32 @p1 $0x1;
	p0 =	seq.s32 s7, s2  }
0x1e: {  	s7 =	smul.u32 @!p0 $0xF7A, s2;
	p2 =	seq.s32 @!p0 s5, $0x0  }
0x1f: {  	s9 =	smul.u32 $0xF7A, s1;
	s8 =	simm.s32 @!p0 $0x1BF5;
	p2 =	por !p2, p0  }
0x20: {  	[sflag:s8] =	ssyncset.s32 @!p0 $0xFFFFF086;
	s6 =	sadd.s32 @!p0 s3, s7;
	s7 =	simm.s32 @!p0 $0x108  }
0x21: {  	s3 =	sadd.s32 s3, s9;
	s6 =	sadd.s32 @!p0 $0x88, s6;
	s7 =	simm.s32 @p2 $0x1082  }
0x22: {  	[simem:s7], [sflag:s8] =	dma.local @!p0 [hbm:s6], $0xF7A  }
0x23: {  	s9 =	sor.u32 $0xD0000000, s2;
	s6 =	simm.s32 $0x108;
	_ =	swait.ge @!p0 [sflag:s8], $0x0  }
0x24: {  	s3 =	sadd.s32 $0x88, s3;
	s6 =	simm.s32 @!p1 $0x1082;
	[sflag:s4] =	ssyncset.s32 $0xFFFFF086  }
0x25: {  	[simem:s6], [sflag:s4] =	dma.local [hbm:s3], $0xF7A  }
0x26: {  	[smem:$0x3F9B] =	sst s1;
	(tag) =	ssettag s2;
	_ =	strace s9  }
0x27: {  	s1 =	sld [smem:$0x3FAB]  }
0x28: {  	s2 =	sld [smem:$0x3FAC]  }
0x29: {  	s4 =	sld [smem:$0x3FAE]  }
0x2a: {  	p0 =	seq.s32 s5, $0x0;
	s5 =	sld [smem:$0x3FAF]  }
0x2b: {  	s6 =	sld [smem:$0x3FB0]  }
0x2c: {  	s7 =	sld [smem:$0x3FB1]  }
0x2d: {  	s3 =	simm.s32 $0x108;
	s8 =	sld [smem:$0x3FB2]  }
0x2e: {  	s3 =	simm.s32 @!p0 $0x1082;
	s9 =	sld [smem:$0x3FB3]  }
0x2f: {  	lr =	sadd.s32 s0, s3;
	s0 =	sld [smem:$0x3FAA]  }
0x30: {  	s3 =	sld [smem:$0x3FAD]  }
0x31: {  	[smem:$0x3FB6] =	sst s10  }
0x32: {  	s10 =	sld [smem:$0x3FB4];
	_ =	sdelay $0x3  }
0x33: {  	p0 =	seq.s32 s10, $0x1;
	s10 =	sld [smem:$0x3FB6];
	_ =	sdelay $0x3  }
0x34: {  	[smem:$0x3FB6] =	sst s10  }
0x35: {  	s10 =	sld [smem:$0x3FB5];
	_ =	sdelay $0x3  }
0x36: {  	p1 =	seq.s32 s10, $0x1;
	s10 =	sld [smem:$0x3FB6];
	_ =	sdelay $0x3  }
0x37: {  	[smem:$0x3FB6] =	sst s10  }
0x38: {  	s10 =	sld [smem:$0x3FB7]  }
0x39: {  	_ = 	snop;
	(pc) =	sbr.ind lr, $3  }
0x3a: {  	_ = 	snop  }
0x3b: {  	_ = 	snop  }
0x3c: {  	p2 =	seq.s32 s10, $0x1;
	s10 =	sld [smem:$0x3FB6]  }
0x3d: {  	_ =	shalt  }
0x3e: {  	_ =	shalt  }
0x3f: {  	_ =	shalt  }
0x40: {  	_ =	shalt  }
0x41: {  	_ =	shalt  }
0x42: {  	_ =	shalt  }
0x43: {  	_ =	shalt  }
0x44: {  	_ =	shalt  }
0x45: {  	_ =	shalt  }
0x46: {  	_ =	shalt  }
0x47: {  	_ =	shalt  }
0x48: {  	_ =	shalt  }
0x49: {  	_ =	shalt  }
0x4a: {  	_ =	shalt  }
0x4b: {  	_ =	shalt  }
0x4c: {  	_ =	shalt  }
0x4d: {  	_ =	shalt  }
0x4e: {  	_ =	shalt  }
0x4f: {  	_ =	shalt  }
0x50: {  	_ =	shalt  }
0x51: {  	_ =	shalt  }
0x52: {  	_ =	shalt  }
0x53: {  	_ =	shalt  }
0x54: {  	_ =	shalt  }
0x55: {  	_ =	shalt  }
0x56: {  	_ =	shalt  }
0x57: {  	_ =	shalt  }
0x58: {  	_ =	shalt  }
0x59: {  	_ =	shalt  }
0x5a: {  	_ =	shalt  }
0x5b: {  	_ =	shalt  }
0x5c: {  	_ =	shalt  }
0x5d: {  	_ =	shalt  }
0x5e: {  	_ =	shalt  }
0x5f: {  	_ =	shalt  }
0x60: {  	_ =	shalt  }
0x61: {  	_ =	shalt  }
0x62: {  	_ =	shalt  }
0x63: {  	_ =	shalt  }
0x64: {  	_ =	shalt  }
0x65: {  	_ =	shalt  }
0x66: {  	_ =	shalt  }
0x67: {  	_ =	shalt  }
0x68: {  	_ =	shalt  }
0x69: {  	_ =	shalt  }
0x6a: {  	_ =	shalt  }
0x6b: {  	_ =	shalt  }
0x6c: {  	_ =	shalt  }
0x6d: {  	_ =	shalt  }
0x6e: {  	_ =	shalt  }
0x6f: {  	_ =	shalt  }
0x70: {  	_ =	shalt  }
0x71: {  	_ =	shalt  }
0x72: {  	_ =	shalt  }
0x73: {  	_ =	shalt  }
0x74: {  	_ =	shalt  }
0x75: {  	_ =	shalt  }
0x76: {  	_ =	shalt  }
0x77: {  	_ =	shalt  }
0x78: {  	_ =	shalt  }
0x79: {  	_ =	shalt  }
0x7a: {  	_ =	shalt  }
0x7b: {  	_ =	shalt  }
0x7c: {  	_ =	shalt  }
0x7d: {  	_ =	shalt  }
0x7e: {  	_ =	shalt  }
0x7f: {  	_ =	shalt  }
0x80: {  	_ =	shalt  }
0x81: {  	_ =	shalt  }
0x82: {  	_ =	shalt  }
0x83: {  	_ =	shalt  }
0x84: {  	_ =	shalt  }
0x85: {  	_ =	shalt  }
0x86: {  	_ =	shalt  }
0x87: {  	_ =	shalt  }
.Lfunc_end0:
.L_simem_size_0:
called_computation_lowered:
.L_overlay_start_0:
0x88: {  	s2 =	sld [smem:$0x3FD9]  }
0x89: {  	s3 =	sld [smem:$0x3FFE];
	_ =	sdelay $0x1  }
0x8a: {  	s1 =	srdreg.scid  }
0x8b: {  	s0 =	sand.u32 $0x1, s1  }
0x8c: {  	s17 =	sshll.u32 s0, $0xA;
	s2 =	sadd.s32 s3, s2  }
0x8d: {  	s2 =	sadd.s32 s2, s17  }
0x8e: {  	[smem:$0x3FC2] =	sst s2  }
0x8f: {  	_ = 	snop  }
0x90: {  	s2 =	sld [smem:$0x3FD0];
	(tm) =	ssettm $0x1  }
0x91: {  	s18 =	sld [smem:$0x3FFB];
	_ =	sdelay $0x3  }
0x92: {  	_ =	strace s18  }
0x93: {  	s3 =	sld [smem:$0x3FFC];
	_ =	sdelay $0x3  }
0x94: {  	_ =	strace s3  }
0x95: {  	s3 =	sld [smem:$0x3FFD];
	_ =	sdelay $0x3  }
0x96: {  	_ =	strace s3  }
0x97: {  	_ =	strace $0x8FFFFFFF  }
0x98: {  	s19 =	sld [smem:$0x3FDB];
	_ =	sdelay $0x1  }
0x99: {  	s4 =	simm.s32 $_scs_section_size  }
0x9a: {  	s5 =	simm.s32 $_size__tile_overlayer_lowered;
	s6 =	simm.s32 $_tile_overlayer_lowered  }
0x9b: {  	s22 =	simm.s32 $0x1BFF;
	s21 =	sshll.u32 s6, $0x1;
	s3 =	sadd.s32 s4, s19  }
0x9c: {  	s7 =	simm.s32 $0x0;
	s20 =	sshll.u32 s5, $0x1;
	s5 =	sadd.s32 s21, s3  }
0x9d: {  	[timem:s7], [sflag:s22] =	dma.local [hbm:s5], s20  }
0x9e: {  	_ =	swait.ge [sflag:s22], s20  }
0x9f: {  	s4 =	ssub.s32 $0x0, s20;
	[sflag:s22] =	ssyncset.done $0x0  }
0xa0: {  	[sflag:s22] =	ssyncadd.s32 s4;
	_ =	sdelay $0x1  }
0xa1: {  	s23 =	simm.s32 $0x1B8B  }
0xa2: {  	_ =	swait.ge [sflag:s23], $0x1  }
0xa3: {  	[sflag:s23] =	ssyncset.done $0x0  }
0xa4: {  	s25 =	simm.s32 $0x1B8E;
	s24 =	sld [smem:$0x3FFE];
	[sflag:s23] =	ssyncadd.s32 $0xFFFFFFFF  }
0xa5: {  	s26 =	simm.s32 $execute0_lowered;
	[smem:$0x3FD2] =	sst s25  }
0xa6: {  	s5 =	sshll.u32 s26, $0x1;
	_ =	strace $0x80000046;
	[dreg:$0x1] =	wrdreg $0xFFFFFFFF  }
0xa7: {  	s28 =	simm.s32 $_size_execute0_lowered;
	s3 =	sadd.s32 s3, s5;
	[dreg:$0x0] =	wrdreg $0x0  }
0xa8: {  	s5 =	sshll.u32 s28, $0x1;
	[dreg:$0x2] =	wrdreg s3  }
0xa9: {  	[dreg:$0x3] =	wrdreg s5  }
0xaa: {  	[dreg:$0x4] =	wrdreg $0xC0  }
0xab: {  	_ =	task [dreg:s7], $0x5FFFF  }
0xac: {  	[dreg:$0x1] =	wrdreg $0xFFFFFFFF  }
0xad: {  	[dreg:$0x0] =	wrdreg $0x60  }
0xae: {  	[dreg:$0x2] =	wrdreg s24  }
0xaf: {  	[dreg:$0x3] =	wrdreg s2  }
0xb0: {  	[dreg:$0x4] =	wrdreg $0x9  }
0xb1: {  	_ =	task.clear_ibuf [dreg:s7], $0x5FFFF;
	_ =	strace $0x90000046  }
0xb2: {  	s29 =	simm.s32 $0x9;
	_ =	strace $0x80000048  }
0xb3: {  	_ =	swait.ge [sflag:s29], $0x1  }
0xb4: {  	[sflag:s29] =	ssyncadd.s32 $0xFFFFFFFF  }
0xb5: {  	_ =	strace $0x90000048  }
0xb6: {  	_ =	sfence  }
0xb7: {  	s30 =	sld [smem:$0x0];
	_ =	sdelay $0x2  }
0xb8: {  	s31 =	sshll.u32 s1, $0xD;
	s1 =	sshrl.u32 s1, $0x2  }
0xb9: {  	s3 =	sand.u32 $0x4000, s31;
	s1 =	sadd.s32 s1, s30  }
0xba: {  	s0 =	sor.u32 s3, s0;
	s1 =	sshll.u32 s1, $0x11  }
0xbb: {  	s0 =	sor.u32 s1, s0  }
0xbc: {  	s0 =	sadd.s32 $0x8F2B, s0  }
0xbd: {  	[sflag:s0] =	ssyncadd.remote.s32 $0x1  }
0xbe: {  	_ =	sfence.sel $0xFFFF  }
0xbf: {  	[dreg:$0x0] =	wrdreg $0xFFFFFFFF;
	(pc) =	sbr.abs _section_cstart, $3  }
0xc0: {  	[dreg:$0x1] =	wrdreg $0xFFFFFFFF  }
0xc1: {  	_ =	task.clear_ibuf [dreg:s7], $0x2FFFF;
	_ =	strace $0x9FFFFFFF  }
0xc2: {  	(tm) =	ssettm $0x7FFFFFFF  }
0xc3: {  	_ =	shalt  }
tec
execute0_lowered:
.L_overlay_start_1:
0x0: {  	(tag) =	ssettag $0x1  }
0x1: {  	s0 =	srdreg.scid  }
0x2: {  	s2 =	stileid.u32;
	s1 =	rddreg [dreg:$0x0]  }
0x3: {  	s4 =	rddreg [dreg:$0x1];
	s28 =	simm.s32 $0x6800;
	s0 =	sand.u32 $0x1, s0  }
0x4: {  	s11 =	simm.s32 $0x9800;
	s2 =	sshll.u32 s2, $0x5;
	s3 =	sshll.u32 s0, $0x4  }
0x5: {  	s29 =	simm.s32 $0x8;
	s31 =	simm.s32 $0x1000;
	s3 =	sor.u32 s3, s2  }
0x6: {  	s7 =	sadd.s32 $0xA200, s1;
	s5 =	sshrl.u32 s3, $0x3;
	s3 =	sshll.u32 s3, $0x4  }
0x7: {  	s2 =	simm.s32 $0x0;
	s6 =	smul.u32 $0xC000, s5;
	s3 =	sadd.s32 s3, s1  }
0x8: {  	s9 =	sadd.s32 $0xB200, s1;
	[smem:$0x7FF] =	sst s2;
	s3 =	sadd.s32 $0x2A00, s3  }
0x9: {  	_ =	strace $0x80000047;
	s6 =	sadd.s32 s4, s6;
	[dreg:$0x3] =	wrdreg s3  }
0xa: {  	s0 =	ssub.s32 $0x2, s0;
	s12 =	sadd.s32 $0x10, s6;
	[dreg:$0x13] =	wrdreg s6  }
0xb: {  	s22 =	sshrl.u32 s0, $0x1;
	s13 =	sadd.s32 $0x20, s6;
	[dreg:$0x4] =	wrdreg s12  }
0xc: {  	s0 =	ssub.s32 s0, s22;
	s14 =	sadd.s32 $0x30, s6;
	[dreg:$0x5] =	wrdreg s13  }
0xd: {  	s5 =	smul.u32 $0x60000, s5;
	s15 =	sadd.s32 $0x40, s6;
	[dreg:$0x6] =	wrdreg s14  }
0xe: {  	s22 =	simm.s32 $0x6;
	s16 =	sadd.s32 $0x50, s6;
	[dreg:$0x7] =	wrdreg s15  }
0xf: {  	s5 =	sshrl.u32 s5, $0x3;
	s17 =	sadd.s32 $0x60, s6;
	[dreg:$0x8] =	wrdreg s16  }
0x10: {  	s18 =	sadd.s32 $0x70, s6;
	s8 =	sadd.s32 s4, s5;
	[dreg:$0x9] =	wrdreg s17  }
0x11: {  	s10 =	smax.u32 s0, $0x1;
	[dreg:$0xa] =	wrdreg s18;
	s19 =	sadd.s32 $0xC000, s8  }
0x12: {  	s3 =	simm.s32 $0x2;
	s20 =	sadd.s32 $0xC010, s8;
	[dreg:$0xb] =	wrdreg s19  }
0x13: {  	s4 =	sadd.s32 $0x8A00, s1;
	s21 =	sadd.s32 $0xC020, s8;
	[dreg:$0xc] =	wrdreg s20  }
0x14: {  	s5 =	sadd.s32 $0x9200, s1;
	s23 =	sadd.s32 $0xC030, s8;
	[dreg:$0xd] =	wrdreg s21  }
0x15: {  	s6 =	sadd.s32 $0x9A00, s1;
	s24 =	sadd.s32 $0xC040, s8;
	[dreg:$0xe] =	wrdreg s23  }
0x16: {  	s25 =	sadd.s32 $0xC050, s8;
	s26 =	sadd.s32 $0xC060, s8;
	[dreg:$0xf] =	wrdreg s24  }
0x17: {  	s30 =	sadd.s32 $0xC070, s8;
	s8 =	sadd.s32 $0xAA00, s1;
	[dreg:$0x10] =	wrdreg s25  }
0x18: {  	s14 =	simm.s32 $0x800;
	s18 =	simm.s32 $0x3800;
	[dreg:$0x11] =	wrdreg s26  }
0x19: {  	s17 =	simm.s32 $0x1800;
	[dreg:$0x12] =	wrdreg s30;
	s24 =	simm.s32 $0x1  }
0x1a: {  	v1 =	vlaneseq.u32;
	s25 =	simm.s32 $0x80;
	s26 =	simm.s32 $0x400;
	s19 =	simm.s32 $0x3  }
0x1b: {  	v0 =	vimm.s32 $0x0;
	vm0 =	vmmov $0xffff;
	v1 =	vmul.u32 $0x8, v1;
	s20 =	simm.s32 $0x5;
	s21 =	simm.s32 $0x4;
	s23 =	simm.s32 $0x7  }
.LBB2_1:
0x1c: {  	s30 =	rddreg [dreg:$0x3];
	s13 =	simm.s32 $0x9  }
0x1d: {  	[tilespmem:s2], [sflag:$0x9] =	stream.linear.gather [hbm4b:s30+s2], $0x800, $0x38;
	[tilespmem:$0xC800] =	vst v63  }
0x1e: {  	_ =	swait.ge [sflag:s13], $0x800  }
0x1f: {  	[sflag:s13] =	ssyncset.done $0x0  }
0x20: {  	[sflag:s13] =	ssyncadd.s32 $0xFFFFF800  }
0x21: {  	v2 =	vld.msk [tilespmem:$0x0], $0x1;
	_ =	sdelay $0x4  }
0x22: {  	v3 =	vshrl.u32 v2, $0x3  }
0x23: {  	v3 =	vmul.u32 $0x300, v3  }
0x24: {  	v2 =	vand.u32 $0x7, v2  }
0x25: {  	v2 =	vor.u32 v2, v3  }
0x26: {  	v2 =	vperm.xlane v2, v0;
	_ =	sdelay $0x1  }
0x27: {  	v2 =	vadd.s32 v1, v2;
	_ =	sdelay $0x4  }
0x28: {  	[tilespmem:s14], [sflag:$0x1] =	stream.indirect_vreg.gather [hbm4b:s4+s2], $0x80, v2, vm0, $0xb8;
	[tilespmem:$0xC800] =	vst v63  }
0x29: {  	_ = 	snop  }
0x2a: {  	[tilespmem:s31], [sflag:$0x1] =	stream.indirect_vreg.gather [hbm4b:s5+s2], $0x80, v2, vm0, $0xb8;
	[tilespmem:$0xC800] =	vst v63  }
0x2b: {  	_ = 	snop  }
0x2c: {  	[tilespmem:s17], [sflag:$0x1] =	stream.indirect_vreg.gather [hbm4b:s6+s2], $0x80, v2, vm0, $0xb8;
	[tilespmem:$0xC800] =	vst v63  }
0x2d: {  	s16 =	simm.s32 $0x2000  }
0x2e: {  	[tilespmem:s16], [sflag:$0x1] =	stream.indirect_vreg.gather [hbm4b:s7+s2], $0x80, v2, vm0, $0xb8;
	[tilespmem:$0xC800] =	vst v63  }
0x2f: {  	s0 =	simm.s32 $0x2800  }
0x30: {  	[tilespmem:s0], [sflag:$0x1] =	stream.indirect_vreg.gather [hbm4b:s8+s2], $0x80, v2, vm0, $0xb8;
	[tilespmem:$0xC800] =	vst v63  }
0x31: {  	s15 =	simm.s32 $0x3000  }
0x32: {  	[tilespmem:s15], [sflag:$0x1] =	stream.indirect_vreg.gather [hbm4b:s9+s2], $0x80, v2, vm0, $0xb8;
	[tilespmem:$0xC800] =	vst v63  }
0x33: {  	v2 =	vld.msk [tilespmem:$0x80], $0x1;
	_ =	sdelay $0x4  }
0x34: {  	v3 =	vshrl.u32 v2, $0x3  }
0x35: {  	v3 =	vmul.u32 $0x300, v3  }
0x36: {  	v2 =	vand.u32 $0x7, v2  }
0x37: {  	v2 =	vor.u32 v2, v3  }
0x38: {  	v2 =	vperm.xlane v2, v0;
	_ =	sdelay $0x1  }
0x39: {  	v2 =	vadd.s32 v1, v2;
	_ =	sdelay $0x4  }
0x3a: {  	[tilespmem:s18], [sflag:$0x2] =	stream.indirect_vreg.gather [hbm4b:s4+s2], $0x80, v2, vm0, $0xb8;
	[tilespmem:$0xC800] =	vst v63  }
0x3b: {  	s15 =	simm.s32 $0x4000  }
0x3c: {  	[tilespmem:s15], [sflag:$0x2] =	stream.indirect_vreg.gather [hbm4b:s5+s2], $0x80, v2, vm0, $0xb8;
	[tilespmem:$0xC800] =	vst v63  }
0x3d: {  	s30 =	simm.s32 $0x4800  }
0x3e: {  	[tilespmem:s30], [sflag:$0x2] =	stream.indirect_vreg.gather [hbm4b:s6+s2], $0x80, v2, vm0, $0xb8;
	[tilespmem:$0xC800] =	vst v63  }
0x3f: {  	s12 =	simm.s32 $0x5000  }
0x40: {  	[tilespmem:s12], [sflag:$0x2] =	stream.indirect_vreg.gather [hbm4b:s7+s2], $0x80, v2, vm0, $0xb8;
	[tilespmem:$0xC800] =	vst v63  }
0x41: {  	s13 =	simm.s32 $0x5800  }
0x42: {  	[tilespmem:s13], [sflag:$0x2] =	stream.indirect_vreg.gather [hbm4b:s8+s2], $0x80, v2, vm0, $0xb8;
	[tilespmem:$0xC800] =	vst v63  }
0x43: {  	s30 =	simm.s32 $0x6000  }
0x44: {  	[tilespmem:s30], [sflag:$0x2] =	stream.indirect_vreg.gather [hbm4b:s9+s2], $0x80, v2, vm0, $0xb8;
	[tilespmem:$0xC800] =	vst v63  }
0x45: {  	_ =	swait.ge [sflag:s24], $0x3000  }
0x46: {  	[sflag:s24] =	ssyncset.done $0x0  }
0x47: {  	s12 =	rddreg [dreg:$0x13];
	[sflag:s24] =	ssyncadd.s32 $0xFFFFD000  }
0x48: {  	[hbm4b:s12+s25] =	stream.strided.scatter [tilespmem:s14], [sflag:$0x5], $0x3000, s26, s25, $0x38;
	[tilespmem:$0xC800] =	vst v63  }
0x49: {  	v2 =	vld.msk [tilespmem:$0x100], $0x1;
	_ =	sdelay $0x4  }
0x4a: {  	v3 =	vshrl.u32 v2, $0x3  }
0x4b: {  	v3 =	vmul.u32 $0x300, v3  }
0x4c: {  	v2 =	vand.u32 $0x7, v2  }
0x4d: {  	v2 =	vor.u32 v2, v3  }
0x4e: {  	v2 =	vperm.xlane v2, v0;
	_ =	sdelay $0x1  }
0x4f: {  	v2 =	vadd.s32 v1, v2;
	_ =	sdelay $0x4  }
0x50: {  	[tilespmem:s28], [sflag:$0x3] =	stream.indirect_vreg.gather [hbm4b:s4+s2], $0x80, v2, vm0, $0xb8;
	[tilespmem:$0xC800] =	vst v63  }
0x51: {  	s13 =	simm.s32 $0x7000  }
0x52: {  	[tilespmem:s13], [sflag:$0x3] =	stream.indirect_vreg.gather [hbm4b:s5+s2], $0x80, v2, vm0, $0xb8;
	[tilespmem:$0xC800] =	vst v63  }
0x53: {  	s12 =	simm.s32 $0x7800  }
0x54: {  	[tilespmem:s12], [sflag:$0x3] =	stream.indirect_vreg.gather [hbm4b:s6+s2], $0x80, v2, vm0, $0xb8;
	[tilespmem:$0xC800] =	vst v63  }
0x55: {  	s13 =	simm.s32 $0x8000  }
0x56: {  	[tilespmem:s13], [sflag:$0x3] =	stream.indirect_vreg.gather [hbm4b:s7+s2], $0x80, v2, vm0, $0xb8;
	[tilespmem:$0xC800] =	vst v63  }
0x57: {  	s12 =	simm.s32 $0x8800  }
0x58: {  	[tilespmem:s12], [sflag:$0x3] =	stream.indirect_vreg.gather [hbm4b:s8+s2], $0x80, v2, vm0, $0xb8;
	[tilespmem:$0xC800] =	vst v63  }
0x59: {  	s13 =	simm.s32 $0x9000  }
0x5a: {  	[tilespmem:s13], [sflag:$0x3] =	stream.indirect_vreg.gather [hbm4b:s9+s2], $0x80, v2, vm0, $0xb8;
	[tilespmem:$0xC800] =	vst v63  }
0x5b: {  	_ =	swait.ge [sflag:s3], $0x3000  }
0x5c: {  	[sflag:s3] =	ssyncset.done $0x0  }
0x5d: {  	s12 =	rddreg [dreg:$0x4];
	[sflag:s3] =	ssyncadd.s32 $0xFFFFD000  }
0x5e: {  	[hbm4b:s12+s25] =	stream.strided.scatter [tilespmem:s18], [sflag:$0x6], $0x3000, s26, s25, $0x38;
	[tilespmem:$0xC800] =	vst v63  }
0x5f: {  	v2 =	vld.msk [tilespmem:$0x180], $0x1;
	_ =	sdelay $0x4  }
0x60: {  	v3 =	vshrl.u32 v2, $0x3  }
0x61: {  	v3 =	vmul.u32 $0x300, v3  }
0x62: {  	v2 =	vand.u32 $0x7, v2  }
0x63: {  	v2 =	vor.u32 v2, v3  }
0x64: {  	v2 =	vperm.xlane v2, v0;
	_ =	sdelay $0x1  }
0x65: {  	v2 =	vadd.s32 v1, v2;
	_ =	sdelay $0x4  }
0x66: {  	[tilespmem:s11], [sflag:$0x4] =	stream.indirect_vreg.gather [hbm4b:s4+s2], $0x80, v2, vm0, $0xb8;
	[tilespmem:$0xC800] =	vst v63  }
0x67: {  	s13 =	simm.s32 $0xA000  }
0x68: {  	[tilespmem:s13], [sflag:$0x4] =	stream.indirect_vreg.gather [hbm4b:s5+s2], $0x80, v2, vm0, $0xb8;
	[tilespmem:$0xC800] =	vst v63  }
0x69: {  	s12 =	simm.s32 $0xA800  }
0x6a: {  	[tilespmem:s12], [sflag:$0x4] =	stream.indirect_vreg.gather [hbm4b:s6+s2], $0x80, v2, vm0, $0xb8;
	[tilespmem:$0xC800] =	vst v63  }
0x6b: {  	s13 =	simm.s32 $0xB000  }
0x6c: {  	[tilespmem:s13], [sflag:$0x4] =	stream.indirect_vreg.gather [hbm4b:s7+s2], $0x80, v2, vm0, $0xb8;
	[tilespmem:$0xC800] =	vst v63  }
0x6d: {  	s12 =	simm.s32 $0xB800  }
0x6e: {  	[tilespmem:s12], [sflag:$0x4] =	stream.indirect_vreg.gather [hbm4b:s8+s2], $0x80, v2, vm0, $0xb8;
	[tilespmem:$0xC800] =	vst v63  }
0x6f: {  	s13 =	simm.s32 $0xC000  }
0x70: {  	[tilespmem:s13], [sflag:$0x4] =	stream.indirect_vreg.gather [hbm4b:s9+s2], $0x80, v2, vm0, $0xb8;
	[tilespmem:$0xC800] =	vst v63  }
0x71: {  	_ =	swait.ge [sflag:s19], $0x3000  }
0x72: {  	[sflag:s19] =	ssyncset.done $0x0  }
0x73: {  	s12 =	rddreg [dreg:$0x5];
	[sflag:s19] =	ssyncadd.s32 $0xFFFFD000  }
0x74: {  	[hbm4b:s12+s25] =	stream.strided.scatter [tilespmem:s28], [sflag:$0x7], $0x3000, s26, s25, $0x38;
	[tilespmem:$0xC800] =	vst v63  }
0x75: {  	_ =	swait.ge [sflag:s20], $0x3000  }
0x76: {  	[sflag:s20] =	ssyncset.done $0x0  }
0x77: {  	[sflag:s20] =	ssyncadd.s32 $0xFFFFD000  }
0x78: {  	v2 =	vld.msk [tilespmem:$0x200], $0x1;
	_ =	sdelay $0x4  }
0x79: {  	v3 =	vshrl.u32 v2, $0x3  }
0x7a: {  	v3 =	vmul.u32 $0x300, v3  }
0x7b: {  	v2 =	vand.u32 $0x7, v2  }
0x7c: {  	v2 =	vor.u32 v2, v3  }
0x7d: {  	v2 =	vperm.xlane v2, v0;
	_ =	sdelay $0x1  }
0x7e: {  	v2 =	vadd.s32 v1, v2;
	_ =	sdelay $0x4  }
0x7f: {  	[tilespmem:s14], [sflag:$0x1] =	stream.indirect_vreg.gather [hbm4b:s4+s2], $0x80, v2, vm0, $0xb8;
	[tilespmem:$0xC800] =	vst v63  }
0x80: {  	_ = 	snop  }
0x81: {  	[tilespmem:s31], [sflag:$0x1] =	stream.indirect_vreg.gather [hbm4b:s5+s2], $0x80, v2, vm0, $0xb8;
	[tilespmem:$0xC800] =	vst v63  }
0x82: {  	_ = 	snop  }
0x83: {  	[tilespmem:s17], [sflag:$0x1] =	stream.indirect_vreg.gather [hbm4b:s6+s2], $0x80, v2, vm0, $0xb8;
	[tilespmem:$0xC800] =	vst v63  }
0x84: {  	_ = 	snop  }
0x85: {  	[tilespmem:s16], [sflag:$0x1] =	stream.indirect_vreg.gather [hbm4b:s7+s2], $0x80, v2, vm0, $0xb8;
	[tilespmem:$0xC800] =	vst v63  }
0x86: {  	s1 =	simm.s32 $0x2800  }
0x87: {  	[tilespmem:s1], [sflag:$0x1] =	stream.indirect_vreg.gather [hbm4b:s8+s2], $0x80, v2, vm0, $0xb8;
	[tilespmem:$0xC800] =	vst v63  }
0x88: {  	s0 =	simm.s32 $0x3000  }
0x89: {  	[tilespmem:s0], [sflag:$0x1] =	stream.indirect_vreg.gather [hbm4b:s9+s2], $0x80, v2, vm0, $0xb8;
	[tilespmem:$0xC800] =	vst v63  }
0x8a: {  	_ =	swait.ge [sflag:s21], $0x3000  }
0x8b: {  	[sflag:s21] =	ssyncset.done $0x0  }
0x8c: {  	s13 =	rddreg [dreg:$0x6];
	[sflag:s21] =	ssyncadd.s32 $0xFFFFD000  }
0x8d: {  	[hbm4b:s13+s25] =	stream.strided.scatter [tilespmem:s11], [sflag:$0x8], $0x3000, s26, s25, $0x38;
	[tilespmem:$0xC800] =	vst v63  }
0x8e: {  	_ =	swait.ge [sflag:s22], $0x3000  }
0x8f: {  	[sflag:s22] =	ssyncset.done $0x0  }
0x90: {  	[sflag:s22] =	ssyncadd.s32 $0xFFFFD000  }
0x91: {  	v2 =	vld.msk [tilespmem:$0x280], $0x1;
	_ =	sdelay $0x4  }
0x92: {  	v3 =	vshrl.u32 v2, $0x3  }
0x93: {  	v3 =	vmul.u32 $0x300, v3  }
0x94: {  	v2 =	vand.u32 $0x7, v2  }
0x95: {  	v2 =	vor.u32 v2, v3  }
0x96: {  	v2 =	vperm.xlane v2, v0;
	_ =	sdelay $0x1  }
0x97: {  	v2 =	vadd.s32 v1, v2;
	_ =	sdelay $0x4  }
0x98: {  	[tilespmem:s18], [sflag:$0x2] =	stream.indirect_vreg.gather [hbm4b:s4+s2], $0x80, v2, vm0, $0xb8;
	[tilespmem:$0xC800] =	vst v63  }
0x99: {  	s0 =	simm.s32 $0x4000  }
0x9a: {  	[tilespmem:s0], [sflag:$0x2] =	stream.indirect_vreg.gather [hbm4b:s5+s2], $0x80, v2, vm0, $0xb8;
	[tilespmem:$0xC800] =	vst v63  }
0x9b: {  	s1 =	simm.s32 $0x4800  }
0x9c: {  	[tilespmem:s1], [sflag:$0x2] =	stream.indirect_vreg.gather [hbm4b:s6+s2], $0x80, v2, vm0, $0xb8;
	[tilespmem:$0xC800] =	vst v63  }
0x9d: {  	s12 =	simm.s32 $0x5000  }
0x9e: {  	[tilespmem:s12], [sflag:$0x2] =	stream.indirect_vreg.gather [hbm4b:s7+s2], $0x80, v2, vm0, $0xb8;
	[tilespmem:$0xC800] =	vst v63  }
0x9f: {  	s13 =	simm.s32 $0x5800  }
0xa0: {  	[tilespmem:s13], [sflag:$0x2] =	stream.indirect_vreg.gather [hbm4b:s8+s2], $0x80, v2, vm0, $0xb8;
	[tilespmem:$0xC800] =	vst v63  }
0xa1: {  	s15 =	simm.s32 $0x6000  }
0xa2: {  	[tilespmem:s15], [sflag:$0x2] =	stream.indirect_vreg.gather [hbm4b:s9+s2], $0x80, v2, vm0, $0xb8;
	[tilespmem:$0xC800] =	vst v63  }
0xa3: {  	_ =	swait.ge [sflag:s24], $0x3000  }
0xa4: {  	[sflag:s24] =	ssyncset.done $0x0  }
0xa5: {  	s15 =	rddreg [dreg:$0x7];
	[sflag:s24] =	ssyncadd.s32 $0xFFFFD000  }
0xa6: {  	[hbm4b:s15+s25] =	stream.strided.scatter [tilespmem:s14], [sflag:$0x5], $0x3000, s26, s25, $0x38;
	[tilespmem:$0xC800] =	vst v63  }
0xa7: {  	_ =	swait.ge [sflag:s23], $0x3000  }
0xa8: {  	[sflag:s23] =	ssyncset.done $0x0  }
0xa9: {  	[sflag:s23] =	ssyncadd.s32 $0xFFFFD000  }
0xaa: {  	v2 =	vld.msk [tilespmem:$0x300], $0x1;
	_ =	sdelay $0x4  }
0xab: {  	v3 =	vshrl.u32 v2, $0x3  }
0xac: {  	v3 =	vmul.u32 $0x300, v3  }
0xad: {  	v2 =	vand.u32 $0x7, v2  }
0xae: {  	v2 =	vor.u32 v2, v3  }
0xaf: {  	v2 =	vperm.xlane v2, v0;
	_ =	sdelay $0x1  }
0xb0: {  	v2 =	vadd.s32 v1, v2;
	_ =	sdelay $0x4  }
0xb1: {  	[tilespmem:s28], [sflag:$0x3] =	stream.indirect_vreg.gather [hbm4b:s4+s2], $0x80, v2, vm0, $0xb8;
	[tilespmem:$0xC800] =	vst v63  }
0xb2: {  	s30 =	simm.s32 $0x7000  }
0xb3: {  	[tilespmem:s30], [sflag:$0x3] =	stream.indirect_vreg.gather [hbm4b:s5+s2], $0x80, v2, vm0, $0xb8;
	[tilespmem:$0xC800] =	vst v63  }
0xb4: {  	s30 =	simm.s32 $0x7800  }
0xb5: {  	[tilespmem:s30], [sflag:$0x3] =	stream.indirect_vreg.gather [hbm4b:s6+s2], $0x80, v2, vm0, $0xb8;
	[tilespmem:$0xC800] =	vst v63  }
0xb6: {  	s30 =	simm.s32 $0x8000  }
0xb7: {  	[tilespmem:s30], [sflag:$0x3] =	stream.indirect_vreg.gather [hbm4b:s7+s2], $0x80, v2, vm0, $0xb8;
	[tilespmem:$0xC800] =	vst v63  }
0xb8: {  	s30 =	simm.s32 $0x8800  }
0xb9: {  	[tilespmem:s30], [sflag:$0x3] =	stream.indirect_vreg.gather [hbm4b:s8+s2], $0x80, v2, vm0, $0xb8;
	[tilespmem:$0xC800] =	vst v63  }
0xba: {  	s30 =	simm.s32 $0x9000  }
0xbb: {  	[tilespmem:s30], [sflag:$0x3] =	stream.indirect_vreg.gather [hbm4b:s9+s2], $0x80, v2, vm0, $0xb8;
	[tilespmem:$0xC800] =	vst v63  }
0xbc: {  	_ =	swait.ge [sflag:s3], $0x3000  }
0xbd: {  	[sflag:s3] =	ssyncset.done $0x0  }
0xbe: {  	s15 =	rddreg [dreg:$0x8];
	[sflag:s3] =	ssyncadd.s32 $0xFFFFD000  }
0xbf: {  	[hbm4b:s15+s25] =	stream.strided.scatter [tilespmem:s18], [sflag:$0x6], $0x3000, s26, s25, $0x38;
	[tilespmem:$0xC800] =	vst v63  }
0xc0: {  	_ =	swait.ge [sflag:s29], $0x3000  }
0xc1: {  	[sflag:s29] =	ssyncset.done $0x0  }
0xc2: {  	[sflag:s29] =	ssyncadd.s32 $0xFFFFD000  }
0xc3: {  	v2 =	vld.msk [tilespmem:$0x380], $0x1;
	_ =	sdelay $0x4  }
0xc4: {  	v3 =	vshrl.u32 v2, $0x3  }
0xc5: {  	v3 =	vmul.u32 $0x300, v3  }
0xc6: {  	v2 =	vand.u32 $0x7, v2  }
0xc7: {  	v2 =	vor.u32 v2, v3  }
0xc8: {  	v2 =	vperm.xlane v2, v0;
	_ =	sdelay $0x1  }
0xc9: {  	v2 =	vadd.s32 v1, v2;
	_ =	sdelay $0x4  }
0xca: {  	[tilespmem:s11], [sflag:$0x4] =	stream.indirect_vreg.gather [hbm4b:s4+s2], $0x80, v2, vm0, $0xb8;
	[tilespmem:$0xC800] =	vst v63  }
0xcb: {  	s30 =	simm.s32 $0xA000  }
0xcc: {  	[tilespmem:s30], [sflag:$0x4] =	stream.indirect_vreg.gather [hbm4b:s5+s2], $0x80, v2, vm0, $0xb8;
	[tilespmem:$0xC800] =	vst v63  }
0xcd: {  	s30 =	simm.s32 $0xA800  }
0xce: {  	[tilespmem:s30], [sflag:$0x4] =	stream.indirect_vreg.gather [hbm4b:s6+s2], $0x80, v2, vm0, $0xb8;
	[tilespmem:$0xC800] =	vst v63  }
0xcf: {  	s30 =	simm.s32 $0xB000  }
0xd0: {  	[tilespmem:s30], [sflag:$0x4] =	stream.indirect_vreg.gather [hbm4b:s7+s2], $0x80, v2, vm0, $0xb8;
	[tilespmem:$0xC800] =	vst v63  }
0xd1: {  	s30 =	simm.s32 $0xB800  }
0xd2: {  	[tilespmem:s30], [sflag:$0x4] =	stream.indirect_vreg.gather [hbm4b:s8+s2], $0x80, v2, vm0, $0xb8;
	[tilespmem:$0xC800] =	vst v63  }
0xd3: {  	s30 =	simm.s32 $0xC000  }
0xd4: {  	[tilespmem:s30], [sflag:$0x4] =	stream.indirect_vreg.gather [hbm4b:s9+s2], $0x80, v2, vm0, $0xb8;
	[tilespmem:$0xC800] =	vst v63  }
0xd5: {  	_ =	swait.ge [sflag:s19], $0x3000  }
0xd6: {  	[sflag:s19] =	ssyncset.done $0x0  }
0xd7: {  	s30 =	rddreg [dreg:$0x9];
	[sflag:s19] =	ssyncadd.s32 $0xFFFFD000  }
0xd8: {  	[hbm4b:s30+s25] =	stream.strided.scatter [tilespmem:s28], [sflag:$0x7], $0x3000, s26, s25, $0x38;
	[tilespmem:$0xC800] =	vst v63  }
0xd9: {  	_ =	swait.ge [sflag:s20], $0x3000  }
0xda: {  	[sflag:s20] =	ssyncset.done $0x0  }
0xdb: {  	[sflag:s20] =	ssyncadd.s32 $0xFFFFD000  }
0xdc: {  	v2 =	vld.msk [tilespmem:$0x400], $0x1;
	_ =	sdelay $0x4  }
0xdd: {  	v3 =	vshrl.u32 v2, $0x3  }
0xde: {  	v3 =	vmul.u32 $0x300, v3  }
0xdf: {  	v2 =	vand.u32 $0x7, v2  }
0xe0: {  	v2 =	vor.u32 v2, v3  }
0xe1: {  	v2 =	vperm.xlane v2, v0;
	_ =	sdelay $0x1  }
0xe2: {  	v2 =	vadd.s32 v1, v2;
	_ =	sdelay $0x4  }
0xe3: {  	[tilespmem:s14], [sflag:$0x1] =	stream.indirect_vreg.gather [hbm4b:s4+s2], $0x80, v2, vm0, $0xb8;
	[tilespmem:$0xC800] =	vst v63  }
0xe4: {  	_ = 	snop  }
0xe5: {  	[tilespmem:s31], [sflag:$0x1] =	stream.indirect_vreg.gather [hbm4b:s5+s2], $0x80, v2, vm0, $0xb8;
	[tilespmem:$0xC800] =	vst v63  }
0xe6: {  	_ = 	snop  }
0xe7: {  	[tilespmem:s17], [sflag:$0x1] =	stream.indirect_vreg.gather [hbm4b:s6+s2], $0x80, v2, vm0, $0xb8;
	[tilespmem:$0xC800] =	vst v63  }
0xe8: {  	_ = 	snop  }
0xe9: {  	[tilespmem:s16], [sflag:$0x1] =	stream.indirect_vreg.gather [hbm4b:s7+s2], $0x80, v2, vm0, $0xb8;
	[tilespmem:$0xC800] =	vst v63  }
0xea: {  	s30 =	simm.s32 $0x2800  }
0xeb: {  	[tilespmem:s30], [sflag:$0x1] =	stream.indirect_vreg.gather [hbm4b:s8+s2], $0x80, v2, vm0, $0xb8;
	[tilespmem:$0xC800] =	vst v63  }
0xec: {  	s30 =	simm.s32 $0x3000  }
0xed: {  	[tilespmem:s30], [sflag:$0x1] =	stream.indirect_vreg.gather [hbm4b:s9+s2], $0x80, v2, vm0, $0xb8;
	[tilespmem:$0xC800] =	vst v63  }
0xee: {  	_ =	swait.ge [sflag:s21], $0x3000  }
0xef: {  	[sflag:s21] =	ssyncset.done $0x0  }
0xf0: {  	s30 =	rddreg [dreg:$0xa];
	[sflag:s21] =	ssyncadd.s32 $0xFFFFD000  }
0xf1: {  	[hbm4b:s30+s25] =	stream.strided.scatter [tilespmem:s11], [sflag:$0x8], $0x3000, s26, s25, $0x38;
	[tilespmem:$0xC800] =	vst v63  }
0xf2: {  	_ =	swait.ge [sflag:s22], $0x3000  }
0xf3: {  	[sflag:s22] =	ssyncset.done $0x0  }
0xf4: {  	[sflag:s22] =	ssyncadd.s32 $0xFFFFD000  }
0xf5: {  	v2 =	vld.msk [tilespmem:$0x480], $0x1;
	_ =	sdelay $0x4  }
0xf6: {  	v3 =	vshrl.u32 v2, $0x3  }
0xf7: {  	v3 =	vmul.u32 $0x300, v3  }
0xf8: {  	v2 =	vand.u32 $0x7, v2  }
0xf9: {  	v2 =	vor.u32 v2, v3  }
0xfa: {  	v2 =	vperm.xlane v2, v0;
	_ =	sdelay $0x1  }
0xfb: {  	v2 =	vadd.s32 v1, v2;
	_ =	sdelay $0x4  }
0xfc: {  	[tilespmem:s18], [sflag:$0x2] =	stream.indirect_vreg.gather [hbm4b:s4+s2], $0x80, v2, vm0, $0xb8;
	[tilespmem:$0xC800] =	vst v63  }
0xfd: {  	_ = 	snop  }
0xfe: {  	[tilespmem:s0], [sflag:$0x2] =	stream.indirect_vreg.gather [hbm4b:s5+s2], $0x80, v2, vm0, $0xb8;
	[tilespmem:$0xC800] =	vst v63  }
0xff: {  	_ = 	snop  }
0x100: {  	[tilespmem:s1], [sflag:$0x2] =	stream.indirect_vreg.gather [hbm4b:s6+s2], $0x80, v2, vm0, $0xb8;
	[tilespmem:$0xC800] =	vst v63  }
0x101: {  	_ = 	snop  }
0x102: {  	[tilespmem:s12], [sflag:$0x2] =	stream.indirect_vreg.gather [hbm4b:s7+s2], $0x80, v2, vm0, $0xb8;
	[tilespmem:$0xC800] =	vst v63  }
0x103: {  	_ = 	snop  }
0x104: {  	[tilespmem:s13], [sflag:$0x2] =	stream.indirect_vreg.gather [hbm4b:s8+s2], $0x80, v2, vm0, $0xb8;
	[tilespmem:$0xC800] =	vst v63  }
0x105: {  	s30 =	simm.s32 $0x6000  }
0x106: {  	[tilespmem:s30], [sflag:$0x2] =	stream.indirect_vreg.gather [hbm4b:s9+s2], $0x80, v2, vm0, $0xb8;
	[tilespmem:$0xC800] =	vst v63  }
0x107: {  	_ =	swait.ge [sflag:s24], $0x3000  }
0x108: {  	[sflag:s24] =	ssyncset.done $0x0  }
0x109: {  	s30 =	rddreg [dreg:$0xb];
	[sflag:s24] =	ssyncadd.s32 $0xFFFFD000  }
0x10a: {  	[hbm4b:s30+s25] =	stream.strided.scatter [tilespmem:s14], [sflag:$0x5], $0x3000, s26, s25, $0x38;
	[tilespmem:$0xC800] =	vst v63  }
0x10b: {  	_ =	swait.ge [sflag:s23], $0x3000  }
0x10c: {  	[sflag:s23] =	ssyncset.done $0x0  }
0x10d: {  	[sflag:s23] =	ssyncadd.s32 $0xFFFFD000  }
0x10e: {  	v2 =	vld.msk [tilespmem:$0x500], $0x1;
	_ =	sdelay $0x4  }
0x10f: {  	v3 =	vshrl.u32 v2, $0x3  }
0x110: {  	v3 =	vmul.u32 $0x300, v3  }
0x111: {  	v2 =	vand.u32 $0x7, v2  }
0x112: {  	v2 =	vor.u32 v2, v3  }
0x113: {  	v2 =	vperm.xlane v2, v0;
	_ =	sdelay $0x1  }
0x114: {  	v2 =	vadd.s32 v1, v2;
	_ =	sdelay $0x4  }
0x115: {  	[tilespmem:s28], [sflag:$0x3] =	stream.indirect_vreg.gather [hbm4b:s4+s2], $0x80, v2, vm0, $0xb8;
	[tilespmem:$0xC800] =	vst v63  }
0x116: {  	s30 =	simm.s32 $0x7000  }
0x117: {  	[tilespmem:s30], [sflag:$0x3] =	stream.indirect_vreg.gather [hbm4b:s5+s2], $0x80, v2, vm0, $0xb8;
	[tilespmem:$0xC800] =	vst v63  }
0x118: {  	s30 =	simm.s32 $0x7800  }
0x119: {  	[tilespmem:s30], [sflag:$0x3] =	stream.indirect_vreg.gather [hbm4b:s6+s2], $0x80, v2, vm0, $0xb8;
	[tilespmem:$0xC800] =	vst v63  }
0x11a: {  	s30 =	simm.s32 $0x8000  }
0x11b: {  	[tilespmem:s30], [sflag:$0x3] =	stream.indirect_vreg.gather [hbm4b:s7+s2], $0x80, v2, vm0, $0xb8;
	[tilespmem:$0xC800] =	vst v63  }
0x11c: {  	s30 =	simm.s32 $0x8800  }
0x11d: {  	[tilespmem:s30], [sflag:$0x3] =	stream.indirect_vreg.gather [hbm4b:s8+s2], $0x80, v2, vm0, $0xb8;
	[tilespmem:$0xC800] =	vst v63  }
0x11e: {  	s30 =	simm.s32 $0x9000  }
0x11f: {  	[tilespmem:s30], [sflag:$0x3] =	stream.indirect_vreg.gather [hbm4b:s9+s2], $0x80, v2, vm0, $0xb8;
	[tilespmem:$0xC800] =	vst v63  }
0x120: {  	_ =	swait.ge [sflag:s3], $0x3000  }
0x121: {  	[sflag:s3] =	ssyncset.done $0x0  }
0x122: {  	s30 =	rddreg [dreg:$0xc];
	[sflag:s3] =	ssyncadd.s32 $0xFFFFD000  }
0x123: {  	[hbm4b:s30+s25] =	stream.strided.scatter [tilespmem:s18], [sflag:$0x6], $0x3000, s26, s25, $0x38;
	[tilespmem:$0xC800] =	vst v63  }
0x124: {  	_ =	swait.ge [sflag:s29], $0x3000  }
0x125: {  	[sflag:s29] =	ssyncset.done $0x0  }
0x126: {  	[sflag:s29] =	ssyncadd.s32 $0xFFFFD000  }
0x127: {  	v2 =	vld.msk [tilespmem:$0x580], $0x1;
	_ =	sdelay $0x4  }
0x128: {  	v3 =	vshrl.u32 v2, $0x3  }
0x129: {  	v3 =	vmul.u32 $0x300, v3  }
0x12a: {  	v2 =	vand.u32 $0x7, v2  }
0x12b: {  	v2 =	vor.u32 v2, v3  }
0x12c: {  	v2 =	vperm.xlane v2, v0;
	_ =	sdelay $0x1  }
0x12d: {  	v2 =	vadd.s32 v1, v2;
	_ =	sdelay $0x4  }
0x12e: {  	[tilespmem:s11], [sflag:$0x4] =	stream.indirect_vreg.gather [hbm4b:s4+s2], $0x80, v2, vm0, $0xb8;
	[tilespmem:$0xC800] =	vst v63  }
0x12f: {  	s30 =	simm.s32 $0xA000  }
0x130: {  	[tilespmem:s30], [sflag:$0x4] =	stream.indirect_vreg.gather [hbm4b:s5+s2], $0x80, v2, vm0, $0xb8;
	[tilespmem:$0xC800] =	vst v63  }
0x131: {  	s15 =	simm.s32 $0xA800  }
0x132: {  	[tilespmem:s15], [sflag:$0x4] =	stream.indirect_vreg.gather [hbm4b:s6+s2], $0x80, v2, vm0, $0xb8;
	[tilespmem:$0xC800] =	vst v63  }
0x133: {  	s30 =	simm.s32 $0xB000  }
0x134: {  	[tilespmem:s30], [sflag:$0x4] =	stream.indirect_vreg.gather [hbm4b:s7+s2], $0x80, v2, vm0, $0xb8;
	[tilespmem:$0xC800] =	vst v63  }
0x135: {  	s30 =	simm.s32 $0xB800  }
0x136: {  	[tilespmem:s30], [sflag:$0x4] =	stream.indirect_vreg.gather [hbm4b:s8+s2], $0x80, v2, vm0, $0xb8;
	[tilespmem:$0xC800] =	vst v63  }
0x137: {  	s30 =	simm.s32 $0xC000  }
0x138: {  	[tilespmem:s30], [sflag:$0x4] =	stream.indirect_vreg.gather [hbm4b:s9+s2], $0x80, v2, vm0, $0xb8;
	[tilespmem:$0xC800] =	vst v63  }
0x139: {  	_ =	swait.ge [sflag:s19], $0x3000  }
0x13a: {  	[sflag:s19] =	ssyncset.done $0x0  }
0x13b: {  	s30 =	rddreg [dreg:$0xd];
	[sflag:s19] =	ssyncadd.s32 $0xFFFFD000  }
0x13c: {  	[hbm4b:s30+s25] =	stream.strided.scatter [tilespmem:s28], [sflag:$0x7], $0x3000, s26, s25, $0x38;
	[tilespmem:$0xC800] =	vst v63  }
0x13d: {  	_ =	swait.ge [sflag:s20], $0x3000  }
0x13e: {  	[sflag:s20] =	ssyncset.done $0x0  }
0x13f: {  	[sflag:s20] =	ssyncadd.s32 $0xFFFFD000  }
0x140: {  	v2 =	vld.msk [tilespmem:$0x600], $0x1;
	_ =	sdelay $0x4  }
0x141: {  	v3 =	vshrl.u32 v2, $0x3  }
0x142: {  	v3 =	vmul.u32 $0x300, v3  }
0x143: {  	v2 =	vand.u32 $0x7, v2  }
0x144: {  	v2 =	vor.u32 v2, v3  }
0x145: {  	v2 =	vperm.xlane v2, v0;
	_ =	sdelay $0x1  }
0x146: {  	v2 =	vadd.s32 v1, v2;
	_ =	sdelay $0x4  }
0x147: {  	[tilespmem:s14], [sflag:$0x1] =	stream.indirect_vreg.gather [hbm4b:s4+s2], $0x80, v2, vm0, $0xb8;
	[tilespmem:$0xC800] =	vst v63  }
0x148: {  	_ = 	snop  }
0x149: {  	[tilespmem:s31], [sflag:$0x1] =	stream.indirect_vreg.gather [hbm4b:s5+s2], $0x80, v2, vm0, $0xb8;
	[tilespmem:$0xC800] =	vst v63  }
0x14a: {  	_ = 	snop  }
0x14b: {  	[tilespmem:s17], [sflag:$0x1] =	stream.indirect_vreg.gather [hbm4b:s6+s2], $0x80, v2, vm0, $0xb8;
	[tilespmem:$0xC800] =	vst v63  }
0x14c: {  	_ = 	snop  }
0x14d: {  	[tilespmem:s16], [sflag:$0x1] =	stream.indirect_vreg.gather [hbm4b:s7+s2], $0x80, v2, vm0, $0xb8;
	[tilespmem:$0xC800] =	vst v63  }
0x14e: {  	s30 =	simm.s32 $0x2800  }
0x14f: {  	[tilespmem:s30], [sflag:$0x1] =	stream.indirect_vreg.gather [hbm4b:s8+s2], $0x80, v2, vm0, $0xb8;
	[tilespmem:$0xC800] =	vst v63  }
0x150: {  	s30 =	simm.s32 $0x3000  }
0x151: {  	[tilespmem:s30], [sflag:$0x1] =	stream.indirect_vreg.gather [hbm4b:s9+s2], $0x80, v2, vm0, $0xb8;
	[tilespmem:$0xC800] =	vst v63  }
0x152: {  	_ =	swait.ge [sflag:s21], $0x3000  }
0x153: {  	[sflag:s21] =	ssyncset.done $0x0  }
0x154: {  	s16 =	rddreg [dreg:$0xe];
	[sflag:s21] =	ssyncadd.s32 $0xFFFFD000  }
0x155: {  	[hbm4b:s16+s25] =	stream.strided.scatter [tilespmem:s11], [sflag:$0x8], $0x3000, s26, s25, $0x38;
	[tilespmem:$0xC800] =	vst v63  }
0x156: {  	_ =	swait.ge [sflag:s22], $0x3000  }
0x157: {  	[sflag:s22] =	ssyncset.done $0x0  }
0x158: {  	[sflag:s22] =	ssyncadd.s32 $0xFFFFD000  }
0x159: {  	v2 =	vld.msk [tilespmem:$0x680], $0x1;
	_ =	sdelay $0x4  }
0x15a: {  	v3 =	vshrl.u32 v2, $0x3  }
0x15b: {  	v3 =	vmul.u32 $0x300, v3  }
0x15c: {  	v2 =	vand.u32 $0x7, v2  }
0x15d: {  	v2 =	vor.u32 v2, v3  }
0x15e: {  	v2 =	vperm.xlane v2, v0;
	_ =	sdelay $0x1  }
0x15f: {  	v2 =	vadd.s32 v1, v2;
	_ =	sdelay $0x4  }
0x160: {  	[tilespmem:s18], [sflag:$0x2] =	stream.indirect_vreg.gather [hbm4b:s4+s2], $0x80, v2, vm0, $0xb8;
	[tilespmem:$0xC800] =	vst v63  }
0x161: {  	s0 =	simm.s32 $0x4000  }
0x162: {  	[tilespmem:s0], [sflag:$0x2] =	stream.indirect_vreg.gather [hbm4b:s5+s2], $0x80, v2, vm0, $0xb8;
	[tilespmem:$0xC800] =	vst v63  }
0x163: {  	s1 =	simm.s32 $0x4800  }
0x164: {  	[tilespmem:s1], [sflag:$0x2] =	stream.indirect_vreg.gather [hbm4b:s6+s2], $0x80, v2, vm0, $0xb8;
	[tilespmem:$0xC800] =	vst v63  }
0x165: {  	s12 =	simm.s32 $0x5000  }
0x166: {  	[tilespmem:s12], [sflag:$0x2] =	stream.indirect_vreg.gather [hbm4b:s7+s2], $0x80, v2, vm0, $0xb8;
	[tilespmem:$0xC800] =	vst v63  }
0x167: {  	s13 =	simm.s32 $0x5800  }
0x168: {  	[tilespmem:s13], [sflag:$0x2] =	stream.indirect_vreg.gather [hbm4b:s8+s2], $0x80, v2, vm0, $0xb8;
	[tilespmem:$0xC800] =	vst v63  }
0x169: {  	s12 =	simm.s32 $0x6000  }
0x16a: {  	[tilespmem:s12], [sflag:$0x2] =	stream.indirect_vreg.gather [hbm4b:s9+s2], $0x80, v2, vm0, $0xb8;
	[tilespmem:$0xC800] =	vst v63  }
0x16b: {  	_ =	swait.ge [sflag:s24], $0x3000  }
0x16c: {  	[sflag:s24] =	ssyncset.done $0x0  }
0x16d: {  	s13 =	rddreg [dreg:$0xf];
	[sflag:s24] =	ssyncadd.s32 $0xFFFFD000  }
0x16e: {  	[hbm4b:s13+s25] =	stream.strided.scatter [tilespmem:s14], [sflag:$0x5], $0x3000, s26, s25, $0x38;
	[tilespmem:$0xC800] =	vst v63  }
0x16f: {  	_ =	swait.ge [sflag:s23], $0x3000  }
0x170: {  	[sflag:s23] =	ssyncset.done $0x0  }
0x171: {  	[sflag:s23] =	ssyncadd.s32 $0xFFFFD000  }
0x172: {  	v2 =	vld.msk [tilespmem:$0x700], $0x1;
	_ =	sdelay $0x4  }
0x173: {  	v3 =	vshrl.u32 v2, $0x3  }
0x174: {  	v3 =	vmul.u32 $0x300, v3  }
0x175: {  	v2 =	vand.u32 $0x7, v2  }
0x176: {  	v2 =	vor.u32 v2, v3  }
0x177: {  	v2 =	vperm.xlane v2, v0;
	_ =	sdelay $0x1  }
0x178: {  	v2 =	vadd.s32 v1, v2;
	_ =	sdelay $0x4  }
0x179: {  	[tilespmem:s28], [sflag:$0x3] =	stream.indirect_vreg.gather [hbm4b:s4+s2], $0x80, v2, vm0, $0xb8;
	[tilespmem:$0xC800] =	vst v63  }
0x17a: {  	s16 =	simm.s32 $0x7000  }
0x17b: {  	[tilespmem:s16], [sflag:$0x3] =	stream.indirect_vreg.gather [hbm4b:s5+s2], $0x80, v2, vm0, $0xb8;
	[tilespmem:$0xC800] =	vst v63  }
0x17c: {  	s30 =	simm.s32 $0x7800  }
0x17d: {  	[tilespmem:s30], [sflag:$0x3] =	stream.indirect_vreg.gather [hbm4b:s6+s2], $0x80, v2, vm0, $0xb8;
	[tilespmem:$0xC800] =	vst v63  }
0x17e: {  	s1 =	simm.s32 $0x8000  }
0x17f: {  	[tilespmem:s1], [sflag:$0x3] =	stream.indirect_vreg.gather [hbm4b:s7+s2], $0x80, v2, vm0, $0xb8;
	[tilespmem:$0xC800] =	vst v63  }
0x180: {  	s12 =	simm.s32 $0x8800  }
0x181: {  	[tilespmem:s12], [sflag:$0x3] =	stream.indirect_vreg.gather [hbm4b:s8+s2], $0x80, v2, vm0, $0xb8;
	[tilespmem:$0xC800] =	vst v63  }
0x182: {  	s13 =	simm.s32 $0x9000  }
0x183: {  	[tilespmem:s13], [sflag:$0x3] =	stream.indirect_vreg.gather [hbm4b:s9+s2], $0x80, v2, vm0, $0xb8;
	[tilespmem:$0xC800] =	vst v63  }
0x184: {  	_ =	swait.ge [sflag:s3], $0x3000  }
0x185: {  	[sflag:s3] =	ssyncset.done $0x0  }
0x186: {  	s16 =	rddreg [dreg:$0x10];
	[sflag:s3] =	ssyncadd.s32 $0xFFFFD000  }
0x187: {  	[hbm4b:s16+s25] =	stream.strided.scatter [tilespmem:s18], [sflag:$0x6], $0x3000, s26, s25, $0x38;
	[tilespmem:$0xC800] =	vst v63  }
0x188: {  	_ =	swait.ge [sflag:s29], $0x3000  }
0x189: {  	[sflag:s29] =	ssyncset.done $0x0  }
0x18a: {  	[sflag:s29] =	ssyncadd.s32 $0xFFFFD000  }
0x18b: {  	v2 =	vld.msk [tilespmem:$0x780], $0x1;
	_ =	sdelay $0x4  }
0x18c: {  	v3 =	vshrl.u32 v2, $0x3  }
0x18d: {  	v3 =	vmul.u32 $0x300, v3  }
0x18e: {  	v2 =	vand.u32 $0x7, v2  }
0x18f: {  	v2 =	vor.u32 v2, v3  }
0x190: {  	v2 =	vperm.xlane v2, v0;
	_ =	sdelay $0x1  }
0x191: {  	v2 =	vadd.s32 v1, v2;
	_ =	sdelay $0x4  }
0x192: {  	[tilespmem:s11], [sflag:$0x4] =	stream.indirect_vreg.gather [hbm4b:s4+s2], $0x80, v2, vm0, $0xb8;
	[tilespmem:$0xC800] =	vst v63  }
0x193: {  	s30 =	simm.s32 $0xA000  }
0x194: {  	[tilespmem:s30], [sflag:$0x4] =	stream.indirect_vreg.gather [hbm4b:s5+s2], $0x80, v2, vm0, $0xb8;
	[tilespmem:$0xC800] =	vst v63  }
0x195: {  	s15 =	simm.s32 $0xA800  }
0x196: {  	[tilespmem:s15], [sflag:$0x4] =	stream.indirect_vreg.gather [hbm4b:s6+s2], $0x80, v2, vm0, $0xb8;
	[tilespmem:$0xC800] =	vst v63  }
0x197: {  	s1 =	simm.s32 $0xB000  }
0x198: {  	[tilespmem:s1], [sflag:$0x4] =	stream.indirect_vreg.gather [hbm4b:s7+s2], $0x80, v2, vm0, $0xb8;
	[tilespmem:$0xC800] =	vst v63  }
0x199: {  	s12 =	simm.s32 $0xB800  }
0x19a: {  	[tilespmem:s12], [sflag:$0x4] =	stream.indirect_vreg.gather [hbm4b:s8+s2], $0x80, v2, vm0, $0xb8;
	[tilespmem:$0xC800] =	vst v63  }
0x19b: {  	s13 =	simm.s32 $0xC000  }
0x19c: {  	[tilespmem:s13], [sflag:$0x4] =	stream.indirect_vreg.gather [hbm4b:s9+s2], $0x80, v2, vm0, $0xb8;
	[tilespmem:$0xC800] =	vst v63  }
0x19d: {  	_ =	swait.ge [sflag:s19], $0x3000  }
0x19e: {  	[sflag:s19] =	ssyncset.done $0x0  }
0x19f: {  	s15 =	rddreg [dreg:$0x11];
	[sflag:s19] =	ssyncadd.s32 $0xFFFFD000  }
0x1a0: {  	[hbm4b:s15+s25] =	stream.strided.scatter [tilespmem:s28], [sflag:$0x7], $0x3000, s26, s25, $0x38;
	[tilespmem:$0xC800] =	vst v63  }
0x1a1: {  	_ =	swait.ge [sflag:s21], $0x3000  }
0x1a2: {  	[sflag:s21] =	ssyncset.done $0x0  }
0x1a3: {  	s16 =	rddreg [dreg:$0x12];
	[sflag:s21] =	ssyncadd.s32 $0xFFFFD000  }
0x1a4: {  	[hbm4b:s16+s25] =	stream.strided.scatter [tilespmem:s11], [sflag:$0x8], $0x3000, s26, s25, $0x38;
	[tilespmem:$0xC800] =	vst v63  }
0x1a5: {  	p0 =	sne.s32 s10, $0x1;
	_ =	swait.ge [sflag:s23], $0x3000  }
.Ltmp0:
0x1a6: {  	[sflag:s23] =	ssyncset.done $0x0;
	(pc) =	sbr.rel @p0 .LBB2_1-.Ltmp0, $4  }
0x1a7: {  	[sflag:s23] =	ssyncadd.s32 $0xFFFFD000  }
0x1a8: {  	_ =	swait.ge [sflag:s29], $0x3000  }
0x1a9: {  	[sflag:s29] =	ssyncset.done $0x0  }
0x1aa: {  	s10 =	sadd.s32 $0xFFFFFFFF, s10;
	[sflag:s29] =	ssyncadd.s32 $0xFFFFD000  }
0x1ab: {  	_ =	sfence.sel $0x180000  }
0x1ac: {  	[bflag:$0x0] =	sbarrier.arrive $0xFFFF  }
0x1ad: {  	_ =	strace $0x90000047  }
0x1ae: {  	s0 =	stileid.u32;
	[bflag:$0x2] =	sbarrier.arrive $0xFFFF  }
0x1af: {  	p0 =	sne.s32 s0, $0x0;
	s0 =	rddreg [dreg:$0x2]  }
0x1b0: {  	s0 =	sadd.s32 @!p0 $0x100000, s0  }
0x1b1: {  	[sflag:s0] =	ssyncadd.tile.s32 @!p0 $0x1;
	_ =	shalt  }
.Lfunc_end2:
_tile_overlayer_lowered:
.L_overlay_start_2:
0x1b2: {  	(tag) =	ssettag $0x2  }
0x1b3: {  	s0 =	rddreg [dreg:$0x0];
	s2 =	stileid.u32  }
0x1b4: {  	s1 =	rddreg [dreg:$0x1];
	p0 =	sne.s32 s2, $0x0  }
0x1b5: {  	s3 =	rddreg [dreg:$0x2];
	[bflag:$0x3] =	sbarrier.arrive $0xFFFF;
	s2 =	simm.s32 @!p0 $0x1C09  }
0x1b6: {  	[timem:s3], [sflag:s2] =	dma.local @!p0 [hbm:s0], s1  }
0x1b7: {  	s0 =	simm.s32 @!p0 $0x9  }
0x1b8: {  	_ =	swait.ge @!p0 [sflag:s0], s1  }
0x1b9: {  	s1 =	ssub.s32 @!p0 $0x0, s1;
	[sflag:s0] =	ssyncset.done @!p0 $0x0  }
0x1ba: {  	[sflag:s0] =	ssyncadd.s32 @!p0 s1  }
0x1bb: {  	[bflag:$0x3] =	sbarrier.arrive $0xFFFF  }
0x1bc: {  	_ =	shalt  }

// kernel: kernel.14.cloned.1.call-start
scs
__scs_entry_jumppad:
0x0: {  	(pc) =	sbr.rel $0x88, $3  }
0x1: {  	(tag) =	ssettag $0x0;
	lr =	simm.s32 $0x1  }
0x2: {  	[smem:$0x3F9B] =	sst lr;
	_ =	strace $0xD0000000  }
0x3: {  	_ = 	snop  }
0x4: {  	_ = 	snop  }
0x5: {  	_ = 	snop  }
0x6: {  	_ = 	snop  }
0x7: {  	_ = 	snop  }
__scs_overlays_trampoline_lowered:
0x8: {  	[smem:$0x3FAA] =	sst s0  }
0x9: {  	[smem:$0x3FAB] =	sst s1  }
0xa: {  	[smem:$0x3FAC] =	sst s2  }
0xb: {  	[smem:$0x3FAD] =	sst s3  }
0xc: {  	[smem:$0x3FAE] =	sst s4  }
0xd: {  	[smem:$0x3FAF] =	sst s5  }
0xe: {  	[smem:$0x3FB0] =	sst s6  }
0xf: {  	[smem:$0x3FB1] =	sst s7  }
0x10: {  	[smem:$0x3FB2] =	sst s8  }
0x11: {  	[smem:$0x3FB3] =	sst s9;
	s0 =	simm.s32 @!p0 $0x0  }
0x12: {  	s1 =	sld [smem:$0x3F99];
	s0 =	simm.s32 @p0 $0x1  }
0x13: {  	[smem:$0x3FB4] =	sst s0;
	s0 =	simm.s32 @!p1 $0x0  }
0x14: {  	s2 =	sld [smem:$0x3F98];
	s0 =	simm.s32 @p1 $0x1  }
0x15: {  	[smem:$0x3FB5] =	sst s0;
	s0 =	simm.s32 @!p2 $0x0  }
0x16: {  	s3 =	sld [smem:$0x3FDB];
	s0 =	simm.s32 @p2 $0x1  }
0x17: {  	s4 =	simm.s32 $0x1BF5;
	[smem:$0x3FB7] =	sst s0  }
0x18: {  	s0 =	sld [smem:$0x3F9A];
	_ =	swait.ge [sflag:s4], $0x0  }
0x19: {  	s7 =	sld [smem:$0x3F9B]  }
0x1a: {  	s8 =	sadd.s32 $0xFFFFE003, lr  }
0x1b: {  	s9 =	sadd.s32 $0xFFFFFEF7, lr;
	s5 =	simm.s32 $0xFFFFFFFF;
	p2 =	slt.u32 s8, $0xFFFFF086  }
0x1c: {  	p1 =	slt.u32 s9, $0xF7A;
	s5 =	simm.s32 @!p2 $0x0  }
0x1d: {  	s5 =	simm.s32 @p1 $0x1;
	p0 =	seq.s32 s7, s2  }
0x1e: {  	s7 =	smul.u32 @!p0 $0xF7A, s2;
	p2 =	seq.s32 @!p0 s5, $0x0  }
0x1f: {  	s9 =	smul.u32 $0xF7A, s1;
	s8 =	simm.s32 @!p0 $0x1BF5;
	p2 =	por !p2, p0  }
0x20: {  	[sflag:s8] =	ssyncset.s32 @!p0 $0xFFFFF086;
	s6 =	sadd.s32 @!p0 s3, s7;
	s7 =	simm.s32 @!p0 $0x108  }
0x21: {  	s3 =	sadd.s32 s3, s9;
	s6 =	sadd.s32 @!p0 $0x88, s6;
	s7 =	simm.s32 @p2 $0x1082  }
0x22: {  	[simem:s7], [sflag:s8] =	dma.local @!p0 [hbm:s6], $0xF7A  }
0x23: {  	s9 =	sor.u32 $0xD0000000, s2;
	s6 =	simm.s32 $0x108;
	_ =	swait.ge @!p0 [sflag:s8], $0x0  }
0x24: {  	s3 =	sadd.s32 $0x88, s3;
	s6 =	simm.s32 @!p1 $0x1082;
	[sflag:s4] =	ssyncset.s32 $0xFFFFF086  }
0x25: {  	[simem:s6], [sflag:s4] =	dma.local [hbm:s3], $0xF7A  }
0x26: {  	[smem:$0x3F9B] =	sst s1;
	(tag) =	ssettag s2;
	_ =	strace s9  }
0x27: {  	s1 =	sld [smem:$0x3FAB]  }
0x28: {  	s2 =	sld [smem:$0x3FAC]  }
0x29: {  	s4 =	sld [smem:$0x3FAE]  }
0x2a: {  	p0 =	seq.s32 s5, $0x0;
	s5 =	sld [smem:$0x3FAF]  }
0x2b: {  	s6 =	sld [smem:$0x3FB0]  }
0x2c: {  	s7 =	sld [smem:$0x3FB1]  }
0x2d: {  	s3 =	simm.s32 $0x108;
	s8 =	sld [smem:$0x3FB2]  }
0x2e: {  	s3 =	simm.s32 @!p0 $0x1082;
	s9 =	sld [smem:$0x3FB3]  }
0x2f: {  	lr =	sadd.s32 s0, s3;
	s0 =	sld [smem:$0x3FAA]  }
0x30: {  	s3 =	sld [smem:$0x3FAD]  }
0x31: {  	[smem:$0x3FB6] =	sst s10  }
0x32: {  	s10 =	sld [smem:$0x3FB4];
	_ =	sdelay $0x3  }
0x33: {  	p0 =	seq.s32 s10, $0x1;
	s10 =	sld [smem:$0x3FB6];
	_ =	sdelay $0x3  }
0x34: {  	[smem:$0x3FB6] =	sst s10  }
0x35: {  	s10 =	sld [smem:$0x3FB5];
	_ =	sdelay $0x3  }
0x36: {  	p1 =	seq.s32 s10, $0x1;
	s10 =	sld [smem:$0x3FB6];
	_ =	sdelay $0x3  }
0x37: {  	[smem:$0x3FB6] =	sst s10  }
0x38: {  	s10 =	sld [smem:$0x3FB7]  }
0x39: {  	_ = 	snop;
	(pc) =	sbr.ind lr, $3  }
0x3a: {  	_ = 	snop  }
0x3b: {  	_ = 	snop  }
0x3c: {  	p2 =	seq.s32 s10, $0x1;
	s10 =	sld [smem:$0x3FB6]  }
0x3d: {  	_ =	shalt  }
0x3e: {  	_ =	shalt  }
0x3f: {  	_ =	shalt  }
0x40: {  	_ =	shalt  }
0x41: {  	_ =	shalt  }
0x42: {  	_ =	shalt  }
0x43: {  	_ =	shalt  }
0x44: {  	_ =	shalt  }
0x45: {  	_ =	shalt  }
0x46: {  	_ =	shalt  }
0x47: {  	_ =	shalt  }
0x48: {  	_ =	shalt  }
0x49: {  	_ =	shalt  }
0x4a: {  	_ =	shalt  }
0x4b: {  	_ =	shalt  }
0x4c: {  	_ =	shalt  }
0x4d: {  	_ =	shalt  }
0x4e: {  	_ =	shalt  }
0x4f: {  	_ =	shalt  }
0x50: {  	_ =	shalt  }
0x51: {  	_ =	shalt  }
0x52: {  	_ =	shalt  }
0x53: {  	_ =	shalt  }
0x54: {  	_ =	shalt  }
0x55: {  	_ =	shalt  }
0x56: {  	_ =	shalt  }
0x57: {  	_ =	shalt  }
0x58: {  	_ =	shalt  }
0x59: {  	_ =	shalt  }
0x5a: {  	_ =	shalt  }
0x5b: {  	_ =	shalt  }
0x5c: {  	_ =	shalt  }
0x5d: {  	_ =	shalt  }
0x5e: {  	_ =	shalt  }
0x5f: {  	_ =	shalt  }
0x60: {  	_ =	shalt  }
0x61: {  	_ =	shalt  }
0x62: {  	_ =	shalt  }
0x63: {  	_ =	shalt  }
0x64: {  	_ =	shalt  }
0x65: {  	_ =	shalt  }
0x66: {  	_ =	shalt  }
0x67: {  	_ =	shalt  }
0x68: {  	_ =	shalt  }
0x69: {  	_ =	shalt  }
0x6a: {  	_ =	shalt  }
0x6b: {  	_ =	shalt  }
0x6c: {  	_ =	shalt  }
0x6d: {  	_ =	shalt  }
0x6e: {  	_ =	shalt  }
0x6f: {  	_ =	shalt  }
0x70: {  	_ =	shalt  }
0x71: {  	_ =	shalt  }
0x72: {  	_ =	shalt  }
0x73: {  	_ =	shalt  }
0x74: {  	_ =	shalt  }
0x75: {  	_ =	shalt  }
0x76: {  	_ =	shalt  }
0x77: {  	_ =	shalt  }
0x78: {  	_ =	shalt  }
0x79: {  	_ =	shalt  }
0x7a: {  	_ =	shalt  }
0x7b: {  	_ =	shalt  }
0x7c: {  	_ =	shalt  }
0x7d: {  	_ =	shalt  }
0x7e: {  	_ =	shalt  }
0x7f: {  	_ =	shalt  }
0x80: {  	_ =	shalt  }
0x81: {  	_ =	shalt  }
0x82: {  	_ =	shalt  }
0x83: {  	_ =	shalt  }
0x84: {  	_ =	shalt  }
0x85: {  	_ =	shalt  }
0x86: {  	_ =	shalt  }
0x87: {  	_ =	shalt  }
.Lfunc_end0:
.L_simem_size_0:
called_computation.1_lowered:
.L_overlay_start_0:
0x88: {  	s2 =	sld [smem:$0x3FD9]  }
0x89: {  	s3 =	sld [smem:$0x3FFE];
	_ =	sdelay $0x1  }
0x8a: {  	s1 =	srdreg.scid  }
0x8b: {  	s0 =	sand.u32 $0x1, s1  }
0x8c: {  	s17 =	sshll.u32 s0, $0xA;
	s2 =	sadd.s32 s3, s2  }
0x8d: {  	s2 =	sadd.s32 s2, s17  }
0x8e: {  	[smem:$0x3FC2] =	sst s2  }
0x8f: {  	_ = 	snop  }
0x90: {  	s2 =	sld [smem:$0x3FD0];
	(tm) =	ssettm $0x1  }
0x91: {  	s18 =	sld [smem:$0x3FFB];
	_ =	sdelay $0x3  }
0x92: {  	_ =	strace s18  }
0x93: {  	s3 =	sld [smem:$0x3FFC];
	_ =	sdelay $0x3  }
0x94: {  	_ =	strace s3  }
0x95: {  	s3 =	sld [smem:$0x3FFD];
	_ =	sdelay $0x3  }
0x96: {  	_ =	strace s3  }
0x97: {  	_ =	strace $0x8FFFFFFF  }
0x98: {  	s19 =	sld [smem:$0x3FDB];
	_ =	sdelay $0x1  }
0x99: {  	s4 =	simm.s32 $_scs_section_size  }
0x9a: {  	s5 =	simm.s32 $_size__tile_overlayer_lowered;
	s6 =	simm.s32 $_tile_overlayer_lowered  }
0x9b: {  	s22 =	simm.s32 $0x1BFF;
	s21 =	sshll.u32 s6, $0x1;
	s3 =	sadd.s32 s4, s19  }
0x9c: {  	s7 =	simm.s32 $0x0;
	s20 =	sshll.u32 s5, $0x1;
	s5 =	sadd.s32 s21, s3  }
0x9d: {  	[timem:s7], [sflag:s22] =	dma.local [hbm:s5], s20  }
0x9e: {  	_ =	swait.ge [sflag:s22], s20  }
0x9f: {  	s4 =	ssub.s32 $0x0, s20;
	[sflag:s22] =	ssyncset.done $0x0  }
0xa0: {  	[sflag:s22] =	ssyncadd.s32 s4;
	_ =	sdelay $0x1  }
0xa1: {  	s23 =	simm.s32 $0x1B8B  }
0xa2: {  	_ =	swait.ge [sflag:s23], $0x1  }
0xa3: {  	[sflag:s23] =	ssyncset.done $0x0  }
0xa4: {  	s25 =	simm.s32 $0x1B8E;
	s24 =	sld [smem:$0x3FFE];
	[sflag:s23] =	ssyncadd.s32 $0xFFFFFFFF  }
0xa5: {  	s26 =	simm.s32 $execute0_lowered;
	[smem:$0x3FD2] =	sst s25  }
0xa6: {  	s5 =	sshll.u32 s26, $0x1;
	_ =	strace $0x80000049;
	[dreg:$0x1] =	wrdreg $0xFFFFFFFF  }
0xa7: {  	s28 =	simm.s32 $_size_execute0_lowered;
	s3 =	sadd.s32 s3, s5;
	[dreg:$0x0] =	wrdreg $0x0  }
0xa8: {  	s5 =	sshll.u32 s28, $0x1;
	[dreg:$0x2] =	wrdreg s3  }
0xa9: {  	[dreg:$0x3] =	wrdreg s5  }
0xaa: {  	[dreg:$0x4] =	wrdreg $0xC0  }
0xab: {  	_ =	task [dreg:s7], $0x5FFFF  }
0xac: {  	[dreg:$0x1] =	wrdreg $0xFFFFFFFF  }
0xad: {  	[dreg:$0x0] =	wrdreg $0x60  }
0xae: {  	[dreg:$0x2] =	wrdreg s24  }
0xaf: {  	[dreg:$0x3] =	wrdreg s2  }
0xb0: {  	[dreg:$0x4] =	wrdreg $0x9  }
0xb1: {  	_ =	task.clear_ibuf [dreg:s7], $0x5FFFF;
	_ =	strace $0x90000049  }
0xb2: {  	s29 =	simm.s32 $0x9;
	_ =	strace $0x8000004B  }
0xb3: {  	_ =	swait.ge [sflag:s29], $0x1  }
0xb4: {  	[sflag:s29] =	ssyncadd.s32 $0xFFFFFFFF  }
0xb5: {  	_ =	strace $0x9000004B  }
0xb6: {  	_ =	sfence  }
0xb7: {  	s30 =	sld [smem:$0x0];
	_ =	sdelay $0x2  }
0xb8: {  	s31 =	sshll.u32 s1, $0xD;
	s1 =	sshrl.u32 s1, $0x2  }
0xb9: {  	s3 =	sand.u32 $0x4000, s31;
	s1 =	sadd.s32 s1, s30  }
0xba: {  	s0 =	sor.u32 s3, s0;
	s1 =	sshll.u32 s1, $0x11  }
0xbb: {  	s0 =	sor.u32 s1, s0  }
0xbc: {  	s0 =	sadd.s32 $0x8F2B, s0  }
0xbd: {  	[sflag:s0] =	ssyncadd.remote.s32 $0x1  }
0xbe: {  	_ =	sfence.sel $0xFFFF  }
0xbf: {  	[dreg:$0x0] =	wrdreg $0xFFFFFFFF;
	(pc) =	sbr.abs _section_cstart, $3  }
0xc0: {  	[dreg:$0x1] =	wrdreg $0xFFFFFFFF  }
0xc1: {  	_ =	task.clear_ibuf [dreg:s7], $0x2FFFF;
	_ =	strace $0x9FFFFFFF  }
0xc2: {  	(tm) =	ssettm $0x7FFFFFFF  }
0xc3: {  	_ =	shalt  }
tec
execute0_lowered:
.L_overlay_start_1:
0x0: {  	(tag) =	ssettag $0x1  }
0x1: {  	s0 =	srdreg.scid;
	s1 =	rddreg [dreg:$0x0]  }
0x2: {  	s2 =	stileid.u32;
	s6 =	rddreg [dreg:$0x1];
	s28 =	simm.s32 $0x400  }
0x3: {  	s30 =	simm.s32 $0x8;
	s29 =	simm.s32 $0x3800;
	s0 =	sand.u32 $0x1, s0  }
0x4: {  	s3 =	sshll.u32 s2, $0x5;
	s2 =	simm.s32 $0x0;
	s8 =	sadd.s32 $0x3AA00, s1  }
0x5: {  	s9 =	sadd.s32 $0x3B200, s1;
	s23 =	sadd.s32 $0x3000, s6;
	s4 =	sshll.u32 s0, $0x4  }
0x6: {  	[smem:$0x7FF] =	sst s2;
	s0 =	ssub.s32 $0x2, s0;
	s4 =	sor.u32 s4, s3  }
0x7: {  	_ =	strace $0x8000004A;
	s7 =	sshrl.u32 s0, $0x1;
	[dreg:$0x14] =	wrdreg s23  }
0x8: {  	s3 =	sshll.u32 s4, $0x4;
	s0 =	ssub.s32 s0, s7;
	s10 =	sshrl.u32 s4, $0x3  }
0x9: {  	s4 =	sadd.s32 $0x39200, s1;
	s7 =	sadd.s32 $0x3A200, s1;
	s5 =	sadd.s32 s3, s1  }
0xa: {  	s3 =	sadd.s32 $0x38A00, s1;
	s11 =	smul.u32 $0xC000, s10;
	s5 =	sadd.s32 $0x2A00, s5  }
0xb: {  	s25 =	smul.u32 $0x60000, s10;
	[dreg:$0x3] =	wrdreg s5;
	s5 =	sadd.s32 $0x39A00, s1  }
0xc: {  	s22 =	sor.u32 $0x10, s11;
	s26 =	sor.u32 $0x20, s11;
	s12 =	sor.u32 $0x30, s11  }
0xd: {  	s13 =	sor.u32 $0x40, s11;
	[dreg:$0x13] =	wrdreg s11;
	s1 =	sadd.s32 s23, s22  }
0xe: {  	s14 =	sor.u32 $0x50, s11;
	s10 =	sadd.s32 s23, s26;
	[dreg:$0x4] =	wrdreg s1  }
0xf: {  	s15 =	sor.u32 $0x60, s11;
	[dreg:$0x5] =	wrdreg s10;
	s10 =	sadd.s32 s23, s12  }
0x10: {  	s6 =	sshrl.u32 s25, $0x3;
	s12 =	sadd.s32 s23, s13;
	[dreg:$0x6] =	wrdreg s10  }
0x11: {  	s16 =	sor.u32 $0x70, s11;
	s13 =	sadd.s32 s23, s14;
	[dreg:$0x7] =	wrdreg s12  }
0x12: {  	s11 =	smax.u32 s0, $0x1;
	s14 =	sadd.s32 s23, s15;
	[dreg:$0x8] =	wrdreg s13  }
0x13: {  	s24 =	sadd.s32 $0xC000, s6;
	s15 =	sadd.s32 s23, s16;
	[dreg:$0x9] =	wrdreg s14  }
0x14: {  	s17 =	sadd.s32 $0xC010, s6;
	s16 =	sadd.s32 s24, s23;
	[dreg:$0xa] =	wrdreg s15  }
0x15: {  	s19 =	sadd.s32 $0xC020, s6;
	s17 =	sadd.s32 s17, s23;
	[dreg:$0xb] =	wrdreg s16  }
0x16: {  	s20 =	sadd.s32 $0xC030, s6;
	s19 =	sadd.s32 s19, s23;
	[dreg:$0xc] =	wrdreg s17  }
0x17: {  	s21 =	sadd.s32 $0xC040, s6;
	s20 =	sadd.s32 s20, s23;
	[dreg:$0xd] =	wrdreg s19  }
0x18: {  	s22 =	sadd.s32 $0xC050, s6;
	s24 =	sadd.s32 s21, s23;
	[dreg:$0xe] =	wrdreg s20  }
0x19: {  	s31 =	sadd.s32 $0xC060, s6;
	s25 =	sadd.s32 s22, s23;
	[dreg:$0xf] =	wrdreg s24  }
0x1a: {  	s18 =	sadd.s32 $0xC070, s6;
	s26 =	sadd.s32 s31, s23;
	[dreg:$0x10] =	wrdreg s25  }
0x1b: {  	s6 =	simm.s32 $0x800;
	s31 =	sadd.s32 s18, s23;
	[dreg:$0x11] =	wrdreg s26  }
0x1c: {  	s22 =	simm.s32 $0x4;
	s21 =	simm.s32 $0x9800;
	[dreg:$0x12] =	wrdreg s31  }
0x1d: {  	v1 =	vlaneseq.u32;
	s25 =	simm.s32 $0x1;
	s26 =	simm.s32 $0x80;
	s10 =	simm.s32 $0x2  }
0x1e: {  	v0 =	vimm.s32 $0x0;
	vm0 =	vmmov $0xffff;
	v1 =	vmul.u32 $0x8, v1;
	s20 =	simm.s32 $0x3;
	s24 =	simm.s32 $0x7;
	s12 =	simm.s32 $0x6800  }
.LBB2_1:
0x1f: {  	s31 =	rddreg [dreg:$0x3];
	s1 =	simm.s32 $0x9  }
0x20: {  	[tilespmem:s2], [sflag:$0x9] =	stream.linear.gather [hbm4b:s31+s2], $0x800, $0x38;
	[tilespmem:$0xC800] =	vst v63  }
0x21: {  	_ =	swait.ge [sflag:s1], $0x800  }
0x22: {  	[sflag:s1] =	ssyncset.done $0x0  }
0x23: {  	[sflag:s1] =	ssyncadd.s32 $0xFFFFF800  }
0x24: {  	v2 =	vld.msk [tilespmem:$0x0], $0x1;
	_ =	sdelay $0x4  }
0x25: {  	v3 =	vshrl.u32 v2, $0x3  }
0x26: {  	v3 =	vmul.u32 $0x300, v3  }
0x27: {  	v2 =	vand.u32 $0x7, v2  }
0x28: {  	v2 =	vor.u32 v2, v3  }
0x29: {  	v2 =	vperm.xlane v2, v0;
	_ =	sdelay $0x1  }
0x2a: {  	v2 =	vadd.s32 v1, v2;
	_ =	sdelay $0x4  }
0x2b: {  	[tilespmem:s6], [sflag:$0x1] =	stream.indirect_vreg.gather [hbm4b:s3+s2], $0x80, v2, vm0, $0xb8;
	[tilespmem:$0xC800] =	vst v63  }
0x2c: {  	s23 =	simm.s32 $0x1000  }
0x2d: {  	[tilespmem:s23], [sflag:$0x1] =	stream.indirect_vreg.gather [hbm4b:s4+s2], $0x80, v2, vm0, $0xb8;
	[tilespmem:$0xC800] =	vst v63  }
0x2e: {  	s31 =	simm.s32 $0x1800  }
0x2f: {  	[tilespmem:s31], [sflag:$0x1] =	stream.indirect_vreg.gather [hbm4b:s5+s2], $0x80, v2, vm0, $0xb8;
	[tilespmem:$0xC800] =	vst v63  }
0x30: {  	s13 =	simm.s32 $0x2000  }
0x31: {  	[tilespmem:s13], [sflag:$0x1] =	stream.indirect_vreg.gather [hbm4b:s7+s2], $0x80, v2, vm0, $0xb8;
	[tilespmem:$0xC800] =	vst v63  }
0x32: {  	s14 =	simm.s32 $0x2800  }
0x33: {  	[tilespmem:s14], [sflag:$0x1] =	stream.indirect_vreg.gather [hbm4b:s8+s2], $0x80, v2, vm0, $0xb8;
	[tilespmem:$0xC800] =	vst v63  }
0x34: {  	s15 =	simm.s32 $0x3000  }
0x35: {  	[tilespmem:s15], [sflag:$0x1] =	stream.indirect_vreg.gather [hbm4b:s9+s2], $0x80, v2, vm0, $0xb8;
	[tilespmem:$0xC800] =	vst v63  }
0x36: {  	v2 =	vld.msk [tilespmem:$0x80], $0x1;
	_ =	sdelay $0x4  }
0x37: {  	v3 =	vshrl.u32 v2, $0x3  }
0x38: {  	v3 =	vmul.u32 $0x300, v3  }
0x39: {  	v2 =	vand.u32 $0x7, v2  }
0x3a: {  	v2 =	vor.u32 v2, v3  }
0x3b: {  	v2 =	vperm.xlane v2, v0;
	_ =	sdelay $0x1  }
0x3c: {  	v2 =	vadd.s32 v1, v2;
	_ =	sdelay $0x4  }
0x3d: {  	[tilespmem:s29], [sflag:$0x2] =	stream.indirect_vreg.gather [hbm4b:s3+s2], $0x80, v2, vm0, $0xb8;
	[tilespmem:$0xC800] =	vst v63  }
0x3e: {  	s16 =	simm.s32 $0x4000  }
0x3f: {  	[tilespmem:s16], [sflag:$0x2] =	stream.indirect_vreg.gather [hbm4b:s4+s2], $0x80, v2, vm0, $0xb8;
	[tilespmem:$0xC800] =	vst v63  }
0x40: {  	s17 =	simm.s32 $0x4800  }
0x41: {  	[tilespmem:s17], [sflag:$0x2] =	stream.indirect_vreg.gather [hbm4b:s5+s2], $0x80, v2, vm0, $0xb8;
	[tilespmem:$0xC800] =	vst v63  }
0x42: {  	s18 =	simm.s32 $0x5000  }
0x43: {  	[tilespmem:s18], [sflag:$0x2] =	stream.indirect_vreg.gather [hbm4b:s7+s2], $0x80, v2, vm0, $0xb8;
	[tilespmem:$0xC800] =	vst v63  }
0x44: {  	s23 =	simm.s32 $0x5800  }
0x45: {  	[tilespmem:s23], [sflag:$0x2] =	stream.indirect_vreg.gather [hbm4b:s8+s2], $0x80, v2, vm0, $0xb8;
	[tilespmem:$0xC800] =	vst v63  }
0x46: {  	s31 =	simm.s32 $0x6000  }
0x47: {  	[tilespmem:s31], [sflag:$0x2] =	stream.indirect_vreg.gather [hbm4b:s9+s2], $0x80, v2, vm0, $0xb8;
	[tilespmem:$0xC800] =	vst v63  }
0x48: {  	_ =	swait.ge [sflag:s25], $0x3000  }
0x49: {  	s1 =	rddreg [dreg:$0x13]  }
0x4a: {  	[sflag:s25] =	ssyncset.done $0x0;
	s14 =	rddreg [dreg:$0x14]  }
0x4b: {  	[sflag:s25] =	ssyncadd.s32 $0xFFFFD000;
	s31 =	sadd.s32 s1, s14  }
0x4c: {  	[hbm4b:s31+s26] =	stream.strided.scatter [tilespmem:s6], [sflag:$0x5], $0x3000, s28, s26, $0x38;
	[tilespmem:$0xC800] =	vst v63  }
0x4d: {  	v2 =	vld.msk [tilespmem:$0x100], $0x1;
	_ =	sdelay $0x4  }
0x4e: {  	v3 =	vshrl.u32 v2, $0x3  }
0x4f: {  	v3 =	vmul.u32 $0x300, v3  }
0x50: {  	v2 =	vand.u32 $0x7, v2  }
0x51: {  	v2 =	vor.u32 v2, v3  }
0x52: {  	v2 =	vperm.xlane v2, v0;
	_ =	sdelay $0x1  }
0x53: {  	v2 =	vadd.s32 v1, v2;
	_ =	sdelay $0x4  }
0x54: {  	[tilespmem:s12], [sflag:$0x3] =	stream.indirect_vreg.gather [hbm4b:s3+s2], $0x80, v2, vm0, $0xb8;
	[tilespmem:$0xC800] =	vst v63  }
0x55: {  	s15 =	simm.s32 $0x7000  }
0x56: {  	[tilespmem:s15], [sflag:$0x3] =	stream.indirect_vreg.gather [hbm4b:s4+s2], $0x80, v2, vm0, $0xb8;
	[tilespmem:$0xC800] =	vst v63  }
0x57: {  	s16 =	simm.s32 $0x7800  }
0x58: {  	[tilespmem:s16], [sflag:$0x3] =	stream.indirect_vreg.gather [hbm4b:s5+s2], $0x80, v2, vm0, $0xb8;
	[tilespmem:$0xC800] =	vst v63  }
0x59: {  	s23 =	simm.s32 $0x8000  }
0x5a: {  	[tilespmem:s23], [sflag:$0x3] =	stream.indirect_vreg.gather [hbm4b:s7+s2], $0x80, v2, vm0, $0xb8;
	[tilespmem:$0xC800] =	vst v63  }
0x5b: {  	s31 =	simm.s32 $0x8800  }
0x5c: {  	[tilespmem:s31], [sflag:$0x3] =	stream.indirect_vreg.gather [hbm4b:s8+s2], $0x80, v2, vm0, $0xb8;
	[tilespmem:$0xC800] =	vst v63  }
0x5d: {  	s14 =	simm.s32 $0x9000  }
0x5e: {  	[tilespmem:s14], [sflag:$0x3] =	stream.indirect_vreg.gather [hbm4b:s9+s2], $0x80, v2, vm0, $0xb8;
	[tilespmem:$0xC800] =	vst v63  }
0x5f: {  	_ =	swait.ge [sflag:s10], $0x3000  }
0x60: {  	[sflag:s10] =	ssyncset.done $0x0  }
0x61: {  	s15 =	rddreg [dreg:$0x4];
	[sflag:s10] =	ssyncadd.s32 $0xFFFFD000  }
0x62: {  	[hbm4b:s15+s26] =	stream.strided.scatter [tilespmem:s29], [sflag:$0x6], $0x3000, s28, s26, $0x38;
	[tilespmem:$0xC800] =	vst v63  }
0x63: {  	v2 =	vld.msk [tilespmem:$0x180], $0x1;
	_ =	sdelay $0x4  }
0x64: {  	v3 =	vshrl.u32 v2, $0x3  }
0x65: {  	v3 =	vmul.u32 $0x300, v3  }
0x66: {  	v2 =	vand.u32 $0x7, v2  }
0x67: {  	v2 =	vor.u32 v2, v3  }
0x68: {  	v2 =	vperm.xlane v2, v0;
	_ =	sdelay $0x1  }
0x69: {  	v2 =	vadd.s32 v1, v2;
	_ =	sdelay $0x4  }
0x6a: {  	[tilespmem:s21], [sflag:$0x4] =	stream.indirect_vreg.gather [hbm4b:s3+s2], $0x80, v2, vm0, $0xb8;
	[tilespmem:$0xC800] =	vst v63  }
0x6b: {  	s16 =	simm.s32 $0xA000  }
0x6c: {  	[tilespmem:s16], [sflag:$0x4] =	stream.indirect_vreg.gather [hbm4b:s4+s2], $0x80, v2, vm0, $0xb8;
	[tilespmem:$0xC800] =	vst v63  }
0x6d: {  	s23 =	simm.s32 $0xA800  }
0x6e: {  	[tilespmem:s23], [sflag:$0x4] =	stream.indirect_vreg.gather [hbm4b:s5+s2], $0x80, v2, vm0, $0xb8;
	[tilespmem:$0xC800] =	vst v63  }
0x6f: {  	s1 =	simm.s32 $0xB000  }
0x70: {  	[tilespmem:s1], [sflag:$0x4] =	stream.indirect_vreg.gather [hbm4b:s7+s2], $0x80, v2, vm0, $0xb8;
	[tilespmem:$0xC800] =	vst v63  }
0x71: {  	s14 =	simm.s32 $0xB800  }
0x72: {  	[tilespmem:s14], [sflag:$0x4] =	stream.indirect_vreg.gather [hbm4b:s8+s2], $0x80, v2, vm0, $0xb8;
	[tilespmem:$0xC800] =	vst v63  }
0x73: {  	s15 =	simm.s32 $0xC000  }
0x74: {  	[tilespmem:s15], [sflag:$0x4] =	stream.indirect_vreg.gather [hbm4b:s9+s2], $0x80, v2, vm0, $0xb8;
	[tilespmem:$0xC800] =	vst v63  }
0x75: {  	_ =	swait.ge [sflag:s20], $0x3000  }
0x76: {  	[sflag:s20] =	ssyncset.done $0x0  }
0x77: {  	s23 =	simm.s32 $0x5;
	s16 =	rddreg [dreg:$0x5];
	[sflag:s20] =	ssyncadd.s32 $0xFFFFD000  }
0x78: {  	[hbm4b:s16+s26] =	stream.strided.scatter [tilespmem:s12], [sflag:$0x7], $0x3000, s28, s26, $0x38;
	[tilespmem:$0xC800] =	vst v63  }
0x79: {  	_ =	swait.ge [sflag:s23], $0x3000  }
0x7a: {  	[sflag:s23] =	ssyncset.done $0x0  }
0x7b: {  	[sflag:s23] =	ssyncadd.s32 $0xFFFFD000  }
0x7c: {  	v2 =	vld.msk [tilespmem:$0x200], $0x1;
	_ =	sdelay $0x4  }
0x7d: {  	v3 =	vshrl.u32 v2, $0x3  }
0x7e: {  	v3 =	vmul.u32 $0x300, v3  }
0x7f: {  	v2 =	vand.u32 $0x7, v2  }
0x80: {  	v2 =	vor.u32 v2, v3  }
0x81: {  	v2 =	vperm.xlane v2, v0;
	_ =	sdelay $0x1  }
0x82: {  	v2 =	vadd.s32 v1, v2;
	_ =	sdelay $0x4  }
0x83: {  	[tilespmem:s6], [sflag:$0x1] =	stream.indirect_vreg.gather [hbm4b:s3+s2], $0x80, v2, vm0, $0xb8;
	[tilespmem:$0xC800] =	vst v63  }
0x84: {  	s0 =	simm.s32 $0x1000  }
0x85: {  	[tilespmem:s0], [sflag:$0x1] =	stream.indirect_vreg.gather [hbm4b:s4+s2], $0x80, v2, vm0, $0xb8;
	[tilespmem:$0xC800] =	vst v63  }
0x86: {  	s19 =	simm.s32 $0x1800  }
0x87: {  	[tilespmem:s19], [sflag:$0x1] =	stream.indirect_vreg.gather [hbm4b:s5+s2], $0x80, v2, vm0, $0xb8;
	[tilespmem:$0xC800] =	vst v63  }
0x88: {  	s14 =	simm.s32 $0x2000  }
0x89: {  	[tilespmem:s14], [sflag:$0x1] =	stream.indirect_vreg.gather [hbm4b:s7+s2], $0x80, v2, vm0, $0xb8;
	[tilespmem:$0xC800] =	vst v63  }
0x8a: {  	s15 =	simm.s32 $0x2800  }
0x8b: {  	[tilespmem:s15], [sflag:$0x1] =	stream.indirect_vreg.gather [hbm4b:s8+s2], $0x80, v2, vm0, $0xb8;
	[tilespmem:$0xC800] =	vst v63  }
0x8c: {  	s16 =	simm.s32 $0x3000  }
0x8d: {  	[tilespmem:s16], [sflag:$0x1] =	stream.indirect_vreg.gather [hbm4b:s9+s2], $0x80, v2, vm0, $0xb8;
	[tilespmem:$0xC800] =	vst v63  }
0x8e: {  	_ =	swait.ge [sflag:s22], $0x3000  }
0x8f: {  	[sflag:s22] =	ssyncset.done $0x0  }
0x90: {  	s0 =	simm.s32 $0x6;
	s19 =	rddreg [dreg:$0x6];
	[sflag:s22] =	ssyncadd.s32 $0xFFFFD000  }
0x91: {  	[hbm4b:s19+s26] =	stream.strided.scatter [tilespmem:s21], [sflag:$0x8], $0x3000, s28, s26, $0x38;
	[tilespmem:$0xC800] =	vst v63  }
0x92: {  	_ =	swait.ge [sflag:s0], $0x3000  }
0x93: {  	[sflag:s0] =	ssyncset.done $0x0  }
0x94: {  	[sflag:s0] =	ssyncadd.s32 $0xFFFFD000  }
0x95: {  	v2 =	vld.msk [tilespmem:$0x280], $0x1;
	_ =	sdelay $0x4  }
0x96: {  	v3 =	vshrl.u32 v2, $0x3  }
0x97: {  	v3 =	vmul.u32 $0x300, v3  }
0x98: {  	v2 =	vand.u32 $0x7, v2  }
0x99: {  	v2 =	vor.u32 v2, v3  }
0x9a: {  	v2 =	vperm.xlane v2, v0;
	_ =	sdelay $0x1  }
0x9b: {  	v2 =	vadd.s32 v1, v2;
	_ =	sdelay $0x4  }
0x9c: {  	[tilespmem:s29], [sflag:$0x2] =	stream.indirect_vreg.gather [hbm4b:s3+s2], $0x80, v2, vm0, $0xb8;
	[tilespmem:$0xC800] =	vst v63  }
0x9d: {  	s13 =	simm.s32 $0x4000  }
0x9e: {  	[tilespmem:s13], [sflag:$0x2] =	stream.indirect_vreg.gather [hbm4b:s4+s2], $0x80, v2, vm0, $0xb8;
	[tilespmem:$0xC800] =	vst v63  }
0x9f: {  	s17 =	simm.s32 $0x4800  }
0xa0: {  	[tilespmem:s17], [sflag:$0x2] =	stream.indirect_vreg.gather [hbm4b:s5+s2], $0x80, v2, vm0, $0xb8;
	[tilespmem:$0xC800] =	vst v63  }
0xa1: {  	s18 =	simm.s32 $0x5000  }
0xa2: {  	[tilespmem:s18], [sflag:$0x2] =	stream.indirect_vreg.gather [hbm4b:s7+s2], $0x80, v2, vm0, $0xb8;
	[tilespmem:$0xC800] =	vst v63  }
0xa3: {  	s19 =	simm.s32 $0x5800  }
0xa4: {  	[tilespmem:s19], [sflag:$0x2] =	stream.indirect_vreg.gather [hbm4b:s8+s2], $0x80, v2, vm0, $0xb8;
	[tilespmem:$0xC800] =	vst v63  }
0xa5: {  	s31 =	simm.s32 $0x6000  }
0xa6: {  	[tilespmem:s31], [sflag:$0x2] =	stream.indirect_vreg.gather [hbm4b:s9+s2], $0x80, v2, vm0, $0xb8;
	[tilespmem:$0xC800] =	vst v63  }
0xa7: {  	_ =	swait.ge [sflag:s25], $0x3000  }
0xa8: {  	[sflag:s25] =	ssyncset.done $0x0  }
0xa9: {  	s13 =	rddreg [dreg:$0x7];
	[sflag:s25] =	ssyncadd.s32 $0xFFFFD000  }
0xaa: {  	[hbm4b:s13+s26] =	stream.strided.scatter [tilespmem:s6], [sflag:$0x5], $0x3000, s28, s26, $0x38;
	[tilespmem:$0xC800] =	vst v63  }
0xab: {  	_ =	swait.ge [sflag:s24], $0x3000  }
0xac: {  	[sflag:s24] =	ssyncset.done $0x0  }
0xad: {  	[sflag:s24] =	ssyncadd.s32 $0xFFFFD000  }
0xae: {  	v2 =	vld.msk [tilespmem:$0x300], $0x1;
	_ =	sdelay $0x4  }
0xaf: {  	v3 =	vshrl.u32 v2, $0x3  }
0xb0: {  	v3 =	vmul.u32 $0x300, v3  }
0xb1: {  	v2 =	vand.u32 $0x7, v2  }
0xb2: {  	v2 =	vor.u32 v2, v3  }
0xb3: {  	v2 =	vperm.xlane v2, v0;
	_ =	sdelay $0x1  }
0xb4: {  	v2 =	vadd.s32 v1, v2;
	_ =	sdelay $0x4  }
0xb5: {  	[tilespmem:s12], [sflag:$0x3] =	stream.indirect_vreg.gather [hbm4b:s3+s2], $0x80, v2, vm0, $0xb8;
	[tilespmem:$0xC800] =	vst v63  }
0xb6: {  	s13 =	simm.s32 $0x7000  }
0xb7: {  	[tilespmem:s13], [sflag:$0x3] =	stream.indirect_vreg.gather [hbm4b:s4+s2], $0x80, v2, vm0, $0xb8;
	[tilespmem:$0xC800] =	vst v63  }
0xb8: {  	s17 =	simm.s32 $0x7800  }
0xb9: {  	[tilespmem:s17], [sflag:$0x3] =	stream.indirect_vreg.gather [hbm4b:s5+s2], $0x80, v2, vm0, $0xb8;
	[tilespmem:$0xC800] =	vst v63  }
0xba: {  	s18 =	simm.s32 $0x8000  }
0xbb: {  	[tilespmem:s18], [sflag:$0x3] =	stream.indirect_vreg.gather [hbm4b:s7+s2], $0x80, v2, vm0, $0xb8;
	[tilespmem:$0xC800] =	vst v63  }
0xbc: {  	s1 =	simm.s32 $0x8800  }
0xbd: {  	[tilespmem:s1], [sflag:$0x3] =	stream.indirect_vreg.gather [hbm4b:s8+s2], $0x80, v2, vm0, $0xb8;
	[tilespmem:$0xC800] =	vst v63  }
0xbe: {  	s31 =	simm.s32 $0x9000  }
0xbf: {  	[tilespmem:s31], [sflag:$0x3] =	stream.indirect_vreg.gather [hbm4b:s9+s2], $0x80, v2, vm0, $0xb8;
	[tilespmem:$0xC800] =	vst v63  }
0xc0: {  	_ =	swait.ge [sflag:s10], $0x3000  }
0xc1: {  	[sflag:s10] =	ssyncset.done $0x0  }
0xc2: {  	s31 =	rddreg [dreg:$0x8];
	[sflag:s10] =	ssyncadd.s32 $0xFFFFD000  }
0xc3: {  	[hbm4b:s31+s26] =	stream.strided.scatter [tilespmem:s29], [sflag:$0x6], $0x3000, s28, s26, $0x38;
	[tilespmem:$0xC800] =	vst v63  }
0xc4: {  	_ =	swait.ge [sflag:s30], $0x3000  }
0xc5: {  	[sflag:s30] =	ssyncset.done $0x0  }
0xc6: {  	[sflag:s30] =	ssyncadd.s32 $0xFFFFD000  }
0xc7: {  	v2 =	vld.msk [tilespmem:$0x380], $0x1;
	_ =	sdelay $0x4  }
0xc8: {  	v3 =	vshrl.u32 v2, $0x3  }
0xc9: {  	v3 =	vmul.u32 $0x300, v3  }
0xca: {  	v2 =	vand.u32 $0x7, v2  }
0xcb: {  	v2 =	vor.u32 v2, v3  }
0xcc: {  	v2 =	vperm.xlane v2, v0;
	_ =	sdelay $0x1  }
0xcd: {  	v2 =	vadd.s32 v1, v2;
	_ =	sdelay $0x4  }
0xce: {  	[tilespmem:s21], [sflag:$0x4] =	stream.indirect_vreg.gather [hbm4b:s3+s2], $0x80, v2, vm0, $0xb8;
	[tilespmem:$0xC800] =	vst v63  }
0xcf: {  	s31 =	simm.s32 $0xA000  }
0xd0: {  	[tilespmem:s31], [sflag:$0x4] =	stream.indirect_vreg.gather [hbm4b:s4+s2], $0x80, v2, vm0, $0xb8;
	[tilespmem:$0xC800] =	vst v63  }
0xd1: {  	s31 =	simm.s32 $0xA800  }
0xd2: {  	[tilespmem:s31], [sflag:$0x4] =	stream.indirect_vreg.gather [hbm4b:s5+s2], $0x80, v2, vm0, $0xb8;
	[tilespmem:$0xC800] =	vst v63  }
0xd3: {  	s31 =	simm.s32 $0xB000  }
0xd4: {  	[tilespmem:s31], [sflag:$0x4] =	stream.indirect_vreg.gather [hbm4b:s7+s2], $0x80, v2, vm0, $0xb8;
	[tilespmem:$0xC800] =	vst v63  }
0xd5: {  	s31 =	simm.s32 $0xB800  }
0xd6: {  	[tilespmem:s31], [sflag:$0x4] =	stream.indirect_vreg.gather [hbm4b:s8+s2], $0x80, v2, vm0, $0xb8;
	[tilespmem:$0xC800] =	vst v63  }
0xd7: {  	s31 =	simm.s32 $0xC000  }
0xd8: {  	[tilespmem:s31], [sflag:$0x4] =	stream.indirect_vreg.gather [hbm4b:s9+s2], $0x80, v2, vm0, $0xb8;
	[tilespmem:$0xC800] =	vst v63  }
0xd9: {  	_ =	swait.ge [sflag:s20], $0x3000  }
0xda: {  	[sflag:s20] =	ssyncset.done $0x0  }
0xdb: {  	s31 =	rddreg [dreg:$0x9];
	[sflag:s20] =	ssyncadd.s32 $0xFFFFD000  }
0xdc: {  	[hbm4b:s31+s26] =	stream.strided.scatter [tilespmem:s12], [sflag:$0x7], $0x3000, s28, s26, $0x38;
	[tilespmem:$0xC800] =	vst v63  }
0xdd: {  	_ =	swait.ge [sflag:s23], $0x3000  }
0xde: {  	[sflag:s23] =	ssyncset.done $0x0  }
0xdf: {  	[sflag:s23] =	ssyncadd.s32 $0xFFFFD000  }
0xe0: {  	v2 =	vld.msk [tilespmem:$0x400], $0x1;
	_ =	sdelay $0x4  }
0xe1: {  	v3 =	vshrl.u32 v2, $0x3  }
0xe2: {  	v3 =	vmul.u32 $0x300, v3  }
0xe3: {  	v2 =	vand.u32 $0x7, v2  }
0xe4: {  	v2 =	vor.u32 v2, v3  }
0xe5: {  	v2 =	vperm.xlane v2, v0;
	_ =	sdelay $0x1  }
0xe6: {  	v2 =	vadd.s32 v1, v2;
	_ =	sdelay $0x4  }
0xe7: {  	[tilespmem:s6], [sflag:$0x1] =	stream.indirect_vreg.gather [hbm4b:s3+s2], $0x80, v2, vm0, $0xb8;
	[tilespmem:$0xC800] =	vst v63  }
0xe8: {  	s31 =	simm.s32 $0x1000  }
0xe9: {  	[tilespmem:s31], [sflag:$0x1] =	stream.indirect_vreg.gather [hbm4b:s4+s2], $0x80, v2, vm0, $0xb8;
	[tilespmem:$0xC800] =	vst v63  }
0xea: {  	s31 =	simm.s32 $0x1800  }
0xeb: {  	[tilespmem:s31], [sflag:$0x1] =	stream.indirect_vreg.gather [hbm4b:s5+s2], $0x80, v2, vm0, $0xb8;
	[tilespmem:$0xC800] =	vst v63  }
0xec: {  	_ = 	snop  }
0xed: {  	[tilespmem:s14], [sflag:$0x1] =	stream.indirect_vreg.gather [hbm4b:s7+s2], $0x80, v2, vm0, $0xb8;
	[tilespmem:$0xC800] =	vst v63  }
0xee: {  	_ = 	snop  }
0xef: {  	[tilespmem:s15], [sflag:$0x1] =	stream.indirect_vreg.gather [hbm4b:s8+s2], $0x80, v2, vm0, $0xb8;
	[tilespmem:$0xC800] =	vst v63  }
0xf0: {  	_ = 	snop  }
0xf1: {  	[tilespmem:s16], [sflag:$0x1] =	stream.indirect_vreg.gather [hbm4b:s9+s2], $0x80, v2, vm0, $0xb8;
	[tilespmem:$0xC800] =	vst v63  }
0xf2: {  	_ =	swait.ge [sflag:s22], $0x3000  }
0xf3: {  	[sflag:s22] =	ssyncset.done $0x0  }
0xf4: {  	s15 =	rddreg [dreg:$0xa];
	[sflag:s22] =	ssyncadd.s32 $0xFFFFD000  }
0xf5: {  	[hbm4b:s15+s26] =	stream.strided.scatter [tilespmem:s21], [sflag:$0x8], $0x3000, s28, s26, $0x38;
	[tilespmem:$0xC800] =	vst v63  }
0xf6: {  	_ =	swait.ge [sflag:s0], $0x3000  }
0xf7: {  	[sflag:s0] =	ssyncset.done $0x0  }
0xf8: {  	[sflag:s0] =	ssyncadd.s32 $0xFFFFD000  }
0xf9: {  	v2 =	vld.msk [tilespmem:$0x480], $0x1;
	_ =	sdelay $0x4  }
0xfa: {  	v3 =	vshrl.u32 v2, $0x3  }
0xfb: {  	v3 =	vmul.u32 $0x300, v3  }
0xfc: {  	v2 =	vand.u32 $0x7, v2  }
0xfd: {  	v2 =	vor.u32 v2, v3  }
0xfe: {  	v2 =	vperm.xlane v2, v0;
	_ =	sdelay $0x1  }
0xff: {  	v2 =	vadd.s32 v1, v2;
	_ =	sdelay $0x4  }
0x100: {  	[tilespmem:s29], [sflag:$0x2] =	stream.indirect_vreg.gather [hbm4b:s3+s2], $0x80, v2, vm0, $0xb8;
	[tilespmem:$0xC800] =	vst v63  }
0x101: {  	s31 =	simm.s32 $0x4000  }
0x102: {  	[tilespmem:s31], [sflag:$0x2] =	stream.indirect_vreg.gather [hbm4b:s4+s2], $0x80, v2, vm0, $0xb8;
	[tilespmem:$0xC800] =	vst v63  }
0x103: {  	s15 =	simm.s32 $0x4800  }
0x104: {  	[tilespmem:s15], [sflag:$0x2] =	stream.indirect_vreg.gather [hbm4b:s5+s2], $0x80, v2, vm0, $0xb8;
	[tilespmem:$0xC800] =	vst v63  }
0x105: {  	s31 =	simm.s32 $0x5000  }
0x106: {  	[tilespmem:s31], [sflag:$0x2] =	stream.indirect_vreg.gather [hbm4b:s7+s2], $0x80, v2, vm0, $0xb8;
	[tilespmem:$0xC800] =	vst v63  }
0x107: {  	_ = 	snop  }
0x108: {  	[tilespmem:s19], [sflag:$0x2] =	stream.indirect_vreg.gather [hbm4b:s8+s2], $0x80, v2, vm0, $0xb8;
	[tilespmem:$0xC800] =	vst v63  }
0x109: {  	s14 =	simm.s32 $0x6000  }
0x10a: {  	[tilespmem:s14], [sflag:$0x2] =	stream.indirect_vreg.gather [hbm4b:s9+s2], $0x80, v2, vm0, $0xb8;
	[tilespmem:$0xC800] =	vst v63  }
0x10b: {  	_ =	swait.ge [sflag:s25], $0x3000  }
0x10c: {  	[sflag:s25] =	ssyncset.done $0x0  }
0x10d: {  	s15 =	rddreg [dreg:$0xb];
	[sflag:s25] =	ssyncadd.s32 $0xFFFFD000  }
0x10e: {  	[hbm4b:s15+s26] =	stream.strided.scatter [tilespmem:s6], [sflag:$0x5], $0x3000, s28, s26, $0x38;
	[tilespmem:$0xC800] =	vst v63  }
0x10f: {  	_ =	swait.ge [sflag:s24], $0x3000  }
0x110: {  	[sflag:s24] =	ssyncset.done $0x0  }
0x111: {  	[sflag:s24] =	ssyncadd.s32 $0xFFFFD000  }
0x112: {  	v2 =	vld.msk [tilespmem:$0x500], $0x1;
	_ =	sdelay $0x4  }
0x113: {  	v3 =	vshrl.u32 v2, $0x3  }
0x114: {  	v3 =	vmul.u32 $0x300, v3  }
0x115: {  	v2 =	vand.u32 $0x7, v2  }
0x116: {  	v2 =	vor.u32 v2, v3  }
0x117: {  	v2 =	vperm.xlane v2, v0;
	_ =	sdelay $0x1  }
0x118: {  	v2 =	vadd.s32 v1, v2;
	_ =	sdelay $0x4  }
0x119: {  	[tilespmem:s12], [sflag:$0x3] =	stream.indirect_vreg.gather [hbm4b:s3+s2], $0x80, v2, vm0, $0xb8;
	[tilespmem:$0xC800] =	vst v63  }
0x11a: {  	_ = 	snop  }
0x11b: {  	[tilespmem:s13], [sflag:$0x3] =	stream.indirect_vreg.gather [hbm4b:s4+s2], $0x80, v2, vm0, $0xb8;
	[tilespmem:$0xC800] =	vst v63  }
0x11c: {  	_ = 	snop  }
0x11d: {  	[tilespmem:s17], [sflag:$0x3] =	stream.indirect_vreg.gather [hbm4b:s5+s2], $0x80, v2, vm0, $0xb8;
	[tilespmem:$0xC800] =	vst v63  }
0x11e: {  	_ = 	snop  }
0x11f: {  	[tilespmem:s18], [sflag:$0x3] =	stream.indirect_vreg.gather [hbm4b:s7+s2], $0x80, v2, vm0, $0xb8;
	[tilespmem:$0xC800] =	vst v63  }
0x120: {  	_ = 	snop  }
0x121: {  	[tilespmem:s1], [sflag:$0x3] =	stream.indirect_vreg.gather [hbm4b:s8+s2], $0x80, v2, vm0, $0xb8;
	[tilespmem:$0xC800] =	vst v63  }
0x122: {  	s13 =	simm.s32 $0x9000  }
0x123: {  	[tilespmem:s13], [sflag:$0x3] =	stream.indirect_vreg.gather [hbm4b:s9+s2], $0x80, v2, vm0, $0xb8;
	[tilespmem:$0xC800] =	vst v63  }
0x124: {  	_ =	swait.ge [sflag:s10], $0x3000  }
0x125: {  	[sflag:s10] =	ssyncset.done $0x0  }
0x126: {  	s14 =	rddreg [dreg:$0xc];
	[sflag:s10] =	ssyncadd.s32 $0xFFFFD000  }
0x127: {  	[hbm4b:s14+s26] =	stream.strided.scatter [tilespmem:s29], [sflag:$0x6], $0x3000, s28, s26, $0x38;
	[tilespmem:$0xC800] =	vst v63  }
0x128: {  	_ =	swait.ge [sflag:s30], $0x3000  }
0x129: {  	[sflag:s30] =	ssyncset.done $0x0  }
0x12a: {  	[sflag:s30] =	ssyncadd.s32 $0xFFFFD000  }
0x12b: {  	v2 =	vld.msk [tilespmem:$0x580], $0x1;
	_ =	sdelay $0x4  }
0x12c: {  	v3 =	vshrl.u32 v2, $0x3  }
0x12d: {  	v3 =	vmul.u32 $0x300, v3  }
0x12e: {  	v2 =	vand.u32 $0x7, v2  }
0x12f: {  	v2 =	vor.u32 v2, v3  }
0x130: {  	v2 =	vperm.xlane v2, v0;
	_ =	sdelay $0x1  }
0x131: {  	v2 =	vadd.s32 v1, v2;
	_ =	sdelay $0x4  }
0x132: {  	[tilespmem:s21], [sflag:$0x4] =	stream.indirect_vreg.gather [hbm4b:s3+s2], $0x80, v2, vm0, $0xb8;
	[tilespmem:$0xC800] =	vst v63  }
0x133: {  	s15 =	simm.s32 $0xA000  }
0x134: {  	[tilespmem:s15], [sflag:$0x4] =	stream.indirect_vreg.gather [hbm4b:s4+s2], $0x80, v2, vm0, $0xb8;
	[tilespmem:$0xC800] =	vst v63  }
0x135: {  	s1 =	simm.s32 $0xA800  }
0x136: {  	[tilespmem:s1], [sflag:$0x4] =	stream.indirect_vreg.gather [hbm4b:s5+s2], $0x80, v2, vm0, $0xb8;
	[tilespmem:$0xC800] =	vst v63  }
0x137: {  	s13 =	simm.s32 $0xB000  }
0x138: {  	[tilespmem:s13], [sflag:$0x4] =	stream.indirect_vreg.gather [hbm4b:s7+s2], $0x80, v2, vm0, $0xb8;
	[tilespmem:$0xC800] =	vst v63  }
0x139: {  	s14 =	simm.s32 $0xB800  }
0x13a: {  	[tilespmem:s14], [sflag:$0x4] =	stream.indirect_vreg.gather [hbm4b:s8+s2], $0x80, v2, vm0, $0xb8;
	[tilespmem:$0xC800] =	vst v63  }
0x13b: {  	s15 =	simm.s32 $0xC000  }
0x13c: {  	[tilespmem:s15], [sflag:$0x4] =	stream.indirect_vreg.gather [hbm4b:s9+s2], $0x80, v2, vm0, $0xb8;
	[tilespmem:$0xC800] =	vst v63  }
0x13d: {  	_ =	swait.ge [sflag:s20], $0x3000  }
0x13e: {  	[sflag:s20] =	ssyncset.done $0x0  }
0x13f: {  	s31 =	rddreg [dreg:$0xd];
	[sflag:s20] =	ssyncadd.s32 $0xFFFFD000  }
0x140: {  	[hbm4b:s31+s26] =	stream.strided.scatter [tilespmem:s12], [sflag:$0x7], $0x3000, s28, s26, $0x38;
	[tilespmem:$0xC800] =	vst v63  }
0x141: {  	_ =	swait.ge [sflag:s23], $0x3000  }
0x142: {  	[sflag:s23] =	ssyncset.done $0x0  }
0x143: {  	[sflag:s23] =	ssyncadd.s32 $0xFFFFD000  }
0x144: {  	v2 =	vld.msk [tilespmem:$0x600], $0x1;
	_ =	sdelay $0x4  }
0x145: {  	v3 =	vshrl.u32 v2, $0x3  }
0x146: {  	v3 =	vmul.u32 $0x300, v3  }
0x147: {  	v2 =	vand.u32 $0x7, v2  }
0x148: {  	v2 =	vor.u32 v2, v3  }
0x149: {  	v2 =	vperm.xlane v2, v0;
	_ =	sdelay $0x1  }
0x14a: {  	v2 =	vadd.s32 v1, v2;
	_ =	sdelay $0x4  }
0x14b: {  	[tilespmem:s6], [sflag:$0x1] =	stream.indirect_vreg.gather [hbm4b:s3+s2], $0x80, v2, vm0, $0xb8;
	[tilespmem:$0xC800] =	vst v63  }
0x14c: {  	s31 =	simm.s32 $0x1000  }
0x14d: {  	[tilespmem:s31], [sflag:$0x1] =	stream.indirect_vreg.gather [hbm4b:s4+s2], $0x80, v2, vm0, $0xb8;
	[tilespmem:$0xC800] =	vst v63  }
0x14e: {  	s31 =	simm.s32 $0x1800  }
0x14f: {  	[tilespmem:s31], [sflag:$0x1] =	stream.indirect_vreg.gather [hbm4b:s5+s2], $0x80, v2, vm0, $0xb8;
	[tilespmem:$0xC800] =	vst v63  }
0x150: {  	s31 =	simm.s32 $0x2000  }
0x151: {  	[tilespmem:s31], [sflag:$0x1] =	stream.indirect_vreg.gather [hbm4b:s7+s2], $0x80, v2, vm0, $0xb8;
	[tilespmem:$0xC800] =	vst v63  }
0x152: {  	s31 =	simm.s32 $0x2800  }
0x153: {  	[tilespmem:s31], [sflag:$0x1] =	stream.indirect_vreg.gather [hbm4b:s8+s2], $0x80, v2, vm0, $0xb8;
	[tilespmem:$0xC800] =	vst v63  }
0x154: {  	s16 =	simm.s32 $0x3000  }
0x155: {  	[tilespmem:s16], [sflag:$0x1] =	stream.indirect_vreg.gather [hbm4b:s9+s2], $0x80, v2, vm0, $0xb8;
	[tilespmem:$0xC800] =	vst v63  }
0x156: {  	_ =	swait.ge [sflag:s22], $0x3000  }
0x157: {  	[sflag:s22] =	ssyncset.done $0x0  }
0x158: {  	s23 =	rddreg [dreg:$0xe];
	[sflag:s22] =	ssyncadd.s32 $0xFFFFD000  }
0x159: {  	[hbm4b:s23+s26] =	stream.strided.scatter [tilespmem:s21], [sflag:$0x8], $0x3000, s28, s26, $0x38;
	[tilespmem:$0xC800] =	vst v63  }
0x15a: {  	_ =	swait.ge [sflag:s0], $0x3000  }
0x15b: {  	[sflag:s0] =	ssyncset.done $0x0  }
0x15c: {  	[sflag:s0] =	ssyncadd.s32 $0xFFFFD000  }
0x15d: {  	v2 =	vld.msk [tilespmem:$0x680], $0x1;
	_ =	sdelay $0x4  }
0x15e: {  	v3 =	vshrl.u32 v2, $0x3  }
0x15f: {  	v3 =	vmul.u32 $0x300, v3  }
0x160: {  	v2 =	vand.u32 $0x7, v2  }
0x161: {  	v2 =	vor.u32 v2, v3  }
0x162: {  	v2 =	vperm.xlane v2, v0;
	_ =	sdelay $0x1  }
0x163: {  	v2 =	vadd.s32 v1, v2;
	_ =	sdelay $0x4  }
0x164: {  	[tilespmem:s29], [sflag:$0x2] =	stream.indirect_vreg.gather [hbm4b:s3+s2], $0x80, v2, vm0, $0xb8;
	[tilespmem:$0xC800] =	vst v63  }
0x165: {  	s31 =	simm.s32 $0x4000  }
0x166: {  	[tilespmem:s31], [sflag:$0x2] =	stream.indirect_vreg.gather [hbm4b:s4+s2], $0x80, v2, vm0, $0xb8;
	[tilespmem:$0xC800] =	vst v63  }
0x167: {  	s16 =	simm.s32 $0x4800  }
0x168: {  	[tilespmem:s16], [sflag:$0x2] =	stream.indirect_vreg.gather [hbm4b:s5+s2], $0x80, v2, vm0, $0xb8;
	[tilespmem:$0xC800] =	vst v63  }
0x169: {  	s23 =	simm.s32 $0x5000  }
0x16a: {  	[tilespmem:s23], [sflag:$0x2] =	stream.indirect_vreg.gather [hbm4b:s7+s2], $0x80, v2, vm0, $0xb8;
	[tilespmem:$0xC800] =	vst v63  }
0x16b: {  	s19 =	simm.s32 $0x5800  }
0x16c: {  	[tilespmem:s19], [sflag:$0x2] =	stream.indirect_vreg.gather [hbm4b:s8+s2], $0x80, v2, vm0, $0xb8;
	[tilespmem:$0xC800] =	vst v63  }
0x16d: {  	s31 =	simm.s32 $0x6000  }
0x16e: {  	[tilespmem:s31], [sflag:$0x2] =	stream.indirect_vreg.gather [hbm4b:s9+s2], $0x80, v2, vm0, $0xb8;
	[tilespmem:$0xC800] =	vst v63  }
0x16f: {  	_ =	swait.ge [sflag:s25], $0x3000  }
0x170: {  	[sflag:s25] =	ssyncset.done $0x0  }
0x171: {  	s16 =	rddreg [dreg:$0xf];
	[sflag:s25] =	ssyncadd.s32 $0xFFFFD000  }
0x172: {  	[hbm4b:s16+s26] =	stream.strided.scatter [tilespmem:s6], [sflag:$0x5], $0x3000, s28, s26, $0x38;
	[tilespmem:$0xC800] =	vst v63  }
0x173: {  	_ =	swait.ge [sflag:s24], $0x3000  }
0x174: {  	[sflag:s24] =	ssyncset.done $0x0  }
0x175: {  	[sflag:s24] =	ssyncadd.s32 $0xFFFFD000  }
0x176: {  	v2 =	vld.msk [tilespmem:$0x700], $0x1;
	_ =	sdelay $0x4  }
0x177: {  	v3 =	vshrl.u32 v2, $0x3  }
0x178: {  	v3 =	vmul.u32 $0x300, v3  }
0x179: {  	v2 =	vand.u32 $0x7, v2  }
0x17a: {  	v2 =	vor.u32 v2, v3  }
0x17b: {  	v2 =	vperm.xlane v2, v0;
	_ =	sdelay $0x1  }
0x17c: {  	v2 =	vadd.s32 v1, v2;
	_ =	sdelay $0x4  }
0x17d: {  	[tilespmem:s12], [sflag:$0x3] =	stream.indirect_vreg.gather [hbm4b:s3+s2], $0x80, v2, vm0, $0xb8;
	[tilespmem:$0xC800] =	vst v63  }
0x17e: {  	s19 =	simm.s32 $0x7000  }
0x17f: {  	[tilespmem:s19], [sflag:$0x3] =	stream.indirect_vreg.gather [hbm4b:s4+s2], $0x80, v2, vm0, $0xb8;
	[tilespmem:$0xC800] =	vst v63  }
0x180: {  	s23 =	simm.s32 $0x7800  }
0x181: {  	[tilespmem:s23], [sflag:$0x3] =	stream.indirect_vreg.gather [hbm4b:s5+s2], $0x80, v2, vm0, $0xb8;
	[tilespmem:$0xC800] =	vst v63  }
0x182: {  	s17 =	simm.s32 $0x8000  }
0x183: {  	[tilespmem:s17], [sflag:$0x3] =	stream.indirect_vreg.gather [hbm4b:s7+s2], $0x80, v2, vm0, $0xb8;
	[tilespmem:$0xC800] =	vst v63  }
0x184: {  	s31 =	simm.s32 $0x8800  }
0x185: {  	[tilespmem:s31], [sflag:$0x3] =	stream.indirect_vreg.gather [hbm4b:s8+s2], $0x80, v2, vm0, $0xb8;
	[tilespmem:$0xC800] =	vst v63  }
0x186: {  	s16 =	simm.s32 $0x9000  }
0x187: {  	[tilespmem:s16], [sflag:$0x3] =	stream.indirect_vreg.gather [hbm4b:s9+s2], $0x80, v2, vm0, $0xb8;
	[tilespmem:$0xC800] =	vst v63  }
0x188: {  	_ =	swait.ge [sflag:s10], $0x3000  }
0x189: {  	[sflag:s10] =	ssyncset.done $0x0  }
0x18a: {  	s17 =	rddreg [dreg:$0x10];
	[sflag:s10] =	ssyncadd.s32 $0xFFFFD000  }
0x18b: {  	[hbm4b:s17+s26] =	stream.strided.scatter [tilespmem:s29], [sflag:$0x6], $0x3000, s28, s26, $0x38;
	[tilespmem:$0xC800] =	vst v63  }
0x18c: {  	_ =	swait.ge [sflag:s30], $0x3000  }
0x18d: {  	[sflag:s30] =	ssyncset.done $0x0  }
0x18e: {  	[sflag:s30] =	ssyncadd.s32 $0xFFFFD000  }
0x18f: {  	v2 =	vld.msk [tilespmem:$0x780], $0x1;
	_ =	sdelay $0x4  }
0x190: {  	v3 =	vshrl.u32 v2, $0x3  }
0x191: {  	v3 =	vmul.u32 $0x300, v3  }
0x192: {  	v2 =	vand.u32 $0x7, v2  }
0x193: {  	v2 =	vor.u32 v2, v3  }
0x194: {  	v2 =	vperm.xlane v2, v0;
	_ =	sdelay $0x1  }
0x195: {  	v2 =	vadd.s32 v1, v2;
	_ =	sdelay $0x4  }
0x196: {  	[tilespmem:s21], [sflag:$0x4] =	stream.indirect_vreg.gather [hbm4b:s3+s2], $0x80, v2, vm0, $0xb8;
	[tilespmem:$0xC800] =	vst v63  }
0x197: {  	s18 =	simm.s32 $0xA000  }
0x198: {  	[tilespmem:s18], [sflag:$0x4] =	stream.indirect_vreg.gather [hbm4b:s4+s2], $0x80, v2, vm0, $0xb8;
	[tilespmem:$0xC800] =	vst v63  }
0x199: {  	_ = 	snop  }
0x19a: {  	[tilespmem:s1], [sflag:$0x4] =	stream.indirect_vreg.gather [hbm4b:s5+s2], $0x80, v2, vm0, $0xb8;
	[tilespmem:$0xC800] =	vst v63  }
0x19b: {  	_ = 	snop  }
0x19c: {  	[tilespmem:s13], [sflag:$0x4] =	stream.indirect_vreg.gather [hbm4b:s7+s2], $0x80, v2, vm0, $0xb8;
	[tilespmem:$0xC800] =	vst v63  }
0x19d: {  	_ = 	snop  }
0x19e: {  	[tilespmem:s14], [sflag:$0x4] =	stream.indirect_vreg.gather [hbm4b:s8+s2], $0x80, v2, vm0, $0xb8;
	[tilespmem:$0xC800] =	vst v63  }
0x19f: {  	_ = 	snop  }
0x1a0: {  	[tilespmem:s15], [sflag:$0x4] =	stream.indirect_vreg.gather [hbm4b:s9+s2], $0x80, v2, vm0, $0xb8;
	[tilespmem:$0xC800] =	vst v63  }
0x1a1: {  	_ =	swait.ge [sflag:s20], $0x3000  }
0x1a2: {  	[sflag:s20] =	ssyncset.done $0x0  }
0x1a3: {  	s19 =	rddreg [dreg:$0x11];
	[sflag:s20] =	ssyncadd.s32 $0xFFFFD000  }
0x1a4: {  	[hbm4b:s19+s26] =	stream.strided.scatter [tilespmem:s12], [sflag:$0x7], $0x3000, s28, s26, $0x38;
	[tilespmem:$0xC800] =	vst v63  }
0x1a5: {  	_ =	swait.ge [sflag:s22], $0x3000  }
0x1a6: {  	[sflag:s22] =	ssyncset.done $0x0  }
0x1a7: {  	s23 =	rddreg [dreg:$0x12];
	[sflag:s22] =	ssyncadd.s32 $0xFFFFD000  }
0x1a8: {  	[hbm4b:s23+s26] =	stream.strided.scatter [tilespmem:s21], [sflag:$0x8], $0x3000, s28, s26, $0x38;
	[tilespmem:$0xC800] =	vst v63  }
0x1a9: {  	p0 =	sne.s32 s11, $0x1;
	_ =	swait.ge [sflag:s24], $0x3000  }
.Ltmp0:
0x1aa: {  	[sflag:s24] =	ssyncset.done $0x0;
	(pc) =	sbr.rel @p0 .LBB2_1-.Ltmp0, $4  }
0x1ab: {  	[sflag:s24] =	ssyncadd.s32 $0xFFFFD000  }
0x1ac: {  	_ =	swait.ge [sflag:s30], $0x3000  }
0x1ad: {  	[sflag:s30] =	ssyncset.done $0x0  }
0x1ae: {  	s11 =	sadd.s32 $0xFFFFFFFF, s11;
	[sflag:s30] =	ssyncadd.s32 $0xFFFFD000  }
0x1af: {  	_ =	sfence.sel $0x180000  }
0x1b0: {  	[bflag:$0x0] =	sbarrier.arrive $0xFFFF  }
0x1b1: {  	_ =	strace $0x9000004A  }
0x1b2: {  	s0 =	stileid.u32;
	[bflag:$0x2] =	sbarrier.arrive $0xFFFF  }
0x1b3: {  	p0 =	sne.s32 s0, $0x0;
	s0 =	rddreg [dreg:$0x2]  }
0x1b4: {  	s0 =	sadd.s32 @!p0 $0x100000, s0  }
0x1b5: {  	[sflag:s0] =	ssyncadd.tile.s32 @!p0 $0x1;
	_ =	shalt  }
.Lfunc_end2:
_tile_overlayer_lowered:
.L_overlay_start_2:
0x1b6: {  	(tag) =	ssettag $0x2  }
0x1b7: {  	s0 =	rddreg [dreg:$0x0];
	s2 =	stileid.u32  }
0x1b8: {  	s1 =	rddreg [dreg:$0x1];
	p0 =	sne.s32 s2, $0x0  }
0x1b9: {  	s3 =	rddreg [dreg:$0x2];
	[bflag:$0x3] =	sbarrier.arrive $0xFFFF;
	s2 =	simm.s32 @!p0 $0x1C09  }
0x1ba: {  	[timem:s3], [sflag:s2] =	dma.local @!p0 [hbm:s0], s1  }
0x1bb: {  	s0 =	simm.s32 @!p0 $0x9  }
0x1bc: {  	_ =	swait.ge @!p0 [sflag:s0], s1  }
0x1bd: {  	s1 =	ssub.s32 @!p0 $0x0, s1;
	[sflag:s0] =	ssyncset.done @!p0 $0x0  }
0x1be: {  	[sflag:s0] =	ssyncadd.s32 @!p0 s1  }
0x1bf: {  	[bflag:$0x3] =	sbarrier.arrive $0xFFFF  }
0x1c0: {  	_ =	shalt  }

// kernel: kernel.17.cloned.1.call-start
scs
__scs_entry_jumppad:
0x0: {  	(pc) =	sbr.rel $0x88, $3  }
0x1: {  	(tag) =	ssettag $0x0;
	lr =	simm.s32 $0x1  }
0x2: {  	[smem:$0x3F9B] =	sst lr;
	_ =	strace $0xD0000000  }
0x3: {  	_ = 	snop  }
0x4: {  	_ = 	snop  }
0x5: {  	_ = 	snop  }
0x6: {  	_ = 	snop  }
0x7: {  	_ = 	snop  }
__scs_overlays_trampoline_lowered:
0x8: {  	[smem:$0x3FAA] =	sst s0  }
0x9: {  	[smem:$0x3FAB] =	sst s1  }
0xa: {  	[smem:$0x3FAC] =	sst s2  }
0xb: {  	[smem:$0x3FAD] =	sst s3  }
0xc: {  	[smem:$0x3FAE] =	sst s4  }
0xd: {  	[smem:$0x3FAF] =	sst s5  }
0xe: {  	[smem:$0x3FB0] =	sst s6  }
0xf: {  	[smem:$0x3FB1] =	sst s7  }
0x10: {  	[smem:$0x3FB2] =	sst s8  }
0x11: {  	[smem:$0x3FB3] =	sst s9;
	s0 =	simm.s32 @!p0 $0x0  }
0x12: {  	s1 =	sld [smem:$0x3F99];
	s0 =	simm.s32 @p0 $0x1  }
0x13: {  	[smem:$0x3FB4] =	sst s0;
	s0 =	simm.s32 @!p1 $0x0  }
0x14: {  	s2 =	sld [smem:$0x3F98];
	s0 =	simm.s32 @p1 $0x1  }
0x15: {  	[smem:$0x3FB5] =	sst s0;
	s0 =	simm.s32 @!p2 $0x0  }
0x16: {  	s3 =	sld [smem:$0x3FDB];
	s0 =	simm.s32 @p2 $0x1  }
0x17: {  	s4 =	simm.s32 $0x1BF5;
	[smem:$0x3FB7] =	sst s0  }
0x18: {  	s0 =	sld [smem:$0x3F9A];
	_ =	swait.ge [sflag:s4], $0x0  }
0x19: {  	s7 =	sld [smem:$0x3F9B]  }
0x1a: {  	s8 =	sadd.s32 $0xFFFFE003, lr  }
0x1b: {  	s9 =	sadd.s32 $0xFFFFFEF7, lr;
	s5 =	simm.s32 $0xFFFFFFFF;
	p2 =	slt.u32 s8, $0xFFFFF086  }
0x1c: {  	p1 =	slt.u32 s9, $0xF7A;
	s5 =	simm.s32 @!p2 $0x0  }
0x1d: {  	s5 =	simm.s32 @p1 $0x1;
	p0 =	seq.s32 s7, s2  }
0x1e: {  	s7 =	smul.u32 @!p0 $0xF7A, s2;
	p2 =	seq.s32 @!p0 s5, $0x0  }
0x1f: {  	s9 =	smul.u32 $0xF7A, s1;
	s8 =	simm.s32 @!p0 $0x1BF5;
	p2 =	por !p2, p0  }
0x20: {  	[sflag:s8] =	ssyncset.s32 @!p0 $0xFFFFF086;
	s6 =	sadd.s32 @!p0 s3, s7;
	s7 =	simm.s32 @!p0 $0x108  }
0x21: {  	s3 =	sadd.s32 s3, s9;
	s6 =	sadd.s32 @!p0 $0x88, s6;
	s7 =	simm.s32 @p2 $0x1082  }
0x22: {  	[simem:s7], [sflag:s8] =	dma.local @!p0 [hbm:s6], $0xF7A  }
0x23: {  	s9 =	sor.u32 $0xD0000000, s2;
	s6 =	simm.s32 $0x108;
	_ =	swait.ge @!p0 [sflag:s8], $0x0  }
0x24: {  	s3 =	sadd.s32 $0x88, s3;
	s6 =	simm.s32 @!p1 $0x1082;
	[sflag:s4] =	ssyncset.s32 $0xFFFFF086  }
0x25: {  	[simem:s6], [sflag:s4] =	dma.local [hbm:s3], $0xF7A  }
0x26: {  	[smem:$0x3F9B] =	sst s1;
	(tag) =	ssettag s2;
	_ =	strace s9  }
0x27: {  	s1 =	sld [smem:$0x3FAB]  }
0x28: {  	s2 =	sld [smem:$0x3FAC]  }
0x29: {  	s4 =	sld [smem:$0x3FAE]  }
0x2a: {  	p0 =	seq.s32 s5, $0x0;
	s5 =	sld [smem:$0x3FAF]  }
0x2b: {  	s6 =	sld [smem:$0x3FB0]  }
0x2c: {  	s7 =	sld [smem:$0x3FB1]  }
0x2d: {  	s3 =	simm.s32 $0x108;
	s8 =	sld [smem:$0x3FB2]  }
0x2e: {  	s3 =	simm.s32 @!p0 $0x1082;
	s9 =	sld [smem:$0x3FB3]  }
0x2f: {  	lr =	sadd.s32 s0, s3;
	s0 =	sld [smem:$0x3FAA]  }
0x30: {  	s3 =	sld [smem:$0x3FAD]  }
0x31: {  	[smem:$0x3FB6] =	sst s10  }
0x32: {  	s10 =	sld [smem:$0x3FB4];
	_ =	sdelay $0x3  }
0x33: {  	p0 =	seq.s32 s10, $0x1;
	s10 =	sld [smem:$0x3FB6];
	_ =	sdelay $0x3  }
0x34: {  	[smem:$0x3FB6] =	sst s10  }
0x35: {  	s10 =	sld [smem:$0x3FB5];
	_ =	sdelay $0x3  }
0x36: {  	p1 =	seq.s32 s10, $0x1;
	s10 =	sld [smem:$0x3FB6];
	_ =	sdelay $0x3  }
0x37: {  	[smem:$0x3FB6] =	sst s10  }
0x38: {  	s10 =	sld [smem:$0x3FB7]  }
0x39: {  	_ = 	snop;
	(pc) =	sbr.ind lr, $3  }
0x3a: {  	_ = 	snop  }
0x3b: {  	_ = 	snop  }
0x3c: {  	p2 =	seq.s32 s10, $0x1;
	s10 =	sld [smem:$0x3FB6]  }
0x3d: {  	_ =	shalt  }
0x3e: {  	_ =	shalt  }
0x3f: {  	_ =	shalt  }
0x40: {  	_ =	shalt  }
0x41: {  	_ =	shalt  }
0x42: {  	_ =	shalt  }
0x43: {  	_ =	shalt  }
0x44: {  	_ =	shalt  }
0x45: {  	_ =	shalt  }
0x46: {  	_ =	shalt  }
0x47: {  	_ =	shalt  }
0x48: {  	_ =	shalt  }
0x49: {  	_ =	shalt  }
0x4a: {  	_ =	shalt  }
0x4b: {  	_ =	shalt  }
0x4c: {  	_ =	shalt  }
0x4d: {  	_ =	shalt  }
0x4e: {  	_ =	shalt  }
0x4f: {  	_ =	shalt  }
0x50: {  	_ =	shalt  }
0x51: {  	_ =	shalt  }
0x52: {  	_ =	shalt  }
0x53: {  	_ =	shalt  }
0x54: {  	_ =	shalt  }
0x55: {  	_ =	shalt  }
0x56: {  	_ =	shalt  }
0x57: {  	_ =	shalt  }
0x58: {  	_ =	shalt  }
0x59: {  	_ =	shalt  }
0x5a: {  	_ =	shalt  }
0x5b: {  	_ =	shalt  }
0x5c: {  	_ =	shalt  }
0x5d: {  	_ =	shalt  }
0x5e: {  	_ =	shalt  }
0x5f: {  	_ =	shalt  }
0x60: {  	_ =	shalt  }
0x61: {  	_ =	shalt  }
0x62: {  	_ =	shalt  }
0x63: {  	_ =	shalt  }
0x64: {  	_ =	shalt  }
0x65: {  	_ =	shalt  }
0x66: {  	_ =	shalt  }
0x67: {  	_ =	shalt  }
0x68: {  	_ =	shalt  }
0x69: {  	_ =	shalt  }
0x6a: {  	_ =	shalt  }
0x6b: {  	_ =	shalt  }
0x6c: {  	_ =	shalt  }
0x6d: {  	_ =	shalt  }
0x6e: {  	_ =	shalt  }
0x6f: {  	_ =	shalt  }
0x70: {  	_ =	shalt  }
0x71: {  	_ =	shalt  }
0x72: {  	_ =	shalt  }
0x73: {  	_ =	shalt  }
0x74: {  	_ =	shalt  }
0x75: {  	_ =	shalt  }
0x76: {  	_ =	shalt  }
0x77: {  	_ =	shalt  }
0x78: {  	_ =	shalt  }
0x79: {  	_ =	shalt  }
0x7a: {  	_ =	shalt  }
0x7b: {  	_ =	shalt  }
0x7c: {  	_ =	shalt  }
0x7d: {  	_ =	shalt  }
0x7e: {  	_ =	shalt  }
0x7f: {  	_ =	shalt  }
0x80: {  	_ =	shalt  }
0x81: {  	_ =	shalt  }
0x82: {  	_ =	shalt  }
0x83: {  	_ =	shalt  }
0x84: {  	_ =	shalt  }
0x85: {  	_ =	shalt  }
0x86: {  	_ =	shalt  }
0x87: {  	_ =	shalt  }
.Lfunc_end0:
.L_simem_size_0:
called_computation.2_lowered:
.L_overlay_start_0:
0x88: {  	s2 =	sld [smem:$0x3FD9]  }
0x89: {  	s3 =	sld [smem:$0x3FFE];
	_ =	sdelay $0x1  }
0x8a: {  	s1 =	srdreg.scid  }
0x8b: {  	s0 =	sand.u32 $0x1, s1  }
0x8c: {  	s17 =	sshll.u32 s0, $0xA;
	s2 =	sadd.s32 s3, s2  }
0x8d: {  	s2 =	sadd.s32 s2, s17  }
0x8e: {  	[smem:$0x3FC2] =	sst s2  }
0x8f: {  	_ = 	snop  }
0x90: {  	s2 =	sld [smem:$0x3FD0];
	(tm) =	ssettm $0x1  }
0x91: {  	s18 =	sld [smem:$0x3FFB];
	_ =	sdelay $0x3  }
0x92: {  	_ =	strace s18  }
0x93: {  	s3 =	sld [smem:$0x3FFC];
	_ =	sdelay $0x3  }
0x94: {  	_ =	strace s3  }
0x95: {  	s3 =	sld [smem:$0x3FFD];
	_ =	sdelay $0x3  }
0x96: {  	_ =	strace s3  }
0x97: {  	_ =	strace $0x8FFFFFFF  }
0x98: {  	s19 =	sld [smem:$0x3FDB];
	_ =	sdelay $0x1  }
0x99: {  	s4 =	simm.s32 $_scs_section_size  }
0x9a: {  	s5 =	simm.s32 $_size__tile_overlayer_lowered;
	s6 =	simm.s32 $_tile_overlayer_lowered  }
0x9b: {  	s22 =	simm.s32 $0x1BFF;
	s21 =	sshll.u32 s6, $0x1;
	s3 =	sadd.s32 s4, s19  }
0x9c: {  	s7 =	simm.s32 $0x0;
	s20 =	sshll.u32 s5, $0x1;
	s5 =	sadd.s32 s21, s3  }
0x9d: {  	[timem:s7], [sflag:s22] =	dma.local [hbm:s5], s20  }
0x9e: {  	_ =	swait.ge [sflag:s22], s20  }
0x9f: {  	s4 =	ssub.s32 $0x0, s20;
	[sflag:s22] =	ssyncset.done $0x0  }
0xa0: {  	[sflag:s22] =	ssyncadd.s32 s4;
	_ =	sdelay $0x1  }
0xa1: {  	s23 =	simm.s32 $0x1B8B  }
0xa2: {  	_ =	swait.ge [sflag:s23], $0x1  }
0xa3: {  	[sflag:s23] =	ssyncset.done $0x0  }
0xa4: {  	s25 =	simm.s32 $0x1B8E;
	s24 =	sld [smem:$0x3FFE];
	[sflag:s23] =	ssyncadd.s32 $0xFFFFFFFF  }
0xa5: {  	s26 =	simm.s32 $execute0_lowered;
	[smem:$0x3FD2] =	sst s25  }
0xa6: {  	s5 =	sshll.u32 s26, $0x1;
	_ =	strace $0x8000004C;
	[dreg:$0x1] =	wrdreg $0xFFFFFFFF  }
0xa7: {  	s28 =	simm.s32 $_size_execute0_lowered;
	s3 =	sadd.s32 s3, s5;
	[dreg:$0x0] =	wrdreg $0x0  }
0xa8: {  	s5 =	sshll.u32 s28, $0x1;
	[dreg:$0x2] =	wrdreg s3  }
0xa9: {  	[dreg:$0x3] =	wrdreg s5  }
0xaa: {  	[dreg:$0x4] =	wrdreg $0xC0  }
0xab: {  	_ =	task [dreg:s7], $0x5FFFF  }
0xac: {  	[dreg:$0x1] =	wrdreg $0xFFFFFFFF  }
0xad: {  	[dreg:$0x0] =	wrdreg $0x60  }
0xae: {  	[dreg:$0x2] =	wrdreg s24  }
0xaf: {  	[dreg:$0x3] =	wrdreg s2  }
0xb0: {  	[dreg:$0x4] =	wrdreg $0x9  }
0xb1: {  	_ =	task.clear_ibuf [dreg:s7], $0x5FFFF;
	_ =	strace $0x9000004C  }
0xb2: {  	s29 =	simm.s32 $0x9;
	_ =	strace $0x8000004E  }
0xb3: {  	_ =	swait.ge [sflag:s29], $0x1  }
0xb4: {  	[sflag:s29] =	ssyncadd.s32 $0xFFFFFFFF  }
0xb5: {  	_ =	strace $0x9000004E  }
0xb6: {  	_ =	sfence  }
0xb7: {  	s30 =	sld [smem:$0x0];
	_ =	sdelay $0x2  }
0xb8: {  	s31 =	sshll.u32 s1, $0xD;
	s1 =	sshrl.u32 s1, $0x2  }
0xb9: {  	s3 =	sand.u32 $0x4000, s31;
	s1 =	sadd.s32 s1, s30  }
0xba: {  	s0 =	sor.u32 s3, s0;
	s1 =	sshll.u32 s1, $0x11  }
0xbb: {  	s0 =	sor.u32 s1, s0  }
0xbc: {  	s0 =	sadd.s32 $0x8F2B, s0  }
0xbd: {  	[sflag:s0] =	ssyncadd.remote.s32 $0x1  }
0xbe: {  	_ =	sfence.sel $0xFFFF  }
0xbf: {  	[dreg:$0x0] =	wrdreg $0xFFFFFFFF;
	(pc) =	sbr.abs _section_cstart, $3  }
0xc0: {  	[dreg:$0x1] =	wrdreg $0xFFFFFFFF  }
0xc1: {  	_ =	task.clear_ibuf [dreg:s7], $0x2FFFF;
	_ =	strace $0x9FFFFFFF  }
0xc2: {  	(tm) =	ssettm $0x7FFFFFFF  }
0xc3: {  	_ =	shalt  }
tec
execute0_lowered:
.L_overlay_start_1:
0x0: {  	(tag) =	ssettag $0x1  }
0x1: {  	s0 =	srdreg.scid;
	s1 =	rddreg [dreg:$0x0]  }
0x2: {  	s2 =	stileid.u32;
	s6 =	rddreg [dreg:$0x1];
	s28 =	simm.s32 $0x400  }
0x3: {  	s30 =	simm.s32 $0x8;
	s29 =	simm.s32 $0x3800;
	s0 =	sand.u32 $0x1, s0  }
0x4: {  	s3 =	sshll.u32 s2, $0x5;
	s2 =	simm.s32 $0x0;
	s8 =	sadd.s32 $0xAA00, s1  }
0x5: {  	s9 =	sadd.s32 $0xB200, s1;
	s23 =	sadd.s32 $0x6000, s6;
	s4 =	sshll.u32 s0, $0x4  }
0x6: {  	[smem:$0x7FF] =	sst s2;
	s0 =	ssub.s32 $0x2, s0;
	s4 =	sor.u32 s4, s3  }
0x7: {  	_ =	strace $0x8000004D;
	s7 =	sshrl.u32 s0, $0x1;
	[dreg:$0x14] =	wrdreg s23  }
0x8: {  	s3 =	sshll.u32 s4, $0x4;
	s0 =	ssub.s32 s0, s7;
	s10 =	sshrl.u32 s4, $0x3  }
0x9: {  	s4 =	sadd.s32 $0x9200, s1;
	s7 =	sadd.s32 $0xA200, s1;
	s5 =	sadd.s32 s3, s1  }
0xa: {  	s3 =	sadd.s32 $0x8A00, s1;
	s11 =	smul.u32 $0xC000, s10;
	s5 =	sadd.s32 $0x2A00, s5  }
0xb: {  	s25 =	smul.u32 $0x60000, s10;
	[dreg:$0x3] =	wrdreg s5;
	s5 =	sadd.s32 $0x9A00, s1  }
0xc: {  	s22 =	sor.u32 $0x10, s11;
	s26 =	sor.u32 $0x20, s11;
	s12 =	sor.u32 $0x30, s11  }
0xd: {  	s13 =	sor.u32 $0x40, s11;
	[dreg:$0x13] =	wrdreg s11;
	s1 =	sadd.s32 s23, s22  }
0xe: {  	s14 =	sor.u32 $0x50, s11;
	s10 =	sadd.s32 s23, s26;
	[dreg:$0x4] =	wrdreg s1  }
0xf: {  	s15 =	sor.u32 $0x60, s11;
	[dreg:$0x5] =	wrdreg s10;
	s10 =	sadd.s32 s23, s12  }
0x10: {  	s6 =	sshrl.u32 s25, $0x3;
	s12 =	sadd.s32 s23, s13;
	[dreg:$0x6] =	wrdreg s10  }
0x11: {  	s16 =	sor.u32 $0x70, s11;
	s13 =	sadd.s32 s23, s14;
	[dreg:$0x7] =	wrdreg s12  }
0x12: {  	s11 =	smax.u32 s0, $0x1;
	s14 =	sadd.s32 s23, s15;
	[dreg:$0x8] =	wrdreg s13  }
0x13: {  	s24 =	sadd.s32 $0xC000, s6;
	s15 =	sadd.s32 s23, s16;
	[dreg:$0x9] =	wrdreg s14  }
0x14: {  	s17 =	sadd.s32 $0xC010, s6;
	s16 =	sadd.s32 s24, s23;
	[dreg:$0xa] =	wrdreg s15  }
0x15: {  	s19 =	sadd.s32 $0xC020, s6;
	s17 =	sadd.s32 s17, s23;
	[dreg:$0xb] =	wrdreg s16  }
0x16: {  	s20 =	sadd.s32 $0xC030, s6;
	s19 =	sadd.s32 s19, s23;
	[dreg:$0xc] =	wrdreg s17  }
0x17: {  	s21 =	sadd.s32 $0xC040, s6;
	s20 =	sadd.s32 s20, s23;
	[dreg:$0xd] =	wrdreg s19  }
0x18: {  	s22 =	sadd.s32 $0xC050, s6;
	s24 =	sadd.s32 s21, s23;
	[dreg:$0xe] =	wrdreg s20  }
0x19: {  	s31 =	sadd.s32 $0xC060, s6;
	s25 =	sadd.s32 s22, s23;
	[dreg:$0xf] =	wrdreg s24  }
0x1a: {  	s18 =	sadd.s32 $0xC070, s6;
	s26 =	sadd.s32 s31, s23;
	[dreg:$0x10] =	wrdreg s25  }
0x1b: {  	s6 =	simm.s32 $0x800;
	s31 =	sadd.s32 s18, s23;
	[dreg:$0x11] =	wrdreg s26  }
0x1c: {  	s22 =	simm.s32 $0x4;
	s21 =	simm.s32 $0x9800;
	[dreg:$0x12] =	wrdreg s31  }
0x1d: {  	v1 =	vlaneseq.u32;
	s25 =	simm.s32 $0x1;
	s26 =	simm.s32 $0x80;
	s10 =	simm.s32 $0x2  }
0x1e: {  	v0 =	vimm.s32 $0x0;
	vm0 =	vmmov $0xffff;
	v1 =	vmul.u32 $0x8, v1;
	s20 =	simm.s32 $0x3;
	s24 =	simm.s32 $0x7;
	s12 =	simm.s32 $0x6800  }
.LBB2_1:
0x1f: {  	s31 =	rddreg [dreg:$0x3];
	s1 =	simm.s32 $0x9  }
0x20: {  	[tilespmem:s2], [sflag:$0x9] =	stream.linear.gather [hbm4b:s31+s2], $0x800, $0x38;
	[tilespmem:$0xC800] =	vst v63  }
0x21: {  	_ =	swait.ge [sflag:s1], $0x800  }
0x22: {  	[sflag:s1] =	ssyncset.done $0x0  }
0x23: {  	[sflag:s1] =	ssyncadd.s32 $0xFFFFF800  }
0x24: {  	v2 =	vld.msk [tilespmem:$0x0], $0x1;
	_ =	sdelay $0x4  }
0x25: {  	v3 =	vshrl.u32 v2, $0x3  }
0x26: {  	v3 =	vmul.u32 $0x300, v3  }
0x27: {  	v2 =	vand.u32 $0x7, v2  }
0x28: {  	v2 =	vor.u32 v2, v3  }
0x29: {  	v2 =	vperm.xlane v2, v0;
	_ =	sdelay $0x1  }
0x2a: {  	v2 =	vadd.s32 v1, v2;
	_ =	sdelay $0x4  }
0x2b: {  	[tilespmem:s6], [sflag:$0x1] =	stream.indirect_vreg.gather [hbm4b:s3+s2], $0x80, v2, vm0, $0xb8;
	[tilespmem:$0xC800] =	vst v63  }
0x2c: {  	s23 =	simm.s32 $0x1000  }
0x2d: {  	[tilespmem:s23], [sflag:$0x1] =	stream.indirect_vreg.gather [hbm4b:s4+s2], $0x80, v2, vm0, $0xb8;
	[tilespmem:$0xC800] =	vst v63  }
0x2e: {  	s31 =	simm.s32 $0x1800  }
0x2f: {  	[tilespmem:s31], [sflag:$0x1] =	stream.indirect_vreg.gather [hbm4b:s5+s2], $0x80, v2, vm0, $0xb8;
	[tilespmem:$0xC800] =	vst v63  }
0x30: {  	s13 =	simm.s32 $0x2000  }
0x31: {  	[tilespmem:s13], [sflag:$0x1] =	stream.indirect_vreg.gather [hbm4b:s7+s2], $0x80, v2, vm0, $0xb8;
	[tilespmem:$0xC800] =	vst v63  }
0x32: {  	s14 =	simm.s32 $0x2800  }
0x33: {  	[tilespmem:s14], [sflag:$0x1] =	stream.indirect_vreg.gather [hbm4b:s8+s2], $0x80, v2, vm0, $0xb8;
	[tilespmem:$0xC800] =	vst v63  }
0x34: {  	s15 =	simm.s32 $0x3000  }
0x35: {  	[tilespmem:s15], [sflag:$0x1] =	stream.indirect_vreg.gather [hbm4b:s9+s2], $0x80, v2, vm0, $0xb8;
	[tilespmem:$0xC800] =	vst v63  }
0x36: {  	v2 =	vld.msk [tilespmem:$0x80], $0x1;
	_ =	sdelay $0x4  }
0x37: {  	v3 =	vshrl.u32 v2, $0x3  }
0x38: {  	v3 =	vmul.u32 $0x300, v3  }
0x39: {  	v2 =	vand.u32 $0x7, v2  }
0x3a: {  	v2 =	vor.u32 v2, v3  }
0x3b: {  	v2 =	vperm.xlane v2, v0;
	_ =	sdelay $0x1  }
0x3c: {  	v2 =	vadd.s32 v1, v2;
	_ =	sdelay $0x4  }
0x3d: {  	[tilespmem:s29], [sflag:$0x2] =	stream.indirect_vreg.gather [hbm4b:s3+s2], $0x80, v2, vm0, $0xb8;
	[tilespmem:$0xC800] =	vst v63  }
0x3e: {  	s16 =	simm.s32 $0x4000  }
0x3f: {  	[tilespmem:s16], [sflag:$0x2] =	stream.indirect_vreg.gather [hbm4b:s4+s2], $0x80, v2, vm0, $0xb8;
	[tilespmem:$0xC800] =	vst v63  }
0x40: {  	s17 =	simm.s32 $0x4800  }
0x41: {  	[tilespmem:s17], [sflag:$0x2] =	stream.indirect_vreg.gather [hbm4b:s5+s2], $0x80, v2, vm0, $0xb8;
	[tilespmem:$0xC800] =	vst v63  }
0x42: {  	s18 =	simm.s32 $0x5000  }
0x43: {  	[tilespmem:s18], [sflag:$0x2] =	stream.indirect_vreg.gather [hbm4b:s7+s2], $0x80, v2, vm0, $0xb8;
	[tilespmem:$0xC800] =	vst v63  }
0x44: {  	s23 =	simm.s32 $0x5800  }
0x45: {  	[tilespmem:s23], [sflag:$0x2] =	stream.indirect_vreg.gather [hbm4b:s8+s2], $0x80, v2, vm0, $0xb8;
	[tilespmem:$0xC800] =	vst v63  }
0x46: {  	s31 =	simm.s32 $0x6000  }
0x47: {  	[tilespmem:s31], [sflag:$0x2] =	stream.indirect_vreg.gather [hbm4b:s9+s2], $0x80, v2, vm0, $0xb8;
	[tilespmem:$0xC800] =	vst v63  }
0x48: {  	_ =	swait.ge [sflag:s25], $0x3000  }
0x49: {  	s1 =	rddreg [dreg:$0x13]  }
0x4a: {  	[sflag:s25] =	ssyncset.done $0x0;
	s14 =	rddreg [dreg:$0x14]  }
0x4b: {  	[sflag:s25] =	ssyncadd.s32 $0xFFFFD000;
	s31 =	sadd.s32 s1, s14  }
0x4c: {  	[hbm4b:s31+s26] =	stream.strided.scatter [tilespmem:s6], [sflag:$0x5], $0x3000, s28, s26, $0x38;
	[tilespmem:$0xC800] =	vst v63  }
0x4d: {  	v2 =	vld.msk [tilespmem:$0x100], $0x1;
	_ =	sdelay $0x4  }
0x4e: {  	v3 =	vshrl.u32 v2, $0x3  }
0x4f: {  	v3 =	vmul.u32 $0x300, v3  }
0x50: {  	v2 =	vand.u32 $0x7, v2  }
0x51: {  	v2 =	vor.u32 v2, v3  }
0x52: {  	v2 =	vperm.xlane v2, v0;
	_ =	sdelay $0x1  }
0x53: {  	v2 =	vadd.s32 v1, v2;
	_ =	sdelay $0x4  }
0x54: {  	[tilespmem:s12], [sflag:$0x3] =	stream.indirect_vreg.gather [hbm4b:s3+s2], $0x80, v2, vm0, $0xb8;
	[tilespmem:$0xC800] =	vst v63  }
0x55: {  	s15 =	simm.s32 $0x7000  }
0x56: {  	[tilespmem:s15], [sflag:$0x3] =	stream.indirect_vreg.gather [hbm4b:s4+s2], $0x80, v2, vm0, $0xb8;
	[tilespmem:$0xC800] =	vst v63  }
0x57: {  	s16 =	simm.s32 $0x7800  }
0x58: {  	[tilespmem:s16], [sflag:$0x3] =	stream.indirect_vreg.gather [hbm4b:s5+s2], $0x80, v2, vm0, $0xb8;
	[tilespmem:$0xC800] =	vst v63  }
0x59: {  	s23 =	simm.s32 $0x8000  }
0x5a: {  	[tilespmem:s23], [sflag:$0x3] =	stream.indirect_vreg.gather [hbm4b:s7+s2], $0x80, v2, vm0, $0xb8;
	[tilespmem:$0xC800] =	vst v63  }
0x5b: {  	s31 =	simm.s32 $0x8800  }
0x5c: {  	[tilespmem:s31], [sflag:$0x3] =	stream.indirect_vreg.gather [hbm4b:s8+s2], $0x80, v2, vm0, $0xb8;
	[tilespmem:$0xC800] =	vst v63  }
0x5d: {  	s14 =	simm.s32 $0x9000  }
0x5e: {  	[tilespmem:s14], [sflag:$0x3] =	stream.indirect_vreg.gather [hbm4b:s9+s2], $0x80, v2, vm0, $0xb8;
	[tilespmem:$0xC800] =	vst v63  }
0x5f: {  	_ =	swait.ge [sflag:s10], $0x3000  }
0x60: {  	[sflag:s10] =	ssyncset.done $0x0  }
0x61: {  	s15 =	rddreg [dreg:$0x4];
	[sflag:s10] =	ssyncadd.s32 $0xFFFFD000  }
0x62: {  	[hbm4b:s15+s26] =	stream.strided.scatter [tilespmem:s29], [sflag:$0x6], $0x3000, s28, s26, $0x38;
	[tilespmem:$0xC800] =	vst v63  }
0x63: {  	v2 =	vld.msk [tilespmem:$0x180], $0x1;
	_ =	sdelay $0x4  }
0x64: {  	v3 =	vshrl.u32 v2, $0x3  }
0x65: {  	v3 =	vmul.u32 $0x300, v3  }
0x66: {  	v2 =	vand.u32 $0x7, v2  }
0x67: {  	v2 =	vor.u32 v2, v3  }
0x68: {  	v2 =	vperm.xlane v2, v0;
	_ =	sdelay $0x1  }
0x69: {  	v2 =	vadd.s32 v1, v2;
	_ =	sdelay $0x4  }
0x6a: {  	[tilespmem:s21], [sflag:$0x4] =	stream.indirect_vreg.gather [hbm4b:s3+s2], $0x80, v2, vm0, $0xb8;
	[tilespmem:$0xC800] =	vst v63  }
0x6b: {  	s16 =	simm.s32 $0xA000  }
0x6c: {  	[tilespmem:s16], [sflag:$0x4] =	stream.indirect_vreg.gather [hbm4b:s4+s2], $0x80, v2, vm0, $0xb8;
	[tilespmem:$0xC800] =	vst v63  }
0x6d: {  	s23 =	simm.s32 $0xA800  }
0x6e: {  	[tilespmem:s23], [sflag:$0x4] =	stream.indirect_vreg.gather [hbm4b:s5+s2], $0x80, v2, vm0, $0xb8;
	[tilespmem:$0xC800] =	vst v63  }
0x6f: {  	s1 =	simm.s32 $0xB000  }
0x70: {  	[tilespmem:s1], [sflag:$0x4] =	stream.indirect_vreg.gather [hbm4b:s7+s2], $0x80, v2, vm0, $0xb8;
	[tilespmem:$0xC800] =	vst v63  }
0x71: {  	s14 =	simm.s32 $0xB800  }
0x72: {  	[tilespmem:s14], [sflag:$0x4] =	stream.indirect_vreg.gather [hbm4b:s8+s2], $0x80, v2, vm0, $0xb8;
	[tilespmem:$0xC800] =	vst v63  }
0x73: {  	s15 =	simm.s32 $0xC000  }
0x74: {  	[tilespmem:s15], [sflag:$0x4] =	stream.indirect_vreg.gather [hbm4b:s9+s2], $0x80, v2, vm0, $0xb8;
	[tilespmem:$0xC800] =	vst v63  }
0x75: {  	_ =	swait.ge [sflag:s20], $0x3000  }
0x76: {  	[sflag:s20] =	ssyncset.done $0x0  }
0x77: {  	s23 =	simm.s32 $0x5;
	s16 =	rddreg [dreg:$0x5];
	[sflag:s20] =	ssyncadd.s32 $0xFFFFD000  }
0x78: {  	[hbm4b:s16+s26] =	stream.strided.scatter [tilespmem:s12], [sflag:$0x7], $0x3000, s28, s26, $0x38;
	[tilespmem:$0xC800] =	vst v63  }
0x79: {  	_ =	swait.ge [sflag:s23], $0x3000  }
0x7a: {  	[sflag:s23] =	ssyncset.done $0x0  }
0x7b: {  	[sflag:s23] =	ssyncadd.s32 $0xFFFFD000  }
0x7c: {  	v2 =	vld.msk [tilespmem:$0x200], $0x1;
	_ =	sdelay $0x4  }
0x7d: {  	v3 =	vshrl.u32 v2, $0x3  }
0x7e: {  	v3 =	vmul.u32 $0x300, v3  }
0x7f: {  	v2 =	vand.u32 $0x7, v2  }
0x80: {  	v2 =	vor.u32 v2, v3  }
0x81: {  	v2 =	vperm.xlane v2, v0;
	_ =	sdelay $0x1  }
0x82: {  	v2 =	vadd.s32 v1, v2;
	_ =	sdelay $0x4  }
0x83: {  	[tilespmem:s6], [sflag:$0x1] =	stream.indirect_vreg.gather [hbm4b:s3+s2], $0x80, v2, vm0, $0xb8;
	[tilespmem:$0xC800] =	vst v63  }
0x84: {  	s0 =	simm.s32 $0x1000  }
0x85: {  	[tilespmem:s0], [sflag:$0x1] =	stream.indirect_vreg.gather [hbm4b:s4+s2], $0x80, v2, vm0, $0xb8;
	[tilespmem:$0xC800] =	vst v63  }
0x86: {  	s19 =	simm.s32 $0x1800  }
0x87: {  	[tilespmem:s19], [sflag:$0x1] =	stream.indirect_vreg.gather [hbm4b:s5+s2], $0x80, v2, vm0, $0xb8;
	[tilespmem:$0xC800] =	vst v63  }
0x88: {  	s14 =	simm.s32 $0x2000  }
0x89: {  	[tilespmem:s14], [sflag:$0x1] =	stream.indirect_vreg.gather [hbm4b:s7+s2], $0x80, v2, vm0, $0xb8;
	[tilespmem:$0xC800] =	vst v63  }
0x8a: {  	s15 =	simm.s32 $0x2800  }
0x8b: {  	[tilespmem:s15], [sflag:$0x1] =	stream.indirect_vreg.gather [hbm4b:s8+s2], $0x80, v2, vm0, $0xb8;
	[tilespmem:$0xC800] =	vst v63  }
0x8c: {  	s16 =	simm.s32 $0x3000  }
0x8d: {  	[tilespmem:s16], [sflag:$0x1] =	stream.indirect_vreg.gather [hbm4b:s9+s2], $0x80, v2, vm0, $0xb8;
	[tilespmem:$0xC800] =	vst v63  }
0x8e: {  	_ =	swait.ge [sflag:s22], $0x3000  }
0x8f: {  	[sflag:s22] =	ssyncset.done $0x0  }
0x90: {  	s0 =	simm.s32 $0x6;
	s19 =	rddreg [dreg:$0x6];
	[sflag:s22] =	ssyncadd.s32 $0xFFFFD000  }
0x91: {  	[hbm4b:s19+s26] =	stream.strided.scatter [tilespmem:s21], [sflag:$0x8], $0x3000, s28, s26, $0x38;
	[tilespmem:$0xC800] =	vst v63  }
0x92: {  	_ =	swait.ge [sflag:s0], $0x3000  }
0x93: {  	[sflag:s0] =	ssyncset.done $0x0  }
0x94: {  	[sflag:s0] =	ssyncadd.s32 $0xFFFFD000  }
0x95: {  	v2 =	vld.msk [tilespmem:$0x280], $0x1;
	_ =	sdelay $0x4  }
0x96: {  	v3 =	vshrl.u32 v2, $0x3  }
0x97: {  	v3 =	vmul.u32 $0x300, v3  }
0x98: {  	v2 =	vand.u32 $0x7, v2  }
0x99: {  	v2 =	vor.u32 v2, v3  }
0x9a: {  	v2 =	vperm.xlane v2, v0;
	_ =	sdelay $0x1  }
0x9b: {  	v2 =	vadd.s32 v1, v2;
	_ =	sdelay $0x4  }
0x9c: {  	[tilespmem:s29], [sflag:$0x2] =	stream.indirect_vreg.gather [hbm4b:s3+s2], $0x80, v2, vm0, $0xb8;
	[tilespmem:$0xC800] =	vst v63  }
0x9d: {  	s13 =	simm.s32 $0x4000  }
0x9e: {  	[tilespmem:s13], [sflag:$0x2] =	stream.indirect_vreg.gather [hbm4b:s4+s2], $0x80, v2, vm0, $0xb8;
	[tilespmem:$0xC800] =	vst v63  }
0x9f: {  	s17 =	simm.s32 $0x4800  }
0xa0: {  	[tilespmem:s17], [sflag:$0x2] =	stream.indirect_vreg.gather [hbm4b:s5+s2], $0x80, v2, vm0, $0xb8;
	[tilespmem:$0xC800] =	vst v63  }
0xa1: {  	s18 =	simm.s32 $0x5000  }
0xa2: {  	[tilespmem:s18], [sflag:$0x2] =	stream.indirect_vreg.gather [hbm4b:s7+s2], $0x80, v2, vm0, $0xb8;
	[tilespmem:$0xC800] =	vst v63  }
0xa3: {  	s19 =	simm.s32 $0x5800  }
0xa4: {  	[tilespmem:s19], [sflag:$0x2] =	stream.indirect_vreg.gather [hbm4b:s8+s2], $0x80, v2, vm0, $0xb8;
	[tilespmem:$0xC800] =	vst v63  }
0xa5: {  	s31 =	simm.s32 $0x6000  }
0xa6: {  	[tilespmem:s31], [sflag:$0x2] =	stream.indirect_vreg.gather [hbm4b:s9+s2], $0x80, v2, vm0, $0xb8;
	[tilespmem:$0xC800] =	vst v63  }
0xa7: {  	_ =	swait.ge [sflag:s25], $0x3000  }
0xa8: {  	[sflag:s25] =	ssyncset.done $0x0  }
0xa9: {  	s13 =	rddreg [dreg:$0x7];
	[sflag:s25] =	ssyncadd.s32 $0xFFFFD000  }
0xaa: {  	[hbm4b:s13+s26] =	stream.strided.scatter [tilespmem:s6], [sflag:$0x5], $0x3000, s28, s26, $0x38;
	[tilespmem:$0xC800] =	vst v63  }
0xab: {  	_ =	swait.ge [sflag:s24], $0x3000  }
0xac: {  	[sflag:s24] =	ssyncset.done $0x0  }
0xad: {  	[sflag:s24] =	ssyncadd.s32 $0xFFFFD000  }
0xae: {  	v2 =	vld.msk [tilespmem:$0x300], $0x1;
	_ =	sdelay $0x4  }
0xaf: {  	v3 =	vshrl.u32 v2, $0x3  }
0xb0: {  	v3 =	vmul.u32 $0x300, v3  }
0xb1: {  	v2 =	vand.u32 $0x7, v2  }
0xb2: {  	v2 =	vor.u32 v2, v3  }
0xb3: {  	v2 =	vperm.xlane v2, v0;
	_ =	sdelay $0x1  }
0xb4: {  	v2 =	vadd.s32 v1, v2;
	_ =	sdelay $0x4  }
0xb5: {  	[tilespmem:s12], [sflag:$0x3] =	stream.indirect_vreg.gather [hbm4b:s3+s2], $0x80, v2, vm0, $0xb8;
	[tilespmem:$0xC800] =	vst v63  }
0xb6: {  	s13 =	simm.s32 $0x7000  }
0xb7: {  	[tilespmem:s13], [sflag:$0x3] =	stream.indirect_vreg.gather [hbm4b:s4+s2], $0x80, v2, vm0, $0xb8;
	[tilespmem:$0xC800] =	vst v63  }
0xb8: {  	s17 =	simm.s32 $0x7800  }
0xb9: {  	[tilespmem:s17], [sflag:$0x3] =	stream.indirect_vreg.gather [hbm4b:s5+s2], $0x80, v2, vm0, $0xb8;
	[tilespmem:$0xC800] =	vst v63  }
0xba: {  	s18 =	simm.s32 $0x8000  }
0xbb: {  	[tilespmem:s18], [sflag:$0x3] =	stream.indirect_vreg.gather [hbm4b:s7+s2], $0x80, v2, vm0, $0xb8;
	[tilespmem:$0xC800] =	vst v63  }
0xbc: {  	s1 =	simm.s32 $0x8800  }
0xbd: {  	[tilespmem:s1], [sflag:$0x3] =	stream.indirect_vreg.gather [hbm4b:s8+s2], $0x80, v2, vm0, $0xb8;
	[tilespmem:$0xC800] =	vst v63  }
0xbe: {  	s31 =	simm.s32 $0x9000  }
0xbf: {  	[tilespmem:s31], [sflag:$0x3] =	stream.indirect_vreg.gather [hbm4b:s9+s2], $0x80, v2, vm0, $0xb8;
	[tilespmem:$0xC800] =	vst v63  }
0xc0: {  	_ =	swait.ge [sflag:s10], $0x3000  }
0xc1: {  	[sflag:s10] =	ssyncset.done $0x0  }
0xc2: {  	s31 =	rddreg [dreg:$0x8];
	[sflag:s10] =	ssyncadd.s32 $0xFFFFD000  }
0xc3: {  	[hbm4b:s31+s26] =	stream.strided.scatter [tilespmem:s29], [sflag:$0x6], $0x3000, s28, s26, $0x38;
	[tilespmem:$0xC800] =	vst v63  }
0xc4: {  	_ =	swait.ge [sflag:s30], $0x3000  }
0xc5: {  	[sflag:s30] =	ssyncset.done $0x0  }
0xc6: {  	[sflag:s30] =	ssyncadd.s32 $0xFFFFD000  }
0xc7: {  	v2 =	vld.msk [tilespmem:$0x380], $0x1;
	_ =	sdelay $0x4  }
0xc8: {  	v3 =	vshrl.u32 v2, $0x3  }
0xc9: {  	v3 =	vmul.u32 $0x300, v3  }
0xca: {  	v2 =	vand.u32 $0x7, v2  }
0xcb: {  	v2 =	vor.u32 v2, v3  }
0xcc: {  	v2 =	vperm.xlane v2, v0;
	_ =	sdelay $0x1  }
0xcd: {  	v2 =	vadd.s32 v1, v2;
	_ =	sdelay $0x4  }
0xce: {  	[tilespmem:s21], [sflag:$0x4] =	stream.indirect_vreg.gather [hbm4b:s3+s2], $0x80, v2, vm0, $0xb8;
	[tilespmem:$0xC800] =	vst v63  }
0xcf: {  	s31 =	simm.s32 $0xA000  }
0xd0: {  	[tilespmem:s31], [sflag:$0x4] =	stream.indirect_vreg.gather [hbm4b:s4+s2], $0x80, v2, vm0, $0xb8;
	[tilespmem:$0xC800] =	vst v63  }
0xd1: {  	s31 =	simm.s32 $0xA800  }
0xd2: {  	[tilespmem:s31], [sflag:$0x4] =	stream.indirect_vreg.gather [hbm4b:s5+s2], $0x80, v2, vm0, $0xb8;
	[tilespmem:$0xC800] =	vst v63  }
0xd3: {  	s31 =	simm.s32 $0xB000  }
0xd4: {  	[tilespmem:s31], [sflag:$0x4] =	stream.indirect_vreg.gather [hbm4b:s7+s2], $0x80, v2, vm0, $0xb8;
	[tilespmem:$0xC800] =	vst v63  }
0xd5: {  	s31 =	simm.s32 $0xB800  }
0xd6: {  	[tilespmem:s31], [sflag:$0x4] =	stream.indirect_vreg.gather [hbm4b:s8+s2], $0x80, v2, vm0, $0xb8;
	[tilespmem:$0xC800] =	vst v63  }
0xd7: {  	s31 =	simm.s32 $0xC000  }
0xd8: {  	[tilespmem:s31], [sflag:$0x4] =	stream.indirect_vreg.gather [hbm4b:s9+s2], $0x80, v2, vm0, $0xb8;
	[tilespmem:$0xC800] =	vst v63  }
0xd9: {  	_ =	swait.ge [sflag:s20], $0x3000  }
0xda: {  	[sflag:s20] =	ssyncset.done $0x0  }
0xdb: {  	s31 =	rddreg [dreg:$0x9];
	[sflag:s20] =	ssyncadd.s32 $0xFFFFD000  }
0xdc: {  	[hbm4b:s31+s26] =	stream.strided.scatter [tilespmem:s12], [sflag:$0x7], $0x3000, s28, s26, $0x38;
	[tilespmem:$0xC800] =	vst v63  }
0xdd: {  	_ =	swait.ge [sflag:s23], $0x3000  }
0xde: {  	[sflag:s23] =	ssyncset.done $0x0  }
0xdf: {  	[sflag:s23] =	ssyncadd.s32 $0xFFFFD000  }
0xe0: {  	v2 =	vld.msk [tilespmem:$0x400], $0x1;
	_ =	sdelay $0x4  }
0xe1: {  	v3 =	vshrl.u32 v2, $0x3  }
0xe2: {  	v3 =	vmul.u32 $0x300, v3  }
0xe3: {  	v2 =	vand.u32 $0x7, v2  }
0xe4: {  	v2 =	vor.u32 v2, v3  }
0xe5: {  	v2 =	vperm.xlane v2, v0;
	_ =	sdelay $0x1  }
0xe6: {  	v2 =	vadd.s32 v1, v2;
	_ =	sdelay $0x4  }
0xe7: {  	[tilespmem:s6], [sflag:$0x1] =	stream.indirect_vreg.gather [hbm4b:s3+s2], $0x80, v2, vm0, $0xb8;
	[tilespmem:$0xC800] =	vst v63  }
0xe8: {  	s31 =	simm.s32 $0x1000  }
0xe9: {  	[tilespmem:s31], [sflag:$0x1] =	stream.indirect_vreg.gather [hbm4b:s4+s2], $0x80, v2, vm0, $0xb8;
	[tilespmem:$0xC800] =	vst v63  }
0xea: {  	s31 =	simm.s32 $0x1800  }
0xeb: {  	[tilespmem:s31], [sflag:$0x1] =	stream.indirect_vreg.gather [hbm4b:s5+s2], $0x80, v2, vm0, $0xb8;
	[tilespmem:$0xC800] =	vst v63  }
0xec: {  	_ = 	snop  }
0xed: {  	[tilespmem:s14], [sflag:$0x1] =	stream.indirect_vreg.gather [hbm4b:s7+s2], $0x80, v2, vm0, $0xb8;
	[tilespmem:$0xC800] =	vst v63  }
0xee: {  	_ = 	snop  }
0xef: {  	[tilespmem:s15], [sflag:$0x1] =	stream.indirect_vreg.gather [hbm4b:s8+s2], $0x80, v2, vm0, $0xb8;
	[tilespmem:$0xC800] =	vst v63  }
0xf0: {  	_ = 	snop  }
0xf1: {  	[tilespmem:s16], [sflag:$0x1] =	stream.indirect_vreg.gather [hbm4b:s9+s2], $0x80, v2, vm0, $0xb8;
	[tilespmem:$0xC800] =	vst v63  }
0xf2: {  	_ =	swait.ge [sflag:s22], $0x3000  }
0xf3: {  	[sflag:s22] =	ssyncset.done $0x0  }
0xf4: {  	s15 =	rddreg [dreg:$0xa];
	[sflag:s22] =	ssyncadd.s32 $0xFFFFD000  }
0xf5: {  	[hbm4b:s15+s26] =	stream.strided.scatter [tilespmem:s21], [sflag:$0x8], $0x3000, s28, s26, $0x38;
	[tilespmem:$0xC800] =	vst v63  }
0xf6: {  	_ =	swait.ge [sflag:s0], $0x3000  }
0xf7: {  	[sflag:s0] =	ssyncset.done $0x0  }
0xf8: {  	[sflag:s0] =	ssyncadd.s32 $0xFFFFD000  }
0xf9: {  	v2 =	vld.msk [tilespmem:$0x480], $0x1;
	_ =	sdelay $0x4  }
0xfa: {  	v3 =	vshrl.u32 v2, $0x3  }
0xfb: {  	v3 =	vmul.u32 $0x300, v3  }
0xfc: {  	v2 =	vand.u32 $0x7, v2  }
0xfd: {  	v2 =	vor.u32 v2, v3  }
0xfe: {  	v2 =	vperm.xlane v2, v0;
	_ =	sdelay $0x1  }
0xff: {  	v2 =	vadd.s32 v1, v2;
	_ =	sdelay $0x4  }
0x100: {  	[tilespmem:s29], [sflag:$0x2] =	stream.indirect_vreg.gather [hbm4b:s3+s2], $0x80, v2, vm0, $0xb8;
	[tilespmem:$0xC800] =	vst v63  }
0x101: {  	s31 =	simm.s32 $0x4000  }
0x102: {  	[tilespmem:s31], [sflag:$0x2] =	stream.indirect_vreg.gather [hbm4b:s4+s2], $0x80, v2, vm0, $0xb8;
	[tilespmem:$0xC800] =	vst v63  }
0x103: {  	s15 =	simm.s32 $0x4800  }
0x104: {  	[tilespmem:s15], [sflag:$0x2] =	stream.indirect_vreg.gather [hbm4b:s5+s2], $0x80, v2, vm0, $0xb8;
	[tilespmem:$0xC800] =	vst v63  }
0x105: {  	s31 =	simm.s32 $0x5000  }
0x106: {  	[tilespmem:s31], [sflag:$0x2] =	stream.indirect_vreg.gather [hbm4b:s7+s2], $0x80, v2, vm0, $0xb8;
	[tilespmem:$0xC800] =	vst v63  }
0x107: {  	_ = 	snop  }
0x108: {  	[tilespmem:s19], [sflag:$0x2] =	stream.indirect_vreg.gather [hbm4b:s8+s2], $0x80, v2, vm0, $0xb8;
	[tilespmem:$0xC800] =	vst v63  }
0x109: {  	s14 =	simm.s32 $0x6000  }
0x10a: {  	[tilespmem:s14], [sflag:$0x2] =	stream.indirect_vreg.gather [hbm4b:s9+s2], $0x80, v2, vm0, $0xb8;
	[tilespmem:$0xC800] =	vst v63  }
0x10b: {  	_ =	swait.ge [sflag:s25], $0x3000  }
0x10c: {  	[sflag:s25] =	ssyncset.done $0x0  }
0x10d: {  	s15 =	rddreg [dreg:$0xb];
	[sflag:s25] =	ssyncadd.s32 $0xFFFFD000  }
0x10e: {  	[hbm4b:s15+s26] =	stream.strided.scatter [tilespmem:s6], [sflag:$0x5], $0x3000, s28, s26, $0x38;
	[tilespmem:$0xC800] =	vst v63  }
0x10f: {  	_ =	swait.ge [sflag:s24], $0x3000  }
0x110: {  	[sflag:s24] =	ssyncset.done $0x0  }
0x111: {  	[sflag:s24] =	ssyncadd.s32 $0xFFFFD000  }
0x112: {  	v2 =	vld.msk [tilespmem:$0x500], $0x1;
	_ =	sdelay $0x4  }
0x113: {  	v3 =	vshrl.u32 v2, $0x3  }
0x114: {  	v3 =	vmul.u32 $0x300, v3  }
0x115: {  	v2 =	vand.u32 $0x7, v2  }
0x116: {  	v2 =	vor.u32 v2, v3  }
0x117: {  	v2 =	vperm.xlane v2, v0;
	_ =	sdelay $0x1  }
0x118: {  	v2 =	vadd.s32 v1, v2;
	_ =	sdelay $0x4  }
0x119: {  	[tilespmem:s12], [sflag:$0x3] =	stream.indirect_vreg.gather [hbm4b:s3+s2], $0x80, v2, vm0, $0xb8;
	[tilespmem:$0xC800] =	vst v63  }
0x11a: {  	_ = 	snop  }
0x11b: {  	[tilespmem:s13], [sflag:$0x3] =	stream.indirect_vreg.gather [hbm4b:s4+s2], $0x80, v2, vm0, $0xb8;
	[tilespmem:$0xC800] =	vst v63  }
0x11c: {  	_ = 	snop  }
0x11d: {  	[tilespmem:s17], [sflag:$0x3] =	stream.indirect_vreg.gather [hbm4b:s5+s2], $0x80, v2, vm0, $0xb8;
	[tilespmem:$0xC800] =	vst v63  }
0x11e: {  	_ = 	snop  }
0x11f: {  	[tilespmem:s18], [sflag:$0x3] =	stream.indirect_vreg.gather [hbm4b:s7+s2], $0x80, v2, vm0, $0xb8;
	[tilespmem:$0xC800] =	vst v63  }
0x120: {  	_ = 	snop  }
0x121: {  	[tilespmem:s1], [sflag:$0x3] =	stream.indirect_vreg.gather [hbm4b:s8+s2], $0x80, v2, vm0, $0xb8;
	[tilespmem:$0xC800] =	vst v63  }
0x122: {  	s13 =	simm.s32 $0x9000  }
0x123: {  	[tilespmem:s13], [sflag:$0x3] =	stream.indirect_vreg.gather [hbm4b:s9+s2], $0x80, v2, vm0, $0xb8;
	[tilespmem:$0xC800] =	vst v63  }
0x124: {  	_ =	swait.ge [sflag:s10], $0x3000  }
0x125: {  	[sflag:s10] =	ssyncset.done $0x0  }
0x126: {  	s14 =	rddreg [dreg:$0xc];
	[sflag:s10] =	ssyncadd.s32 $0xFFFFD000  }
0x127: {  	[hbm4b:s14+s26] =	stream.strided.scatter [tilespmem:s29], [sflag:$0x6], $0x3000, s28, s26, $0x38;
	[tilespmem:$0xC800] =	vst v63  }
0x128: {  	_ =	swait.ge [sflag:s30], $0x3000  }
0x129: {  	[sflag:s30] =	ssyncset.done $0x0  }
0x12a: {  	[sflag:s30] =	ssyncadd.s32 $0xFFFFD000  }
0x12b: {  	v2 =	vld.msk [tilespmem:$0x580], $0x1;
	_ =	sdelay $0x4  }
0x12c: {  	v3 =	vshrl.u32 v2, $0x3  }
0x12d: {  	v3 =	vmul.u32 $0x300, v3  }
0x12e: {  	v2 =	vand.u32 $0x7, v2  }
0x12f: {  	v2 =	vor.u32 v2, v3  }
0x130: {  	v2 =	vperm.xlane v2, v0;
	_ =	sdelay $0x1  }
0x131: {  	v2 =	vadd.s32 v1, v2;
	_ =	sdelay $0x4  }
0x132: {  	[tilespmem:s21], [sflag:$0x4] =	stream.indirect_vreg.gather [hbm4b:s3+s2], $0x80, v2, vm0, $0xb8;
	[tilespmem:$0xC800] =	vst v63  }
0x133: {  	s15 =	simm.s32 $0xA000  }
0x134: {  	[tilespmem:s15], [sflag:$0x4] =	stream.indirect_vreg.gather [hbm4b:s4+s2], $0x80, v2, vm0, $0xb8;
	[tilespmem:$0xC800] =	vst v63  }
0x135: {  	s1 =	simm.s32 $0xA800  }
0x136: {  	[tilespmem:s1], [sflag:$0x4] =	stream.indirect_vreg.gather [hbm4b:s5+s2], $0x80, v2, vm0, $0xb8;
	[tilespmem:$0xC800] =	vst v63  }
0x137: {  	s13 =	simm.s32 $0xB000  }
0x138: {  	[tilespmem:s13], [sflag:$0x4] =	stream.indirect_vreg.gather [hbm4b:s7+s2], $0x80, v2, vm0, $0xb8;
	[tilespmem:$0xC800] =	vst v63  }
0x139: {  	s14 =	simm.s32 $0xB800  }
0x13a: {  	[tilespmem:s14], [sflag:$0x4] =	stream.indirect_vreg.gather [hbm4b:s8+s2], $0x80, v2, vm0, $0xb8;
	[tilespmem:$0xC800] =	vst v63  }
0x13b: {  	s15 =	simm.s32 $0xC000  }
0x13c: {  	[tilespmem:s15], [sflag:$0x4] =	stream.indirect_vreg.gather [hbm4b:s9+s2], $0x80, v2, vm0, $0xb8;
	[tilespmem:$0xC800] =	vst v63  }
0x13d: {  	_ =	swait.ge [sflag:s20], $0x3000  }
0x13e: {  	[sflag:s20] =	ssyncset.done $0x0  }
0x13f: {  	s31 =	rddreg [dreg:$0xd];
	[sflag:s20] =	ssyncadd.s32 $0xFFFFD000  }
0x140: {  	[hbm4b:s31+s26] =	stream.strided.scatter [tilespmem:s12], [sflag:$0x7], $0x3000, s28, s26, $0x38;
	[tilespmem:$0xC800] =	vst v63  }
0x141: {  	_ =	swait.ge [sflag:s23], $0x3000  }
0x142: {  	[sflag:s23] =	ssyncset.done $0x0  }
0x143: {  	[sflag:s23] =	ssyncadd.s32 $0xFFFFD000  }
0x144: {  	v2 =	vld.msk [tilespmem:$0x600], $0x1;
	_ =	sdelay $0x4  }
0x145: {  	v3 =	vshrl.u32 v2, $0x3  }
0x146: {  	v3 =	vmul.u32 $0x300, v3  }
0x147: {  	v2 =	vand.u32 $0x7, v2  }
0x148: {  	v2 =	vor.u32 v2, v3  }
0x149: {  	v2 =	vperm.xlane v2, v0;
	_ =	sdelay $0x1  }
0x14a: {  	v2 =	vadd.s32 v1, v2;
	_ =	sdelay $0x4  }
0x14b: {  	[tilespmem:s6], [sflag:$0x1] =	stream.indirect_vreg.gather [hbm4b:s3+s2], $0x80, v2, vm0, $0xb8;
	[tilespmem:$0xC800] =	vst v63  }
0x14c: {  	s31 =	simm.s32 $0x1000  }
0x14d: {  	[tilespmem:s31], [sflag:$0x1] =	stream.indirect_vreg.gather [hbm4b:s4+s2], $0x80, v2, vm0, $0xb8;
	[tilespmem:$0xC800] =	vst v63  }
0x14e: {  	s31 =	simm.s32 $0x1800  }
0x14f: {  	[tilespmem:s31], [sflag:$0x1] =	stream.indirect_vreg.gather [hbm4b:s5+s2], $0x80, v2, vm0, $0xb8;
	[tilespmem:$0xC800] =	vst v63  }
0x150: {  	s31 =	simm.s32 $0x2000  }
0x151: {  	[tilespmem:s31], [sflag:$0x1] =	stream.indirect_vreg.gather [hbm4b:s7+s2], $0x80, v2, vm0, $0xb8;
	[tilespmem:$0xC800] =	vst v63  }
0x152: {  	s31 =	simm.s32 $0x2800  }
0x153: {  	[tilespmem:s31], [sflag:$0x1] =	stream.indirect_vreg.gather [hbm4b:s8+s2], $0x80, v2, vm0, $0xb8;
	[tilespmem:$0xC800] =	vst v63  }
0x154: {  	s16 =	simm.s32 $0x3000  }
0x155: {  	[tilespmem:s16], [sflag:$0x1] =	stream.indirect_vreg.gather [hbm4b:s9+s2], $0x80, v2, vm0, $0xb8;
	[tilespmem:$0xC800] =	vst v63  }
0x156: {  	_ =	swait.ge [sflag:s22], $0x3000  }
0x157: {  	[sflag:s22] =	ssyncset.done $0x0  }
0x158: {  	s23 =	rddreg [dreg:$0xe];
	[sflag:s22] =	ssyncadd.s32 $0xFFFFD000  }
0x159: {  	[hbm4b:s23+s26] =	stream.strided.scatter [tilespmem:s21], [sflag:$0x8], $0x3000, s28, s26, $0x38;
	[tilespmem:$0xC800] =	vst v63  }
0x15a: {  	_ =	swait.ge [sflag:s0], $0x3000  }
0x15b: {  	[sflag:s0] =	ssyncset.done $0x0  }
0x15c: {  	[sflag:s0] =	ssyncadd.s32 $0xFFFFD000  }
0x15d: {  	v2 =	vld.msk [tilespmem:$0x680], $0x1;
	_ =	sdelay $0x4  }
0x15e: {  	v3 =	vshrl.u32 v2, $0x3  }
0x15f: {  	v3 =	vmul.u32 $0x300, v3  }
0x160: {  	v2 =	vand.u32 $0x7, v2  }
0x161: {  	v2 =	vor.u32 v2, v3  }
0x162: {  	v2 =	vperm.xlane v2, v0;
	_ =	sdelay $0x1  }
0x163: {  	v2 =	vadd.s32 v1, v2;
	_ =	sdelay $0x4  }
0x164: {  	[tilespmem:s29], [sflag:$0x2] =	stream.indirect_vreg.gather [hbm4b:s3+s2], $0x80, v2, vm0, $0xb8;
	[tilespmem:$0xC800] =	vst v63  }
0x165: {  	s31 =	simm.s32 $0x4000  }
0x166: {  	[tilespmem:s31], [sflag:$0x2] =	stream.indirect_vreg.gather [hbm4b:s4+s2], $0x80, v2, vm0, $0xb8;
	[tilespmem:$0xC800] =	vst v63  }
0x167: {  	s16 =	simm.s32 $0x4800  }
0x168: {  	[tilespmem:s16], [sflag:$0x2] =	stream.indirect_vreg.gather [hbm4b:s5+s2], $0x80, v2, vm0, $0xb8;
	[tilespmem:$0xC800] =	vst v63  }
0x169: {  	s23 =	simm.s32 $0x5000  }
0x16a: {  	[tilespmem:s23], [sflag:$0x2] =	stream.indirect_vreg.gather [hbm4b:s7+s2], $0x80, v2, vm0, $0xb8;
	[tilespmem:$0xC800] =	vst v63  }
0x16b: {  	s19 =	simm.s32 $0x5800  }
0x16c: {  	[tilespmem:s19], [sflag:$0x2] =	stream.indirect_vreg.gather [hbm4b:s8+s2], $0x80, v2, vm0, $0xb8;
	[tilespmem:$0xC800] =	vst v63  }
0x16d: {  	s31 =	simm.s32 $0x6000  }
0x16e: {  	[tilespmem:s31], [sflag:$0x2] =	stream.indirect_vreg.gather [hbm4b:s9+s2], $0x80, v2, vm0, $0xb8;
	[tilespmem:$0xC800] =	vst v63  }
0x16f: {  	_ =	swait.ge [sflag:s25], $0x3000  }
0x170: {  	[sflag:s25] =	ssyncset.done $0x0  }
0x171: {  	s16 =	rddreg [dreg:$0xf];
	[sflag:s25] =	ssyncadd.s32 $0xFFFFD000  }
0x172: {  	[hbm4b:s16+s26] =	stream.strided.scatter [tilespmem:s6], [sflag:$0x5], $0x3000, s28, s26, $0x38;
	[tilespmem:$0xC800] =	vst v63  }
0x173: {  	_ =	swait.ge [sflag:s24], $0x3000  }
0x174: {  	[sflag:s24] =	ssyncset.done $0x0  }
0x175: {  	[sflag:s24] =	ssyncadd.s32 $0xFFFFD000  }
0x176: {  	v2 =	vld.msk [tilespmem:$0x700], $0x1;
	_ =	sdelay $0x4  }
0x177: {  	v3 =	vshrl.u32 v2, $0x3  }
0x178: {  	v3 =	vmul.u32 $0x300, v3  }
0x179: {  	v2 =	vand.u32 $0x7, v2  }
0x17a: {  	v2 =	vor.u32 v2, v3  }
0x17b: {  	v2 =	vperm.xlane v2, v0;
	_ =	sdelay $0x1  }
0x17c: {  	v2 =	vadd.s32 v1, v2;
	_ =	sdelay $0x4  }
0x17d: {  	[tilespmem:s12], [sflag:$0x3] =	stream.indirect_vreg.gather [hbm4b:s3+s2], $0x80, v2, vm0, $0xb8;
	[tilespmem:$0xC800] =	vst v63  }
0x17e: {  	s19 =	simm.s32 $0x7000  }
0x17f: {  	[tilespmem:s19], [sflag:$0x3] =	stream.indirect_vreg.gather [hbm4b:s4+s2], $0x80, v2, vm0, $0xb8;
	[tilespmem:$0xC800] =	vst v63  }
0x180: {  	s23 =	simm.s32 $0x7800  }
0x181: {  	[tilespmem:s23], [sflag:$0x3] =	stream.indirect_vreg.gather [hbm4b:s5+s2], $0x80, v2, vm0, $0xb8;
	[tilespmem:$0xC800] =	vst v63  }
0x182: {  	s17 =	simm.s32 $0x8000  }
0x183: {  	[tilespmem:s17], [sflag:$0x3] =	stream.indirect_vreg.gather [hbm4b:s7+s2], $0x80, v2, vm0, $0xb8;
	[tilespmem:$0xC800] =	vst v63  }
0x184: {  	s31 =	simm.s32 $0x8800  }
0x185: {  	[tilespmem:s31], [sflag:$0x3] =	stream.indirect_vreg.gather [hbm4b:s8+s2], $0x80, v2, vm0, $0xb8;
	[tilespmem:$0xC800] =	vst v63  }
0x186: {  	s16 =	simm.s32 $0x9000  }
0x187: {  	[tilespmem:s16], [sflag:$0x3] =	stream.indirect_vreg.gather [hbm4b:s9+s2], $0x80, v2, vm0, $0xb8;
	[tilespmem:$0xC800] =	vst v63  }
0x188: {  	_ =	swait.ge [sflag:s10], $0x3000  }
0x189: {  	[sflag:s10] =	ssyncset.done $0x0  }
0x18a: {  	s17 =	rddreg [dreg:$0x10];
	[sflag:s10] =	ssyncadd.s32 $0xFFFFD000  }
0x18b: {  	[hbm4b:s17+s26] =	stream.strided.scatter [tilespmem:s29], [sflag:$0x6], $0x3000, s28, s26, $0x38;
	[tilespmem:$0xC800] =	vst v63  }
0x18c: {  	_ =	swait.ge [sflag:s30], $0x3000  }
0x18d: {  	[sflag:s30] =	ssyncset.done $0x0  }
0x18e: {  	[sflag:s30] =	ssyncadd.s32 $0xFFFFD000  }
0x18f: {  	v2 =	vld.msk [tilespmem:$0x780], $0x1;
	_ =	sdelay $0x4  }
0x190: {  	v3 =	vshrl.u32 v2, $0x3  }
0x191: {  	v3 =	vmul.u32 $0x300, v3  }
0x192: {  	v2 =	vand.u32 $0x7, v2  }
0x193: {  	v2 =	vor.u32 v2, v3  }
0x194: {  	v2 =	vperm.xlane v2, v0;
	_ =	sdelay $0x1  }
0x195: {  	v2 =	vadd.s32 v1, v2;
	_ =	sdelay $0x4  }
0x196: {  	[tilespmem:s21], [sflag:$0x4] =	stream.indirect_vreg.gather [hbm4b:s3+s2], $0x80, v2, vm0, $0xb8;
	[tilespmem:$0xC800] =	vst v63  }
0x197: {  	s18 =	simm.s32 $0xA000  }
0x198: {  	[tilespmem:s18], [sflag:$0x4] =	stream.indirect_vreg.gather [hbm4b:s4+s2], $0x80, v2, vm0, $0xb8;
	[tilespmem:$0xC800] =	vst v63  }
0x199: {  	_ = 	snop  }
0x19a: {  	[tilespmem:s1], [sflag:$0x4] =	stream.indirect_vreg.gather [hbm4b:s5+s2], $0x80, v2, vm0, $0xb8;
	[tilespmem:$0xC800] =	vst v63  }
0x19b: {  	_ = 	snop  }
0x19c: {  	[tilespmem:s13], [sflag:$0x4] =	stream.indirect_vreg.gather [hbm4b:s7+s2], $0x80, v2, vm0, $0xb8;
	[tilespmem:$0xC800] =	vst v63  }
0x19d: {  	_ = 	snop  }
0x19e: {  	[tilespmem:s14], [sflag:$0x4] =	stream.indirect_vreg.gather [hbm4b:s8+s2], $0x80, v2, vm0, $0xb8;
	[tilespmem:$0xC800] =	vst v63  }
0x19f: {  	_ = 	snop  }
0x1a0: {  	[tilespmem:s15], [sflag:$0x4] =	stream.indirect_vreg.gather [hbm4b:s9+s2], $0x80, v2, vm0, $0xb8;
	[tilespmem:$0xC800] =	vst v63  }
0x1a1: {  	_ =	swait.ge [sflag:s20], $0x3000  }
0x1a2: {  	[sflag:s20] =	ssyncset.done $0x0  }
0x1a3: {  	s19 =	rddreg [dreg:$0x11];
	[sflag:s20] =	ssyncadd.s32 $0xFFFFD000  }
0x1a4: {  	[hbm4b:s19+s26] =	stream.strided.scatter [tilespmem:s12], [sflag:$0x7], $0x3000, s28, s26, $0x38;
	[tilespmem:$0xC800] =	vst v63  }
0x1a5: {  	_ =	swait.ge [sflag:s22], $0x3000  }
0x1a6: {  	[sflag:s22] =	ssyncset.done $0x0  }
0x1a7: {  	s23 =	rddreg [dreg:$0x12];
	[sflag:s22] =	ssyncadd.s32 $0xFFFFD000  }
0x1a8: {  	[hbm4b:s23+s26] =	stream.strided.scatter [tilespmem:s21], [sflag:$0x8], $0x3000, s28, s26, $0x38;
	[tilespmem:$0xC800] =	vst v63  }
0x1a9: {  	p0 =	sne.s32 s11, $0x1;
	_ =	swait.ge [sflag:s24], $0x3000  }
.Ltmp0:
0x1aa: {  	[sflag:s24] =	ssyncset.done $0x0;
	(pc) =	sbr.rel @p0 .LBB2_1-.Ltmp0, $4  }
0x1ab: {  	[sflag:s24] =	ssyncadd.s32 $0xFFFFD000  }
0x1ac: {  	_ =	swait.ge [sflag:s30], $0x3000  }
0x1ad: {  	[sflag:s30] =	ssyncset.done $0x0  }
0x1ae: {  	s11 =	sadd.s32 $0xFFFFFFFF, s11;
	[sflag:s30] =	ssyncadd.s32 $0xFFFFD000  }
0x1af: {  	_ =	sfence.sel $0x180000  }
0x1b0: {  	[bflag:$0x0] =	sbarrier.arrive $0xFFFF  }
0x1b1: {  	_ =	strace $0x9000004D  }
0x1b2: {  	s0 =	stileid.u32;
	[bflag:$0x2] =	sbarrier.arrive $0xFFFF  }
0x1b3: {  	p0 =	sne.s32 s0, $0x0;
	s0 =	rddreg [dreg:$0x2]  }
0x1b4: {  	s0 =	sadd.s32 @!p0 $0x100000, s0  }
0x1b5: {  	[sflag:s0] =	ssyncadd.tile.s32 @!p0 $0x1;
	_ =	shalt  }
.Lfunc_end2:
_tile_overlayer_lowered:
.L_overlay_start_2:
0x1b6: {  	(tag) =	ssettag $0x2  }
0x1b7: {  	s0 =	rddreg [dreg:$0x0];
	s2 =	stileid.u32  }
0x1b8: {  	s1 =	rddreg [dreg:$0x1];
	p0 =	sne.s32 s2, $0x0  }
0x1b9: {  	s3 =	rddreg [dreg:$0x2];
	[bflag:$0x3] =	sbarrier.arrive $0xFFFF;
	s2 =	simm.s32 @!p0 $0x1C09  }
0x1ba: {  	[timem:s3], [sflag:s2] =	dma.local @!p0 [hbm:s0], s1  }
0x1bb: {  	s0 =	simm.s32 @!p0 $0x9  }
0x1bc: {  	_ =	swait.ge @!p0 [sflag:s0], s1  }
0x1bd: {  	s1 =	ssub.s32 @!p0 $0x0, s1;
	[sflag:s0] =	ssyncset.done @!p0 $0x0  }
0x1be: {  	[sflag:s0] =	ssyncadd.s32 @!p0 s1  }
0x1bf: {  	[bflag:$0x3] =	sbarrier.arrive $0xFFFF  }
0x1c0: {  	_ =	shalt  }

// kernel: kernel.20.cloned.1.call-start
scs
__scs_entry_jumppad:
0x0: {  	(pc) =	sbr.rel $0x88, $3  }
0x1: {  	(tag) =	ssettag $0x0;
	lr =	simm.s32 $0x1  }
0x2: {  	[smem:$0x3F9B] =	sst lr;
	_ =	strace $0xD0000000  }
0x3: {  	_ = 	snop  }
0x4: {  	_ = 	snop  }
0x5: {  	_ = 	snop  }
0x6: {  	_ = 	snop  }
0x7: {  	_ = 	snop  }
__scs_overlays_trampoline_lowered:
0x8: {  	[smem:$0x3FAA] =	sst s0  }
0x9: {  	[smem:$0x3FAB] =	sst s1  }
0xa: {  	[smem:$0x3FAC] =	sst s2  }
0xb: {  	[smem:$0x3FAD] =	sst s3  }
0xc: {  	[smem:$0x3FAE] =	sst s4  }
0xd: {  	[smem:$0x3FAF] =	sst s5  }
0xe: {  	[smem:$0x3FB0] =	sst s6  }
0xf: {  	[smem:$0x3FB1] =	sst s7  }
0x10: {  	[smem:$0x3FB2] =	sst s8  }
0x11: {  	[smem:$0x3FB3] =	sst s9;
	s0 =	simm.s32 @!p0 $0x0  }
0x12: {  	s1 =	sld [smem:$0x3F99];
	s0 =	simm.s32 @p0 $0x1  }
0x13: {  	[smem:$0x3FB4] =	sst s0;
	s0 =	simm.s32 @!p1 $0x0  }
0x14: {  	s2 =	sld [smem:$0x3F98];
	s0 =	simm.s32 @p1 $0x1  }
0x15: {  	[smem:$0x3FB5] =	sst s0;
	s0 =	simm.s32 @!p2 $0x0  }
0x16: {  	s3 =	sld [smem:$0x3FDB];
	s0 =	simm.s32 @p2 $0x1  }
0x17: {  	s4 =	simm.s32 $0x1BF5;
	[smem:$0x3FB7] =	sst s0  }
0x18: {  	s0 =	sld [smem:$0x3F9A];
	_ =	swait.ge [sflag:s4], $0x0  }
0x19: {  	s7 =	sld [smem:$0x3F9B]  }
0x1a: {  	s8 =	sadd.s32 $0xFFFFE003, lr  }
0x1b: {  	s9 =	sadd.s32 $0xFFFFFEF7, lr;
	s5 =	simm.s32 $0xFFFFFFFF;
	p2 =	slt.u32 s8, $0xFFFFF086  }
0x1c: {  	p1 =	slt.u32 s9, $0xF7A;
	s5 =	simm.s32 @!p2 $0x0  }
0x1d: {  	s5 =	simm.s32 @p1 $0x1;
	p0 =	seq.s32 s7, s2  }
0x1e: {  	s7 =	smul.u32 @!p0 $0xF7A, s2;
	p2 =	seq.s32 @!p0 s5, $0x0  }
0x1f: {  	s9 =	smul.u32 $0xF7A, s1;
	s8 =	simm.s32 @!p0 $0x1BF5;
	p2 =	por !p2, p0  }
0x20: {  	[sflag:s8] =	ssyncset.s32 @!p0 $0xFFFFF086;
	s6 =	sadd.s32 @!p0 s3, s7;
	s7 =	simm.s32 @!p0 $0x108  }
0x21: {  	s3 =	sadd.s32 s3, s9;
	s6 =	sadd.s32 @!p0 $0x88, s6;
	s7 =	simm.s32 @p2 $0x1082  }
0x22: {  	[simem:s7], [sflag:s8] =	dma.local @!p0 [hbm:s6], $0xF7A  }
0x23: {  	s9 =	sor.u32 $0xD0000000, s2;
	s6 =	simm.s32 $0x108;
	_ =	swait.ge @!p0 [sflag:s8], $0x0  }
0x24: {  	s3 =	sadd.s32 $0x88, s3;
	s6 =	simm.s32 @!p1 $0x1082;
	[sflag:s4] =	ssyncset.s32 $0xFFFFF086  }
0x25: {  	[simem:s6], [sflag:s4] =	dma.local [hbm:s3], $0xF7A  }
0x26: {  	[smem:$0x3F9B] =	sst s1;
	(tag) =	ssettag s2;
	_ =	strace s9  }
0x27: {  	s1 =	sld [smem:$0x3FAB]  }
0x28: {  	s2 =	sld [smem:$0x3FAC]  }
0x29: {  	s4 =	sld [smem:$0x3FAE]  }
0x2a: {  	p0 =	seq.s32 s5, $0x0;
	s5 =	sld [smem:$0x3FAF]  }
0x2b: {  	s6 =	sld [smem:$0x3FB0]  }
0x2c: {  	s7 =	sld [smem:$0x3FB1]  }
0x2d: {  	s3 =	simm.s32 $0x108;
	s8 =	sld [smem:$0x3FB2]  }
0x2e: {  	s3 =	simm.s32 @!p0 $0x1082;
	s9 =	sld [smem:$0x3FB3]  }
0x2f: {  	lr =	sadd.s32 s0, s3;
	s0 =	sld [smem:$0x3FAA]  }
0x30: {  	s3 =	sld [smem:$0x3FAD]  }
0x31: {  	[smem:$0x3FB6] =	sst s10  }
0x32: {  	s10 =	sld [smem:$0x3FB4];
	_ =	sdelay $0x3  }
0x33: {  	p0 =	seq.s32 s10, $0x1;
	s10 =	sld [smem:$0x3FB6];
	_ =	sdelay $0x3  }
0x34: {  	[smem:$0x3FB6] =	sst s10  }
0x35: {  	s10 =	sld [smem:$0x3FB5];
	_ =	sdelay $0x3  }
0x36: {  	p1 =	seq.s32 s10, $0x1;
	s10 =	sld [smem:$0x3FB6];
	_ =	sdelay $0x3  }
0x37: {  	[smem:$0x3FB6] =	sst s10  }
0x38: {  	s10 =	sld [smem:$0x3FB7]  }
0x39: {  	_ = 	snop;
	(pc) =	sbr.ind lr, $3  }
0x3a: {  	_ = 	snop  }
0x3b: {  	_ = 	snop  }
0x3c: {  	p2 =	seq.s32 s10, $0x1;
	s10 =	sld [smem:$0x3FB6]  }
0x3d: {  	_ =	shalt  }
0x3e: {  	_ =	shalt  }
0x3f: {  	_ =	shalt  }
0x40: {  	_ =	shalt  }
0x41: {  	_ =	shalt  }
0x42: {  	_ =	shalt  }
0x43: {  	_ =	shalt  }
0x44: {  	_ =	shalt  }
0x45: {  	_ =	shalt  }
0x46: {  	_ =	shalt  }
0x47: {  	_ =	shalt  }
0x48: {  	_ =	shalt  }
0x49: {  	_ =	shalt  }
0x4a: {  	_ =	shalt  }
0x4b: {  	_ =	shalt  }
0x4c: {  	_ =	shalt  }
0x4d: {  	_ =	shalt  }
0x4e: {  	_ =	shalt  }
0x4f: {  	_ =	shalt  }
0x50: {  	_ =	shalt  }
0x51: {  	_ =	shalt  }
0x52: {  	_ =	shalt  }
0x53: {  	_ =	shalt  }
0x54: {  	_ =	shalt  }
0x55: {  	_ =	shalt  }
0x56: {  	_ =	shalt  }
0x57: {  	_ =	shalt  }
0x58: {  	_ =	shalt  }
0x59: {  	_ =	shalt  }
0x5a: {  	_ =	shalt  }
0x5b: {  	_ =	shalt  }
0x5c: {  	_ =	shalt  }
0x5d: {  	_ =	shalt  }
0x5e: {  	_ =	shalt  }
0x5f: {  	_ =	shalt  }
0x60: {  	_ =	shalt  }
0x61: {  	_ =	shalt  }
0x62: {  	_ =	shalt  }
0x63: {  	_ =	shalt  }
0x64: {  	_ =	shalt  }
0x65: {  	_ =	shalt  }
0x66: {  	_ =	shalt  }
0x67: {  	_ =	shalt  }
0x68: {  	_ =	shalt  }
0x69: {  	_ =	shalt  }
0x6a: {  	_ =	shalt  }
0x6b: {  	_ =	shalt  }
0x6c: {  	_ =	shalt  }
0x6d: {  	_ =	shalt  }
0x6e: {  	_ =	shalt  }
0x6f: {  	_ =	shalt  }
0x70: {  	_ =	shalt  }
0x71: {  	_ =	shalt  }
0x72: {  	_ =	shalt  }
0x73: {  	_ =	shalt  }
0x74: {  	_ =	shalt  }
0x75: {  	_ =	shalt  }
0x76: {  	_ =	shalt  }
0x77: {  	_ =	shalt  }
0x78: {  	_ =	shalt  }
0x79: {  	_ =	shalt  }
0x7a: {  	_ =	shalt  }
0x7b: {  	_ =	shalt  }
0x7c: {  	_ =	shalt  }
0x7d: {  	_ =	shalt  }
0x7e: {  	_ =	shalt  }
0x7f: {  	_ =	shalt  }
0x80: {  	_ =	shalt  }
0x81: {  	_ =	shalt  }
0x82: {  	_ =	shalt  }
0x83: {  	_ =	shalt  }
0x84: {  	_ =	shalt  }
0x85: {  	_ =	shalt  }
0x86: {  	_ =	shalt  }
0x87: {  	_ =	shalt  }
.Lfunc_end0:
.L_simem_size_0:
called_computation.3_lowered:
.L_overlay_start_0:
0x88: {  	s2 =	sld [smem:$0x3FD9]  }
0x89: {  	s3 =	sld [smem:$0x3FFE];
	_ =	sdelay $0x1  }
0x8a: {  	s1 =	srdreg.scid  }
0x8b: {  	s0 =	sand.u32 $0x1, s1  }
0x8c: {  	s17 =	sshll.u32 s0, $0xA;
	s2 =	sadd.s32 s3, s2  }
0x8d: {  	s2 =	sadd.s32 s2, s17  }
0x8e: {  	[smem:$0x3FC2] =	sst s2  }
0x8f: {  	_ = 	snop  }
0x90: {  	s2 =	sld [smem:$0x3FD0];
	(tm) =	ssettm $0x1  }
0x91: {  	s18 =	sld [smem:$0x3FFB];
	_ =	sdelay $0x3  }
0x92: {  	_ =	strace s18  }
0x93: {  	s3 =	sld [smem:$0x3FFC];
	_ =	sdelay $0x3  }
0x94: {  	_ =	strace s3  }
0x95: {  	s3 =	sld [smem:$0x3FFD];
	_ =	sdelay $0x3  }
0x96: {  	_ =	strace s3  }
0x97: {  	_ =	strace $0x8FFFFFFF  }
0x98: {  	s19 =	sld [smem:$0x3FDB];
	_ =	sdelay $0x1  }
0x99: {  	s4 =	simm.s32 $_scs_section_size  }
0x9a: {  	s5 =	simm.s32 $_size__tile_overlayer_lowered;
	s6 =	simm.s32 $_tile_overlayer_lowered  }
0x9b: {  	s22 =	simm.s32 $0x1BFF;
	s21 =	sshll.u32 s6, $0x1;
	s3 =	sadd.s32 s4, s19  }
0x9c: {  	s7 =	simm.s32 $0x0;
	s20 =	sshll.u32 s5, $0x1;
	s5 =	sadd.s32 s21, s3  }
0x9d: {  	[timem:s7], [sflag:s22] =	dma.local [hbm:s5], s20  }
0x9e: {  	_ =	swait.ge [sflag:s22], s20  }
0x9f: {  	s4 =	ssub.s32 $0x0, s20;
	[sflag:s22] =	ssyncset.done $0x0  }
0xa0: {  	[sflag:s22] =	ssyncadd.s32 s4;
	_ =	sdelay $0x1  }
0xa1: {  	s23 =	simm.s32 $0x1B8B  }
0xa2: {  	_ =	swait.ge [sflag:s23], $0x1  }
0xa3: {  	[sflag:s23] =	ssyncset.done $0x0  }
0xa4: {  	s25 =	simm.s32 $0x1B8E;
	s24 =	sld [smem:$0x3FFE];
	[sflag:s23] =	ssyncadd.s32 $0xFFFFFFFF  }
0xa5: {  	s26 =	simm.s32 $execute0_lowered;
	[smem:$0x3FD2] =	sst s25  }
0xa6: {  	s5 =	sshll.u32 s26, $0x1;
	_ =	strace $0x8000004F;
	[dreg:$0x1] =	wrdreg $0xFFFFFFFF  }
0xa7: {  	s28 =	simm.s32 $_size_execute0_lowered;
	s3 =	sadd.s32 s3, s5;
	[dreg:$0x0] =	wrdreg $0x0  }
0xa8: {  	s5 =	sshll.u32 s28, $0x1;
	[dreg:$0x2] =	wrdreg s3  }
0xa9: {  	[dreg:$0x3] =	wrdreg s5  }
0xaa: {  	[dreg:$0x4] =	wrdreg $0xC0  }
0xab: {  	_ =	task [dreg:s7], $0x5FFFF  }
0xac: {  	[dreg:$0x1] =	wrdreg $0xFFFFFFFF  }
0xad: {  	[dreg:$0x0] =	wrdreg $0x60  }
0xae: {  	[dreg:$0x2] =	wrdreg s24  }
0xaf: {  	[dreg:$0x3] =	wrdreg s2  }
0xb0: {  	[dreg:$0x4] =	wrdreg $0x9  }
0xb1: {  	_ =	task.clear_ibuf [dreg:s7], $0x5FFFF;
	_ =	strace $0x9000004F  }
0xb2: {  	s29 =	simm.s32 $0x9;
	_ =	strace $0x80000051  }
0xb3: {  	_ =	swait.ge [sflag:s29], $0x1  }
0xb4: {  	[sflag:s29] =	ssyncadd.s32 $0xFFFFFFFF  }
0xb5: {  	_ =	strace $0x90000051  }
0xb6: {  	_ =	sfence  }
0xb7: {  	s30 =	sld [smem:$0x0];
	_ =	sdelay $0x2  }
0xb8: {  	s31 =	sshll.u32 s1, $0xD;
	s1 =	sshrl.u32 s1, $0x2  }
0xb9: {  	s3 =	sand.u32 $0x4000, s31;
	s1 =	sadd.s32 s1, s30  }
0xba: {  	s0 =	sor.u32 s3, s0;
	s1 =	sshll.u32 s1, $0x11  }
0xbb: {  	s0 =	sor.u32 s1, s0  }
0xbc: {  	s0 =	sadd.s32 $0x8F2B, s0  }
0xbd: {  	[sflag:s0] =	ssyncadd.remote.s32 $0x1  }
0xbe: {  	_ =	sfence.sel $0xFFFF  }
0xbf: {  	[dreg:$0x0] =	wrdreg $0xFFFFFFFF;
	(pc) =	sbr.abs _section_cstart, $3  }
0xc0: {  	[dreg:$0x1] =	wrdreg $0xFFFFFFFF  }
0xc1: {  	_ =	task.clear_ibuf [dreg:s7], $0x2FFFF;
	_ =	strace $0x9FFFFFFF  }
0xc2: {  	(tm) =	ssettm $0x7FFFFFFF  }
0xc3: {  	_ =	shalt  }
tec
execute0_lowered:
.L_overlay_start_1:
0x0: {  	(tag) =	ssettag $0x1  }
0x1: {  	s0 =	srdreg.scid;
	s1 =	rddreg [dreg:$0x0]  }
0x2: {  	s2 =	stileid.u32;
	s6 =	rddreg [dreg:$0x1];
	s28 =	simm.s32 $0x400  }
0x3: {  	s30 =	simm.s32 $0x8;
	s29 =	simm.s32 $0x3800;
	s0 =	sand.u32 $0x1, s0  }
0x4: {  	s3 =	sshll.u32 s2, $0x5;
	s2 =	simm.s32 $0x0;
	s8 =	sadd.s32 $0x3AA00, s1  }
0x5: {  	s9 =	sadd.s32 $0x3B200, s1;
	s23 =	sadd.s32 $0x9000, s6;
	s4 =	sshll.u32 s0, $0x4  }
0x6: {  	[smem:$0x7FF] =	sst s2;
	s0 =	ssub.s32 $0x2, s0;
	s4 =	sor.u32 s4, s3  }
0x7: {  	_ =	strace $0x80000050;
	s7 =	sshrl.u32 s0, $0x1;
	[dreg:$0x14] =	wrdreg s23  }
0x8: {  	s3 =	sshll.u32 s4, $0x4;
	s0 =	ssub.s32 s0, s7;
	s10 =	sshrl.u32 s4, $0x3  }
0x9: {  	s4 =	sadd.s32 $0x39200, s1;
	s7 =	sadd.s32 $0x3A200, s1;
	s5 =	sadd.s32 s3, s1  }
0xa: {  	s3 =	sadd.s32 $0x38A00, s1;
	s11 =	smul.u32 $0xC000, s10;
	s5 =	sadd.s32 $0x2A00, s5  }
0xb: {  	s25 =	smul.u32 $0x60000, s10;
	[dreg:$0x3] =	wrdreg s5;
	s5 =	sadd.s32 $0x39A00, s1  }
0xc: {  	s22 =	sor.u32 $0x10, s11;
	s26 =	sor.u32 $0x20, s11;
	s12 =	sor.u32 $0x30, s11  }
0xd: {  	s13 =	sor.u32 $0x40, s11;
	[dreg:$0x13] =	wrdreg s11;
	s1 =	sadd.s32 s23, s22  }
0xe: {  	s14 =	sor.u32 $0x50, s11;
	s10 =	sadd.s32 s23, s26;
	[dreg:$0x4] =	wrdreg s1  }
0xf: {  	s15 =	sor.u32 $0x60, s11;
	[dreg:$0x5] =	wrdreg s10;
	s10 =	sadd.s32 s23, s12  }
0x10: {  	s6 =	sshrl.u32 s25, $0x3;
	s12 =	sadd.s32 s23, s13;
	[dreg:$0x6] =	wrdreg s10  }
0x11: {  	s16 =	sor.u32 $0x70, s11;
	s13 =	sadd.s32 s23, s14;
	[dreg:$0x7] =	wrdreg s12  }
0x12: {  	s11 =	smax.u32 s0, $0x1;
	s14 =	sadd.s32 s23, s15;
	[dreg:$0x8] =	wrdreg s13  }
0x13: {  	s24 =	sadd.s32 $0xC000, s6;
	s15 =	sadd.s32 s23, s16;
	[dreg:$0x9] =	wrdreg s14  }
0x14: {  	s17 =	sadd.s32 $0xC010, s6;
	s16 =	sadd.s32 s24, s23;
	[dreg:$0xa] =	wrdreg s15  }
0x15: {  	s19 =	sadd.s32 $0xC020, s6;
	s17 =	sadd.s32 s17, s23;
	[dreg:$0xb] =	wrdreg s16  }
0x16: {  	s20 =	sadd.s32 $0xC030, s6;
	s19 =	sadd.s32 s19, s23;
	[dreg:$0xc] =	wrdreg s17  }
0x17: {  	s21 =	sadd.s32 $0xC040, s6;
	s20 =	sadd.s32 s20, s23;
	[dreg:$0xd] =	wrdreg s19  }
0x18: {  	s22 =	sadd.s32 $0xC050, s6;
	s24 =	sadd.s32 s21, s23;
	[dreg:$0xe] =	wrdreg s20  }
0x19: {  	s31 =	sadd.s32 $0xC060, s6;
	s25 =	sadd.s32 s22, s23;
	[dreg:$0xf] =	wrdreg s24  }
0x1a: {  	s18 =	sadd.s32 $0xC070, s6;
	s26 =	sadd.s32 s31, s23;
	[dreg:$0x10] =	wrdreg s25  }
0x1b: {  	s6 =	simm.s32 $0x800;
	s31 =	sadd.s32 s18, s23;
	[dreg:$0x11] =	wrdreg s26  }
0x1c: {  	s22 =	simm.s32 $0x4;
	s21 =	simm.s32 $0x9800;
	[dreg:$0x12] =	wrdreg s31  }
0x1d: {  	v1 =	vlaneseq.u32;
	s25 =	simm.s32 $0x1;
	s26 =	simm.s32 $0x80;
	s10 =	simm.s32 $0x2  }
0x1e: {  	v0 =	vimm.s32 $0x0;
	vm0 =	vmmov $0xffff;
	v1 =	vmul.u32 $0x8, v1;
	s20 =	simm.s32 $0x3;
	s24 =	simm.s32 $0x7;
	s12 =	simm.s32 $0x6800  }
.LBB2_1:
0x1f: {  	s31 =	rddreg [dreg:$0x3];
	s1 =	simm.s32 $0x9  }
0x20: {  	[tilespmem:s2], [sflag:$0x9] =	stream.linear.gather [hbm4b:s31+s2], $0x800, $0x38;
	[tilespmem:$0xC800] =	vst v63  }
0x21: {  	_ =	swait.ge [sflag:s1], $0x800  }
0x22: {  	[sflag:s1] =	ssyncset.done $0x0  }
0x23: {  	[sflag:s1] =	ssyncadd.s32 $0xFFFFF800  }
0x24: {  	v2 =	vld.msk [tilespmem:$0x0], $0x1;
	_ =	sdelay $0x4  }
0x25: {  	v3 =	vshrl.u32 v2, $0x3  }
0x26: {  	v3 =	vmul.u32 $0x300, v3  }
0x27: {  	v2 =	vand.u32 $0x7, v2  }
0x28: {  	v2 =	vor.u32 v2, v3  }
0x29: {  	v2 =	vperm.xlane v2, v0;
	_ =	sdelay $0x1  }
0x2a: {  	v2 =	vadd.s32 v1, v2;
	_ =	sdelay $0x4  }
0x2b: {  	[tilespmem:s6], [sflag:$0x1] =	stream.indirect_vreg.gather [hbm4b:s3+s2], $0x80, v2, vm0, $0xb8;
	[tilespmem:$0xC800] =	vst v63  }
0x2c: {  	s23 =	simm.s32 $0x1000  }
0x2d: {  	[tilespmem:s23], [sflag:$0x1] =	stream.indirect_vreg.gather [hbm4b:s4+s2], $0x80, v2, vm0, $0xb8;
	[tilespmem:$0xC800] =	vst v63  }
0x2e: {  	s31 =	simm.s32 $0x1800  }
0x2f: {  	[tilespmem:s31], [sflag:$0x1] =	stream.indirect_vreg.gather [hbm4b:s5+s2], $0x80, v2, vm0, $0xb8;
	[tilespmem:$0xC800] =	vst v63  }
0x30: {  	s13 =	simm.s32 $0x2000  }
0x31: {  	[tilespmem:s13], [sflag:$0x1] =	stream.indirect_vreg.gather [hbm4b:s7+s2], $0x80, v2, vm0, $0xb8;
	[tilespmem:$0xC800] =	vst v63  }
0x32: {  	s14 =	simm.s32 $0x2800  }
0x33: {  	[tilespmem:s14], [sflag:$0x1] =	stream.indirect_vreg.gather [hbm4b:s8+s2], $0x80, v2, vm0, $0xb8;
	[tilespmem:$0xC800] =	vst v63  }
0x34: {  	s15 =	simm.s32 $0x3000  }
0x35: {  	[tilespmem:s15], [sflag:$0x1] =	stream.indirect_vreg.gather [hbm4b:s9+s2], $0x80, v2, vm0, $0xb8;
	[tilespmem:$0xC800] =	vst v63  }
0x36: {  	v2 =	vld.msk [tilespmem:$0x80], $0x1;
	_ =	sdelay $0x4  }
0x37: {  	v3 =	vshrl.u32 v2, $0x3  }
0x38: {  	v3 =	vmul.u32 $0x300, v3  }
0x39: {  	v2 =	vand.u32 $0x7, v2  }
0x3a: {  	v2 =	vor.u32 v2, v3  }
0x3b: {  	v2 =	vperm.xlane v2, v0;
	_ =	sdelay $0x1  }
0x3c: {  	v2 =	vadd.s32 v1, v2;
	_ =	sdelay $0x4  }
0x3d: {  	[tilespmem:s29], [sflag:$0x2] =	stream.indirect_vreg.gather [hbm4b:s3+s2], $0x80, v2, vm0, $0xb8;
	[tilespmem:$0xC800] =	vst v63  }
0x3e: {  	s16 =	simm.s32 $0x4000  }
0x3f: {  	[tilespmem:s16], [sflag:$0x2] =	stream.indirect_vreg.gather [hbm4b:s4+s2], $0x80, v2, vm0, $0xb8;
	[tilespmem:$0xC800] =	vst v63  }
0x40: {  	s17 =	simm.s32 $0x4800  }
0x41: {  	[tilespmem:s17], [sflag:$0x2] =	stream.indirect_vreg.gather [hbm4b:s5+s2], $0x80, v2, vm0, $0xb8;
	[tilespmem:$0xC800] =	vst v63  }
0x42: {  	s18 =	simm.s32 $0x5000  }
0x43: {  	[tilespmem:s18], [sflag:$0x2] =	stream.indirect_vreg.gather [hbm4b:s7+s2], $0x80, v2, vm0, $0xb8;
	[tilespmem:$0xC800] =	vst v63  }
0x44: {  	s23 =	simm.s32 $0x5800  }
0x45: {  	[tilespmem:s23], [sflag:$0x2] =	stream.indirect_vreg.gather [hbm4b:s8+s2], $0x80, v2, vm0, $0xb8;
	[tilespmem:$0xC800] =	vst v63  }
0x46: {  	s31 =	simm.s32 $0x6000  }
0x47: {  	[tilespmem:s31], [sflag:$0x2] =	stream.indirect_vreg.gather [hbm4b:s9+s2], $0x80, v2, vm0, $0xb8;
	[tilespmem:$0xC800] =	vst v63  }
0x48: {  	_ =	swait.ge [sflag:s25], $0x3000  }
0x49: {  	s1 =	rddreg [dreg:$0x13]  }
0x4a: {  	[sflag:s25] =	ssyncset.done $0x0;
	s14 =	rddreg [dreg:$0x14]  }
0x4b: {  	[sflag:s25] =	ssyncadd.s32 $0xFFFFD000;
	s31 =	sadd.s32 s1, s14  }
0x4c: {  	[hbm4b:s31+s26] =	stream.strided.scatter [tilespmem:s6], [sflag:$0x5], $0x3000, s28, s26, $0x38;
	[tilespmem:$0xC800] =	vst v63  }
0x4d: {  	v2 =	vld.msk [tilespmem:$0x100], $0x1;
	_ =	sdelay $0x4  }
0x4e: {  	v3 =	vshrl.u32 v2, $0x3  }
0x4f: {  	v3 =	vmul.u32 $0x300, v3  }
0x50: {  	v2 =	vand.u32 $0x7, v2  }
0x51: {  	v2 =	vor.u32 v2, v3  }
0x52: {  	v2 =	vperm.xlane v2, v0;
	_ =	sdelay $0x1  }
0x53: {  	v2 =	vadd.s32 v1, v2;
	_ =	sdelay $0x4  }
0x54: {  	[tilespmem:s12], [sflag:$0x3] =	stream.indirect_vreg.gather [hbm4b:s3+s2], $0x80, v2, vm0, $0xb8;
	[tilespmem:$0xC800] =	vst v63  }
0x55: {  	s15 =	simm.s32 $0x7000  }
0x56: {  	[tilespmem:s15], [sflag:$0x3] =	stream.indirect_vreg.gather [hbm4b:s4+s2], $0x80, v2, vm0, $0xb8;
	[tilespmem:$0xC800] =	vst v63  }
0x57: {  	s16 =	simm.s32 $0x7800  }
0x58: {  	[tilespmem:s16], [sflag:$0x3] =	stream.indirect_vreg.gather [hbm4b:s5+s2], $0x80, v2, vm0, $0xb8;
	[tilespmem:$0xC800] =	vst v63  }
0x59: {  	s23 =	simm.s32 $0x8000  }
0x5a: {  	[tilespmem:s23], [sflag:$0x3] =	stream.indirect_vreg.gather [hbm4b:s7+s2], $0x80, v2, vm0, $0xb8;
	[tilespmem:$0xC800] =	vst v63  }
0x5b: {  	s31 =	simm.s32 $0x8800  }
0x5c: {  	[tilespmem:s31], [sflag:$0x3] =	stream.indirect_vreg.gather [hbm4b:s8+s2], $0x80, v2, vm0, $0xb8;
	[tilespmem:$0xC800] =	vst v63  }
0x5d: {  	s14 =	simm.s32 $0x9000  }
0x5e: {  	[tilespmem:s14], [sflag:$0x3] =	stream.indirect_vreg.gather [hbm4b:s9+s2], $0x80, v2, vm0, $0xb8;
	[tilespmem:$0xC800] =	vst v63  }
0x5f: {  	_ =	swait.ge [sflag:s10], $0x3000  }
0x60: {  	[sflag:s10] =	ssyncset.done $0x0  }
0x61: {  	s15 =	rddreg [dreg:$0x4];
	[sflag:s10] =	ssyncadd.s32 $0xFFFFD000  }
0x62: {  	[hbm4b:s15+s26] =	stream.strided.scatter [tilespmem:s29], [sflag:$0x6], $0x3000, s28, s26, $0x38;
	[tilespmem:$0xC800] =	vst v63  }
0x63: {  	v2 =	vld.msk [tilespmem:$0x180], $0x1;
	_ =	sdelay $0x4  }
0x64: {  	v3 =	vshrl.u32 v2, $0x3  }
0x65: {  	v3 =	vmul.u32 $0x300, v3  }
0x66: {  	v2 =	vand.u32 $0x7, v2  }
0x67: {  	v2 =	vor.u32 v2, v3  }
0x68: {  	v2 =	vperm.xlane v2, v0;
	_ =	sdelay $0x1  }
0x69: {  	v2 =	vadd.s32 v1, v2;
	_ =	sdelay $0x4  }
0x6a: {  	[tilespmem:s21], [sflag:$0x4] =	stream.indirect_vreg.gather [hbm4b:s3+s2], $0x80, v2, vm0, $0xb8;
	[tilespmem:$0xC800] =	vst v63  }
0x6b: {  	s16 =	simm.s32 $0xA000  }
0x6c: {  	[tilespmem:s16], [sflag:$0x4] =	stream.indirect_vreg.gather [hbm4b:s4+s2], $0x80, v2, vm0, $0xb8;
	[tilespmem:$0xC800] =	vst v63  }
0x6d: {  	s23 =	simm.s32 $0xA800  }
0x6e: {  	[tilespmem:s23], [sflag:$0x4] =	stream.indirect_vreg.gather [hbm4b:s5+s2], $0x80, v2, vm0, $0xb8;
	[tilespmem:$0xC800] =	vst v63  }
0x6f: {  	s1 =	simm.s32 $0xB000  }
0x70: {  	[tilespmem:s1], [sflag:$0x4] =	stream.indirect_vreg.gather [hbm4b:s7+s2], $0x80, v2, vm0, $0xb8;
	[tilespmem:$0xC800] =	vst v63  }
0x71: {  	s14 =	simm.s32 $0xB800  }
0x72: {  	[tilespmem:s14], [sflag:$0x4] =	stream.indirect_vreg.gather [hbm4b:s8+s2], $0x80, v2, vm0, $0xb8;
	[tilespmem:$0xC800] =	vst v63  }
0x73: {  	s15 =	simm.s32 $0xC000  }
0x74: {  	[tilespmem:s15], [sflag:$0x4] =	stream.indirect_vreg.gather [hbm4b:s9+s2], $0x80, v2, vm0, $0xb8;
	[tilespmem:$0xC800] =	vst v63  }
0x75: {  	_ =	swait.ge [sflag:s20], $0x3000  }
0x76: {  	[sflag:s20] =	ssyncset.done $0x0  }
0x77: {  	s23 =	simm.s32 $0x5;
	s16 =	rddreg [dreg:$0x5];
	[sflag:s20] =	ssyncadd.s32 $0xFFFFD000  }
0x78: {  	[hbm4b:s16+s26] =	stream.strided.scatter [tilespmem:s12], [sflag:$0x7], $0x3000, s28, s26, $0x38;
	[tilespmem:$0xC800] =	vst v63  }
0x79: {  	_ =	swait.ge [sflag:s23], $0x3000  }
0x7a: {  	[sflag:s23] =	ssyncset.done $0x0  }
0x7b: {  	[sflag:s23] =	ssyncadd.s32 $0xFFFFD000  }
0x7c: {  	v2 =	vld.msk [tilespmem:$0x200], $0x1;
	_ =	sdelay $0x4  }
0x7d: {  	v3 =	vshrl.u32 v2, $0x3  }
0x7e: {  	v3 =	vmul.u32 $0x300, v3  }
0x7f: {  	v2 =	vand.u32 $0x7, v2  }
0x80: {  	v2 =	vor.u32 v2, v3  }
0x81: {  	v2 =	vperm.xlane v2, v0;
	_ =	sdelay $0x1  }
0x82: {  	v2 =	vadd.s32 v1, v2;
	_ =	sdelay $0x4  }
0x83: {  	[tilespmem:s6], [sflag:$0x1] =	stream.indirect_vreg.gather [hbm4b:s3+s2], $0x80, v2, vm0, $0xb8;
	[tilespmem:$0xC800] =	vst v63  }
0x84: {  	s0 =	simm.s32 $0x1000  }
0x85: {  	[tilespmem:s0], [sflag:$0x1] =	stream.indirect_vreg.gather [hbm4b:s4+s2], $0x80, v2, vm0, $0xb8;
	[tilespmem:$0xC800] =	vst v63  }
0x86: {  	s19 =	simm.s32 $0x1800  }
0x87: {  	[tilespmem:s19], [sflag:$0x1] =	stream.indirect_vreg.gather [hbm4b:s5+s2], $0x80, v2, vm0, $0xb8;
	[tilespmem:$0xC800] =	vst v63  }
0x88: {  	s14 =	simm.s32 $0x2000  }
0x89: {  	[tilespmem:s14], [sflag:$0x1] =	stream.indirect_vreg.gather [hbm4b:s7+s2], $0x80, v2, vm0, $0xb8;
	[tilespmem:$0xC800] =	vst v63  }
0x8a: {  	s15 =	simm.s32 $0x2800  }
0x8b: {  	[tilespmem:s15], [sflag:$0x1] =	stream.indirect_vreg.gather [hbm4b:s8+s2], $0x80, v2, vm0, $0xb8;
	[tilespmem:$0xC800] =	vst v63  }
0x8c: {  	s16 =	simm.s32 $0x3000  }
0x8d: {  	[tilespmem:s16], [sflag:$0x1] =	stream.indirect_vreg.gather [hbm4b:s9+s2], $0x80, v2, vm0, $0xb8;
	[tilespmem:$0xC800] =	vst v63  }
0x8e: {  	_ =	swait.ge [sflag:s22], $0x3000  }
0x8f: {  	[sflag:s22] =	ssyncset.done $0x0  }
0x90: {  	s0 =	simm.s32 $0x6;
	s19 =	rddreg [dreg:$0x6];
	[sflag:s22] =	ssyncadd.s32 $0xFFFFD000  }
0x91: {  	[hbm4b:s19+s26] =	stream.strided.scatter [tilespmem:s21], [sflag:$0x8], $0x3000, s28, s26, $0x38;
	[tilespmem:$0xC800] =	vst v63  }
0x92: {  	_ =	swait.ge [sflag:s0], $0x3000  }
0x93: {  	[sflag:s0] =	ssyncset.done $0x0  }
0x94: {  	[sflag:s0] =	ssyncadd.s32 $0xFFFFD000  }
0x95: {  	v2 =	vld.msk [tilespmem:$0x280], $0x1;
	_ =	sdelay $0x4  }
0x96: {  	v3 =	vshrl.u32 v2, $0x3  }
0x97: {  	v3 =	vmul.u32 $0x300, v3  }
0x98: {  	v2 =	vand.u32 $0x7, v2  }
0x99: {  	v2 =	vor.u32 v2, v3  }
0x9a: {  	v2 =	vperm.xlane v2, v0;
	_ =	sdelay $0x1  }
0x9b: {  	v2 =	vadd.s32 v1, v2;
	_ =	sdelay $0x4  }
0x9c: {  	[tilespmem:s29], [sflag:$0x2] =	stream.indirect_vreg.gather [hbm4b:s3+s2], $0x80, v2, vm0, $0xb8;
	[tilespmem:$0xC800] =	vst v63  }
0x9d: {  	s13 =	simm.s32 $0x4000  }
0x9e: {  	[tilespmem:s13], [sflag:$0x2] =	stream.indirect_vreg.gather [hbm4b:s4+s2], $0x80, v2, vm0, $0xb8;
	[tilespmem:$0xC800] =	vst v63  }
0x9f: {  	s17 =	simm.s32 $0x4800  }
0xa0: {  	[tilespmem:s17], [sflag:$0x2] =	stream.indirect_vreg.gather [hbm4b:s5+s2], $0x80, v2, vm0, $0xb8;
	[tilespmem:$0xC800] =	vst v63  }
0xa1: {  	s18 =	simm.s32 $0x5000  }
0xa2: {  	[tilespmem:s18], [sflag:$0x2] =	stream.indirect_vreg.gather [hbm4b:s7+s2], $0x80, v2, vm0, $0xb8;
	[tilespmem:$0xC800] =	vst v63  }
0xa3: {  	s19 =	simm.s32 $0x5800  }
0xa4: {  	[tilespmem:s19], [sflag:$0x2] =	stream.indirect_vreg.gather [hbm4b:s8+s2], $0x80, v2, vm0, $0xb8;
	[tilespmem:$0xC800] =	vst v63  }
0xa5: {  	s31 =	simm.s32 $0x6000  }
0xa6: {  	[tilespmem:s31], [sflag:$0x2] =	stream.indirect_vreg.gather [hbm4b:s9+s2], $0x80, v2, vm0, $0xb8;
	[tilespmem:$0xC800] =	vst v63  }
0xa7: {  	_ =	swait.ge [sflag:s25], $0x3000  }
0xa8: {  	[sflag:s25] =	ssyncset.done $0x0  }
0xa9: {  	s13 =	rddreg [dreg:$0x7];
	[sflag:s25] =	ssyncadd.s32 $0xFFFFD000  }
0xaa: {  	[hbm4b:s13+s26] =	stream.strided.scatter [tilespmem:s6], [sflag:$0x5], $0x3000, s28, s26, $0x38;
	[tilespmem:$0xC800] =	vst v63  }
0xab: {  	_ =	swait.ge [sflag:s24], $0x3000  }
0xac: {  	[sflag:s24] =	ssyncset.done $0x0  }
0xad: {  	[sflag:s24] =	ssyncadd.s32 $0xFFFFD000  }
0xae: {  	v2 =	vld.msk [tilespmem:$0x300], $0x1;
	_ =	sdelay $0x4  }
0xaf: {  	v3 =	vshrl.u32 v2, $0x3  }
0xb0: {  	v3 =	vmul.u32 $0x300, v3  }
0xb1: {  	v2 =	vand.u32 $0x7, v2  }
0xb2: {  	v2 =	vor.u32 v2, v3  }
0xb3: {  	v2 =	vperm.xlane v2, v0;
	_ =	sdelay $0x1  }
0xb4: {  	v2 =	vadd.s32 v1, v2;
	_ =	sdelay $0x4  }
0xb5: {  	[tilespmem:s12], [sflag:$0x3] =	stream.indirect_vreg.gather [hbm4b:s3+s2], $0x80, v2, vm0, $0xb8;
	[tilespmem:$0xC800] =	vst v63  }
0xb6: {  	s13 =	simm.s32 $0x7000  }
0xb7: {  	[tilespmem:s13], [sflag:$0x3] =	stream.indirect_vreg.gather [hbm4b:s4+s2], $0x80, v2, vm0, $0xb8;
	[tilespmem:$0xC800] =	vst v63  }
0xb8: {  	s17 =	simm.s32 $0x7800  }
0xb9: {  	[tilespmem:s17], [sflag:$0x3] =	stream.indirect_vreg.gather [hbm4b:s5+s2], $0x80, v2, vm0, $0xb8;
	[tilespmem:$0xC800] =	vst v63  }
0xba: {  	s18 =	simm.s32 $0x8000  }
0xbb: {  	[tilespmem:s18], [sflag:$0x3] =	stream.indirect_vreg.gather [hbm4b:s7+s2], $0x80, v2, vm0, $0xb8;
	[tilespmem:$0xC800] =	vst v63  }
0xbc: {  	s1 =	simm.s32 $0x8800  }
0xbd: {  	[tilespmem:s1], [sflag:$0x3] =	stream.indirect_vreg.gather [hbm4b:s8+s2], $0x80, v2, vm0, $0xb8;
	[tilespmem:$0xC800] =	vst v63  }
0xbe: {  	s31 =	simm.s32 $0x9000  }
0xbf: {  	[tilespmem:s31], [sflag:$0x3] =	stream.indirect_vreg.gather [hbm4b:s9+s2], $0x80, v2, vm0, $0xb8;
	[tilespmem:$0xC800] =	vst v63  }
0xc0: {  	_ =	swait.ge [sflag:s10], $0x3000  }
0xc1: {  	[sflag:s10] =	ssyncset.done $0x0  }
0xc2: {  	s31 =	rddreg [dreg:$0x8];
	[sflag:s10] =	ssyncadd.s32 $0xFFFFD000  }
0xc3: {  	[hbm4b:s31+s26] =	stream.strided.scatter [tilespmem:s29], [sflag:$0x6], $0x3000, s28, s26, $0x38;
	[tilespmem:$0xC800] =	vst v63  }
0xc4: {  	_ =	swait.ge [sflag:s30], $0x3000  }
0xc5: {  	[sflag:s30] =	ssyncset.done $0x0  }
0xc6: {  	[sflag:s30] =	ssyncadd.s32 $0xFFFFD000  }
0xc7: {  	v2 =	vld.msk [tilespmem:$0x380], $0x1;
	_ =	sdelay $0x4  }
0xc8: {  	v3 =	vshrl.u32 v2, $0x3  }
0xc9: {  	v3 =	vmul.u32 $0x300, v3  }
0xca: {  	v2 =	vand.u32 $0x7, v2  }
0xcb: {  	v2 =	vor.u32 v2, v3  }
0xcc: {  	v2 =	vperm.xlane v2, v0;
	_ =	sdelay $0x1  }
0xcd: {  	v2 =	vadd.s32 v1, v2;
	_ =	sdelay $0x4  }
0xce: {  	[tilespmem:s21], [sflag:$0x4] =	stream.indirect_vreg.gather [hbm4b:s3+s2], $0x80, v2, vm0, $0xb8;
	[tilespmem:$0xC800] =	vst v63  }
0xcf: {  	s31 =	simm.s32 $0xA000  }
0xd0: {  	[tilespmem:s31], [sflag:$0x4] =	stream.indirect_vreg.gather [hbm4b:s4+s2], $0x80, v2, vm0, $0xb8;
	[tilespmem:$0xC800] =	vst v63  }
0xd1: {  	s31 =	simm.s32 $0xA800  }
0xd2: {  	[tilespmem:s31], [sflag:$0x4] =	stream.indirect_vreg.gather [hbm4b:s5+s2], $0x80, v2, vm0, $0xb8;
	[tilespmem:$0xC800] =	vst v63  }
0xd3: {  	s31 =	simm.s32 $0xB000  }
0xd4: {  	[tilespmem:s31], [sflag:$0x4] =	stream.indirect_vreg.gather [hbm4b:s7+s2], $0x80, v2, vm0, $0xb8;
	[tilespmem:$0xC800] =	vst v63  }
0xd5: {  	s31 =	simm.s32 $0xB800  }
0xd6: {  	[tilespmem:s31], [sflag:$0x4] =	stream.indirect_vreg.gather [hbm4b:s8+s2], $0x80, v2, vm0, $0xb8;
	[tilespmem:$0xC800] =	vst v63  }
0xd7: {  	s31 =	simm.s32 $0xC000  }
0xd8: {  	[tilespmem:s31], [sflag:$0x4] =	stream.indirect_vreg.gather [hbm4b:s9+s2], $0x80, v2, vm0, $0xb8;
	[tilespmem:$0xC800] =	vst v63  }
0xd9: {  	_ =	swait.ge [sflag:s20], $0x3000  }
0xda: {  	[sflag:s20] =	ssyncset.done $0x0  }
0xdb: {  	s31 =	rddreg [dreg:$0x9];
	[sflag:s20] =	ssyncadd.s32 $0xFFFFD000  }
0xdc: {  	[hbm4b:s31+s26] =	stream.strided.scatter [tilespmem:s12], [sflag:$0x7], $0x3000, s28, s26, $0x38;
	[tilespmem:$0xC800] =	vst v63  }
0xdd: {  	_ =	swait.ge [sflag:s23], $0x3000  }
0xde: {  	[sflag:s23] =	ssyncset.done $0x0  }
0xdf: {  	[sflag:s23] =	ssyncadd.s32 $0xFFFFD000  }
0xe0: {  	v2 =	vld.msk [tilespmem:$0x400], $0x1;
	_ =	sdelay $0x4  }
0xe1: {  	v3 =	vshrl.u32 v2, $0x3  }
0xe2: {  	v3 =	vmul.u32 $0x300, v3  }
0xe3: {  	v2 =	vand.u32 $0x7, v2  }
0xe4: {  	v2 =	vor.u32 v2, v3  }
0xe5: {  	v2 =	vperm.xlane v2, v0;
	_ =	sdelay $0x1  }
0xe6: {  	v2 =	vadd.s32 v1, v2;
	_ =	sdelay $0x4  }
0xe7: {  	[tilespmem:s6], [sflag:$0x1] =	stream.indirect_vreg.gather [hbm4b:s3+s2], $0x80, v2, vm0, $0xb8;
	[tilespmem:$0xC800] =	vst v63  }
0xe8: {  	s31 =	simm.s32 $0x1000  }
0xe9: {  	[tilespmem:s31], [sflag:$0x1] =	stream.indirect_vreg.gather [hbm4b:s4+s2], $0x80, v2, vm0, $0xb8;
	[tilespmem:$0xC800] =	vst v63  }
0xea: {  	s31 =	simm.s32 $0x1800  }
0xeb: {  	[tilespmem:s31], [sflag:$0x1] =	stream.indirect_vreg.gather [hbm4b:s5+s2], $0x80, v2, vm0, $0xb8;
	[tilespmem:$0xC800] =	vst v63  }
0xec: {  	_ = 	snop  }
0xed: {  	[tilespmem:s14], [sflag:$0x1] =	stream.indirect_vreg.gather [hbm4b:s7+s2], $0x80, v2, vm0, $0xb8;
	[tilespmem:$0xC800] =	vst v63  }
0xee: {  	_ = 	snop  }
0xef: {  	[tilespmem:s15], [sflag:$0x1] =	stream.indirect_vreg.gather [hbm4b:s8+s2], $0x80, v2, vm0, $0xb8;
	[tilespmem:$0xC800] =	vst v63  }
0xf0: {  	_ = 	snop  }
0xf1: {  	[tilespmem:s16], [sflag:$0x1] =	stream.indirect_vreg.gather [hbm4b:s9+s2], $0x80, v2, vm0, $0xb8;
	[tilespmem:$0xC800] =	vst v63  }
0xf2: {  	_ =	swait.ge [sflag:s22], $0x3000  }
0xf3: {  	[sflag:s22] =	ssyncset.done $0x0  }
0xf4: {  	s15 =	rddreg [dreg:$0xa];
	[sflag:s22] =	ssyncadd.s32 $0xFFFFD000  }
0xf5: {  	[hbm4b:s15+s26] =	stream.strided.scatter [tilespmem:s21], [sflag:$0x8], $0x3000, s28, s26, $0x38;
	[tilespmem:$0xC800] =	vst v63  }
0xf6: {  	_ =	swait.ge [sflag:s0], $0x3000  }
0xf7: {  	[sflag:s0] =	ssyncset.done $0x0  }
0xf8: {  	[sflag:s0] =	ssyncadd.s32 $0xFFFFD000  }
0xf9: {  	v2 =	vld.msk [tilespmem:$0x480], $0x1;
	_ =	sdelay $0x4  }
0xfa: {  	v3 =	vshrl.u32 v2, $0x3  }
0xfb: {  	v3 =	vmul.u32 $0x300, v3  }
0xfc: {  	v2 =	vand.u32 $0x7, v2  }
0xfd: {  	v2 =	vor.u32 v2, v3  }
0xfe: {  	v2 =	vperm.xlane v2, v0;
	_ =	sdelay $0x1  }
0xff: {  	v2 =	vadd.s32 v1, v2;
	_ =	sdelay $0x4  }
0x100: {  	[tilespmem:s29], [sflag:$0x2] =	stream.indirect_vreg.gather [hbm4b:s3+s2], $0x80, v2, vm0, $0xb8;
	[tilespmem:$0xC800] =	vst v63  }
0x101: {  	s31 =	simm.s32 $0x4000  }
0x102: {  	[tilespmem:s31], [sflag:$0x2] =	stream.indirect_vreg.gather [hbm4b:s4+s2], $0x80, v2, vm0, $0xb8;
	[tilespmem:$0xC800] =	vst v63  }
0x103: {  	s15 =	simm.s32 $0x4800  }
0x104: {  	[tilespmem:s15], [sflag:$0x2] =	stream.indirect_vreg.gather [hbm4b:s5+s2], $0x80, v2, vm0, $0xb8;
	[tilespmem:$0xC800] =	vst v63  }
0x105: {  	s31 =	simm.s32 $0x5000  }
0x106: {  	[tilespmem:s31], [sflag:$0x2] =	stream.indirect_vreg.gather [hbm4b:s7+s2], $0x80, v2, vm0, $0xb8;
	[tilespmem:$0xC800] =	vst v63  }
0x107: {  	_ = 	snop  }
0x108: {  	[tilespmem:s19], [sflag:$0x2] =	stream.indirect_vreg.gather [hbm4b:s8+s2], $0x80, v2, vm0, $0xb8;
	[tilespmem:$0xC800] =	vst v63  }
0x109: {  	s14 =	simm.s32 $0x6000  }
0x10a: {  	[tilespmem:s14], [sflag:$0x2] =	stream.indirect_vreg.gather [hbm4b:s9+s2], $0x80, v2, vm0, $0xb8;
	[tilespmem:$0xC800] =	vst v63  }
0x10b: {  	_ =	swait.ge [sflag:s25], $0x3000  }
0x10c: {  	[sflag:s25] =	ssyncset.done $0x0  }
0x10d: {  	s15 =	rddreg [dreg:$0xb];
	[sflag:s25] =	ssyncadd.s32 $0xFFFFD000  }
0x10e: {  	[hbm4b:s15+s26] =	stream.strided.scatter [tilespmem:s6], [sflag:$0x5], $0x3000, s28, s26, $0x38;
	[tilespmem:$0xC800] =	vst v63  }
0x10f: {  	_ =	swait.ge [sflag:s24], $0x3000  }
0x110: {  	[sflag:s24] =	ssyncset.done $0x0  }
0x111: {  	[sflag:s24] =	ssyncadd.s32 $0xFFFFD000  }
0x112: {  	v2 =	vld.msk [tilespmem:$0x500], $0x1;
	_ =	sdelay $0x4  }
0x113: {  	v3 =	vshrl.u32 v2, $0x3  }
0x114: {  	v3 =	vmul.u32 $0x300, v3  }
0x115: {  	v2 =	vand.u32 $0x7, v2  }
0x116: {  	v2 =	vor.u32 v2, v3  }
0x117: {  	v2 =	vperm.xlane v2, v0;
	_ =	sdelay $0x1  }
0x118: {  	v2 =	vadd.s32 v1, v2;
	_ =	sdelay $0x4  }
0x119: {  	[tilespmem:s12], [sflag:$0x3] =	stream.indirect_vreg.gather [hbm4b:s3+s2], $0x80, v2, vm0, $0xb8;
	[tilespmem:$0xC800] =	vst v63  }
0x11a: {  	_ = 	snop  }
0x11b: {  	[tilespmem:s13], [sflag:$0x3] =	stream.indirect_vreg.gather [hbm4b:s4+s2], $0x80, v2, vm0, $0xb8;
	[tilespmem:$0xC800] =	vst v63  }
0x11c: {  	_ = 	snop  }
0x11d: {  	[tilespmem:s17], [sflag:$0x3] =	stream.indirect_vreg.gather [hbm4b:s5+s2], $0x80, v2, vm0, $0xb8;
	[tilespmem:$0xC800] =	vst v63  }
0x11e: {  	_ = 	snop  }
0x11f: {  	[tilespmem:s18], [sflag:$0x3] =	stream.indirect_vreg.gather [hbm4b:s7+s2], $0x80, v2, vm0, $0xb8;
	[tilespmem:$0xC800] =	vst v63  }
0x120: {  	_ = 	snop  }
0x121: {  	[tilespmem:s1], [sflag:$0x3] =	stream.indirect_vreg.gather [hbm4b:s8+s2], $0x80, v2, vm0, $0xb8;
	[tilespmem:$0xC800] =	vst v63  }
0x122: {  	s13 =	simm.s32 $0x9000  }
0x123: {  	[tilespmem:s13], [sflag:$0x3] =	stream.indirect_vreg.gather [hbm4b:s9+s2], $0x80, v2, vm0, $0xb8;
	[tilespmem:$0xC800] =	vst v63  }
0x124: {  	_ =	swait.ge [sflag:s10], $0x3000  }
0x125: {  	[sflag:s10] =	ssyncset.done $0x0  }
0x126: {  	s14 =	rddreg [dreg:$0xc];
	[sflag:s10] =	ssyncadd.s32 $0xFFFFD000  }
0x127: {  	[hbm4b:s14+s26] =	stream.strided.scatter [tilespmem:s29], [sflag:$0x6], $0x3000, s28, s26, $0x38;
	[tilespmem:$0xC800] =	vst v63  }
0x128: {  	_ =	swait.ge [sflag:s30], $0x3000  }
0x129: {  	[sflag:s30] =	ssyncset.done $0x0  }
0x12a: {  	[sflag:s30] =	ssyncadd.s32 $0xFFFFD000  }
0x12b: {  	v2 =	vld.msk [tilespmem:$0x580], $0x1;
	_ =	sdelay $0x4  }
0x12c: {  	v3 =	vshrl.u32 v2, $0x3  }
0x12d: {  	v3 =	vmul.u32 $0x300, v3  }
0x12e: {  	v2 =	vand.u32 $0x7, v2  }
0x12f: {  	v2 =	vor.u32 v2, v3  }
0x130: {  	v2 =	vperm.xlane v2, v0;
	_ =	sdelay $0x1  }
0x131: {  	v2 =	vadd.s32 v1, v2;
	_ =	sdelay $0x4  }
0x132: {  	[tilespmem:s21], [sflag:$0x4] =	stream.indirect_vreg.gather [hbm4b:s3+s2], $0x80, v2, vm0, $0xb8;
	[tilespmem:$0xC800] =	vst v63  }
0x133: {  	s15 =	simm.s32 $0xA000  }
0x134: {  	[tilespmem:s15], [sflag:$0x4] =	stream.indirect_vreg.gather [hbm4b:s4+s2], $0x80, v2, vm0, $0xb8;
	[tilespmem:$0xC800] =	vst v63  }
0x135: {  	s1 =	simm.s32 $0xA800  }
0x136: {  	[tilespmem:s1], [sflag:$0x4] =	stream.indirect_vreg.gather [hbm4b:s5+s2], $0x80, v2, vm0, $0xb8;
	[tilespmem:$0xC800] =	vst v63  }
0x137: {  	s13 =	simm.s32 $0xB000  }
0x138: {  	[tilespmem:s13], [sflag:$0x4] =	stream.indirect_vreg.gather [hbm4b:s7+s2], $0x80, v2, vm0, $0xb8;
	[tilespmem:$0xC800] =	vst v63  }
0x139: {  	s14 =	simm.s32 $0xB800  }
0x13a: {  	[tilespmem:s14], [sflag:$0x4] =	stream.indirect_vreg.gather [hbm4b:s8+s2], $0x80, v2, vm0, $0xb8;
	[tilespmem:$0xC800] =	vst v63  }
0x13b: {  	s15 =	simm.s32 $0xC000  }
0x13c: {  	[tilespmem:s15], [sflag:$0x4] =	stream.indirect_vreg.gather [hbm4b:s9+s2], $0x80, v2, vm0, $0xb8;
	[tilespmem:$0xC800] =	vst v63  }
0x13d: {  	_ =	swait.ge [sflag:s20], $0x3000  }
0x13e: {  	[sflag:s20] =	ssyncset.done $0x0  }
0x13f: {  	s31 =	rddreg [dreg:$0xd];
	[sflag:s20] =	ssyncadd.s32 $0xFFFFD000  }
0x140: {  	[hbm4b:s31+s26] =	stream.strided.scatter [tilespmem:s12], [sflag:$0x7], $0x3000, s28, s26, $0x38;
	[tilespmem:$0xC800] =	vst v63  }
0x141: {  	_ =	swait.ge [sflag:s23], $0x3000  }
0x142: {  	[sflag:s23] =	ssyncset.done $0x0  }
0x143: {  	[sflag:s23] =	ssyncadd.s32 $0xFFFFD000  }
0x144: {  	v2 =	vld.msk [tilespmem:$0x600], $0x1;
	_ =	sdelay $0x4  }
0x145: {  	v3 =	vshrl.u32 v2, $0x3  }
0x146: {  	v3 =	vmul.u32 $0x300, v3  }
0x147: {  	v2 =	vand.u32 $0x7, v2  }
0x148: {  	v2 =	vor.u32 v2, v3  }
0x149: {  	v2 =	vperm.xlane v2, v0;
	_ =	sdelay $0x1  }
0x14a: {  	v2 =	vadd.s32 v1, v2;
	_ =	sdelay $0x4  }
0x14b: {  	[tilespmem:s6], [sflag:$0x1] =	stream.indirect_vreg.gather [hbm4b:s3+s2], $0x80, v2, vm0, $0xb8;
	[tilespmem:$0xC800] =	vst v63  }
0x14c: {  	s31 =	simm.s32 $0x1000  }
0x14d: {  	[tilespmem:s31], [sflag:$0x1] =	stream.indirect_vreg.gather [hbm4b:s4+s2], $0x80, v2, vm0, $0xb8;
	[tilespmem:$0xC800] =	vst v63  }
0x14e: {  	s31 =	simm.s32 $0x1800  }
0x14f: {  	[tilespmem:s31], [sflag:$0x1] =	stream.indirect_vreg.gather [hbm4b:s5+s2], $0x80, v2, vm0, $0xb8;
	[tilespmem:$0xC800] =	vst v63  }
0x150: {  	s31 =	simm.s32 $0x2000  }
0x151: {  	[tilespmem:s31], [sflag:$0x1] =	stream.indirect_vreg.gather [hbm4b:s7+s2], $0x80, v2, vm0, $0xb8;
	[tilespmem:$0xC800] =	vst v63  }
0x152: {  	s31 =	simm.s32 $0x2800  }
0x153: {  	[tilespmem:s31], [sflag:$0x1] =	stream.indirect_vreg.gather [hbm4b:s8+s2], $0x80, v2, vm0, $0xb8;
	[tilespmem:$0xC800] =	vst v63  }
0x154: {  	s16 =	simm.s32 $0x3000  }
0x155: {  	[tilespmem:s16], [sflag:$0x1] =	stream.indirect_vreg.gather [hbm4b:s9+s2], $0x80, v2, vm0, $0xb8;
	[tilespmem:$0xC800] =	vst v63  }
0x156: {  	_ =	swait.ge [sflag:s22], $0x3000  }
0x157: {  	[sflag:s22] =	ssyncset.done $0x0  }
0x158: {  	s23 =	rddreg [dreg:$0xe];
	[sflag:s22] =	ssyncadd.s32 $0xFFFFD000  }
0x159: {  	[hbm4b:s23+s26] =	stream.strided.scatter [tilespmem:s21], [sflag:$0x8], $0x3000, s28, s26, $0x38;
	[tilespmem:$0xC800] =	vst v63  }
0x15a: {  	_ =	swait.ge [sflag:s0], $0x3000  }
0x15b: {  	[sflag:s0] =	ssyncset.done $0x0  }
0x15c: {  	[sflag:s0] =	ssyncadd.s32 $0xFFFFD000  }
0x15d: {  	v2 =	vld.msk [tilespmem:$0x680], $0x1;
	_ =	sdelay $0x4  }
0x15e: {  	v3 =	vshrl.u32 v2, $0x3  }
0x15f: {  	v3 =	vmul.u32 $0x300, v3  }
0x160: {  	v2 =	vand.u32 $0x7, v2  }
0x161: {  	v2 =	vor.u32 v2, v3  }
0x162: {  	v2 =	vperm.xlane v2, v0;
	_ =	sdelay $0x1  }
0x163: {  	v2 =	vadd.s32 v1, v2;
	_ =	sdelay $0x4  }
0x164: {  	[tilespmem:s29], [sflag:$0x2] =	stream.indirect_vreg.gather [hbm4b:s3+s2], $0x80, v2, vm0, $0xb8;
	[tilespmem:$0xC800] =	vst v63  }
0x165: {  	s31 =	simm.s32 $0x4000  }
0x166: {  	[tilespmem:s31], [sflag:$0x2] =	stream.indirect_vreg.gather [hbm4b:s4+s2], $0x80, v2, vm0, $0xb8;
	[tilespmem:$0xC800] =	vst v63  }
0x167: {  	s16 =	simm.s32 $0x4800  }
0x168: {  	[tilespmem:s16], [sflag:$0x2] =	stream.indirect_vreg.gather [hbm4b:s5+s2], $0x80, v2, vm0, $0xb8;
	[tilespmem:$0xC800] =	vst v63  }
0x169: {  	s23 =	simm.s32 $0x5000  }
0x16a: {  	[tilespmem:s23], [sflag:$0x2] =	stream.indirect_vreg.gather [hbm4b:s7+s2], $0x80, v2, vm0, $0xb8;
	[tilespmem:$0xC800] =	vst v63  }
0x16b: {  	s19 =	simm.s32 $0x5800  }
0x16c: {  	[tilespmem:s19], [sflag:$0x2] =	stream.indirect_vreg.gather [hbm4b:s8+s2], $0x80, v2, vm0, $0xb8;
	[tilespmem:$0xC800] =	vst v63  }
0x16d: {  	s31 =	simm.s32 $0x6000  }
0x16e: {  	[tilespmem:s31], [sflag:$0x2] =	stream.indirect_vreg.gather [hbm4b:s9+s2], $0x80, v2, vm0, $0xb8;
	[tilespmem:$0xC800] =	vst v63  }
0x16f: {  	_ =	swait.ge [sflag:s25], $0x3000  }
0x170: {  	[sflag:s25] =	ssyncset.done $0x0  }
0x171: {  	s16 =	rddreg [dreg:$0xf];
	[sflag:s25] =	ssyncadd.s32 $0xFFFFD000  }
0x172: {  	[hbm4b:s16+s26] =	stream.strided.scatter [tilespmem:s6], [sflag:$0x5], $0x3000, s28, s26, $0x38;
	[tilespmem:$0xC800] =	vst v63  }
0x173: {  	_ =	swait.ge [sflag:s24], $0x3000  }
0x174: {  	[sflag:s24] =	ssyncset.done $0x0  }
0x175: {  	[sflag:s24] =	ssyncadd.s32 $0xFFFFD000  }
0x176: {  	v2 =	vld.msk [tilespmem:$0x700], $0x1;
	_ =	sdelay $0x4  }
0x177: {  	v3 =	vshrl.u32 v2, $0x3  }
0x178: {  	v3 =	vmul.u32 $0x300, v3  }
0x179: {  	v2 =	vand.u32 $0x7, v2  }
0x17a: {  	v2 =	vor.u32 v2, v3  }
0x17b: {  	v2 =	vperm.xlane v2, v0;
	_ =	sdelay $0x1  }
0x17c: {  	v2 =	vadd.s32 v1, v2;
	_ =	sdelay $0x4  }
0x17d: {  	[tilespmem:s12], [sflag:$0x3] =	stream.indirect_vreg.gather [hbm4b:s3+s2], $0x80, v2, vm0, $0xb8;
	[tilespmem:$0xC800] =	vst v63  }
0x17e: {  	s19 =	simm.s32 $0x7000  }
0x17f: {  	[tilespmem:s19], [sflag:$0x3] =	stream.indirect_vreg.gather [hbm4b:s4+s2], $0x80, v2, vm0, $0xb8;
	[tilespmem:$0xC800] =	vst v63  }
0x180: {  	s23 =	simm.s32 $0x7800  }
0x181: {  	[tilespmem:s23], [sflag:$0x3] =	stream.indirect_vreg.gather [hbm4b:s5+s2], $0x80, v2, vm0, $0xb8;
	[tilespmem:$0xC800] =	vst v63  }
0x182: {  	s17 =	simm.s32 $0x8000  }
0x183: {  	[tilespmem:s17], [sflag:$0x3] =	stream.indirect_vreg.gather [hbm4b:s7+s2], $0x80, v2, vm0, $0xb8;
	[tilespmem:$0xC800] =	vst v63  }
0x184: {  	s31 =	simm.s32 $0x8800  }
0x185: {  	[tilespmem:s31], [sflag:$0x3] =	stream.indirect_vreg.gather [hbm4b:s8+s2], $0x80, v2, vm0, $0xb8;
	[tilespmem:$0xC800] =	vst v63  }
0x186: {  	s16 =	simm.s32 $0x9000  }
0x187: {  	[tilespmem:s16], [sflag:$0x3] =	stream.indirect_vreg.gather [hbm4b:s9+s2], $0x80, v2, vm0, $0xb8;
	[tilespmem:$0xC800] =	vst v63  }
0x188: {  	_ =	swait.ge [sflag:s10], $0x3000  }
0x189: {  	[sflag:s10] =	ssyncset.done $0x0  }
0x18a: {  	s17 =	rddreg [dreg:$0x10];
	[sflag:s10] =	ssyncadd.s32 $0xFFFFD000  }
0x18b: {  	[hbm4b:s17+s26] =	stream.strided.scatter [tilespmem:s29], [sflag:$0x6], $0x3000, s28, s26, $0x38;
	[tilespmem:$0xC800] =	vst v63  }
0x18c: {  	_ =	swait.ge [sflag:s30], $0x3000  }
0x18d: {  	[sflag:s30] =	ssyncset.done $0x0  }
0x18e: {  	[sflag:s30] =	ssyncadd.s32 $0xFFFFD000  }
0x18f: {  	v2 =	vld.msk [tilespmem:$0x780], $0x1;
	_ =	sdelay $0x4  }
0x190: {  	v3 =	vshrl.u32 v2, $0x3  }
0x191: {  	v3 =	vmul.u32 $0x300, v3  }
0x192: {  	v2 =	vand.u32 $0x7, v2  }
0x193: {  	v2 =	vor.u32 v2, v3  }
0x194: {  	v2 =	vperm.xlane v2, v0;
	_ =	sdelay $0x1  }
0x195: {  	v2 =	vadd.s32 v1, v2;
	_ =	sdelay $0x4  }
0x196: {  	[tilespmem:s21], [sflag:$0x4] =	stream.indirect_vreg.gather [hbm4b:s3+s2], $0x80, v2, vm0, $0xb8;
	[tilespmem:$0xC800] =	vst v63  }
0x197: {  	s18 =	simm.s32 $0xA000  }
0x198: {  	[tilespmem:s18], [sflag:$0x4] =	stream.indirect_vreg.gather [hbm4b:s4+s2], $0x80, v2, vm0, $0xb8;
	[tilespmem:$0xC800] =	vst v63  }
0x199: {  	_ = 	snop  }
0x19a: {  	[tilespmem:s1], [sflag:$0x4] =	stream.indirect_vreg.gather [hbm4b:s5+s2], $0x80, v2, vm0, $0xb8;
	[tilespmem:$0xC800] =	vst v63  }
0x19b: {  	_ = 	snop  }
0x19c: {  	[tilespmem:s13], [sflag:$0x4] =	stream.indirect_vreg.gather [hbm4b:s7+s2], $0x80, v2, vm0, $0xb8;
	[tilespmem:$0xC800] =	vst v63  }
0x19d: {  	_ = 	snop  }
0x19e: {  	[tilespmem:s14], [sflag:$0x4] =	stream.indirect_vreg.gather [hbm4b:s8+s2], $0x80, v2, vm0, $0xb8;
	[tilespmem:$0xC800] =	vst v63  }
0x19f: {  	_ = 	snop  }
0x1a0: {  	[tilespmem:s15], [sflag:$0x4] =	stream.indirect_vreg.gather [hbm4b:s9+s2], $0x80, v2, vm0, $0xb8;
	[tilespmem:$0xC800] =	vst v63  }
0x1a1: {  	_ =	swait.ge [sflag:s20], $0x3000  }
0x1a2: {  	[sflag:s20] =	ssyncset.done $0x0  }
0x1a3: {  	s19 =	rddreg [dreg:$0x11];
	[sflag:s20] =	ssyncadd.s32 $0xFFFFD000  }
0x1a4: {  	[hbm4b:s19+s26] =	stream.strided.scatter [tilespmem:s12], [sflag:$0x7], $0x3000, s28, s26, $0x38;
	[tilespmem:$0xC800] =	vst v63  }
0x1a5: {  	_ =	swait.ge [sflag:s22], $0x3000  }
0x1a6: {  	[sflag:s22] =	ssyncset.done $0x0  }
0x1a7: {  	s23 =	rddreg [dreg:$0x12];
	[sflag:s22] =	ssyncadd.s32 $0xFFFFD000  }
0x1a8: {  	[hbm4b:s23+s26] =	stream.strided.scatter [tilespmem:s21], [sflag:$0x8], $0x3000, s28, s26, $0x38;
	[tilespmem:$0xC800] =	vst v63  }
0x1a9: {  	p0 =	sne.s32 s11, $0x1;
	_ =	swait.ge [sflag:s24], $0x3000  }
.Ltmp0:
0x1aa: {  	[sflag:s24] =	ssyncset.done $0x0;
	(pc) =	sbr.rel @p0 .LBB2_1-.Ltmp0, $4  }
0x1ab: {  	[sflag:s24] =	ssyncadd.s32 $0xFFFFD000  }
0x1ac: {  	_ =	swait.ge [sflag:s30], $0x3000  }
0x1ad: {  	[sflag:s30] =	ssyncset.done $0x0  }
0x1ae: {  	s11 =	sadd.s32 $0xFFFFFFFF, s11;
	[sflag:s30] =	ssyncadd.s32 $0xFFFFD000  }
0x1af: {  	_ =	sfence.sel $0x180000  }
0x1b0: {  	[bflag:$0x0] =	sbarrier.arrive $0xFFFF  }
0x1b1: {  	_ =	strace $0x90000050  }
0x1b2: {  	s0 =	stileid.u32;
	[bflag:$0x2] =	sbarrier.arrive $0xFFFF  }
0x1b3: {  	p0 =	sne.s32 s0, $0x0;
	s0 =	rddreg [dreg:$0x2]  }
0x1b4: {  	s0 =	sadd.s32 @!p0 $0x100000, s0  }
0x1b5: {  	[sflag:s0] =	ssyncadd.tile.s32 @!p0 $0x1;
	_ =	shalt  }
.Lfunc_end2:
_tile_overlayer_lowered:
.L_overlay_start_2:
0x1b6: {  	(tag) =	ssettag $0x2  }
0x1b7: {  	s0 =	rddreg [dreg:$0x0];
	s2 =	stileid.u32  }
0x1b8: {  	s1 =	rddreg [dreg:$0x1];
	p0 =	sne.s32 s2, $0x0  }
0x1b9: {  	s3 =	rddreg [dreg:$0x2];
	[bflag:$0x3] =	sbarrier.arrive $0xFFFF;
	s2 =	simm.s32 @!p0 $0x1C09  }
0x1ba: {  	[timem:s3], [sflag:s2] =	dma.local @!p0 [hbm:s0], s1  }
0x1bb: {  	s0 =	simm.s32 @!p0 $0x9  }
0x1bc: {  	_ =	swait.ge @!p0 [sflag:s0], s1  }
0x1bd: {  	s1 =	ssub.s32 @!p0 $0x0, s1;
	[sflag:s0] =	ssyncset.done @!p0 $0x0  }
0x1be: {  	[sflag:s0] =	ssyncadd.s32 @!p0 s1  }
0x1bf: {  	[bflag:$0x3] =	sbarrier.arrive $0xFFFF  }
0x1c0: {  	_ =	shalt  }

</sc_bundles>
